<compile_context>
chip_gen: v7x
topology: tpu7x:2x2x1
jax: 0.10.2.dev20260603
libtpu: 0.0.44.dev20260713+nightly
codegen_flags: <defaults>
</compile_context>

<pallas_src>
import functools

import jax
import jax.numpy as jnp
from jax import lax
from jax.experimental import pallas as pl
from jax.experimental.pallas import tpu as pltpu
from jax.experimental.pallas import tpu_sc as plsc



def _proj_body(x_ref, w_ref, b_ref, nh_ref, norm_ref):
    h = jnp.maximum(
        lax.dot_general(x_ref[...], w_ref[...], (((1,), (1,)), ((), ())),
                        preferred_element_type=jnp.float32)
        + b_ref[...][None, :], 0.0)
    norm = jnp.sqrt(jnp.sum(h * h, axis=1, keepdims=True))
    norm_ref[...] = norm
    nh_ref[...] = h / jnp.maximum(norm, 1e-12)


def _sred_body(s_ref, rinv_ref):
    rinv_ref[...] = 1.0 / jnp.maximum(jnp.sum(s_ref[...], axis=0), 1e-30)


def _combine_body(u_ref, rinv_ref, nh_ref, norm_ref):
    h = (u_ref[0] + u_ref[1]) * rinv_ref[...]
    norm = jnp.sqrt(jnp.sum(h * h, axis=1, keepdims=True))
    norm_ref[...] = norm
    nh_ref[...] = h / jnp.maximum(norm, 1e-12)


def _cls_body(u_ref, rinv_ref, w_ref, b_ref, out_ref):
    h = (u_ref[0] + u_ref[1]) * rinv_ref[...]
    out_ref[...] = (
        lax.dot_general(h, w_ref[...], (((1,), (1,)), ((), ())),
                        preferred_element_type=jnp.float32)
        + b_ref[...][None, :])



@functools.lru_cache(maxsize=None)
def _make_sc_layer(N, D, E):
    info = plsc.get_sparse_core_info()
    NC, NS = info.num_cores, info.num_subcores
    NW = NC * NS
    EPT = E // NW
    K = 16
    NCHUNK = EPT // K
    NG = K // 16
    ROWS_PT = N // NS
    NPAD = N
    NSLOT = 4
    assert EPT % K == 0 and N % (NS * 16) == 0 and NCHUNK % 4 == 1

    mesh = plsc.VectorSubcoreMesh(core_axis_name="c", subcore_axis_name="s")

    def body(nh_hbm, norm_hbm, beta_hbm, src_hbm, dst_hbm, zero_hbm,
             u_out, s_out, *scr):
        idxf = scr[0:4]
        dst_i = scr[4:8]
        rows = scr[8:12]
        norm_l, s_l, beta_l, u_sh = scr[12:16]
        isem = scr[16:20]
        rsem = scr[20:24]
        ssem = scr[24:28]

        c = lax.axis_index("c")
        sid = lax.axis_index("s")
        wid = sid * NC + c
        ebase = wid * EPT

        pltpu.sync_copy(norm_hbm, norm_l)
        pltpu.sync_copy(beta_hbm, beta_l)
        pltpu.sync_copy(zero_hbm, u_sh.at[pl.ds(sid * ROWS_PT, ROWS_PT)])

        def zbody(i, carry):
            s_l[pl.ds(i * 16, 16)] = jnp.zeros((16,), jnp.float32)
            return carry
        lax.fori_loop(0, NPAD // 16, zbody, 0)
        beta_v = beta_l[...]
        plsc.subcore_barrier()

        rows0 = lax.iota(jnp.int32, 16)
        _dn = lax.GatherDimensionNumbers(
            offset_dims=(), collapsed_slice_dims=(0,), start_index_map=(0,))

        def _shuf(x, idx):
            return lax.gather(x, idx[:, None], _dn, (1,),
                              mode=lax.GatherScatterMode.PROMISE_IN_BOUNDS)

        def _lanesum(x):
            for kk in (8, 4, 2, 1):
                x = x + _shuf(x, jnp.bitwise_xor(rows0, kk))
            return x

        def issue_idx(jn, r):
            base = ebase + jn * K
            pltpu.async_copy(src_hbm.at[pl.ds(base, K)],
                             idxf[r].at[pl.ds(0, K)], isem[r])
            pltpu.async_copy(dst_hbm.at[pl.ds(base, K)],
                             idxf[r].at[pl.ds(K, K)], isem[r])
            pltpu.async_copy(dst_hbm.at[pl.ds(base, K)], dst_i[r], isem[r])

        def wait_idx(r):
            pltpu.make_async_copy(src_hbm.at[pl.ds(0, K)],
                                  idxf[r].at[pl.ds(0, K)], isem[r]).wait()
            pltpu.make_async_copy(dst_hbm.at[pl.ds(0, K)],
                                  idxf[r].at[pl.ds(K, K)], isem[r]).wait()
            pltpu.make_async_copy(dst_hbm.at[pl.ds(0, K)], dst_i[r],
                                  isem[r]).wait()

        def issue_rows(r):
            pltpu.async_copy(nh_hbm.at[idxf[r]], rows[r], rsem[r])

        def wait_rows(r):
            pltpu.make_async_copy(nh_hbm.at[idxf[r]], rows[r],
                                  rsem[r]).wait()

        def issue_scatter(r):
            pltpu.async_copy(rows[r].at[pl.ds(K, K)], u_sh.at[dst_i[r]],
                             ssem[r], add=True)

        def wait_scatter(r):
            pltpu.make_async_copy(rows[r].at[pl.ds(K, K)], u_sh.at[dst_i[r]],
                                  ssem[r]).wait()

        def compute(r):
            for g in range(NG):
                src16 = idxf[r][pl.ds(g * 16, 16)]
                dst16 = dst_i[r][pl.ds(g * 16, 16)]
                nsrcv = plsc.load_gather(norm_l, [src16])

                def edge(l, wacc):
                    e = g * 16 + l
                    sv = [rows[r][e, pl.ds(jj * 16, 16)]
                          for jj in range(D // 16)]
                    p = sv[0] * rows[r][K + e, pl.ds(0, 16)]
                    for jj in range(1, D // 16):
                        p = p + sv[jj] * rows[r][K + e, pl.ds(jj * 16, 16)]
                    wv = jnp.exp(_lanesum(p) * beta_v - 1.0)
                    scv = wv * _shuf(nsrcv, jnp.full((16,), l, jnp.int32))
                    for jj in range(D // 16):
                        rows[r][K + e, pl.ds(jj * 16, 16)] = sv[jj] * scv
                    return jnp.where(rows0 == l, wv, wacc)
                wacc = lax.fori_loop(0, 16, edge,
                                     jnp.zeros((16,), jnp.float32), unroll=1)
                plsc.addupdate_scatter(s_l, [dst16], wacc)

        issue_idx(0, 0)
        issue_idx(1, 1)
        wait_idx(0)
        issue_rows(0)

        def quad(m, carry):
            for rr in range(4):
                j = 4 * m + rr
                s1 = (rr + 1) % 4
                s2 = (rr + 2) % 4

                @pl.when(j >= 2)
                def _():
                    wait_scatter(s2)

                @pl.when(j + 2 < NCHUNK)
                def _():
                    issue_idx(j + 2, s2)
                wait_idx(s1)
                issue_rows(s1)
                wait_rows(rr)
                compute(rr)
                issue_scatter(rr)
            return carry

        lax.fori_loop(0, (NCHUNK - 1) // 4, quad, 0)
        wait_rows(0)
        compute(0)
        issue_scatter(0)
        wait_scatter(2)
        wait_scatter(3)
        wait_scatter(0)
        plsc.subcore_barrier()

        pltpu.sync_copy(s_l, s_out.at[pl.ds(wid * NPAD, NPAD)])
        pltpu.sync_copy(u_sh.at[pl.ds(sid * ROWS_PT, ROWS_PT)],
                        u_out.at[c, pl.ds(sid * ROWS_PT, ROWS_PT)])

    fn = pl.kernel(
        body,
        out_type=[jax.ShapeDtypeStruct((NC, N, D), jnp.float32),
                  jax.ShapeDtypeStruct((NW * NPAD,), jnp.float32)],
        mesh=mesh,
        compiler_params=pltpu.CompilerParams(needs_layout_passes=False),
        scratch_types=(
            [pltpu.VMEM((2 * K,), jnp.int32) for _ in range(4)]
            + [pltpu.VMEM((K,), jnp.int32) for _ in range(4)]
            + [pltpu.VMEM((2 * K, D), jnp.float32) for _ in range(4)]
            + [pltpu.VMEM((N,), jnp.float32),
               pltpu.VMEM((NPAD,), jnp.float32),
               pltpu.VMEM((16,), jnp.float32),
               pltpu.VMEM_SHARED((N, D), jnp.float32)]
            + [pltpu.SemaphoreType.DMA for _ in range(12)]
        ),
    )
    return fn, NC, NW, NPAD



def kernel(features, edge_index, W_proj, b_proj, W_cls, b_cls, betas):
    N, _ = features.shape
    H = W_proj.shape[0]
    C = W_cls.shape[0]
    E = edge_index.shape[1]
    src = edge_index[0].astype(jnp.int32)
    dst = edge_index[1].astype(jnp.int32)

    NR = ((N + 255) // 256) * 256
    xp = jnp.pad(features, ((0, NR - N), (0, 0)))

    nh, norm = pl.pallas_call(
        _proj_body,
        out_shape=[jax.ShapeDtypeStruct((NR, H), jnp.float32),
                   jax.ShapeDtypeStruct((NR, 1), jnp.float32)],
    )(xp, W_proj, b_proj)

    sc_layer, NC, NW, NPAD = _make_sc_layer(NR, H, E)
    zeros = jnp.zeros((NR // 16, H), jnp.float32)

    num_layers = betas.shape[0]
    out = None
    for i in range(num_layers):
        beta_vec = jnp.full((16,), betas[i], jnp.float32)
        U, s_flat = sc_layer(nh, norm.reshape(NR), beta_vec, src, dst, zeros)
        rinv = pl.pallas_call(
            _sred_body,
            out_shape=jax.ShapeDtypeStruct((NPAD,), jnp.float32),
        )(s_flat.reshape(NW, NPAD))
        rinv2 = rinv.reshape(NR, 1)
        if i + 1 < num_layers:
            nh, norm = pl.pallas_call(
                _combine_body,
                out_shape=[jax.ShapeDtypeStruct((NR, H), jnp.float32),
                           jax.ShapeDtypeStruct((NR, 1), jnp.float32)],
            )(U, rinv2)
        else:
            out = pl.pallas_call(
                _cls_body,
                out_shape=jax.ShapeDtypeStruct((NR, C), jnp.float32),
            )(U, rinv2, W_cls, b_cls)
    return out[:N]

# --- scband reference (transcript-rebuilt; emitter-appended) ---
"""Pipeline reference for scband-agnn-30279519437688 (READ-ONLY COPY).

The authoritative reference and input builder live on the scoring server;
editing this copy changes nothing except your own understanding.
"""

import jax, jax.numpy as jnp
import numpy as np

N = 10000
E = 320000
D = 128
H = 128
C = 40
L = 2


def setup_inputs(seed: int = 0) -> dict:
    key = jax.random.key(seed)
    ks = jax.random.split(key, 8)
    features = jax.random.normal(ks[0], (N, D), dtype=jnp.float32)
    edge_index = jax.random.randint(ks[1], (2, E), 0, N, dtype=jnp.int32).astype(jnp.int64)
    W_proj = jax.random.normal(ks[2], (H, D), dtype=jnp.float32) * 0.05
    b_proj = jnp.zeros((H,), dtype=jnp.float32)
    W_cls = jax.random.normal(ks[3], (C, H), dtype=jnp.float32) * 0.05
    b_cls = jnp.zeros((C,), dtype=jnp.float32)
    betas = jnp.ones((L,), dtype=jnp.float32)  # init_beta=1.0 per AGNNConv layer
    return {"features": features, "edge_index": edge_index, "W_proj": W_proj,
            "b_proj": b_proj, "W_cls": W_cls, "b_cls": b_cls, "betas": betas}


def agnn_conv(h, src, dst, beta):
    # F.normalize(h, p=2, dim=-1) with eps clamp
    norm = jnp.linalg.norm(h, axis=-1, keepdims=True)
    nh = h / jnp.maximum(norm, 1e-12)
    # cosine similarity along edges
    cos = jnp.sum(nh[src] * nh[dst], axis=-1)
    e = beta * cos
    # edge softmax over destination nodes
    m = jax.ops.segment_max(e, dst, num_segments=N)
    m = jax.lax.stop_gradient(m)
    ex = jnp.exp(e - m[dst])
    s = jax.ops.segment_sum(ex, dst, num_segments=N)
    alpha = ex / s[dst]
    # weighted aggregation of neighbor features
    return jax.ops.segment_sum(alpha[:, None] * h[src], dst, num_segments=N)


def reference(features, edge_index, W_proj, b_proj, W_cls, b_cls, betas):
    src = edge_index[0]
    dst = edge_index[1]
    # proj: Dropout (identity in eval) -> Linear -> ReLU
    h = jax.nn.relu(features @ W_proj.T + b_proj)
    for i in range(L):
        h = agnn_conv(h, src, dst, betas[i])
    # cls: Dropout (identity in eval) -> Linear
    return h @ W_cls.T + b_cls

if __name__ == "__main__":
    import jax
    _d = setup_inputs()
    print(jax.jit(kernel)(*tuple(_d.values())))

</pallas_src>

<mosaic_0001>
#map = affine_map<(d0, d1) -> (0, 0)>
#map1 = affine_map<(d0, d1) -> (0)>
#map2 = affine_map<(d0, d1) -> (0, 0, 0)>
module attributes {stable_mosaic.version = 14 : i64} {
  func.func @body(%arg0: i32, %arg1: i32, %arg2: memref<10240x128xf32, #tpu.memory_space<hbm>>, %arg3: memref<10240xf32, #tpu.memory_space<hbm>>, %arg4: memref<16xf32, #tpu.memory_space<hbm>>, %arg5: memref<320000xi32, #tpu.memory_space<hbm>>, %arg6: memref<320000xi32, #tpu.memory_space<hbm>>, %arg7: memref<640x128xf32, #tpu.memory_space<hbm>>, %arg8: memref<2x10240x128xf32, #tpu.memory_space<hbm>>, %arg9: memref<327680xf32, #tpu.memory_space<hbm>>, %arg10: memref<32xi32, #tpu.memory_space<vmem>>, %arg11: memref<32xi32, #tpu.memory_space<vmem>>, %arg12: memref<32xi32, #tpu.memory_space<vmem>>, %arg13: memref<32xi32, #tpu.memory_space<vmem>>, %arg14: memref<16xi32, #tpu.memory_space<vmem>>, %arg15: memref<16xi32, #tpu.memory_space<vmem>>, %arg16: memref<16xi32, #tpu.memory_space<vmem>>, %arg17: memref<16xi32, #tpu.memory_space<vmem>>, %arg18: memref<32x128xf32, #tpu.memory_space<vmem>>, %arg19: memref<32x128xf32, #tpu.memory_space<vmem>>, %arg20: memref<32x128xf32, #tpu.memory_space<vmem>>, %arg21: memref<32x128xf32, #tpu.memory_space<vmem>>, %arg22: memref<10240xf32, #tpu.memory_space<vmem>>, %arg23: memref<10240xf32, #tpu.memory_space<vmem>>, %arg24: memref<16xf32, #tpu.memory_space<vmem>>, %arg25: memref<10240x128xf32, #tpu.memory_space<vmem_shared>>, %arg26: memref<!tpu.dma_semaphore, #tpu.memory_space<semaphore_mem>>, %arg27: memref<!tpu.dma_semaphore, #tpu.memory_space<semaphore_mem>>, %arg28: memref<!tpu.dma_semaphore, #tpu.memory_space<semaphore_mem>>, %arg29: memref<!tpu.dma_semaphore, #tpu.memory_space<semaphore_mem>>, %arg30: memref<!tpu.dma_semaphore, #tpu.memory_space<semaphore_mem>>, %arg31: memref<!tpu.dma_semaphore, #tpu.memory_space<semaphore_mem>>, %arg32: memref<!tpu.dma_semaphore, #tpu.memory_space<semaphore_mem>>, %arg33: memref<!tpu.dma_semaphore, #tpu.memory_space<semaphore_mem>>, %arg34: memref<!tpu.dma_semaphore, #tpu.memory_space<semaphore_mem>>, %arg35: memref<!tpu.dma_semaphore, #tpu.memory_space<semaphore_mem>>, %arg36: memref<!tpu.dma_semaphore, #tpu.memory_space<semaphore_mem>>, %arg37: memref<!tpu.dma_semaphore, #tpu.memory_space<semaphore_mem>>) attributes {dimension_semantics = [#tpu.dimension_semantics<core_parallel>, #tpu.dimension_semantics<subcore_parallel>], iteration_bounds = array<i64: 2, 16>, scalar_prefetch = 0 : i64, scratch_operands = 28 : i64, tpu.core_type = #tpu.core_type<sc_vector_subcore>, window_params = [{transform_indices = #map}, {transform_indices = #map1}, {transform_indices = #map1}, {transform_indices = #map1}, {transform_indices = #map1}, {transform_indices = #map}, {transform_indices = #map2}, {transform_indices = #map1}]} {
    %mul3A = arith.constant 2 : i32
    %mul3A_0 = arith.muli %arg1, %mul3A : i32
    %add3A = arith.addi %mul3A_0, %arg0 : i32
    %mul3A_1 = arith.constant 10000 : i32
    %mul3A_2 = arith.muli %add3A, %mul3A_1 : i32
    "tpu.region"() ({
      %run_scoped3A = tpu.sem_alloc : memref<!tpu.dma_semaphore, #tpu.memory_space<semaphore_mem>>
      tpu.enqueue_dma source(%arg3 : memref<10240xf32, #tpu.memory_space<hbm>>) target(%arg22 : memref<10240xf32, #tpu.memory_space<vmem>>) target_semaphore(%run_scoped3A : memref<!tpu.dma_semaphore, #tpu.memory_space<semaphore_mem>>)
      tpu.wait_dma2 semaphore(%run_scoped3A : memref<!tpu.dma_semaphore, #tpu.memory_space<semaphore_mem>>) src(%arg3 : memref<10240xf32, #tpu.memory_space<hbm>>) dst(%arg22 : memref<10240xf32, #tpu.memory_space<vmem>>)
      tpu.yield
    }) : () -> ()
    "tpu.region"() ({
      %run_scoped3A = tpu.sem_alloc : memref<!tpu.dma_semaphore, #tpu.memory_space<semaphore_mem>>
      tpu.enqueue_dma source(%arg4 : memref<16xf32, #tpu.memory_space<hbm>>) target(%arg24 : memref<16xf32, #tpu.memory_space<vmem>>) target_semaphore(%run_scoped3A : memref<!tpu.dma_semaphore, #tpu.memory_space<semaphore_mem>>)
      tpu.wait_dma2 semaphore(%run_scoped3A : memref<!tpu.dma_semaphore, #tpu.memory_space<semaphore_mem>>) src(%arg4 : memref<16xf32, #tpu.memory_space<hbm>>) dst(%arg24 : memref<16xf32, #tpu.memory_space<vmem>>)
      tpu.yield
    }) : () -> ()
    %mul3A_3 = arith.constant 640 : i32
    %mul3A_4 = arith.muli %arg1, %mul3A_3 : i32
    "tpu.region"() ({
      %run_scoped3A = tpu.sem_alloc : memref<!tpu.dma_semaphore, #tpu.memory_space<semaphore_mem>>
      %dma_start3A_115 = arith.constant 0 : i32
      %dma_start3A_116 = tpu.memref_slice %arg25[%mul3A_4, %dma_start3A_115] : memref<10240x128xf32, #tpu.memory_space<vmem_shared>> -> memref<640x128xf32, #tpu.memory_space<vmem_shared>>
      tpu.enqueue_dma source(%arg7 : memref<640x128xf32, #tpu.memory_space<hbm>>) target(%dma_start3A_116 : memref<640x128xf32, #tpu.memory_space<vmem_shared>>) target_semaphore(%run_scoped3A : memref<!tpu.dma_semaphore, #tpu.memory_space<semaphore_mem>>)
      %dma_wait3A_117 = arith.constant 0 : i32
      %dma_wait3A_118 = tpu.memref_slice %arg25[%mul3A_4, %dma_wait3A_117] : memref<10240x128xf32, #tpu.memory_space<vmem_shared>> -> memref<640x128xf32, #tpu.memory_space<vmem_shared>>
      tpu.wait_dma2 semaphore(%run_scoped3A : memref<!tpu.dma_semaphore, #tpu.memory_space<semaphore_mem>>) src(%arg7 : memref<640x128xf32, #tpu.memory_space<hbm>>) dst(%dma_wait3A_118 : memref<640x128xf32, #tpu.memory_space<vmem_shared>>)
      tpu.yield
    }) : () -> ()
    %scan3A = arith.constant 0 : i32
    %scan3A_5 = arith.constant 0 : i32
    %scan3A_6 = arith.constant 640 : i32
    %scan3A_7 = arith.addi %scan3A_5, %scan3A_6 : i32
    %scan3A_8 = arith.constant 1 : i32
    scf.for %scan3A_115 = %scan3A_5 to %scan3A_7 step %scan3A_8  : i32 {
      %broadcast_in_dim3A_116 = arith.constant 0.000000e+00 : f32
      %broadcast_in_dim3A_117 = vector.broadcast %broadcast_in_dim3A_116 : f32 to vector<16xf32>
      %mul3A_118 = arith.constant 16 : i32
      %mul3A_119 = arith.muli %scan3A_115, %mul3A_118 : i32
      %swap3A = arith.index_cast %mul3A_119 : i32 to index
      %swap3A_120 = tpu.vector_load %arg23[%swap3A] {strides = array<i32>} : memref<10240xf32, #tpu.memory_space<vmem>>, vector<16xf32>,
      tpu.vector_store %arg23[%swap3A], %broadcast_in_dim3A_117 {strides = array<i32>} : memref<10240xf32, #tpu.memory_space<vmem>>, vector<16xf32>,
    }
    %scan3A_9 = arith.constant 640 : i32
    %get3A = arith.constant 0 : index
    %get3A_10 = tpu.vector_load %arg24[%get3A] {strides = array<i32>} : memref<16xf32, #tpu.memory_space<vmem>>, vector<16xf32>,
    %barrier3A = arith.constant 0 : index
    tpu.barrier barrier_id(%barrier3A)
    %iota3A = tpu.iota {dimensions = array<i32: 0>} : vector<16xi32>
    %add3A_11 = arith.constant 0 : i32
    %add3A_12 = arith.addi %mul3A_2, %add3A_11 : i32
    %dma_start3A = arith.constant 0 : i32
    %dma_start3A_13 = tpu.memref_slice %arg10[%dma_start3A] : memref<32xi32, #tpu.memory_space<vmem>> -> memref<16xi32, #tpu.memory_space<vmem>>
    %dma_start3A_14 = tpu.memref_slice %arg5[%add3A_12] : memref<320000xi32, #tpu.memory_space<hbm>> -> memref<16xi32, #tpu.memory_space<hbm>>
    %dma_start3A_15 = arith.constant 0 : i32
    %dma_start3A_16 = tpu.memref_slice %arg10[%dma_start3A_15] : memref<32xi32, #tpu.memory_space<vmem>> -> memref<16xi32, #tpu.memory_space<vmem>>
    %dma_start3A_17 = tpu.memref_slice %arg5[%add3A_12] : memref<320000xi32, #tpu.memory_space<hbm>> -> memref<16xi32, #tpu.memory_space<hbm>>
    tpu.enqueue_dma source(%dma_start3A_17 : memref<16xi32, #tpu.memory_space<hbm>>) target(%dma_start3A_16 : memref<16xi32, #tpu.memory_space<vmem>>) target_semaphore(%arg26 : memref<!tpu.dma_semaphore, #tpu.memory_space<semaphore_mem>>)
    %dma_start3A_18 = arith.constant 16 : i32
    %dma_start3A_19 = tpu.memref_slice %arg10[%dma_start3A_18] : memref<32xi32, #tpu.memory_space<vmem>> -> memref<16xi32, #tpu.memory_space<vmem>>
    %dma_start3A_20 = tpu.memref_slice %arg6[%add3A_12] : memref<320000xi32, #tpu.memory_space<hbm>> -> memref<16xi32, #tpu.memory_space<hbm>>
    %dma_start3A_21 = arith.constant 16 : i32
    %dma_start3A_22 = tpu.memref_slice %arg10[%dma_start3A_21] : memref<32xi32, #tpu.memory_space<vmem>> -> memref<16xi32, #tpu.memory_space<vmem>>
    %dma_start3A_23 = tpu.memref_slice %arg6[%add3A_12] : memref<320000xi32, #tpu.memory_space<hbm>> -> memref<16xi32, #tpu.memory_space<hbm>>
    tpu.enqueue_dma source(%dma_start3A_23 : memref<16xi32, #tpu.memory_space<hbm>>) target(%dma_start3A_22 : memref<16xi32, #tpu.memory_space<vmem>>) target_semaphore(%arg26 : memref<!tpu.dma_semaphore, #tpu.memory_space<semaphore_mem>>)
    %dma_start3A_24 = tpu.memref_slice %arg6[%add3A_12] : memref<320000xi32, #tpu.memory_space<hbm>> -> memref<16xi32, #tpu.memory_space<hbm>>
    %dma_start3A_25 = tpu.memref_slice %arg6[%add3A_12] : memref<320000xi32, #tpu.memory_space<hbm>> -> memref<16xi32, #tpu.memory_space<hbm>>
    tpu.enqueue_dma source(%dma_start3A_25 : memref<16xi32, #tpu.memory_space<hbm>>) target(%arg14 : memref<16xi32, #tpu.memory_space<vmem>>) target_semaphore(%arg26 : memref<!tpu.dma_semaphore, #tpu.memory_space<semaphore_mem>>)
    %add3A_26 = arith.constant 16 : i32
    %add3A_27 = arith.addi %mul3A_2, %add3A_26 : i32
    %dma_start3A_28 = arith.constant 0 : i32
    %dma_start3A_29 = tpu.memref_slice %arg11[%dma_start3A_28] : memref<32xi32, #tpu.memory_space<vmem>> -> memref<16xi32, #tpu.memory_space<vmem>>
    %dma_start3A_30 = tpu.memref_slice %arg5[%add3A_27] : memref<320000xi32, #tpu.memory_space<hbm>> -> memref<16xi32, #tpu.memory_space<hbm>>
    %dma_start3A_31 = arith.constant 0 : i32
    %dma_start3A_32 = tpu.memref_slice %arg11[%dma_start3A_31] : memref<32xi32, #tpu.memory_space<vmem>> -> memref<16xi32, #tpu.memory_space<vmem>>
    %dma_start3A_33 = tpu.memref_slice %arg5[%add3A_27] : memref<320000xi32, #tpu.memory_space<hbm>> -> memref<16xi32, #tpu.memory_space<hbm>>
    tpu.enqueue_dma source(%dma_start3A_33 : memref<16xi32, #tpu.memory_space<hbm>>) target(%dma_start3A_32 : memref<16xi32, #tpu.memory_space<vmem>>) target_semaphore(%arg27 : memref<!tpu.dma_semaphore, #tpu.memory_space<semaphore_mem>>)
    %dma_start3A_34 = arith.constant 16 : i32
    %dma_start3A_35 = tpu.memref_slice %arg11[%dma_start3A_34] : memref<32xi32, #tpu.memory_space<vmem>> -> memref<16xi32, #tpu.memory_space<vmem>>
    %dma_start3A_36 = tpu.memref_slice %arg6[%add3A_27] : memref<320000xi32, #tpu.memory_space<hbm>> -> memref<16xi32, #tpu.memory_space<hbm>>
    %dma_start3A_37 = arith.constant 16 : i32
    %dma_start3A_38 = tpu.memref_slice %arg11[%dma_start3A_37] : memref<32xi32, #tpu.memory_space<vmem>> -> memref<16xi32, #tpu.memory_space<vmem>>
    %dma_start3A_39 = tpu.memref_slice %arg6[%add3A_27] : memref<320000xi32, #tpu.memory_space<hbm>> -> memref<16xi32, #tpu.memory_space<hbm>>
    tpu.enqueue_dma source(%dma_start3A_39 : memref<16xi32, #tpu.memory_space<hbm>>) target(%dma_start3A_38 : memref<16xi32, #tpu.memory_space<vmem>>) target_semaphore(%arg27 : memref<!tpu.dma_semaphore, #tpu.memory_space<semaphore_mem>>)
    %dma_start3A_40 = tpu.memref_slice %arg6[%add3A_27] : memref<320000xi32, #tpu.memory_space<hbm>> -> memref<16xi32, #tpu.memory_space<hbm>>
    %dma_start3A_41 = tpu.memref_slice %arg6[%add3A_27] : memref<320000xi32, #tpu.memory_space<hbm>> -> memref<16xi32, #tpu.memory_space<hbm>>
    tpu.enqueue_dma source(%dma_start3A_41 : memref<16xi32, #tpu.memory_space<hbm>>) target(%arg15 : memref<16xi32, #tpu.memory_space<vmem>>) target_semaphore(%arg27 : memref<!tpu.dma_semaphore, #tpu.memory_space<semaphore_mem>>)
    %dma_wait3A = arith.constant 0 : i32
    %dma_wait3A_42 = tpu.memref_slice %arg10[%dma_wait3A] : memref<32xi32, #tpu.memory_space<vmem>> -> memref<16xi32, #tpu.memory_space<vmem>>
    %dma_wait3A_43 = arith.constant 0 : i32
    %dma_wait3A_44 = tpu.memref_slice %arg5[%dma_wait3A_43] : memref<320000xi32, #tpu.memory_space<hbm>> -> memref<16xi32, #tpu.memory_space<hbm>>
    %dma_wait3A_45 = arith.constant 0 : i32
    %dma_wait3A_46 = tpu.memref_slice %arg10[%dma_wait3A_45] : memref<32xi32, #tpu.memory_space<vmem>> -> memref<16xi32, #tpu.memory_space<vmem>>
    %dma_wait3A_47 = arith.constant 0 : i32
    %dma_wait3A_48 = tpu.memref_slice %arg5[%dma_wait3A_47] : memref<320000xi32, #tpu.memory_space<hbm>> -> memref<16xi32, #tpu.memory_space<hbm>>
    tpu.wait_dma2 semaphore(%arg26 : memref<!tpu.dma_semaphore, #tpu.memory_space<semaphore_mem>>) src(%dma_wait3A_48 : memref<16xi32, #tpu.memory_space<hbm>>) dst(%dma_wait3A_46 : memref<16xi32, #tpu.memory_space<vmem>>)
    %dma_wait3A_49 = arith.constant 16 : i32
    %dma_wait3A_50 = tpu.memref_slice %arg10[%dma_wait3A_49] : memref<32xi32, #tpu.memory_space<vmem>> -> memref<16xi32, #tpu.memory_space<vmem>>
    %dma_wait3A_51 = arith.constant 0 : i32
    %dma_wait3A_52 = tpu.memref_slice %arg6[%dma_wait3A_51] : memref<320000xi32, #tpu.memory_space<hbm>> -> memref<16xi32, #tpu.memory_space<hbm>>
    %dma_wait3A_53 = arith.constant 16 : i32
    %dma_wait3A_54 = tpu.memref_slice %arg10[%dma_wait3A_53] : memref<32xi32, #tpu.memory_space<vmem>> -> memref<16xi32, #tpu.memory_space<vmem>>
    %dma_wait3A_55 = arith.constant 0 : i32
    %dma_wait3A_56 = tpu.memref_slice %arg6[%dma_wait3A_55] : memref<320000xi32, #tpu.memory_space<hbm>> -> memref<16xi32, #tpu.memory_space<hbm>>
    tpu.wait_dma2 semaphore(%arg26 : memref<!tpu.dma_semaphore, #tpu.memory_space<semaphore_mem>>) src(%dma_wait3A_56 : memref<16xi32, #tpu.memory_space<hbm>>) dst(%dma_wait3A_54 : memref<16xi32, #tpu.memory_space<vmem>>)
    %dma_wait3A_57 = arith.constant 0 : i32
    %dma_wait3A_58 = tpu.memref_slice %arg6[%dma_wait3A_57] : memref<320000xi32, #tpu.memory_space<hbm>> -> memref<16xi32, #tpu.memory_space<hbm>>
    %dma_wait3A_59 = arith.constant 0 : i32
    %dma_wait3A_60 = tpu.memref_slice %arg6[%dma_wait3A_59] : memref<320000xi32, #tpu.memory_space<hbm>> -> memref<16xi32, #tpu.memory_space<hbm>>
    tpu.wait_dma2 semaphore(%arg26 : memref<!tpu.dma_semaphore, #tpu.memory_space<semaphore_mem>>) src(%dma_wait3A_60 : memref<16xi32, #tpu.memory_space<hbm>>) dst(%arg14 : memref<16xi32, #tpu.memory_space<vmem>>)
    %dma_start3A_61 = arith.constant 0 : i32
    %dma_start3A_62 = arith.constant 0 : i32
    %dma_start3A_63 = tpu.memref_slice %arg2[%dma_start3A_61, %dma_start3A_62] : memref<10240x128xf32, #tpu.memory_space<hbm>> -> memref<10240x128xf32, #tpu.memory_space<hbm>>
    tpu.enqueue_indirect_dma source(%dma_start3A_63 : memref<10240x128xf32, #tpu.memory_space<hbm>>) target(%arg18 : memref<32x128xf32, #tpu.memory_space<vmem>>) offsets(%arg10 : memref<32xi32, #tpu.memory_space<vmem>>) semaphore(%arg30 : memref<!tpu.dma_semaphore, #tpu.memory_space<semaphore_mem>>)
    %scan3A_64 = arith.constant 0 : i32
    %scan3A_65 = arith.constant 0 : i32
    %scan3A_66 = arith.constant 156 : i32
    %scan3A_67 = arith.addi %scan3A_65, %scan3A_66 : i32
    %scan3A_68 = arith.constant 1 : i32
    scf.for %scan3A_115 = %scan3A_65 to %scan3A_67 step %scan3A_68  : i32 {
      %mul3A_116 = arith.constant 4 : i32
      %mul3A_117 = arith.muli %mul3A_116, %scan3A_115 : i32
      %add3A_118 = arith.constant 0 : i32
      %add3A_119 = arith.addi %mul3A_117, %add3A_118 : i32
      %ge3A = arith.constant 2 : i32
      %ge3A_120 = arith.cmpi sge, %add3A_119, %ge3A : i32
      %convert_element_type3A = arith.extui %ge3A_120 : i1 to i32
      %cond3A = arith.constant 0 : i32
      %cond3A_121 = arith.cmpi ne, %convert_element_type3A, %cond3A : i32
      scf.if %cond3A_121 {
        %dma_wait3A_356 = arith.constant 16 : i32
        %dma_wait3A_357 = arith.constant 0 : i32
        %dma_wait3A_358 = tpu.memref_slice %arg20[%dma_wait3A_356, %dma_wait3A_357] : memref<32x128xf32, #tpu.memory_space<vmem>> -> memref<16x128xf32, #tpu.memory_space<vmem>>
        %dma_wait3A_359 = arith.constant 0 : i32
        %dma_wait3A_360 = arith.constant 0 : i32
        %dma_wait3A_361 = tpu.memref_slice %arg25[%dma_wait3A_359, %dma_wait3A_360] : memref<10240x128xf32, #tpu.memory_space<vmem_shared>> -> memref<10240x128xf32, #tpu.memory_space<vmem_shared>>
        tpu.wait_indirect_dma semaphore(%arg36 : memref<!tpu.dma_semaphore, #tpu.memory_space<semaphore_mem>>) src(%dma_wait3A_358 : memref<16x128xf32, #tpu.memory_space<vmem>>) dst(%dma_wait3A_361 : memref<10240x128xf32, #tpu.memory_space<vmem_shared>>)
      } else {
      }
      %add3A_122 = arith.constant 2 : i32
      %add3A_123 = arith.addi %add3A_119, %add3A_122 : i32
      %lt3A = arith.constant 625 : i32
      %lt3A_124 = arith.cmpi slt, %add3A_123, %lt3A : i32
      %convert_element_type3A_125 = arith.extui %lt3A_124 : i1 to i32
      %cond3A_126 = arith.constant 0 : i32
      %cond3A_127 = arith.cmpi ne, %convert_element_type3A_125, %cond3A_126 : i32
      scf.if %cond3A_127 {
        %add3A_356 = arith.constant 2 : i32
        %add3A_357 = arith.addi %add3A_119, %add3A_356 : i32
        %mul3A_358 = arith.constant 16 : i32
        %mul3A_359 = arith.muli %add3A_357, %mul3A_358 : i32
        %add3A_360 = arith.addi %mul3A_2, %mul3A_359 : i32
        %dma_start3A_361 = arith.constant 0 : i32
        %dma_start3A_362 = tpu.memref_slice %arg12[%dma_start3A_361] : memref<32xi32, #tpu.memory_space<vmem>> -> memref<16xi32, #tpu.memory_space<vmem>>
        %dma_start3A_363 = tpu.memref_slice %arg5[%add3A_360] : memref<320000xi32, #tpu.memory_space<hbm>> -> memref<16xi32, #tpu.memory_space<hbm>>
        %dma_start3A_364 = arith.constant 0 : i32
        %dma_start3A_365 = tpu.memref_slice %arg12[%dma_start3A_364] : memref<32xi32, #tpu.memory_space<vmem>> -> memref<16xi32, #tpu.memory_space<vmem>>
        %dma_start3A_366 = tpu.memref_slice %arg5[%add3A_360] : memref<320000xi32, #tpu.memory_space<hbm>> -> memref<16xi32, #tpu.memory_space<hbm>>
        tpu.enqueue_dma source(%dma_start3A_366 : memref<16xi32, #tpu.memory_space<hbm>>) target(%dma_start3A_365 : memref<16xi32, #tpu.memory_space<vmem>>) target_semaphore(%arg28 : memref<!tpu.dma_semaphore, #tpu.memory_space<semaphore_mem>>)
        %dma_start3A_367 = arith.constant 16 : i32
        %dma_start3A_368 = tpu.memref_slice %arg12[%dma_start3A_367] : memref<32xi32, #tpu.memory_space<vmem>> -> memref<16xi32, #tpu.memory_space<vmem>>
        %dma_start3A_369 = tpu.memref_slice %arg6[%add3A_360] : memref<320000xi32, #tpu.memory_space<hbm>> -> memref<16xi32, #tpu.memory_space<hbm>>
        %dma_start3A_370 = arith.constant 16 : i32
        %dma_start3A_371 = tpu.memref_slice %arg12[%dma_start3A_370] : memref<32xi32, #tpu.memory_space<vmem>> -> memref<16xi32, #tpu.memory_space<vmem>>
        %dma_start3A_372 = tpu.memref_slice %arg6[%add3A_360] : memref<320000xi32, #tpu.memory_space<hbm>> -> memref<16xi32, #tpu.memory_space<hbm>>
        tpu.enqueue_dma source(%dma_start3A_372 : memref<16xi32, #tpu.memory_space<hbm>>) target(%dma_start3A_371 : memref<16xi32, #tpu.memory_space<vmem>>) target_semaphore(%arg28 : memref<!tpu.dma_semaphore, #tpu.memory_space<semaphore_mem>>)
        %dma_start3A_373 = tpu.memref_slice %arg6[%add3A_360] : memref<320000xi32, #tpu.memory_space<hbm>> -> memref<16xi32, #tpu.memory_space<hbm>>
        %dma_start3A_374 = tpu.memref_slice %arg6[%add3A_360] : memref<320000xi32, #tpu.memory_space<hbm>> -> memref<16xi32, #tpu.memory_space<hbm>>
        tpu.enqueue_dma source(%dma_start3A_374 : memref<16xi32, #tpu.memory_space<hbm>>) target(%arg16 : memref<16xi32, #tpu.memory_space<vmem>>) target_semaphore(%arg28 : memref<!tpu.dma_semaphore, #tpu.memory_space<semaphore_mem>>)
      } else {
      }
      %dma_wait3A_128 = arith.constant 0 : i32
      %dma_wait3A_129 = tpu.memref_slice %arg11[%dma_wait3A_128] : memref<32xi32, #tpu.memory_space<vmem>> -> memref<16xi32, #tpu.memory_space<vmem>>
      %dma_wait3A_130 = arith.constant 0 : i32
      %dma_wait3A_131 = tpu.memref_slice %arg5[%dma_wait3A_130] : memref<320000xi32, #tpu.memory_space<hbm>> -> memref<16xi32, #tpu.memory_space<hbm>>
      %dma_wait3A_132 = arith.constant 0 : i32
      %dma_wait3A_133 = tpu.memref_slice %arg11[%dma_wait3A_132] : memref<32xi32, #tpu.memory_space<vmem>> -> memref<16xi32, #tpu.memory_space<vmem>>
      %dma_wait3A_134 = arith.constant 0 : i32
      %dma_wait3A_135 = tpu.memref_slice %arg5[%dma_wait3A_134] : memref<320000xi32, #tpu.memory_space<hbm>> -> memref<16xi32, #tpu.memory_space<hbm>>
      tpu.wait_dma2 semaphore(%arg27 : memref<!tpu.dma_semaphore, #tpu.memory_space<semaphore_mem>>) src(%dma_wait3A_135 : memref<16xi32, #tpu.memory_space<hbm>>) dst(%dma_wait3A_133 : memref<16xi32, #tpu.memory_space<vmem>>)
      %dma_wait3A_136 = arith.constant 16 : i32
      %dma_wait3A_137 = tpu.memref_slice %arg11[%dma_wait3A_136] : memref<32xi32, #tpu.memory_space<vmem>> -> memref<16xi32, #tpu.memory_space<vmem>>
      %dma_wait3A_138 = arith.constant 0 : i32
      %dma_wait3A_139 = tpu.memref_slice %arg6[%dma_wait3A_138] : memref<320000xi32, #tpu.memory_space<hbm>> -> memref<16xi32, #tpu.memory_space<hbm>>
      %dma_wait3A_140 = arith.constant 16 : i32
      %dma_wait3A_141 = tpu.memref_slice %arg11[%dma_wait3A_140] : memref<32xi32, #tpu.memory_space<vmem>> -> memref<16xi32, #tpu.memory_space<vmem>>
      %dma_wait3A_142 = arith.constant 0 : i32
      %dma_wait3A_143 = tpu.memref_slice %arg6[%dma_wait3A_142] : memref<320000xi32, #tpu.memory_space<hbm>> -> memref<16xi32, #tpu.memory_space<hbm>>
      tpu.wait_dma2 semaphore(%arg27 : memref<!tpu.dma_semaphore, #tpu.memory_space<semaphore_mem>>) src(%dma_wait3A_143 : memref<16xi32, #tpu.memory_space<hbm>>) dst(%dma_wait3A_141 : memref<16xi32, #tpu.memory_space<vmem>>)
      %dma_wait3A_144 = arith.constant 0 : i32
      %dma_wait3A_145 = tpu.memref_slice %arg6[%dma_wait3A_144] : memref<320000xi32, #tpu.memory_space<hbm>> -> memref<16xi32, #tpu.memory_space<hbm>>
      %dma_wait3A_146 = arith.constant 0 : i32
      %dma_wait3A_147 = tpu.memref_slice %arg6[%dma_wait3A_146] : memref<320000xi32, #tpu.memory_space<hbm>> -> memref<16xi32, #tpu.memory_space<hbm>>
      tpu.wait_dma2 semaphore(%arg27 : memref<!tpu.dma_semaphore, #tpu.memory_space<semaphore_mem>>) src(%dma_wait3A_147 : memref<16xi32, #tpu.memory_space<hbm>>) dst(%arg15 : memref<16xi32, #tpu.memory_space<vmem>>)
      %dma_start3A_148 = arith.constant 0 : i32
      %dma_start3A_149 = arith.constant 0 : i32
      %dma_start3A_150 = tpu.memref_slice %arg2[%dma_start3A_148, %dma_start3A_149] : memref<10240x128xf32, #tpu.memory_space<hbm>> -> memref<10240x128xf32, #tpu.memory_space<hbm>>
      tpu.enqueue_indirect_dma source(%dma_start3A_150 : memref<10240x128xf32, #tpu.memory_space<hbm>>) target(%arg19 : memref<32x128xf32, #tpu.memory_space<vmem>>) offsets(%arg11 : memref<32xi32, #tpu.memory_space<vmem>>) semaphore(%arg31 : memref<!tpu.dma_semaphore, #tpu.memory_space<semaphore_mem>>)
      %dma_wait3A_151 = arith.constant 0 : i32
      %dma_wait3A_152 = arith.constant 0 : i32
      %dma_wait3A_153 = tpu.memref_slice %arg2[%dma_wait3A_151, %dma_wait3A_152] : memref<10240x128xf32, #tpu.memory_space<hbm>> -> memref<10240x128xf32, #tpu.memory_space<hbm>>
      tpu.wait_indirect_dma semaphore(%arg30 : memref<!tpu.dma_semaphore, #tpu.memory_space<semaphore_mem>>) src(%dma_wait3A_153 : memref<10240x128xf32, #tpu.memory_space<hbm>>) dst(%arg18 : memref<32x128xf32, #tpu.memory_space<vmem>>)
      %get3A_154 = arith.constant 0 : index
      %get3A_155 = tpu.vector_load %arg10[%get3A_154] {strides = array<i32>} : memref<32xi32, #tpu.memory_space<vmem>>, vector<16xi32>,
      %get3A_156 = arith.constant 0 : index
      %get3A_157 = tpu.vector_load %arg14[%get3A_156] {strides = array<i32>} : memref<16xi32, #tpu.memory_space<vmem>>, vector<16xi32>,
      %gather3A_158 = tpu.vector_load_idx %arg22[%get3A_155] : memref<10240xf32, #tpu.memory_space<vmem>>[vector<16xi32>], vector<16xf32>,
      %broadcast_in_dim3A_159 = arith.constant 0.000000e+00 : f32
      %broadcast_in_dim3A_160 = vector.broadcast %broadcast_in_dim3A_159 : f32 to vector<16xf32>
      %scan3A_161 = arith.constant 0 : i32
      %scan3A_162 = arith.constant 16 : i32
      %scan3A_163 = arith.addi %scan3A_161, %scan3A_162 : i32
      %scan3A_164 = arith.constant 1 : i32
      %scan3A_165 = scf.for %scan3A_356 = %scan3A_161 to %scan3A_163 step %scan3A_164 iter_args(%scan3A_357 = %broadcast_in_dim3A_160) -> (vector<16xf32>)  : i32 {
        %add3A_358 = arith.constant 0 : i32
        %add3A_359 = arith.addi %add3A_358, %scan3A_356 : i32
        %get3A_360 = arith.index_cast %add3A_359 : i32 to index
        %get3A_361 = arith.constant 0 : index
        %get3A_362 = tpu.vector_load %arg18[%get3A_360, %get3A_361] {strides = array<i32>} : memref<32x128xf32, #tpu.memory_space<vmem>>, vector<16xf32>,
        %get3A_363 = arith.index_cast %add3A_359 : i32 to index
        %get3A_364 = arith.constant 16 : index
        %get3A_365 = tpu.vector_load %arg18[%get3A_363, %get3A_364] {strides = array<i32>} : memref<32x128xf32, #tpu.memory_space<vmem>>, vector<16xf32>,
        %get3A_366 = arith.index_cast %add3A_359 : i32 to index
        %get3A_367 = arith.constant 32 : index
        %get3A_368 = tpu.vector_load %arg18[%get3A_366, %get3A_367] {strides = array<i32>} : memref<32x128xf32, #tpu.memory_space<vmem>>, vector<16xf32>,
        %get3A_369 = arith.index_cast %add3A_359 : i32 to index
        %get3A_370 = arith.constant 48 : index
        %get3A_371 = tpu.vector_load %arg18[%get3A_369, %get3A_370] {strides = array<i32>} : memref<32x128xf32, #tpu.memory_space<vmem>>, vector<16xf32>,
        %get3A_372 = arith.index_cast %add3A_359 : i32 to index
        %get3A_373 = arith.constant 64 : index
        %get3A_374 = tpu.vector_load %arg18[%get3A_372, %get3A_373] {strides = array<i32>} : memref<32x128xf32, #tpu.memory_space<vmem>>, vector<16xf32>,
        %get3A_375 = arith.index_cast %add3A_359 : i32 to index
        %get3A_376 = arith.constant 80 : index
        %get3A_377 = tpu.vector_load %arg18[%get3A_375, %get3A_376] {strides = array<i32>} : memref<32x128xf32, #tpu.memory_space<vmem>>, vector<16xf32>,
        %get3A_378 = arith.index_cast %add3A_359 : i32 to index
        %get3A_379 = arith.constant 96 : index
        %get3A_380 = tpu.vector_load %arg18[%get3A_378, %get3A_379] {strides = array<i32>} : memref<32x128xf32, #tpu.memory_space<vmem>>, vector<16xf32>,
        %get3A_381 = arith.index_cast %add3A_359 : i32 to index
        %get3A_382 = arith.constant 112 : index
        %get3A_383 = tpu.vector_load %arg18[%get3A_381, %get3A_382] {strides = array<i32>} : memref<32x128xf32, #tpu.memory_space<vmem>>, vector<16xf32>,
        %add3A_384 = arith.constant 16 : i32
        %add3A_385 = arith.addi %add3A_384, %add3A_359 : i32
        %get3A_386 = arith.index_cast %add3A_385 : i32 to index
        %get3A_387 = arith.constant 0 : index
        %get3A_388 = tpu.vector_load %arg18[%get3A_386, %get3A_387] {strides = array<i32>} : memref<32x128xf32, #tpu.memory_space<vmem>>, vector<16xf32>,
        %mul3A_389 = arith.mulf %get3A_362, %get3A_388 : vector<16xf32>
        %add3A_390 = arith.constant 16 : i32
        %add3A_391 = arith.addi %add3A_390, %add3A_359 : i32
        %get3A_392 = arith.index_cast %add3A_391 : i32 to index
        %get3A_393 = arith.constant 16 : index
        %get3A_394 = tpu.vector_load %arg18[%get3A_392, %get3A_393] {strides = array<i32>} : memref<32x128xf32, #tpu.memory_space<vmem>>, vector<16xf32>,
        %mul3A_395 = arith.mulf %get3A_365, %get3A_394 : vector<16xf32>
        %add3A_396 = arith.addf %mul3A_389, %mul3A_395 : vector<16xf32>
        %add3A_397 = arith.constant 16 : i32
        %add3A_398 = arith.addi %add3A_397, %add3A_359 : i32
        %get3A_399 = arith.index_cast %add3A_398 : i32 to index
        %get3A_400 = arith.constant 32 : index
        %get3A_401 = tpu.vector_load %arg18[%get3A_399, %get3A_400] {strides = array<i32>} : memref<32x128xf32, #tpu.memory_space<vmem>>, vector<16xf32>,
        %mul3A_402 = arith.mulf %get3A_368, %get3A_401 : vector<16xf32>
        %add3A_403 = arith.addf %add3A_396, %mul3A_402 : vector<16xf32>
        %add3A_404 = arith.constant 16 : i32
        %add3A_405 = arith.addi %add3A_404, %add3A_359 : i32
        %get3A_406 = arith.index_cast %add3A_405 : i32 to index
        %get3A_407 = arith.constant 48 : index
        %get3A_408 = tpu.vector_load %arg18[%get3A_406, %get3A_407] {strides = array<i32>} : memref<32x128xf32, #tpu.memory_space<vmem>>, vector<16xf32>,
        %mul3A_409 = arith.mulf %get3A_371, %get3A_408 : vector<16xf32>
        %add3A_410 = arith.addf %add3A_403, %mul3A_409 : vector<16xf32>
        %add3A_411 = arith.constant 16 : i32
        %add3A_412 = arith.addi %add3A_411, %add3A_359 : i32
        %get3A_413 = arith.index_cast %add3A_412 : i32 to index
        %get3A_414 = arith.constant 64 : index
        %get3A_415 = tpu.vector_load %arg18[%get3A_413, %get3A_414] {strides = array<i32>} : memref<32x128xf32, #tpu.memory_space<vmem>>, vector<16xf32>,
        %mul3A_416 = arith.mulf %get3A_374, %get3A_415 : vector<16xf32>
        %add3A_417 = arith.addf %add3A_410, %mul3A_416 : vector<16xf32>
        %add3A_418 = arith.constant 16 : i32
        %add3A_419 = arith.addi %add3A_418, %add3A_359 : i32
        %get3A_420 = arith.index_cast %add3A_419 : i32 to index
        %get3A_421 = arith.constant 80 : index
        %get3A_422 = tpu.vector_load %arg18[%get3A_420, %get3A_421] {strides = array<i32>} : memref<32x128xf32, #tpu.memory_space<vmem>>, vector<16xf32>,
        %mul3A_423 = arith.mulf %get3A_377, %get3A_422 : vector<16xf32>
        %add3A_424 = arith.addf %add3A_417, %mul3A_423 : vector<16xf32>
        %add3A_425 = arith.constant 16 : i32
        %add3A_426 = arith.addi %add3A_425, %add3A_359 : i32
        %get3A_427 = arith.index_cast %add3A_426 : i32 to index
        %get3A_428 = arith.constant 96 : index
        %get3A_429 = tpu.vector_load %arg18[%get3A_427, %get3A_428] {strides = array<i32>} : memref<32x128xf32, #tpu.memory_space<vmem>>, vector<16xf32>,
        %mul3A_430 = arith.mulf %get3A_380, %get3A_429 : vector<16xf32>
        %add3A_431 = arith.addf %add3A_424, %mul3A_430 : vector<16xf32>
        %add3A_432 = arith.constant 16 : i32
        %add3A_433 = arith.addi %add3A_432, %add3A_359 : i32
        %get3A_434 = arith.index_cast %add3A_433 : i32 to index
        %get3A_435 = arith.constant 112 : index
        %get3A_436 = tpu.vector_load %arg18[%get3A_434, %get3A_435] {strides = array<i32>} : memref<32x128xf32, #tpu.memory_space<vmem>>, vector<16xf32>,
        %mul3A_437 = arith.mulf %get3A_383, %get3A_436 : vector<16xf32>
        %add3A_438 = arith.addf %add3A_431, %mul3A_437 : vector<16xf32>
        %xor3A = arith.constant 8 : i32
        %xor3A_439 = vector.broadcast %xor3A : i32 to vector<16xi32>
        %xor3A_440 = arith.xori %iota3A, %xor3A_439 : vector<16xi32>
        %broadcast_in_dim3A_441 = vector.shape_cast %xor3A_440 : vector<16xi32> to vector<16x1xi32>
        %gather3A_442 = vector.shape_cast %broadcast_in_dim3A_441 : vector<16x1xi32> to vector<16xi32>
        %gather3A_443 = tpu.dynamic_gather %add3A_438[%gather3A_442] in [0] : vector<16xf32>, vector<16xi32> -> vector<16xf32>
        %add3A_444 = arith.addf %add3A_438, %gather3A_443 : vector<16xf32>
        %xor3A_445 = arith.constant 4 : i32
        %xor3A_446 = vector.broadcast %xor3A_445 : i32 to vector<16xi32>
        %xor3A_447 = arith.xori %iota3A, %xor3A_446 : vector<16xi32>
        %broadcast_in_dim3A_448 = vector.shape_cast %xor3A_447 : vector<16xi32> to vector<16x1xi32>
        %gather3A_449 = vector.shape_cast %broadcast_in_dim3A_448 : vector<16x1xi32> to vector<16xi32>
        %gather3A_450 = tpu.dynamic_gather %add3A_444[%gather3A_449] in [0] : vector<16xf32>, vector<16xi32> -> vector<16xf32>
        %add3A_451 = arith.addf %add3A_444, %gather3A_450 : vector<16xf32>
        %xor3A_452 = arith.constant 2 : i32
        %xor3A_453 = vector.broadcast %xor3A_452 : i32 to vector<16xi32>
        %xor3A_454 = arith.xori %iota3A, %xor3A_453 : vector<16xi32>
        %broadcast_in_dim3A_455 = vector.shape_cast %xor3A_454 : vector<16xi32> to vector<16x1xi32>
        %gather3A_456 = vector.shape_cast %broadcast_in_dim3A_455 : vector<16x1xi32> to vector<16xi32>
        %gather3A_457 = tpu.dynamic_gather %add3A_451[%gather3A_456] in [0] : vector<16xf32>, vector<16xi32> -> vector<16xf32>
        %add3A_458 = arith.addf %add3A_451, %gather3A_457 : vector<16xf32>
        %xor3A_459 = arith.constant 1 : i32
        %xor3A_460 = vector.broadcast %xor3A_459 : i32 to vector<16xi32>
        %xor3A_461 = arith.xori %iota3A, %xor3A_460 : vector<16xi32>
        %broadcast_in_dim3A_462 = vector.shape_cast %xor3A_461 : vector<16xi32> to vector<16x1xi32>
        %gather3A_463 = vector.shape_cast %broadcast_in_dim3A_462 : vector<16x1xi32> to vector<16xi32>
        %gather3A_464 = tpu.dynamic_gather %add3A_458[%gather3A_463] in [0] : vector<16xf32>, vector<16xi32> -> vector<16xf32>
        %add3A_465 = arith.addf %add3A_458, %gather3A_464 : vector<16xf32>
        %mul3A_466 = arith.mulf %add3A_465, %get3A_10 : vector<16xf32>
        %sub3A = arith.constant 1.000000e+00 : f32
        %sub3A_467 = vector.broadcast %sub3A : f32 to vector<16xf32>
        %sub3A_468 = arith.subf %mul3A_466, %sub3A_467 : vector<16xf32>
        %exp3A = math.exp %sub3A_468 : vector<16xf32>
        %broadcast_in_dim3A_469 = vector.broadcast %scan3A_356 : i32 to vector<16xi32>
        %broadcast_in_dim3A_470 = vector.shape_cast %broadcast_in_dim3A_469 : vector<16xi32> to vector<16x1xi32>
        %gather3A_471 = vector.shape_cast %broadcast_in_dim3A_470 : vector<16x1xi32> to vector<16xi32>
        %gather3A_472 = tpu.dynamic_gather %gather3A_158[%gather3A_471] in [0] : vector<16xf32>, vector<16xi32> -> vector<16xf32>
        %mul3A_473 = arith.mulf %exp3A, %gather3A_472 : vector<16xf32>
        %mul3A_474 = arith.mulf %get3A_362, %mul3A_473 : vector<16xf32>
        %add3A_475 = arith.constant 16 : i32
        %add3A_476 = arith.addi %add3A_475, %add3A_359 : i32
        %swap3A = arith.index_cast %add3A_476 : i32 to index
        %swap3A_477 = arith.constant 0 : index
        %swap3A_478 = tpu.vector_load %arg18[%swap3A, %swap3A_477] {strides = array<i32>} : memref<32x128xf32, #tpu.memory_space<vmem>>, vector<16xf32>,
        tpu.vector_store %arg18[%swap3A, %swap3A_477], %mul3A_474 {strides = array<i32>} : memref<32x128xf32, #tpu.memory_space<vmem>>, vector<16xf32>,
        %mul3A_479 = arith.mulf %get3A_365, %mul3A_473 : vector<16xf32>
        %add3A_480 = arith.constant 16 : i32
        %add3A_481 = arith.addi %add3A_480, %add3A_359 : i32
        %swap3A_482 = arith.index_cast %add3A_481 : i32 to index
        %swap3A_483 = arith.constant 16 : index
        %swap3A_484 = tpu.vector_load %arg18[%swap3A_482, %swap3A_483] {strides = array<i32>} : memref<32x128xf32, #tpu.memory_space<vmem>>, vector<16xf32>,
        tpu.vector_store %arg18[%swap3A_482, %swap3A_483], %mul3A_479 {strides = array<i32>} : memref<32x128xf32, #tpu.memory_space<vmem>>, vector<16xf32>,
        %mul3A_485 = arith.mulf %get3A_368, %mul3A_473 : vector<16xf32>
        %add3A_486 = arith.constant 16 : i32
        %add3A_487 = arith.addi %add3A_486, %add3A_359 : i32
        %swap3A_488 = arith.index_cast %add3A_487 : i32 to index
        %swap3A_489 = arith.constant 32 : index
        %swap3A_490 = tpu.vector_load %arg18[%swap3A_488, %swap3A_489] {strides = array<i32>} : memref<32x128xf32, #tpu.memory_space<vmem>>, vector<16xf32>,
        tpu.vector_store %arg18[%swap3A_488, %swap3A_489], %mul3A_485 {strides = array<i32>} : memref<32x128xf32, #tpu.memory_space<vmem>>, vector<16xf32>,
        %mul3A_491 = arith.mulf %get3A_371, %mul3A_473 : vector<16xf32>
        %add3A_492 = arith.constant 16 : i32
        %add3A_493 = arith.addi %add3A_492, %add3A_359 : i32
        %swap3A_494 = arith.index_cast %add3A_493 : i32 to index
        %swap3A_495 = arith.constant 48 : index
        %swap3A_496 = tpu.vector_load %arg18[%swap3A_494, %swap3A_495] {strides = array<i32>} : memref<32x128xf32, #tpu.memory_space<vmem>>, vector<16xf32>,
        tpu.vector_store %arg18[%swap3A_494, %swap3A_495], %mul3A_491 {strides = array<i32>} : memref<32x128xf32, #tpu.memory_space<vmem>>, vector<16xf32>,
        %mul3A_497 = arith.mulf %get3A_374, %mul3A_473 : vector<16xf32>
        %add3A_498 = arith.constant 16 : i32
        %add3A_499 = arith.addi %add3A_498, %add3A_359 : i32
        %swap3A_500 = arith.index_cast %add3A_499 : i32 to index
        %swap3A_501 = arith.constant 64 : index
        %swap3A_502 = tpu.vector_load %arg18[%swap3A_500, %swap3A_501] {strides = array<i32>} : memref<32x128xf32, #tpu.memory_space<vmem>>, vector<16xf32>,
        tpu.vector_store %arg18[%swap3A_500, %swap3A_501], %mul3A_497 {strides = array<i32>} : memref<32x128xf32, #tpu.memory_space<vmem>>, vector<16xf32>,
        %mul3A_503 = arith.mulf %get3A_377, %mul3A_473 : vector<16xf32>
        %add3A_504 = arith.constant 16 : i32
        %add3A_505 = arith.addi %add3A_504, %add3A_359 : i32
        %swap3A_506 = arith.index_cast %add3A_505 : i32 to index
        %swap3A_507 = arith.constant 80 : index
        %swap3A_508 = tpu.vector_load %arg18[%swap3A_506, %swap3A_507] {strides = array<i32>} : memref<32x128xf32, #tpu.memory_space<vmem>>, vector<16xf32>,
        tpu.vector_store %arg18[%swap3A_506, %swap3A_507], %mul3A_503 {strides = array<i32>} : memref<32x128xf32, #tpu.memory_space<vmem>>, vector<16xf32>,
        %mul3A_509 = arith.mulf %get3A_380, %mul3A_473 : vector<16xf32>
        %add3A_510 = arith.constant 16 : i32
        %add3A_511 = arith.addi %add3A_510, %add3A_359 : i32
        %swap3A_512 = arith.index_cast %add3A_511 : i32 to index
        %swap3A_513 = arith.constant 96 : index
        %swap3A_514 = tpu.vector_load %arg18[%swap3A_512, %swap3A_513] {strides = array<i32>} : memref<32x128xf32, #tpu.memory_space<vmem>>, vector<16xf32>,
        tpu.vector_store %arg18[%swap3A_512, %swap3A_513], %mul3A_509 {strides = array<i32>} : memref<32x128xf32, #tpu.memory_space<vmem>>, vector<16xf32>,
        %mul3A_515 = arith.mulf %get3A_383, %mul3A_473 : vector<16xf32>
        %add3A_516 = arith.constant 16 : i32
        %add3A_517 = arith.addi %add3A_516, %add3A_359 : i32
        %swap3A_518 = arith.index_cast %add3A_517 : i32 to index
        %swap3A_519 = arith.constant 112 : index
        %swap3A_520 = tpu.vector_load %arg18[%swap3A_518, %swap3A_519] {strides = array<i32>} : memref<32x128xf32, #tpu.memory_space<vmem>>, vector<16xf32>,
        tpu.vector_store %arg18[%swap3A_518, %swap3A_519], %mul3A_515 {strides = array<i32>} : memref<32x128xf32, #tpu.memory_space<vmem>>, vector<16xf32>,
        %eq3A = vector.broadcast %scan3A_356 : i32 to vector<16xi32>
        %eq3A_521 = arith.cmpi eq, %iota3A, %eq3A : vector<16xi32>
        %select_n3A = arith.select %eq3A_521, %exp3A, %scan3A_357 : vector<16xi1>, vector<16xf32>
        scf.yield %select_n3A : vector<16xf32>
      }
      %scan3A_166 = arith.constant 16 : i32
      tpu.vector_store_idx %arg23[%get3A_157], %scan3A_165 {add = true} : memref<10240xf32, #tpu.memory_space<vmem>>[vector<16xi32>], vector<16xf32>,
      %dma_start3A_167 = arith.constant 16 : i32
      %dma_start3A_168 = arith.constant 0 : i32
      %dma_start3A_169 = tpu.memref_slice %arg18[%dma_start3A_167, %dma_start3A_168] : memref<32x128xf32, #tpu.memory_space<vmem>> -> memref<16x128xf32, #tpu.memory_space<vmem>>
      %dma_start3A_170 = arith.constant 0 : i32
      %dma_start3A_171 = arith.constant 0 : i32
      %dma_start3A_172 = tpu.memref_slice %arg25[%dma_start3A_170, %dma_start3A_171] : memref<10240x128xf32, #tpu.memory_space<vmem_shared>> -> memref<10240x128xf32, #tpu.memory_space<vmem_shared>>
      tpu.enqueue_indirect_dma source(%dma_start3A_169 : memref<16x128xf32, #tpu.memory_space<vmem>>) target(%dma_start3A_172 : memref<10240x128xf32, #tpu.memory_space<vmem_shared>>) offsets(%arg14 : memref<16xi32, #tpu.memory_space<vmem>>) semaphore(%arg34 : memref<!tpu.dma_semaphore, #tpu.memory_space<semaphore_mem>>) {add = true}
      %mul3A_173 = arith.constant 4 : i32
      %mul3A_174 = arith.muli %mul3A_173, %scan3A_115 : i32
      %add3A_175 = arith.constant 1 : i32
      %add3A_176 = arith.addi %mul3A_174, %add3A_175 : i32
      %ge3A_177 = arith.constant 2 : i32
      %ge3A_178 = arith.cmpi sge, %add3A_176, %ge3A_177 : i32
      %convert_element_type3A_179 = arith.extui %ge3A_178 : i1 to i32
      %cond3A_180 = arith.constant 0 : i32
      %cond3A_181 = arith.cmpi ne, %convert_element_type3A_179, %cond3A_180 : i32
      scf.if %cond3A_181 {
        %dma_wait3A_356 = arith.constant 16 : i32
        %dma_wait3A_357 = arith.constant 0 : i32
        %dma_wait3A_358 = tpu.memref_slice %arg21[%dma_wait3A_356, %dma_wait3A_357] : memref<32x128xf32, #tpu.memory_space<vmem>> -> memref<16x128xf32, #tpu.memory_space<vmem>>
        %dma_wait3A_359 = arith.constant 0 : i32
        %dma_wait3A_360 = arith.constant 0 : i32
        %dma_wait3A_361 = tpu.memref_slice %arg25[%dma_wait3A_359, %dma_wait3A_360] : memref<10240x128xf32, #tpu.memory_space<vmem_shared>> -> memref<10240x128xf32, #tpu.memory_space<vmem_shared>>
        tpu.wait_indirect_dma semaphore(%arg37 : memref<!tpu.dma_semaphore, #tpu.memory_space<semaphore_mem>>) src(%dma_wait3A_358 : memref<16x128xf32, #tpu.memory_space<vmem>>) dst(%dma_wait3A_361 : memref<10240x128xf32, #tpu.memory_space<vmem_shared>>)
      } else {
      }
      %add3A_182 = arith.constant 2 : i32
      %add3A_183 = arith.addi %add3A_176, %add3A_182 : i32
      %lt3A_184 = arith.constant 625 : i32
      %lt3A_185 = arith.cmpi slt, %add3A_183, %lt3A_184 : i32
      %convert_element_type3A_186 = arith.extui %lt3A_185 : i1 to i32
      %cond3A_187 = arith.constant 0 : i32
      %cond3A_188 = arith.cmpi ne, %convert_element_type3A_186, %cond3A_187 : i32
      scf.if %cond3A_188 {
        %add3A_356 = arith.constant 2 : i32
        %add3A_357 = arith.addi %add3A_176, %add3A_356 : i32
        %mul3A_358 = arith.constant 16 : i32
        %mul3A_359 = arith.muli %add3A_357, %mul3A_358 : i32
        %add3A_360 = arith.addi %mul3A_2, %mul3A_359 : i32
        %dma_start3A_361 = arith.constant 0 : i32
        %dma_start3A_362 = tpu.memref_slice %arg13[%dma_start3A_361] : memref<32xi32, #tpu.memory_space<vmem>> -> memref<16xi32, #tpu.memory_space<vmem>>
        %dma_start3A_363 = tpu.memref_slice %arg5[%add3A_360] : memref<320000xi32, #tpu.memory_space<hbm>> -> memref<16xi32, #tpu.memory_space<hbm>>
        %dma_start3A_364 = arith.constant 0 : i32
        %dma_start3A_365 = tpu.memref_slice %arg13[%dma_start3A_364] : memref<32xi32, #tpu.memory_space<vmem>> -> memref<16xi32, #tpu.memory_space<vmem>>
        %dma_start3A_366 = tpu.memref_slice %arg5[%add3A_360] : memref<320000xi32, #tpu.memory_space<hbm>> -> memref<16xi32, #tpu.memory_space<hbm>>
        tpu.enqueue_dma source(%dma_start3A_366 : memref<16xi32, #tpu.memory_space<hbm>>) target(%dma_start3A_365 : memref<16xi32, #tpu.memory_space<vmem>>) target_semaphore(%arg29 : memref<!tpu.dma_semaphore, #tpu.memory_space<semaphore_mem>>)
        %dma_start3A_367 = arith.constant 16 : i32
        %dma_start3A_368 = tpu.memref_slice %arg13[%dma_start3A_367] : memref<32xi32, #tpu.memory_space<vmem>> -> memref<16xi32, #tpu.memory_space<vmem>>
        %dma_start3A_369 = tpu.memref_slice %arg6[%add3A_360] : memref<320000xi32, #tpu.memory_space<hbm>> -> memref<16xi32, #tpu.memory_space<hbm>>
        %dma_start3A_370 = arith.constant 16 : i32
        %dma_start3A_371 = tpu.memref_slice %arg13[%dma_start3A_370] : memref<32xi32, #tpu.memory_space<vmem>> -> memref<16xi32, #tpu.memory_space<vmem>>
        %dma_start3A_372 = tpu.memref_slice %arg6[%add3A_360] : memref<320000xi32, #tpu.memory_space<hbm>> -> memref<16xi32, #tpu.memory_space<hbm>>
        tpu.enqueue_dma source(%dma_start3A_372 : memref<16xi32, #tpu.memory_space<hbm>>) target(%dma_start3A_371 : memref<16xi32, #tpu.memory_space<vmem>>) target_semaphore(%arg29 : memref<!tpu.dma_semaphore, #tpu.memory_space<semaphore_mem>>)
        %dma_start3A_373 = tpu.memref_slice %arg6[%add3A_360] : memref<320000xi32, #tpu.memory_space<hbm>> -> memref<16xi32, #tpu.memory_space<hbm>>
        %dma_start3A_374 = tpu.memref_slice %arg6[%add3A_360] : memref<320000xi32, #tpu.memory_space<hbm>> -> memref<16xi32, #tpu.memory_space<hbm>>
        tpu.enqueue_dma source(%dma_start3A_374 : memref<16xi32, #tpu.memory_space<hbm>>) target(%arg17 : memref<16xi32, #tpu.memory_space<vmem>>) target_semaphore(%arg29 : memref<!tpu.dma_semaphore, #tpu.memory_space<semaphore_mem>>)
      } else {
      }
      %dma_wait3A_189 = arith.constant 0 : i32
      %dma_wait3A_190 = tpu.memref_slice %arg12[%dma_wait3A_189] : memref<32xi32, #tpu.memory_space<vmem>> -> memref<16xi32, #tpu.memory_space<vmem>>
      %dma_wait3A_191 = arith.constant 0 : i32
      %dma_wait3A_192 = tpu.memref_slice %arg5[%dma_wait3A_191] : memref<320000xi32, #tpu.memory_space<hbm>> -> memref<16xi32, #tpu.memory_space<hbm>>
      %dma_wait3A_193 = arith.constant 0 : i32
      %dma_wait3A_194 = tpu.memref_slice %arg12[%dma_wait3A_193] : memref<32xi32, #tpu.memory_space<vmem>> -> memref<16xi32, #tpu.memory_space<vmem>>
      %dma_wait3A_195 = arith.constant 0 : i32
      %dma_wait3A_196 = tpu.memref_slice %arg5[%dma_wait3A_195] : memref<320000xi32, #tpu.memory_space<hbm>> -> memref<16xi32, #tpu.memory_space<hbm>>
      tpu.wait_dma2 semaphore(%arg28 : memref<!tpu.dma_semaphore, #tpu.memory_space<semaphore_mem>>) src(%dma_wait3A_196 : memref<16xi32, #tpu.memory_space<hbm>>) dst(%dma_wait3A_194 : memref<16xi32, #tpu.memory_space<vmem>>)
      %dma_wait3A_197 = arith.constant 16 : i32
      %dma_wait3A_198 = tpu.memref_slice %arg12[%dma_wait3A_197] : memref<32xi32, #tpu.memory_space<vmem>> -> memref<16xi32, #tpu.memory_space<vmem>>
      %dma_wait3A_199 = arith.constant 0 : i32
      %dma_wait3A_200 = tpu.memref_slice %arg6[%dma_wait3A_199] : memref<320000xi32, #tpu.memory_space<hbm>> -> memref<16xi32, #tpu.memory_space<hbm>>
      %dma_wait3A_201 = arith.constant 16 : i32
      %dma_wait3A_202 = tpu.memref_slice %arg12[%dma_wait3A_201] : memref<32xi32, #tpu.memory_space<vmem>> -> memref<16xi32, #tpu.memory_space<vmem>>
      %dma_wait3A_203 = arith.constant 0 : i32
      %dma_wait3A_204 = tpu.memref_slice %arg6[%dma_wait3A_203] : memref<320000xi32, #tpu.memory_space<hbm>> -> memref<16xi32, #tpu.memory_space<hbm>>
      tpu.wait_dma2 semaphore(%arg28 : memref<!tpu.dma_semaphore, #tpu.memory_space<semaphore_mem>>) src(%dma_wait3A_204 : memref<16xi32, #tpu.memory_space<hbm>>) dst(%dma_wait3A_202 : memref<16xi32, #tpu.memory_space<vmem>>)
      %dma_wait3A_205 = arith.constant 0 : i32
      %dma_wait3A_206 = tpu.memref_slice %arg6[%dma_wait3A_205] : memref<320000xi32, #tpu.memory_space<hbm>> -> memref<16xi32, #tpu.memory_space<hbm>>
      %dma_wait3A_207 = arith.constant 0 : i32
      %dma_wait3A_208 = tpu.memref_slice %arg6[%dma_wait3A_207] : memref<320000xi32, #tpu.memory_space<hbm>> -> memref<16xi32, #tpu.memory_space<hbm>>
      tpu.wait_dma2 semaphore(%arg28 : memref<!tpu.dma_semaphore, #tpu.memory_space<semaphore_mem>>) src(%dma_wait3A_208 : memref<16xi32, #tpu.memory_space<hbm>>) dst(%arg16 : memref<16xi32, #tpu.memory_space<vmem>>)
      %dma_start3A_209 = arith.constant 0 : i32
      %dma_start3A_210 = arith.constant 0 : i32
      %dma_start3A_211 = tpu.memref_slice %arg2[%dma_start3A_209, %dma_start3A_210] : memref<10240x128xf32, #tpu.memory_space<hbm>> -> memref<10240x128xf32, #tpu.memory_space<hbm>>
      tpu.enqueue_indirect_dma source(%dma_start3A_211 : memref<10240x128xf32, #tpu.memory_space<hbm>>) target(%arg20 : memref<32x128xf32, #tpu.memory_space<vmem>>) offsets(%arg12 : memref<32xi32, #tpu.memory_space<vmem>>) semaphore(%arg32 : memref<!tpu.dma_semaphore, #tpu.memory_space<semaphore_mem>>)
      %dma_wait3A_212 = arith.constant 0 : i32
      %dma_wait3A_213 = arith.constant 0 : i32
      %dma_wait3A_214 = tpu.memref_slice %arg2[%dma_wait3A_212, %dma_wait3A_213] : memref<10240x128xf32, #tpu.memory_space<hbm>> -> memref<10240x128xf32, #tpu.memory_space<hbm>>
      tpu.wait_indirect_dma semaphore(%arg31 : memref<!tpu.dma_semaphore, #tpu.memory_space<semaphore_mem>>) src(%dma_wait3A_214 : memref<10240x128xf32, #tpu.memory_space<hbm>>) dst(%arg19 : memref<32x128xf32, #tpu.memory_space<vmem>>)
      %get3A_215 = arith.constant 0 : index
      %get3A_216 = tpu.vector_load %arg11[%get3A_215] {strides = array<i32>} : memref<32xi32, #tpu.memory_space<vmem>>, vector<16xi32>,
      %get3A_217 = arith.constant 0 : index
      %get3A_218 = tpu.vector_load %arg15[%get3A_217] {strides = array<i32>} : memref<16xi32, #tpu.memory_space<vmem>>, vector<16xi32>,
      %gather3A_219 = tpu.vector_load_idx %arg22[%get3A_216] : memref<10240xf32, #tpu.memory_space<vmem>>[vector<16xi32>], vector<16xf32>,
      %broadcast_in_dim3A_220 = arith.constant 0.000000e+00 : f32
      %broadcast_in_dim3A_221 = vector.broadcast %broadcast_in_dim3A_220 : f32 to vector<16xf32>
      %scan3A_222 = arith.constant 0 : i32
      %scan3A_223 = arith.constant 16 : i32
      %scan3A_224 = arith.addi %scan3A_222, %scan3A_223 : i32
      %scan3A_225 = arith.constant 1 : i32
      %scan3A_226 = scf.for %scan3A_356 = %scan3A_222 to %scan3A_224 step %scan3A_225 iter_args(%scan3A_357 = %broadcast_in_dim3A_221) -> (vector<16xf32>)  : i32 {
        %add3A_358 = arith.constant 0 : i32
        %add3A_359 = arith.addi %add3A_358, %scan3A_356 : i32
        %get3A_360 = arith.index_cast %add3A_359 : i32 to index
        %get3A_361 = arith.constant 0 : index
        %get3A_362 = tpu.vector_load %arg19[%get3A_360, %get3A_361] {strides = array<i32>} : memref<32x128xf32, #tpu.memory_space<vmem>>, vector<16xf32>,
        %get3A_363 = arith.index_cast %add3A_359 : i32 to index
        %get3A_364 = arith.constant 16 : index
        %get3A_365 = tpu.vector_load %arg19[%get3A_363, %get3A_364] {strides = array<i32>} : memref<32x128xf32, #tpu.memory_space<vmem>>, vector<16xf32>,
        %get3A_366 = arith.index_cast %add3A_359 : i32 to index
        %get3A_367 = arith.constant 32 : index
        %get3A_368 = tpu.vector_load %arg19[%get3A_366, %get3A_367] {strides = array<i32>} : memref<32x128xf32, #tpu.memory_space<vmem>>, vector<16xf32>,
        %get3A_369 = arith.index_cast %add3A_359 : i32 to index
        %get3A_370 = arith.constant 48 : index
        %get3A_371 = tpu.vector_load %arg19[%get3A_369, %get3A_370] {strides = array<i32>} : memref<32x128xf32, #tpu.memory_space<vmem>>, vector<16xf32>,
        %get3A_372 = arith.index_cast %add3A_359 : i32 to index
        %get3A_373 = arith.constant 64 : index
        %get3A_374 = tpu.vector_load %arg19[%get3A_372, %get3A_373] {strides = array<i32>} : memref<32x128xf32, #tpu.memory_space<vmem>>, vector<16xf32>,
        %get3A_375 = arith.index_cast %add3A_359 : i32 to index
        %get3A_376 = arith.constant 80 : index
        %get3A_377 = tpu.vector_load %arg19[%get3A_375, %get3A_376] {strides = array<i32>} : memref<32x128xf32, #tpu.memory_space<vmem>>, vector<16xf32>,
        %get3A_378 = arith.index_cast %add3A_359 : i32 to index
        %get3A_379 = arith.constant 96 : index
        %get3A_380 = tpu.vector_load %arg19[%get3A_378, %get3A_379] {strides = array<i32>} : memref<32x128xf32, #tpu.memory_space<vmem>>, vector<16xf32>,
        %get3A_381 = arith.index_cast %add3A_359 : i32 to index
        %get3A_382 = arith.constant 112 : index
        %get3A_383 = tpu.vector_load %arg19[%get3A_381, %get3A_382] {strides = array<i32>} : memref<32x128xf32, #tpu.memory_space<vmem>>, vector<16xf32>,
        %add3A_384 = arith.constant 16 : i32
        %add3A_385 = arith.addi %add3A_384, %add3A_359 : i32
        %get3A_386 = arith.index_cast %add3A_385 : i32 to index
        %get3A_387 = arith.constant 0 : index
        %get3A_388 = tpu.vector_load %arg19[%get3A_386, %get3A_387] {strides = array<i32>} : memref<32x128xf32, #tpu.memory_space<vmem>>, vector<16xf32>,
        %mul3A_389 = arith.mulf %get3A_362, %get3A_388 : vector<16xf32>
        %add3A_390 = arith.constant 16 : i32
        %add3A_391 = arith.addi %add3A_390, %add3A_359 : i32
        %get3A_392 = arith.index_cast %add3A_391 : i32 to index
        %get3A_393 = arith.constant 16 : index
        %get3A_394 = tpu.vector_load %arg19[%get3A_392, %get3A_393] {strides = array<i32>} : memref<32x128xf32, #tpu.memory_space<vmem>>, vector<16xf32>,
        %mul3A_395 = arith.mulf %get3A_365, %get3A_394 : vector<16xf32>
        %add3A_396 = arith.addf %mul3A_389, %mul3A_395 : vector<16xf32>
        %add3A_397 = arith.constant 16 : i32
        %add3A_398 = arith.addi %add3A_397, %add3A_359 : i32
        %get3A_399 = arith.index_cast %add3A_398 : i32 to index
        %get3A_400 = arith.constant 32 : index
        %get3A_401 = tpu.vector_load %arg19[%get3A_399, %get3A_400] {strides = array<i32>} : memref<32x128xf32, #tpu.memory_space<vmem>>, vector<16xf32>,
        %mul3A_402 = arith.mulf %get3A_368, %get3A_401 : vector<16xf32>
        %add3A_403 = arith.addf %add3A_396, %mul3A_402 : vector<16xf32>
        %add3A_404 = arith.constant 16 : i32
        %add3A_405 = arith.addi %add3A_404, %add3A_359 : i32
        %get3A_406 = arith.index_cast %add3A_405 : i32 to index
        %get3A_407 = arith.constant 48 : index
        %get3A_408 = tpu.vector_load %arg19[%get3A_406, %get3A_407] {strides = array<i32>} : memref<32x128xf32, #tpu.memory_space<vmem>>, vector<16xf32>,
        %mul3A_409 = arith.mulf %get3A_371, %get3A_408 : vector<16xf32>
        %add3A_410 = arith.addf %add3A_403, %mul3A_409 : vector<16xf32>
        %add3A_411 = arith.constant 16 : i32
        %add3A_412 = arith.addi %add3A_411, %add3A_359 : i32
        %get3A_413 = arith.index_cast %add3A_412 : i32 to index
        %get3A_414 = arith.constant 64 : index
        %get3A_415 = tpu.vector_load %arg19[%get3A_413, %get3A_414] {strides = array<i32>} : memref<32x128xf32, #tpu.memory_space<vmem>>, vector<16xf32>,
        %mul3A_416 = arith.mulf %get3A_374, %get3A_415 : vector<16xf32>
        %add3A_417 = arith.addf %add3A_410, %mul3A_416 : vector<16xf32>
        %add3A_418 = arith.constant 16 : i32
        %add3A_419 = arith.addi %add3A_418, %add3A_359 : i32
        %get3A_420 = arith.index_cast %add3A_419 : i32 to index
        %get3A_421 = arith.constant 80 : index
        %get3A_422 = tpu.vector_load %arg19[%get3A_420, %get3A_421] {strides = array<i32>} : memref<32x128xf32, #tpu.memory_space<vmem>>, vector<16xf32>,
        %mul3A_423 = arith.mulf %get3A_377, %get3A_422 : vector<16xf32>
        %add3A_424 = arith.addf %add3A_417, %mul3A_423 : vector<16xf32>
        %add3A_425 = arith.constant 16 : i32
        %add3A_426 = arith.addi %add3A_425, %add3A_359 : i32
        %get3A_427 = arith.index_cast %add3A_426 : i32 to index
        %get3A_428 = arith.constant 96 : index
        %get3A_429 = tpu.vector_load %arg19[%get3A_427, %get3A_428] {strides = array<i32>} : memref<32x128xf32, #tpu.memory_space<vmem>>, vector<16xf32>,
        %mul3A_430 = arith.mulf %get3A_380, %get3A_429 : vector<16xf32>
        %add3A_431 = arith.addf %add3A_424, %mul3A_430 : vector<16xf32>
        %add3A_432 = arith.constant 16 : i32
        %add3A_433 = arith.addi %add3A_432, %add3A_359 : i32
        %get3A_434 = arith.index_cast %add3A_433 : i32 to index
        %get3A_435 = arith.constant 112 : index
        %get3A_436 = tpu.vector_load %arg19[%get3A_434, %get3A_435] {strides = array<i32>} : memref<32x128xf32, #tpu.memory_space<vmem>>, vector<16xf32>,
        %mul3A_437 = arith.mulf %get3A_383, %get3A_436 : vector<16xf32>
        %add3A_438 = arith.addf %add3A_431, %mul3A_437 : vector<16xf32>
        %xor3A = arith.constant 8 : i32
        %xor3A_439 = vector.broadcast %xor3A : i32 to vector<16xi32>
        %xor3A_440 = arith.xori %iota3A, %xor3A_439 : vector<16xi32>
        %broadcast_in_dim3A_441 = vector.shape_cast %xor3A_440 : vector<16xi32> to vector<16x1xi32>
        %gather3A_442 = vector.shape_cast %broadcast_in_dim3A_441 : vector<16x1xi32> to vector<16xi32>
        %gather3A_443 = tpu.dynamic_gather %add3A_438[%gather3A_442] in [0] : vector<16xf32>, vector<16xi32> -> vector<16xf32>
        %add3A_444 = arith.addf %add3A_438, %gather3A_443 : vector<16xf32>
        %xor3A_445 = arith.constant 4 : i32
        %xor3A_446 = vector.broadcast %xor3A_445 : i32 to vector<16xi32>
        %xor3A_447 = arith.xori %iota3A, %xor3A_446 : vector<16xi32>
        %broadcast_in_dim3A_448 = vector.shape_cast %xor3A_447 : vector<16xi32> to vector<16x1xi32>
        %gather3A_449 = vector.shape_cast %broadcast_in_dim3A_448 : vector<16x1xi32> to vector<16xi32>
        %gather3A_450 = tpu.dynamic_gather %add3A_444[%gather3A_449] in [0] : vector<16xf32>, vector<16xi32> -> vector<16xf32>
        %add3A_451 = arith.addf %add3A_444, %gather3A_450 : vector<16xf32>
        %xor3A_452 = arith.constant 2 : i32
        %xor3A_453 = vector.broadcast %xor3A_452 : i32 to vector<16xi32>
        %xor3A_454 = arith.xori %iota3A, %xor3A_453 : vector<16xi32>
        %broadcast_in_dim3A_455 = vector.shape_cast %xor3A_454 : vector<16xi32> to vector<16x1xi32>
        %gather3A_456 = vector.shape_cast %broadcast_in_dim3A_455 : vector<16x1xi32> to vector<16xi32>
        %gather3A_457 = tpu.dynamic_gather %add3A_451[%gather3A_456] in [0] : vector<16xf32>, vector<16xi32> -> vector<16xf32>
        %add3A_458 = arith.addf %add3A_451, %gather3A_457 : vector<16xf32>
        %xor3A_459 = arith.constant 1 : i32
        %xor3A_460 = vector.broadcast %xor3A_459 : i32 to vector<16xi32>
        %xor3A_461 = arith.xori %iota3A, %xor3A_460 : vector<16xi32>
        %broadcast_in_dim3A_462 = vector.shape_cast %xor3A_461 : vector<16xi32> to vector<16x1xi32>
        %gather3A_463 = vector.shape_cast %broadcast_in_dim3A_462 : vector<16x1xi32> to vector<16xi32>
        %gather3A_464 = tpu.dynamic_gather %add3A_458[%gather3A_463] in [0] : vector<16xf32>, vector<16xi32> -> vector<16xf32>
        %add3A_465 = arith.addf %add3A_458, %gather3A_464 : vector<16xf32>
        %mul3A_466 = arith.mulf %add3A_465, %get3A_10 : vector<16xf32>
        %sub3A = arith.constant 1.000000e+00 : f32
        %sub3A_467 = vector.broadcast %sub3A : f32 to vector<16xf32>
        %sub3A_468 = arith.subf %mul3A_466, %sub3A_467 : vector<16xf32>
        %exp3A = math.exp %sub3A_468 : vector<16xf32>
        %broadcast_in_dim3A_469 = vector.broadcast %scan3A_356 : i32 to vector<16xi32>
        %broadcast_in_dim3A_470 = vector.shape_cast %broadcast_in_dim3A_469 : vector<16xi32> to vector<16x1xi32>
        %gather3A_471 = vector.shape_cast %broadcast_in_dim3A_470 : vector<16x1xi32> to vector<16xi32>
        %gather3A_472 = tpu.dynamic_gather %gather3A_219[%gather3A_471] in [0] : vector<16xf32>, vector<16xi32> -> vector<16xf32>
        %mul3A_473 = arith.mulf %exp3A, %gather3A_472 : vector<16xf32>
        %mul3A_474 = arith.mulf %get3A_362, %mul3A_473 : vector<16xf32>
        %add3A_475 = arith.constant 16 : i32
        %add3A_476 = arith.addi %add3A_475, %add3A_359 : i32
        %swap3A = arith.index_cast %add3A_476 : i32 to index
        %swap3A_477 = arith.constant 0 : index
        %swap3A_478 = tpu.vector_load %arg19[%swap3A, %swap3A_477] {strides = array<i32>} : memref<32x128xf32, #tpu.memory_space<vmem>>, vector<16xf32>,
        tpu.vector_store %arg19[%swap3A, %swap3A_477], %mul3A_474 {strides = array<i32>} : memref<32x128xf32, #tpu.memory_space<vmem>>, vector<16xf32>,
        %mul3A_479 = arith.mulf %get3A_365, %mul3A_473 : vector<16xf32>
        %add3A_480 = arith.constant 16 : i32
        %add3A_481 = arith.addi %add3A_480, %add3A_359 : i32
        %swap3A_482 = arith.index_cast %add3A_481 : i32 to index
        %swap3A_483 = arith.constant 16 : index
        %swap3A_484 = tpu.vector_load %arg19[%swap3A_482, %swap3A_483] {strides = array<i32>} : memref<32x128xf32, #tpu.memory_space<vmem>>, vector<16xf32>,
        tpu.vector_store %arg19[%swap3A_482, %swap3A_483], %mul3A_479 {strides = array<i32>} : memref<32x128xf32, #tpu.memory_space<vmem>>, vector<16xf32>,
        %mul3A_485 = arith.mulf %get3A_368, %mul3A_473 : vector<16xf32>
        %add3A_486 = arith.constant 16 : i32
        %add3A_487 = arith.addi %add3A_486, %add3A_359 : i32
        %swap3A_488 = arith.index_cast %add3A_487 : i32 to index
        %swap3A_489 = arith.constant 32 : index
        %swap3A_490 = tpu.vector_load %arg19[%swap3A_488, %swap3A_489] {strides = array<i32>} : memref<32x128xf32, #tpu.memory_space<vmem>>, vector<16xf32>,
        tpu.vector_store %arg19[%swap3A_488, %swap3A_489], %mul3A_485 {strides = array<i32>} : memref<32x128xf32, #tpu.memory_space<vmem>>, vector<16xf32>,
        %mul3A_491 = arith.mulf %get3A_371, %mul3A_473 : vector<16xf32>
        %add3A_492 = arith.constant 16 : i32
        %add3A_493 = arith.addi %add3A_492, %add3A_359 : i32
        %swap3A_494 = arith.index_cast %add3A_493 : i32 to index
        %swap3A_495 = arith.constant 48 : index
        %swap3A_496 = tpu.vector_load %arg19[%swap3A_494, %swap3A_495] {strides = array<i32>} : memref<32x128xf32, #tpu.memory_space<vmem>>, vector<16xf32>,
        tpu.vector_store %arg19[%swap3A_494, %swap3A_495], %mul3A_491 {strides = array<i32>} : memref<32x128xf32, #tpu.memory_space<vmem>>, vector<16xf32>,
        %mul3A_497 = arith.mulf %get3A_374, %mul3A_473 : vector<16xf32>
        %add3A_498 = arith.constant 16 : i32
        %add3A_499 = arith.addi %add3A_498, %add3A_359 : i32
        %swap3A_500 = arith.index_cast %add3A_499 : i32 to index
        %swap3A_501 = arith.constant 64 : index
        %swap3A_502 = tpu.vector_load %arg19[%swap3A_500, %swap3A_501] {strides = array<i32>} : memref<32x128xf32, #tpu.memory_space<vmem>>, vector<16xf32>,
        tpu.vector_store %arg19[%swap3A_500, %swap3A_501], %mul3A_497 {strides = array<i32>} : memref<32x128xf32, #tpu.memory_space<vmem>>, vector<16xf32>,
        %mul3A_503 = arith.mulf %get3A_377, %mul3A_473 : vector<16xf32>
        %add3A_504 = arith.constant 16 : i32
        %add3A_505 = arith.addi %add3A_504, %add3A_359 : i32
        %swap3A_506 = arith.index_cast %add3A_505 : i32 to index
        %swap3A_507 = arith.constant 80 : index
        %swap3A_508 = tpu.vector_load %arg19[%swap3A_506, %swap3A_507] {strides = array<i32>} : memref<32x128xf32, #tpu.memory_space<vmem>>, vector<16xf32>,
        tpu.vector_store %arg19[%swap3A_506, %swap3A_507], %mul3A_503 {strides = array<i32>} : memref<32x128xf32, #tpu.memory_space<vmem>>, vector<16xf32>,
        %mul3A_509 = arith.mulf %get3A_380, %mul3A_473 : vector<16xf32>
        %add3A_510 = arith.constant 16 : i32
        %add3A_511 = arith.addi %add3A_510, %add3A_359 : i32
        %swap3A_512 = arith.index_cast %add3A_511 : i32 to index
        %swap3A_513 = arith.constant 96 : index
        %swap3A_514 = tpu.vector_load %arg19[%swap3A_512, %swap3A_513] {strides = array<i32>} : memref<32x128xf32, #tpu.memory_space<vmem>>, vector<16xf32>,
        tpu.vector_store %arg19[%swap3A_512, %swap3A_513], %mul3A_509 {strides = array<i32>} : memref<32x128xf32, #tpu.memory_space<vmem>>, vector<16xf32>,
        %mul3A_515 = arith.mulf %get3A_383, %mul3A_473 : vector<16xf32>
        %add3A_516 = arith.constant 16 : i32
        %add3A_517 = arith.addi %add3A_516, %add3A_359 : i32
        %swap3A_518 = arith.index_cast %add3A_517 : i32 to index
        %swap3A_519 = arith.constant 112 : index
        %swap3A_520 = tpu.vector_load %arg19[%swap3A_518, %swap3A_519] {strides = array<i32>} : memref<32x128xf32, #tpu.memory_space<vmem>>, vector<16xf32>,
        tpu.vector_store %arg19[%swap3A_518, %swap3A_519], %mul3A_515 {strides = array<i32>} : memref<32x128xf32, #tpu.memory_space<vmem>>, vector<16xf32>,
        %eq3A = vector.broadcast %scan3A_356 : i32 to vector<16xi32>
        %eq3A_521 = arith.cmpi eq, %iota3A, %eq3A : vector<16xi32>
        %select_n3A = arith.select %eq3A_521, %exp3A, %scan3A_357 : vector<16xi1>, vector<16xf32>
        scf.yield %select_n3A : vector<16xf32>
      }
      %scan3A_227 = arith.constant 16 : i32
      tpu.vector_store_idx %arg23[%get3A_218], %scan3A_226 {add = true} : memref<10240xf32, #tpu.memory_space<vmem>>[vector<16xi32>], vector<16xf32>,
      %dma_start3A_228 = arith.constant 16 : i32
      %dma_start3A_229 = arith.constant 0 : i32
      %dma_start3A_230 = tpu.memref_slice %arg19[%dma_start3A_228, %dma_start3A_229] : memref<32x128xf32, #tpu.memory_space<vmem>> -> memref<16x128xf32, #tpu.memory_space<vmem>>
      %dma_start3A_231 = arith.constant 0 : i32
      %dma_start3A_232 = arith.constant 0 : i32
      %dma_start3A_233 = tpu.memref_slice %arg25[%dma_start3A_231, %dma_start3A_232] : memref<10240x128xf32, #tpu.memory_space<vmem_shared>> -> memref<10240x128xf32, #tpu.memory_space<vmem_shared>>
      tpu.enqueue_indirect_dma source(%dma_start3A_230 : memref<16x128xf32, #tpu.memory_space<vmem>>) target(%dma_start3A_233 : memref<10240x128xf32, #tpu.memory_space<vmem_shared>>) offsets(%arg15 : memref<16xi32, #tpu.memory_space<vmem>>) semaphore(%arg35 : memref<!tpu.dma_semaphore, #tpu.memory_space<semaphore_mem>>) {add = true}
      %mul3A_234 = arith.constant 4 : i32
      %mul3A_235 = arith.muli %mul3A_234, %scan3A_115 : i32
      %add3A_236 = arith.constant 2 : i32
      %add3A_237 = arith.addi %mul3A_235, %add3A_236 : i32
      %ge3A_238 = arith.constant 2 : i32
      %ge3A_239 = arith.cmpi sge, %add3A_237, %ge3A_238 : i32
      %convert_element_type3A_240 = arith.extui %ge3A_239 : i1 to i32
      %cond3A_241 = arith.constant 0 : i32
      %cond3A_242 = arith.cmpi ne, %convert_element_type3A_240, %cond3A_241 : i32
      scf.if %cond3A_242 {
        %dma_wait3A_356 = arith.constant 16 : i32
        %dma_wait3A_357 = arith.constant 0 : i32
        %dma_wait3A_358 = tpu.memref_slice %arg18[%dma_wait3A_356, %dma_wait3A_357] : memref<32x128xf32, #tpu.memory_space<vmem>> -> memref<16x128xf32, #tpu.memory_space<vmem>>
        %dma_wait3A_359 = arith.constant 0 : i32
        %dma_wait3A_360 = arith.constant 0 : i32
        %dma_wait3A_361 = tpu.memref_slice %arg25[%dma_wait3A_359, %dma_wait3A_360] : memref<10240x128xf32, #tpu.memory_space<vmem_shared>> -> memref<10240x128xf32, #tpu.memory_space<vmem_shared>>
        tpu.wait_indirect_dma semaphore(%arg34 : memref<!tpu.dma_semaphore, #tpu.memory_space<semaphore_mem>>) src(%dma_wait3A_358 : memref<16x128xf32, #tpu.memory_space<vmem>>) dst(%dma_wait3A_361 : memref<10240x128xf32, #tpu.memory_space<vmem_shared>>)
      } else {
      }
      %add3A_243 = arith.constant 2 : i32
      %add3A_244 = arith.addi %add3A_237, %add3A_243 : i32
      %lt3A_245 = arith.constant 625 : i32
      %lt3A_246 = arith.cmpi slt, %add3A_244, %lt3A_245 : i32
      %convert_element_type3A_247 = arith.extui %lt3A_246 : i1 to i32
      %cond3A_248 = arith.constant 0 : i32
      %cond3A_249 = arith.cmpi ne, %convert_element_type3A_247, %cond3A_248 : i32
      scf.if %cond3A_249 {
        %add3A_356 = arith.constant 2 : i32
        %add3A_357 = arith.addi %add3A_237, %add3A_356 : i32
        %mul3A_358 = arith.constant 16 : i32
        %mul3A_359 = arith.muli %add3A_357, %mul3A_358 : i32
        %add3A_360 = arith.addi %mul3A_2, %mul3A_359 : i32
        %dma_start3A_361 = arith.constant 0 : i32
        %dma_start3A_362 = tpu.memref_slice %arg10[%dma_start3A_361] : memref<32xi32, #tpu.memory_space<vmem>> -> memref<16xi32, #tpu.memory_space<vmem>>
        %dma_start3A_363 = tpu.memref_slice %arg5[%add3A_360] : memref<320000xi32, #tpu.memory_space<hbm>> -> memref<16xi32, #tpu.memory_space<hbm>>
        %dma_start3A_364 = arith.constant 0 : i32
        %dma_start3A_365 = tpu.memref_slice %arg10[%dma_start3A_364] : memref<32xi32, #tpu.memory_space<vmem>> -> memref<16xi32, #tpu.memory_space<vmem>>
        %dma_start3A_366 = tpu.memref_slice %arg5[%add3A_360] : memref<320000xi32, #tpu.memory_space<hbm>> -> memref<16xi32, #tpu.memory_space<hbm>>
        tpu.enqueue_dma source(%dma_start3A_366 : memref<16xi32, #tpu.memory_space<hbm>>) target(%dma_start3A_365 : memref<16xi32, #tpu.memory_space<vmem>>) target_semaphore(%arg26 : memref<!tpu.dma_semaphore, #tpu.memory_space<semaphore_mem>>)
        %dma_start3A_367 = arith.constant 16 : i32
        %dma_start3A_368 = tpu.memref_slice %arg10[%dma_start3A_367] : memref<32xi32, #tpu.memory_space<vmem>> -> memref<16xi32, #tpu.memory_space<vmem>>
        %dma_start3A_369 = tpu.memref_slice %arg6[%add3A_360] : memref<320000xi32, #tpu.memory_space<hbm>> -> memref<16xi32, #tpu.memory_space<hbm>>
        %dma_start3A_370 = arith.constant 16 : i32
        %dma_start3A_371 = tpu.memref_slice %arg10[%dma_start3A_370] : memref<32xi32, #tpu.memory_space<vmem>> -> memref<16xi32, #tpu.memory_space<vmem>>
        %dma_start3A_372 = tpu.memref_slice %arg6[%add3A_360] : memref<320000xi32, #tpu.memory_space<hbm>> -> memref<16xi32, #tpu.memory_space<hbm>>
        tpu.enqueue_dma source(%dma_start3A_372 : memref<16xi32, #tpu.memory_space<hbm>>) target(%dma_start3A_371 : memref<16xi32, #tpu.memory_space<vmem>>) target_semaphore(%arg26 : memref<!tpu.dma_semaphore, #tpu.memory_space<semaphore_mem>>)
        %dma_start3A_373 = tpu.memref_slice %arg6[%add3A_360] : memref<320000xi32, #tpu.memory_space<hbm>> -> memref<16xi32, #tpu.memory_space<hbm>>
        %dma_start3A_374 = tpu.memref_slice %arg6[%add3A_360] : memref<320000xi32, #tpu.memory_space<hbm>> -> memref<16xi32, #tpu.memory_space<hbm>>
        tpu.enqueue_dma source(%dma_start3A_374 : memref<16xi32, #tpu.memory_space<hbm>>) target(%arg14 : memref<16xi32, #tpu.memory_space<vmem>>) target_semaphore(%arg26 : memref<!tpu.dma_semaphore, #tpu.memory_space<semaphore_mem>>)
      } else {
      }
      %dma_wait3A_250 = arith.constant 0 : i32
      %dma_wait3A_251 = tpu.memref_slice %arg13[%dma_wait3A_250] : memref<32xi32, #tpu.memory_space<vmem>> -> memref<16xi32, #tpu.memory_space<vmem>>
      %dma_wait3A_252 = arith.constant 0 : i32
      %dma_wait3A_253 = tpu.memref_slice %arg5[%dma_wait3A_252] : memref<320000xi32, #tpu.memory_space<hbm>> -> memref<16xi32, #tpu.memory_space<hbm>>
      %dma_wait3A_254 = arith.constant 0 : i32
      %dma_wait3A_255 = tpu.memref_slice %arg13[%dma_wait3A_254] : memref<32xi32, #tpu.memory_space<vmem>> -> memref<16xi32, #tpu.memory_space<vmem>>
      %dma_wait3A_256 = arith.constant 0 : i32
      %dma_wait3A_257 = tpu.memref_slice %arg5[%dma_wait3A_256] : memref<320000xi32, #tpu.memory_space<hbm>> -> memref<16xi32, #tpu.memory_space<hbm>>
      tpu.wait_dma2 semaphore(%arg29 : memref<!tpu.dma_semaphore, #tpu.memory_space<semaphore_mem>>) src(%dma_wait3A_257 : memref<16xi32, #tpu.memory_space<hbm>>) dst(%dma_wait3A_255 : memref<16xi32, #tpu.memory_space<vmem>>)
      %dma_wait3A_258 = arith.constant 16 : i32
      %dma_wait3A_259 = tpu.memref_slice %arg13[%dma_wait3A_258] : memref<32xi32, #tpu.memory_space<vmem>> -> memref<16xi32, #tpu.memory_space<vmem>>
      %dma_wait3A_260 = arith.constant 0 : i32
      %dma_wait3A_261 = tpu.memref_slice %arg6[%dma_wait3A_260] : memref<320000xi32, #tpu.memory_space<hbm>> -> memref<16xi32, #tpu.memory_space<hbm>>
      %dma_wait3A_262 = arith.constant 16 : i32
      %dma_wait3A_263 = tpu.memref_slice %arg13[%dma_wait3A_262] : memref<32xi32, #tpu.memory_space<vmem>> -> memref<16xi32, #tpu.memory_space<vmem>>
      %dma_wait3A_264 = arith.constant 0 : i32
      %dma_wait3A_265 = tpu.memref_slice %arg6[%dma_wait3A_264] : memref<320000xi32, #tpu.memory_space<hbm>> -> memref<16xi32, #tpu.memory_space<hbm>>
      tpu.wait_dma2 semaphore(%arg29 : memref<!tpu.dma_semaphore, #tpu.memory_space<semaphore_mem>>) src(%dma_wait3A_265 : memref<16xi32, #tpu.memory_space<hbm>>) dst(%dma_wait3A_263 : memref<16xi32, #tpu.memory_space<vmem>>)
      %dma_wait3A_266 = arith.constant 0 : i32
      %dma_wait3A_267 = tpu.memref_slice %arg6[%dma_wait3A_266] : memref<320000xi32, #tpu.memory_space<hbm>> -> memref<16xi32, #tpu.memory_space<hbm>>
      %dma_wait3A_268 = arith.constant 0 : i32
      %dma_wait3A_269 = tpu.memref_slice %arg6[%dma_wait3A_268] : memref<320000xi32, #tpu.memory_space<hbm>> -> memref<16xi32, #tpu.memory_space<hbm>>
      tpu.wait_dma2 semaphore(%arg29 : memref<!tpu.dma_semaphore, #tpu.memory_space<semaphore_mem>>) src(%dma_wait3A_269 : memref<16xi32, #tpu.memory_space<hbm>>) dst(%arg17 : memref<16xi32, #tpu.memory_space<vmem>>)
      %dma_start3A_270 = arith.constant 0 : i32
      %dma_start3A_271 = arith.constant 0 : i32
      %dma_start3A_272 = tpu.memref_slice %arg2[%dma_start3A_270, %dma_start3A_271] : memref<10240x128xf32, #tpu.memory_space<hbm>> -> memref<10240x128xf32, #tpu.memory_space<hbm>>
      tpu.enqueue_indirect_dma source(%dma_start3A_272 : memref<10240x128xf32, #tpu.memory_space<hbm>>) target(%arg21 : memref<32x128xf32, #tpu.memory_space<vmem>>) offsets(%arg13 : memref<32xi32, #tpu.memory_space<vmem>>) semaphore(%arg33 : memref<!tpu.dma_semaphore, #tpu.memory_space<semaphore_mem>>)
      %dma_wait3A_273 = arith.constant 0 : i32
      %dma_wait3A_274 = arith.constant 0 : i32
      %dma_wait3A_275 = tpu.memref_slice %arg2[%dma_wait3A_273, %dma_wait3A_274] : memref<10240x128xf32, #tpu.memory_space<hbm>> -> memref<10240x128xf32, #tpu.memory_space<hbm>>
      tpu.wait_indirect_dma semaphore(%arg32 : memref<!tpu.dma_semaphore, #tpu.memory_space<semaphore_mem>>) src(%dma_wait3A_275 : memref<10240x128xf32, #tpu.memory_space<hbm>>) dst(%arg20 : memref<32x128xf32, #tpu.memory_space<vmem>>)
      %get3A_276 = arith.constant 0 : index
      %get3A_277 = tpu.vector_load %arg12[%get3A_276] {strides = array<i32>} : memref<32xi32, #tpu.memory_space<vmem>>, vector<16xi32>,
      %get3A_278 = arith.constant 0 : index
      %get3A_279 = tpu.vector_load %arg16[%get3A_278] {strides = array<i32>} : memref<16xi32, #tpu.memory_space<vmem>>, vector<16xi32>,
      %gather3A_280 = tpu.vector_load_idx %arg22[%get3A_277] : memref<10240xf32, #tpu.memory_space<vmem>>[vector<16xi32>], vector<16xf32>,
      %broadcast_in_dim3A_281 = arith.constant 0.000000e+00 : f32
      %broadcast_in_dim3A_282 = vector.broadcast %broadcast_in_dim3A_281 : f32 to vector<16xf32>
      %scan3A_283 = arith.constant 0 : i32
      %scan3A_284 = arith.constant 16 : i32
      %scan3A_285 = arith.addi %scan3A_283, %scan3A_284 : i32
      %scan3A_286 = arith.constant 1 : i32
      %scan3A_287 = scf.for %scan3A_356 = %scan3A_283 to %scan3A_285 step %scan3A_286 iter_args(%scan3A_357 = %broadcast_in_dim3A_282) -> (vector<16xf32>)  : i32 {
        %add3A_358 = arith.constant 0 : i32
        %add3A_359 = arith.addi %add3A_358, %scan3A_356 : i32
        %get3A_360 = arith.index_cast %add3A_359 : i32 to index
        %get3A_361 = arith.constant 0 : index
        %get3A_362 = tpu.vector_load %arg20[%get3A_360, %get3A_361] {strides = array<i32>} : memref<32x128xf32, #tpu.memory_space<vmem>>, vector<16xf32>,
        %get3A_363 = arith.index_cast %add3A_359 : i32 to index
        %get3A_364 = arith.constant 16 : index
        %get3A_365 = tpu.vector_load %arg20[%get3A_363, %get3A_364] {strides = array<i32>} : memref<32x128xf32, #tpu.memory_space<vmem>>, vector<16xf32>,
        %get3A_366 = arith.index_cast %add3A_359 : i32 to index
        %get3A_367 = arith.constant 32 : index
        %get3A_368 = tpu.vector_load %arg20[%get3A_366, %get3A_367] {strides = array<i32>} : memref<32x128xf32, #tpu.memory_space<vmem>>, vector<16xf32>,
        %get3A_369 = arith.index_cast %add3A_359 : i32 to index
        %get3A_370 = arith.constant 48 : index
        %get3A_371 = tpu.vector_load %arg20[%get3A_369, %get3A_370] {strides = array<i32>} : memref<32x128xf32, #tpu.memory_space<vmem>>, vector<16xf32>,
        %get3A_372 = arith.index_cast %add3A_359 : i32 to index
        %get3A_373 = arith.constant 64 : index
        %get3A_374 = tpu.vector_load %arg20[%get3A_372, %get3A_373] {strides = array<i32>} : memref<32x128xf32, #tpu.memory_space<vmem>>, vector<16xf32>,
        %get3A_375 = arith.index_cast %add3A_359 : i32 to index
        %get3A_376 = arith.constant 80 : index
        %get3A_377 = tpu.vector_load %arg20[%get3A_375, %get3A_376] {strides = array<i32>} : memref<32x128xf32, #tpu.memory_space<vmem>>, vector<16xf32>,
        %get3A_378 = arith.index_cast %add3A_359 : i32 to index
        %get3A_379 = arith.constant 96 : index
        %get3A_380 = tpu.vector_load %arg20[%get3A_378, %get3A_379] {strides = array<i32>} : memref<32x128xf32, #tpu.memory_space<vmem>>, vector<16xf32>,
        %get3A_381 = arith.index_cast %add3A_359 : i32 to index
        %get3A_382 = arith.constant 112 : index
        %get3A_383 = tpu.vector_load %arg20[%get3A_381, %get3A_382] {strides = array<i32>} : memref<32x128xf32, #tpu.memory_space<vmem>>, vector<16xf32>,
        %add3A_384 = arith.constant 16 : i32
        %add3A_385 = arith.addi %add3A_384, %add3A_359 : i32
        %get3A_386 = arith.index_cast %add3A_385 : i32 to index
        %get3A_387 = arith.constant 0 : index
        %get3A_388 = tpu.vector_load %arg20[%get3A_386, %get3A_387] {strides = array<i32>} : memref<32x128xf32, #tpu.memory_space<vmem>>, vector<16xf32>,
        %mul3A_389 = arith.mulf %get3A_362, %get3A_388 : vector<16xf32>
        %add3A_390 = arith.constant 16 : i32
        %add3A_391 = arith.addi %add3A_390, %add3A_359 : i32
        %get3A_392 = arith.index_cast %add3A_391 : i32 to index
        %get3A_393 = arith.constant 16 : index
        %get3A_394 = tpu.vector_load %arg20[%get3A_392, %get3A_393] {strides = array<i32>} : memref<32x128xf32, #tpu.memory_space<vmem>>, vector<16xf32>,
        %mul3A_395 = arith.mulf %get3A_365, %get3A_394 : vector<16xf32>
        %add3A_396 = arith.addf %mul3A_389, %mul3A_395 : vector<16xf32>
        %add3A_397 = arith.constant 16 : i32
        %add3A_398 = arith.addi %add3A_397, %add3A_359 : i32
        %get3A_399 = arith.index_cast %add3A_398 : i32 to index
        %get3A_400 = arith.constant 32 : index
        %get3A_401 = tpu.vector_load %arg20[%get3A_399, %get3A_400] {strides = array<i32>} : memref<32x128xf32, #tpu.memory_space<vmem>>, vector<16xf32>,
        %mul3A_402 = arith.mulf %get3A_368, %get3A_401 : vector<16xf32>
        %add3A_403 = arith.addf %add3A_396, %mul3A_402 : vector<16xf32>
        %add3A_404 = arith.constant 16 : i32
        %add3A_405 = arith.addi %add3A_404, %add3A_359 : i32
        %get3A_406 = arith.index_cast %add3A_405 : i32 to index
        %get3A_407 = arith.constant 48 : index
        %get3A_408 = tpu.vector_load %arg20[%get3A_406, %get3A_407] {strides = array<i32>} : memref<32x128xf32, #tpu.memory_space<vmem>>, vector<16xf32>,
        %mul3A_409 = arith.mulf %get3A_371, %get3A_408 : vector<16xf32>
        %add3A_410 = arith.addf %add3A_403, %mul3A_409 : vector<16xf32>
        %add3A_411 = arith.constant 16 : i32
        %add3A_412 = arith.addi %add3A_411, %add3A_359 : i32
        %get3A_413 = arith.index_cast %add3A_412 : i32 to index
        %get3A_414 = arith.constant 64 : index
        %get3A_415 = tpu.vector_load %arg20[%get3A_413, %get3A_414] {strides = array<i32>} : memref<32x128xf32, #tpu.memory_space<vmem>>, vector<16xf32>,
        %mul3A_416 = arith.mulf %get3A_374, %get3A_415 : vector<16xf32>
        %add3A_417 = arith.addf %add3A_410, %mul3A_416 : vector<16xf32>
        %add3A_418 = arith.constant 16 : i32
        %add3A_419 = arith.addi %add3A_418, %add3A_359 : i32
        %get3A_420 = arith.index_cast %add3A_419 : i32 to index
        %get3A_421 = arith.constant 80 : index
        %get3A_422 = tpu.vector_load %arg20[%get3A_420, %get3A_421] {strides = array<i32>} : memref<32x128xf32, #tpu.memory_space<vmem>>, vector<16xf32>,
        %mul3A_423 = arith.mulf %get3A_377, %get3A_422 : vector<16xf32>
        %add3A_424 = arith.addf %add3A_417, %mul3A_423 : vector<16xf32>
        %add3A_425 = arith.constant 16 : i32
        %add3A_426 = arith.addi %add3A_425, %add3A_359 : i32
        %get3A_427 = arith.index_cast %add3A_426 : i32 to index
        %get3A_428 = arith.constant 96 : index
        %get3A_429 = tpu.vector_load %arg20[%get3A_427, %get3A_428] {strides = array<i32>} : memref<32x128xf32, #tpu.memory_space<vmem>>, vector<16xf32>,
        %mul3A_430 = arith.mulf %get3A_380, %get3A_429 : vector<16xf32>
        %add3A_431 = arith.addf %add3A_424, %mul3A_430 : vector<16xf32>
        %add3A_432 = arith.constant 16 : i32
        %add3A_433 = arith.addi %add3A_432, %add3A_359 : i32
        %get3A_434 = arith.index_cast %add3A_433 : i32 to index
        %get3A_435 = arith.constant 112 : index
        %get3A_436 = tpu.vector_load %arg20[%get3A_434, %get3A_435] {strides = array<i32>} : memref<32x128xf32, #tpu.memory_space<vmem>>, vector<16xf32>,
        %mul3A_437 = arith.mulf %get3A_383, %get3A_436 : vector<16xf32>
        %add3A_438 = arith.addf %add3A_431, %mul3A_437 : vector<16xf32>
        %xor3A = arith.constant 8 : i32
        %xor3A_439 = vector.broadcast %xor3A : i32 to vector<16xi32>
        %xor3A_440 = arith.xori %iota3A, %xor3A_439 : vector<16xi32>
        %broadcast_in_dim3A_441 = vector.shape_cast %xor3A_440 : vector<16xi32> to vector<16x1xi32>
        %gather3A_442 = vector.shape_cast %broadcast_in_dim3A_441 : vector<16x1xi32> to vector<16xi32>
        %gather3A_443 = tpu.dynamic_gather %add3A_438[%gather3A_442] in [0] : vector<16xf32>, vector<16xi32> -> vector<16xf32>
        %add3A_444 = arith.addf %add3A_438, %gather3A_443 : vector<16xf32>
        %xor3A_445 = arith.constant 4 : i32
        %xor3A_446 = vector.broadcast %xor3A_445 : i32 to vector<16xi32>
        %xor3A_447 = arith.xori %iota3A, %xor3A_446 : vector<16xi32>
        %broadcast_in_dim3A_448 = vector.shape_cast %xor3A_447 : vector<16xi32> to vector<16x1xi32>
        %gather3A_449 = vector.shape_cast %broadcast_in_dim3A_448 : vector<16x1xi32> to vector<16xi32>
        %gather3A_450 = tpu.dynamic_gather %add3A_444[%gather3A_449] in [0] : vector<16xf32>, vector<16xi32> -> vector<16xf32>
        %add3A_451 = arith.addf %add3A_444, %gather3A_450 : vector<16xf32>
        %xor3A_452 = arith.constant 2 : i32
        %xor3A_453 = vector.broadcast %xor3A_452 : i32 to vector<16xi32>
        %xor3A_454 = arith.xori %iota3A, %xor3A_453 : vector<16xi32>
        %broadcast_in_dim3A_455 = vector.shape_cast %xor3A_454 : vector<16xi32> to vector<16x1xi32>
        %gather3A_456 = vector.shape_cast %broadcast_in_dim3A_455 : vector<16x1xi32> to vector<16xi32>
        %gather3A_457 = tpu.dynamic_gather %add3A_451[%gather3A_456] in [0] : vector<16xf32>, vector<16xi32> -> vector<16xf32>
        %add3A_458 = arith.addf %add3A_451, %gather3A_457 : vector<16xf32>
        %xor3A_459 = arith.constant 1 : i32
        %xor3A_460 = vector.broadcast %xor3A_459 : i32 to vector<16xi32>
        %xor3A_461 = arith.xori %iota3A, %xor3A_460 : vector<16xi32>
        %broadcast_in_dim3A_462 = vector.shape_cast %xor3A_461 : vector<16xi32> to vector<16x1xi32>
        %gather3A_463 = vector.shape_cast %broadcast_in_dim3A_462 : vector<16x1xi32> to vector<16xi32>
        %gather3A_464 = tpu.dynamic_gather %add3A_458[%gather3A_463] in [0] : vector<16xf32>, vector<16xi32> -> vector<16xf32>
        %add3A_465 = arith.addf %add3A_458, %gather3A_464 : vector<16xf32>
        %mul3A_466 = arith.mulf %add3A_465, %get3A_10 : vector<16xf32>
        %sub3A = arith.constant 1.000000e+00 : f32
        %sub3A_467 = vector.broadcast %sub3A : f32 to vector<16xf32>
        %sub3A_468 = arith.subf %mul3A_466, %sub3A_467 : vector<16xf32>
        %exp3A = math.exp %sub3A_468 : vector<16xf32>
        %broadcast_in_dim3A_469 = vector.broadcast %scan3A_356 : i32 to vector<16xi32>
        %broadcast_in_dim3A_470 = vector.shape_cast %broadcast_in_dim3A_469 : vector<16xi32> to vector<16x1xi32>
        %gather3A_471 = vector.shape_cast %broadcast_in_dim3A_470 : vector<16x1xi32> to vector<16xi32>
        %gather3A_472 = tpu.dynamic_gather %gather3A_280[%gather3A_471] in [0] : vector<16xf32>, vector<16xi32> -> vector<16xf32>
        %mul3A_473 = arith.mulf %exp3A, %gather3A_472 : vector<16xf32>
        %mul3A_474 = arith.mulf %get3A_362, %mul3A_473 : vector<16xf32>
        %add3A_475 = arith.constant 16 : i32
        %add3A_476 = arith.addi %add3A_475, %add3A_359 : i32
        %swap3A = arith.index_cast %add3A_476 : i32 to index
        %swap3A_477 = arith.constant 0 : index
        %swap3A_478 = tpu.vector_load %arg20[%swap3A, %swap3A_477] {strides = array<i32>} : memref<32x128xf32, #tpu.memory_space<vmem>>, vector<16xf32>,
        tpu.vector_store %arg20[%swap3A, %swap3A_477], %mul3A_474 {strides = array<i32>} : memref<32x128xf32, #tpu.memory_space<vmem>>, vector<16xf32>,
        %mul3A_479 = arith.mulf %get3A_365, %mul3A_473 : vector<16xf32>
        %add3A_480 = arith.constant 16 : i32
        %add3A_481 = arith.addi %add3A_480, %add3A_359 : i32
        %swap3A_482 = arith.index_cast %add3A_481 : i32 to index
        %swap3A_483 = arith.constant 16 : index
        %swap3A_484 = tpu.vector_load %arg20[%swap3A_482, %swap3A_483] {strides = array<i32>} : memref<32x128xf32, #tpu.memory_space<vmem>>, vector<16xf32>,
        tpu.vector_store %arg20[%swap3A_482, %swap3A_483], %mul3A_479 {strides = array<i32>} : memref<32x128xf32, #tpu.memory_space<vmem>>, vector<16xf32>,
        %mul3A_485 = arith.mulf %get3A_368, %mul3A_473 : vector<16xf32>
        %add3A_486 = arith.constant 16 : i32
        %add3A_487 = arith.addi %add3A_486, %add3A_359 : i32
        %swap3A_488 = arith.index_cast %add3A_487 : i32 to index
        %swap3A_489 = arith.constant 32 : index
        %swap3A_490 = tpu.vector_load %arg20[%swap3A_488, %swap3A_489] {strides = array<i32>} : memref<32x128xf32, #tpu.memory_space<vmem>>, vector<16xf32>,
        tpu.vector_store %arg20[%swap3A_488, %swap3A_489], %mul3A_485 {strides = array<i32>} : memref<32x128xf32, #tpu.memory_space<vmem>>, vector<16xf32>,
        %mul3A_491 = arith.mulf %get3A_371, %mul3A_473 : vector<16xf32>
        %add3A_492 = arith.constant 16 : i32
        %add3A_493 = arith.addi %add3A_492, %add3A_359 : i32
        %swap3A_494 = arith.index_cast %add3A_493 : i32 to index
        %swap3A_495 = arith.constant 48 : index
        %swap3A_496 = tpu.vector_load %arg20[%swap3A_494, %swap3A_495] {strides = array<i32>} : memref<32x128xf32, #tpu.memory_space<vmem>>, vector<16xf32>,
        tpu.vector_store %arg20[%swap3A_494, %swap3A_495], %mul3A_491 {strides = array<i32>} : memref<32x128xf32, #tpu.memory_space<vmem>>, vector<16xf32>,
        %mul3A_497 = arith.mulf %get3A_374, %mul3A_473 : vector<16xf32>
        %add3A_498 = arith.constant 16 : i32
        %add3A_499 = arith.addi %add3A_498, %add3A_359 : i32
        %swap3A_500 = arith.index_cast %add3A_499 : i32 to index
        %swap3A_501 = arith.constant 64 : index
        %swap3A_502 = tpu.vector_load %arg20[%swap3A_500, %swap3A_501] {strides = array<i32>} : memref<32x128xf32, #tpu.memory_space<vmem>>, vector<16xf32>,
        tpu.vector_store %arg20[%swap3A_500, %swap3A_501], %mul3A_497 {strides = array<i32>} : memref<32x128xf32, #tpu.memory_space<vmem>>, vector<16xf32>,
        %mul3A_503 = arith.mulf %get3A_377, %mul3A_473 : vector<16xf32>
        %add3A_504 = arith.constant 16 : i32
        %add3A_505 = arith.addi %add3A_504, %add3A_359 : i32
        %swap3A_506 = arith.index_cast %add3A_505 : i32 to index
        %swap3A_507 = arith.constant 80 : index
        %swap3A_508 = tpu.vector_load %arg20[%swap3A_506, %swap3A_507] {strides = array<i32>} : memref<32x128xf32, #tpu.memory_space<vmem>>, vector<16xf32>,
        tpu.vector_store %arg20[%swap3A_506, %swap3A_507], %mul3A_503 {strides = array<i32>} : memref<32x128xf32, #tpu.memory_space<vmem>>, vector<16xf32>,
        %mul3A_509 = arith.mulf %get3A_380, %mul3A_473 : vector<16xf32>
        %add3A_510 = arith.constant 16 : i32
        %add3A_511 = arith.addi %add3A_510, %add3A_359 : i32
        %swap3A_512 = arith.index_cast %add3A_511 : i32 to index
        %swap3A_513 = arith.constant 96 : index
        %swap3A_514 = tpu.vector_load %arg20[%swap3A_512, %swap3A_513] {strides = array<i32>} : memref<32x128xf32, #tpu.memory_space<vmem>>, vector<16xf32>,
        tpu.vector_store %arg20[%swap3A_512, %swap3A_513], %mul3A_509 {strides = array<i32>} : memref<32x128xf32, #tpu.memory_space<vmem>>, vector<16xf32>,
        %mul3A_515 = arith.mulf %get3A_383, %mul3A_473 : vector<16xf32>
        %add3A_516 = arith.constant 16 : i32
        %add3A_517 = arith.addi %add3A_516, %add3A_359 : i32
        %swap3A_518 = arith.index_cast %add3A_517 : i32 to index
        %swap3A_519 = arith.constant 112 : index
        %swap3A_520 = tpu.vector_load %arg20[%swap3A_518, %swap3A_519] {strides = array<i32>} : memref<32x128xf32, #tpu.memory_space<vmem>>, vector<16xf32>,
        tpu.vector_store %arg20[%swap3A_518, %swap3A_519], %mul3A_515 {strides = array<i32>} : memref<32x128xf32, #tpu.memory_space<vmem>>, vector<16xf32>,
        %eq3A = vector.broadcast %scan3A_356 : i32 to vector<16xi32>
        %eq3A_521 = arith.cmpi eq, %iota3A, %eq3A : vector<16xi32>
        %select_n3A = arith.select %eq3A_521, %exp3A, %scan3A_357 : vector<16xi1>, vector<16xf32>
        scf.yield %select_n3A : vector<16xf32>
      }
      %scan3A_288 = arith.constant 16 : i32
      tpu.vector_store_idx %arg23[%get3A_279], %scan3A_287 {add = true} : memref<10240xf32, #tpu.memory_space<vmem>>[vector<16xi32>], vector<16xf32>,
      %dma_start3A_289 = arith.constant 16 : i32
      %dma_start3A_290 = arith.constant 0 : i32
      %dma_start3A_291 = tpu.memref_slice %arg20[%dma_start3A_289, %dma_start3A_290] : memref<32x128xf32, #tpu.memory_space<vmem>> -> memref<16x128xf32, #tpu.memory_space<vmem>>
      %dma_start3A_292 = arith.constant 0 : i32
      %dma_start3A_293 = arith.constant 0 : i32
      %dma_start3A_294 = tpu.memref_slice %arg25[%dma_start3A_292, %dma_start3A_293] : memref<10240x128xf32, #tpu.memory_space<vmem_shared>> -> memref<10240x128xf32, #tpu.memory_space<vmem_shared>>
      tpu.enqueue_indirect_dma source(%dma_start3A_291 : memref<16x128xf32, #tpu.memory_space<vmem>>) target(%dma_start3A_294 : memref<10240x128xf32, #tpu.memory_space<vmem_shared>>) offsets(%arg16 : memref<16xi32, #tpu.memory_space<vmem>>) semaphore(%arg36 : memref<!tpu.dma_semaphore, #tpu.memory_space<semaphore_mem>>) {add = true}
      %mul3A_295 = arith.constant 4 : i32
      %mul3A_296 = arith.muli %mul3A_295, %scan3A_115 : i32
      %add3A_297 = arith.constant 3 : i32
      %add3A_298 = arith.addi %mul3A_296, %add3A_297 : i32
      %ge3A_299 = arith.constant 2 : i32
      %ge3A_300 = arith.cmpi sge, %add3A_298, %ge3A_299 : i32
      %convert_element_type3A_301 = arith.extui %ge3A_300 : i1 to i32
      %cond3A_302 = arith.constant 0 : i32
      %cond3A_303 = arith.cmpi ne, %convert_element_type3A_301, %cond3A_302 : i32
      scf.if %cond3A_303 {
        %dma_wait3A_356 = arith.constant 16 : i32
        %dma_wait3A_357 = arith.constant 0 : i32
        %dma_wait3A_358 = tpu.memref_slice %arg19[%dma_wait3A_356, %dma_wait3A_357] : memref<32x128xf32, #tpu.memory_space<vmem>> -> memref<16x128xf32, #tpu.memory_space<vmem>>
        %dma_wait3A_359 = arith.constant 0 : i32
        %dma_wait3A_360 = arith.constant 0 : i32
        %dma_wait3A_361 = tpu.memref_slice %arg25[%dma_wait3A_359, %dma_wait3A_360] : memref<10240x128xf32, #tpu.memory_space<vmem_shared>> -> memref<10240x128xf32, #tpu.memory_space<vmem_shared>>
        tpu.wait_indirect_dma semaphore(%arg35 : memref<!tpu.dma_semaphore, #tpu.memory_space<semaphore_mem>>) src(%dma_wait3A_358 : memref<16x128xf32, #tpu.memory_space<vmem>>) dst(%dma_wait3A_361 : memref<10240x128xf32, #tpu.memory_space<vmem_shared>>)
      } else {
      }
      %add3A_304 = arith.constant 2 : i32
      %add3A_305 = arith.addi %add3A_298, %add3A_304 : i32
      %lt3A_306 = arith.constant 625 : i32
      %lt3A_307 = arith.cmpi slt, %add3A_305, %lt3A_306 : i32
      %convert_element_type3A_308 = arith.extui %lt3A_307 : i1 to i32
      %cond3A_309 = arith.constant 0 : i32
      %cond3A_310 = arith.cmpi ne, %convert_element_type3A_308, %cond3A_309 : i32
      scf.if %cond3A_310 {
        %add3A_356 = arith.constant 2 : i32
        %add3A_357 = arith.addi %add3A_298, %add3A_356 : i32
        %mul3A_358 = arith.constant 16 : i32
        %mul3A_359 = arith.muli %add3A_357, %mul3A_358 : i32
        %add3A_360 = arith.addi %mul3A_2, %mul3A_359 : i32
        %dma_start3A_361 = arith.constant 0 : i32
        %dma_start3A_362 = tpu.memref_slice %arg11[%dma_start3A_361] : memref<32xi32, #tpu.memory_space<vmem>> -> memref<16xi32, #tpu.memory_space<vmem>>
        %dma_start3A_363 = tpu.memref_slice %arg5[%add3A_360] : memref<320000xi32, #tpu.memory_space<hbm>> -> memref<16xi32, #tpu.memory_space<hbm>>
        %dma_start3A_364 = arith.constant 0 : i32
        %dma_start3A_365 = tpu.memref_slice %arg11[%dma_start3A_364] : memref<32xi32, #tpu.memory_space<vmem>> -> memref<16xi32, #tpu.memory_space<vmem>>
        %dma_start3A_366 = tpu.memref_slice %arg5[%add3A_360] : memref<320000xi32, #tpu.memory_space<hbm>> -> memref<16xi32, #tpu.memory_space<hbm>>
        tpu.enqueue_dma source(%dma_start3A_366 : memref<16xi32, #tpu.memory_space<hbm>>) target(%dma_start3A_365 : memref<16xi32, #tpu.memory_space<vmem>>) target_semaphore(%arg27 : memref<!tpu.dma_semaphore, #tpu.memory_space<semaphore_mem>>)
        %dma_start3A_367 = arith.constant 16 : i32
        %dma_start3A_368 = tpu.memref_slice %arg11[%dma_start3A_367] : memref<32xi32, #tpu.memory_space<vmem>> -> memref<16xi32, #tpu.memory_space<vmem>>
        %dma_start3A_369 = tpu.memref_slice %arg6[%add3A_360] : memref<320000xi32, #tpu.memory_space<hbm>> -> memref<16xi32, #tpu.memory_space<hbm>>
        %dma_start3A_370 = arith.constant 16 : i32
        %dma_start3A_371 = tpu.memref_slice %arg11[%dma_start3A_370] : memref<32xi32, #tpu.memory_space<vmem>> -> memref<16xi32, #tpu.memory_space<vmem>>
        %dma_start3A_372 = tpu.memref_slice %arg6[%add3A_360] : memref<320000xi32, #tpu.memory_space<hbm>> -> memref<16xi32, #tpu.memory_space<hbm>>
        tpu.enqueue_dma source(%dma_start3A_372 : memref<16xi32, #tpu.memory_space<hbm>>) target(%dma_start3A_371 : memref<16xi32, #tpu.memory_space<vmem>>) target_semaphore(%arg27 : memref<!tpu.dma_semaphore, #tpu.memory_space<semaphore_mem>>)
        %dma_start3A_373 = tpu.memref_slice %arg6[%add3A_360] : memref<320000xi32, #tpu.memory_space<hbm>> -> memref<16xi32, #tpu.memory_space<hbm>>
        %dma_start3A_374 = tpu.memref_slice %arg6[%add3A_360] : memref<320000xi32, #tpu.memory_space<hbm>> -> memref<16xi32, #tpu.memory_space<hbm>>
        tpu.enqueue_dma source(%dma_start3A_374 : memref<16xi32, #tpu.memory_space<hbm>>) target(%arg15 : memref<16xi32, #tpu.memory_space<vmem>>) target_semaphore(%arg27 : memref<!tpu.dma_semaphore, #tpu.memory_space<semaphore_mem>>)
      } else {
      }
      %dma_wait3A_311 = arith.constant 0 : i32
      %dma_wait3A_312 = tpu.memref_slice %arg10[%dma_wait3A_311] : memref<32xi32, #tpu.memory_space<vmem>> -> memref<16xi32, #tpu.memory_space<vmem>>
      %dma_wait3A_313 = arith.constant 0 : i32
      %dma_wait3A_314 = tpu.memref_slice %arg5[%dma_wait3A_313] : memref<320000xi32, #tpu.memory_space<hbm>> -> memref<16xi32, #tpu.memory_space<hbm>>
      %dma_wait3A_315 = arith.constant 0 : i32
      %dma_wait3A_316 = tpu.memref_slice %arg10[%dma_wait3A_315] : memref<32xi32, #tpu.memory_space<vmem>> -> memref<16xi32, #tpu.memory_space<vmem>>
      %dma_wait3A_317 = arith.constant 0 : i32
      %dma_wait3A_318 = tpu.memref_slice %arg5[%dma_wait3A_317] : memref<320000xi32, #tpu.memory_space<hbm>> -> memref<16xi32, #tpu.memory_space<hbm>>
      tpu.wait_dma2 semaphore(%arg26 : memref<!tpu.dma_semaphore, #tpu.memory_space<semaphore_mem>>) src(%dma_wait3A_318 : memref<16xi32, #tpu.memory_space<hbm>>) dst(%dma_wait3A_316 : memref<16xi32, #tpu.memory_space<vmem>>)
      %dma_wait3A_319 = arith.constant 16 : i32
      %dma_wait3A_320 = tpu.memref_slice %arg10[%dma_wait3A_319] : memref<32xi32, #tpu.memory_space<vmem>> -> memref<16xi32, #tpu.memory_space<vmem>>
      %dma_wait3A_321 = arith.constant 0 : i32
      %dma_wait3A_322 = tpu.memref_slice %arg6[%dma_wait3A_321] : memref<320000xi32, #tpu.memory_space<hbm>> -> memref<16xi32, #tpu.memory_space<hbm>>
      %dma_wait3A_323 = arith.constant 16 : i32
      %dma_wait3A_324 = tpu.memref_slice %arg10[%dma_wait3A_323] : memref<32xi32, #tpu.memory_space<vmem>> -> memref<16xi32, #tpu.memory_space<vmem>>
      %dma_wait3A_325 = arith.constant 0 : i32
      %dma_wait3A_326 = tpu.memref_slice %arg6[%dma_wait3A_325] : memref<320000xi32, #tpu.memory_space<hbm>> -> memref<16xi32, #tpu.memory_space<hbm>>
      tpu.wait_dma2 semaphore(%arg26 : memref<!tpu.dma_semaphore, #tpu.memory_space<semaphore_mem>>) src(%dma_wait3A_326 : memref<16xi32, #tpu.memory_space<hbm>>) dst(%dma_wait3A_324 : memref<16xi32, #tpu.memory_space<vmem>>)
      %dma_wait3A_327 = arith.constant 0 : i32
      %dma_wait3A_328 = tpu.memref_slice %arg6[%dma_wait3A_327] : memref<320000xi32, #tpu.memory_space<hbm>> -> memref<16xi32, #tpu.memory_space<hbm>>
      %dma_wait3A_329 = arith.constant 0 : i32
      %dma_wait3A_330 = tpu.memref_slice %arg6[%dma_wait3A_329] : memref<320000xi32, #tpu.memory_space<hbm>> -> memref<16xi32, #tpu.memory_space<hbm>>
      tpu.wait_dma2 semaphore(%arg26 : memref<!tpu.dma_semaphore, #tpu.memory_space<semaphore_mem>>) src(%dma_wait3A_330 : memref<16xi32, #tpu.memory_space<hbm>>) dst(%arg14 : memref<16xi32, #tpu.memory_space<vmem>>)
      %dma_start3A_331 = arith.constant 0 : i32
      %dma_start3A_332 = arith.constant 0 : i32
      %dma_start3A_333 = tpu.memref_slice %arg2[%dma_start3A_331, %dma_start3A_332] : memref<10240x128xf32, #tpu.memory_space<hbm>> -> memref<10240x128xf32, #tpu.memory_space<hbm>>
      tpu.enqueue_indirect_dma source(%dma_start3A_333 : memref<10240x128xf32, #tpu.memory_space<hbm>>) target(%arg18 : memref<32x128xf32, #tpu.memory_space<vmem>>) offsets(%arg10 : memref<32xi32, #tpu.memory_space<vmem>>) semaphore(%arg30 : memref<!tpu.dma_semaphore, #tpu.memory_space<semaphore_mem>>)
      %dma_wait3A_334 = arith.constant 0 : i32
      %dma_wait3A_335 = arith.constant 0 : i32
      %dma_wait3A_336 = tpu.memref_slice %arg2[%dma_wait3A_334, %dma_wait3A_335] : memref<10240x128xf32, #tpu.memory_space<hbm>> -> memref<10240x128xf32, #tpu.memory_space<hbm>>
      tpu.wait_indirect_dma semaphore(%arg33 : memref<!tpu.dma_semaphore, #tpu.memory_space<semaphore_mem>>) src(%dma_wait3A_336 : memref<10240x128xf32, #tpu.memory_space<hbm>>) dst(%arg21 : memref<32x128xf32, #tpu.memory_space<vmem>>)
      %get3A_337 = arith.constant 0 : index
      %get3A_338 = tpu.vector_load %arg13[%get3A_337] {strides = array<i32>} : memref<32xi32, #tpu.memory_space<vmem>>, vector<16xi32>,
      %get3A_339 = arith.constant 0 : index
      %get3A_340 = tpu.vector_load %arg17[%get3A_339] {strides = array<i32>} : memref<16xi32, #tpu.memory_space<vmem>>, vector<16xi32>,
      %gather3A_341 = tpu.vector_load_idx %arg22[%get3A_338] : memref<10240xf32, #tpu.memory_space<vmem>>[vector<16xi32>], vector<16xf32>,
      %broadcast_in_dim3A_342 = arith.constant 0.000000e+00 : f32
      %broadcast_in_dim3A_343 = vector.broadcast %broadcast_in_dim3A_342 : f32 to vector<16xf32>
      %scan3A_344 = arith.constant 0 : i32
      %scan3A_345 = arith.constant 16 : i32
      %scan3A_346 = arith.addi %scan3A_344, %scan3A_345 : i32
      %scan3A_347 = arith.constant 1 : i32
      %scan3A_348 = scf.for %scan3A_356 = %scan3A_344 to %scan3A_346 step %scan3A_347 iter_args(%scan3A_357 = %broadcast_in_dim3A_343) -> (vector<16xf32>)  : i32 {
        %add3A_358 = arith.constant 0 : i32
        %add3A_359 = arith.addi %add3A_358, %scan3A_356 : i32
        %get3A_360 = arith.index_cast %add3A_359 : i32 to index
        %get3A_361 = arith.constant 0 : index
        %get3A_362 = tpu.vector_load %arg21[%get3A_360, %get3A_361] {strides = array<i32>} : memref<32x128xf32, #tpu.memory_space<vmem>>, vector<16xf32>,
        %get3A_363 = arith.index_cast %add3A_359 : i32 to index
        %get3A_364 = arith.constant 16 : index
        %get3A_365 = tpu.vector_load %arg21[%get3A_363, %get3A_364] {strides = array<i32>} : memref<32x128xf32, #tpu.memory_space<vmem>>, vector<16xf32>,
        %get3A_366 = arith.index_cast %add3A_359 : i32 to index
        %get3A_367 = arith.constant 32 : index
        %get3A_368 = tpu.vector_load %arg21[%get3A_366, %get3A_367] {strides = array<i32>} : memref<32x128xf32, #tpu.memory_space<vmem>>, vector<16xf32>,
        %get3A_369 = arith.index_cast %add3A_359 : i32 to index
        %get3A_370 = arith.constant 48 : index
        %get3A_371 = tpu.vector_load %arg21[%get3A_369, %get3A_370] {strides = array<i32>} : memref<32x128xf32, #tpu.memory_space<vmem>>, vector<16xf32>,
        %get3A_372 = arith.index_cast %add3A_359 : i32 to index
        %get3A_373 = arith.constant 64 : index
        %get3A_374 = tpu.vector_load %arg21[%get3A_372, %get3A_373] {strides = array<i32>} : memref<32x128xf32, #tpu.memory_space<vmem>>, vector<16xf32>,
        %get3A_375 = arith.index_cast %add3A_359 : i32 to index
        %get3A_376 = arith.constant 80 : index
        %get3A_377 = tpu.vector_load %arg21[%get3A_375, %get3A_376] {strides = array<i32>} : memref<32x128xf32, #tpu.memory_space<vmem>>, vector<16xf32>,
        %get3A_378 = arith.index_cast %add3A_359 : i32 to index
        %get3A_379 = arith.constant 96 : index
        %get3A_380 = tpu.vector_load %arg21[%get3A_378, %get3A_379] {strides = array<i32>} : memref<32x128xf32, #tpu.memory_space<vmem>>, vector<16xf32>,
        %get3A_381 = arith.index_cast %add3A_359 : i32 to index
        %get3A_382 = arith.constant 112 : index
        %get3A_383 = tpu.vector_load %arg21[%get3A_381, %get3A_382] {strides = array<i32>} : memref<32x128xf32, #tpu.memory_space<vmem>>, vector<16xf32>,
        %add3A_384 = arith.constant 16 : i32
        %add3A_385 = arith.addi %add3A_384, %add3A_359 : i32
        %get3A_386 = arith.index_cast %add3A_385 : i32 to index
        %get3A_387 = arith.constant 0 : index
        %get3A_388 = tpu.vector_load %arg21[%get3A_386, %get3A_387] {strides = array<i32>} : memref<32x128xf32, #tpu.memory_space<vmem>>, vector<16xf32>,
        %mul3A_389 = arith.mulf %get3A_362, %get3A_388 : vector<16xf32>
        %add3A_390 = arith.constant 16 : i32
        %add3A_391 = arith.addi %add3A_390, %add3A_359 : i32
        %get3A_392 = arith.index_cast %add3A_391 : i32 to index
        %get3A_393 = arith.constant 16 : index
        %get3A_394 = tpu.vector_load %arg21[%get3A_392, %get3A_393] {strides = array<i32>} : memref<32x128xf32, #tpu.memory_space<vmem>>, vector<16xf32>,
        %mul3A_395 = arith.mulf %get3A_365, %get3A_394 : vector<16xf32>
        %add3A_396 = arith.addf %mul3A_389, %mul3A_395 : vector<16xf32>
        %add3A_397 = arith.constant 16 : i32
        %add3A_398 = arith.addi %add3A_397, %add3A_359 : i32
        %get3A_399 = arith.index_cast %add3A_398 : i32 to index
        %get3A_400 = arith.constant 32 : index
        %get3A_401 = tpu.vector_load %arg21[%get3A_399, %get3A_400] {strides = array<i32>} : memref<32x128xf32, #tpu.memory_space<vmem>>, vector<16xf32>,
        %mul3A_402 = arith.mulf %get3A_368, %get3A_401 : vector<16xf32>
        %add3A_403 = arith.addf %add3A_396, %mul3A_402 : vector<16xf32>
        %add3A_404 = arith.constant 16 : i32
        %add3A_405 = arith.addi %add3A_404, %add3A_359 : i32
        %get3A_406 = arith.index_cast %add3A_405 : i32 to index
        %get3A_407 = arith.constant 48 : index
        %get3A_408 = tpu.vector_load %arg21[%get3A_406, %get3A_407] {strides = array<i32>} : memref<32x128xf32, #tpu.memory_space<vmem>>, vector<16xf32>,
        %mul3A_409 = arith.mulf %get3A_371, %get3A_408 : vector<16xf32>
        %add3A_410 = arith.addf %add3A_403, %mul3A_409 : vector<16xf32>
        %add3A_411 = arith.constant 16 : i32
        %add3A_412 = arith.addi %add3A_411, %add3A_359 : i32
        %get3A_413 = arith.index_cast %add3A_412 : i32 to index
        %get3A_414 = arith.constant 64 : index
        %get3A_415 = tpu.vector_load %arg21[%get3A_413, %get3A_414] {strides = array<i32>} : memref<32x128xf32, #tpu.memory_space<vmem>>, vector<16xf32>,
        %mul3A_416 = arith.mulf %get3A_374, %get3A_415 : vector<16xf32>
        %add3A_417 = arith.addf %add3A_410, %mul3A_416 : vector<16xf32>
        %add3A_418 = arith.constant 16 : i32
        %add3A_419 = arith.addi %add3A_418, %add3A_359 : i32
        %get3A_420 = arith.index_cast %add3A_419 : i32 to index
        %get3A_421 = arith.constant 80 : index
        %get3A_422 = tpu.vector_load %arg21[%get3A_420, %get3A_421] {strides = array<i32>} : memref<32x128xf32, #tpu.memory_space<vmem>>, vector<16xf32>,
        %mul3A_423 = arith.mulf %get3A_377, %get3A_422 : vector<16xf32>
        %add3A_424 = arith.addf %add3A_417, %mul3A_423 : vector<16xf32>
        %add3A_425 = arith.constant 16 : i32
        %add3A_426 = arith.addi %add3A_425, %add3A_359 : i32
        %get3A_427 = arith.index_cast %add3A_426 : i32 to index
        %get3A_428 = arith.constant 96 : index
        %get3A_429 = tpu.vector_load %arg21[%get3A_427, %get3A_428] {strides = array<i32>} : memref<32x128xf32, #tpu.memory_space<vmem>>, vector<16xf32>,
        %mul3A_430 = arith.mulf %get3A_380, %get3A_429 : vector<16xf32>
        %add3A_431 = arith.addf %add3A_424, %mul3A_430 : vector<16xf32>
        %add3A_432 = arith.constant 16 : i32
        %add3A_433 = arith.addi %add3A_432, %add3A_359 : i32
        %get3A_434 = arith.index_cast %add3A_433 : i32 to index
        %get3A_435 = arith.constant 112 : index
        %get3A_436 = tpu.vector_load %arg21[%get3A_434, %get3A_435] {strides = array<i32>} : memref<32x128xf32, #tpu.memory_space<vmem>>, vector<16xf32>,
        %mul3A_437 = arith.mulf %get3A_383, %get3A_436 : vector<16xf32>
        %add3A_438 = arith.addf %add3A_431, %mul3A_437 : vector<16xf32>
        %xor3A = arith.constant 8 : i32
        %xor3A_439 = vector.broadcast %xor3A : i32 to vector<16xi32>
        %xor3A_440 = arith.xori %iota3A, %xor3A_439 : vector<16xi32>
        %broadcast_in_dim3A_441 = vector.shape_cast %xor3A_440 : vector<16xi32> to vector<16x1xi32>
        %gather3A_442 = vector.shape_cast %broadcast_in_dim3A_441 : vector<16x1xi32> to vector<16xi32>
        %gather3A_443 = tpu.dynamic_gather %add3A_438[%gather3A_442] in [0] : vector<16xf32>, vector<16xi32> -> vector<16xf32>
        %add3A_444 = arith.addf %add3A_438, %gather3A_443 : vector<16xf32>
        %xor3A_445 = arith.constant 4 : i32
        %xor3A_446 = vector.broadcast %xor3A_445 : i32 to vector<16xi32>
        %xor3A_447 = arith.xori %iota3A, %xor3A_446 : vector<16xi32>
        %broadcast_in_dim3A_448 = vector.shape_cast %xor3A_447 : vector<16xi32> to vector<16x1xi32>
        %gather3A_449 = vector.shape_cast %broadcast_in_dim3A_448 : vector<16x1xi32> to vector<16xi32>
        %gather3A_450 = tpu.dynamic_gather %add3A_444[%gather3A_449] in [0] : vector<16xf32>, vector<16xi32> -> vector<16xf32>
        %add3A_451 = arith.addf %add3A_444, %gather3A_450 : vector<16xf32>
        %xor3A_452 = arith.constant 2 : i32
        %xor3A_453 = vector.broadcast %xor3A_452 : i32 to vector<16xi32>
        %xor3A_454 = arith.xori %iota3A, %xor3A_453 : vector<16xi32>
        %broadcast_in_dim3A_455 = vector.shape_cast %xor3A_454 : vector<16xi32> to vector<16x1xi32>
        %gather3A_456 = vector.shape_cast %broadcast_in_dim3A_455 : vector<16x1xi32> to vector<16xi32>
        %gather3A_457 = tpu.dynamic_gather %add3A_451[%gather3A_456] in [0] : vector<16xf32>, vector<16xi32> -> vector<16xf32>
        %add3A_458 = arith.addf %add3A_451, %gather3A_457 : vector<16xf32>
        %xor3A_459 = arith.constant 1 : i32
        %xor3A_460 = vector.broadcast %xor3A_459 : i32 to vector<16xi32>
        %xor3A_461 = arith.xori %iota3A, %xor3A_460 : vector<16xi32>
        %broadcast_in_dim3A_462 = vector.shape_cast %xor3A_461 : vector<16xi32> to vector<16x1xi32>
        %gather3A_463 = vector.shape_cast %broadcast_in_dim3A_462 : vector<16x1xi32> to vector<16xi32>
        %gather3A_464 = tpu.dynamic_gather %add3A_458[%gather3A_463] in [0] : vector<16xf32>, vector<16xi32> -> vector<16xf32>
        %add3A_465 = arith.addf %add3A_458, %gather3A_464 : vector<16xf32>
        %mul3A_466 = arith.mulf %add3A_465, %get3A_10 : vector<16xf32>
        %sub3A = arith.constant 1.000000e+00 : f32
        %sub3A_467 = vector.broadcast %sub3A : f32 to vector<16xf32>
        %sub3A_468 = arith.subf %mul3A_466, %sub3A_467 : vector<16xf32>
        %exp3A = math.exp %sub3A_468 : vector<16xf32>
        %broadcast_in_dim3A_469 = vector.broadcast %scan3A_356 : i32 to vector<16xi32>
        %broadcast_in_dim3A_470 = vector.shape_cast %broadcast_in_dim3A_469 : vector<16xi32> to vector<16x1xi32>
        %gather3A_471 = vector.shape_cast %broadcast_in_dim3A_470 : vector<16x1xi32> to vector<16xi32>
        %gather3A_472 = tpu.dynamic_gather %gather3A_341[%gather3A_471] in [0] : vector<16xf32>, vector<16xi32> -> vector<16xf32>
        %mul3A_473 = arith.mulf %exp3A, %gather3A_472 : vector<16xf32>
        %mul3A_474 = arith.mulf %get3A_362, %mul3A_473 : vector<16xf32>
        %add3A_475 = arith.constant 16 : i32
        %add3A_476 = arith.addi %add3A_475, %add3A_359 : i32
        %swap3A = arith.index_cast %add3A_476 : i32 to index
        %swap3A_477 = arith.constant 0 : index
        %swap3A_478 = tpu.vector_load %arg21[%swap3A, %swap3A_477] {strides = array<i32>} : memref<32x128xf32, #tpu.memory_space<vmem>>, vector<16xf32>,
        tpu.vector_store %arg21[%swap3A, %swap3A_477], %mul3A_474 {strides = array<i32>} : memref<32x128xf32, #tpu.memory_space<vmem>>, vector<16xf32>,
        %mul3A_479 = arith.mulf %get3A_365, %mul3A_473 : vector<16xf32>
        %add3A_480 = arith.constant 16 : i32
        %add3A_481 = arith.addi %add3A_480, %add3A_359 : i32
        %swap3A_482 = arith.index_cast %add3A_481 : i32 to index
        %swap3A_483 = arith.constant 16 : index
        %swap3A_484 = tpu.vector_load %arg21[%swap3A_482, %swap3A_483] {strides = array<i32>} : memref<32x128xf32, #tpu.memory_space<vmem>>, vector<16xf32>,
        tpu.vector_store %arg21[%swap3A_482, %swap3A_483], %mul3A_479 {strides = array<i32>} : memref<32x128xf32, #tpu.memory_space<vmem>>, vector<16xf32>,
        %mul3A_485 = arith.mulf %get3A_368, %mul3A_473 : vector<16xf32>
        %add3A_486 = arith.constant 16 : i32
        %add3A_487 = arith.addi %add3A_486, %add3A_359 : i32
        %swap3A_488 = arith.index_cast %add3A_487 : i32 to index
        %swap3A_489 = arith.constant 32 : index
        %swap3A_490 = tpu.vector_load %arg21[%swap3A_488, %swap3A_489] {strides = array<i32>} : memref<32x128xf32, #tpu.memory_space<vmem>>, vector<16xf32>,
        tpu.vector_store %arg21[%swap3A_488, %swap3A_489], %mul3A_485 {strides = array<i32>} : memref<32x128xf32, #tpu.memory_space<vmem>>, vector<16xf32>,
        %mul3A_491 = arith.mulf %get3A_371, %mul3A_473 : vector<16xf32>
        %add3A_492 = arith.constant 16 : i32
        %add3A_493 = arith.addi %add3A_492, %add3A_359 : i32
        %swap3A_494 = arith.index_cast %add3A_493 : i32 to index
        %swap3A_495 = arith.constant 48 : index
        %swap3A_496 = tpu.vector_load %arg21[%swap3A_494, %swap3A_495] {strides = array<i32>} : memref<32x128xf32, #tpu.memory_space<vmem>>, vector<16xf32>,
        tpu.vector_store %arg21[%swap3A_494, %swap3A_495], %mul3A_491 {strides = array<i32>} : memref<32x128xf32, #tpu.memory_space<vmem>>, vector<16xf32>,
        %mul3A_497 = arith.mulf %get3A_374, %mul3A_473 : vector<16xf32>
        %add3A_498 = arith.constant 16 : i32
        %add3A_499 = arith.addi %add3A_498, %add3A_359 : i32
        %swap3A_500 = arith.index_cast %add3A_499 : i32 to index
        %swap3A_501 = arith.constant 64 : index
        %swap3A_502 = tpu.vector_load %arg21[%swap3A_500, %swap3A_501] {strides = array<i32>} : memref<32x128xf32, #tpu.memory_space<vmem>>, vector<16xf32>,
        tpu.vector_store %arg21[%swap3A_500, %swap3A_501], %mul3A_497 {strides = array<i32>} : memref<32x128xf32, #tpu.memory_space<vmem>>, vector<16xf32>,
        %mul3A_503 = arith.mulf %get3A_377, %mul3A_473 : vector<16xf32>
        %add3A_504 = arith.constant 16 : i32
        %add3A_505 = arith.addi %add3A_504, %add3A_359 : i32
        %swap3A_506 = arith.index_cast %add3A_505 : i32 to index
        %swap3A_507 = arith.constant 80 : index
        %swap3A_508 = tpu.vector_load %arg21[%swap3A_506, %swap3A_507] {strides = array<i32>} : memref<32x128xf32, #tpu.memory_space<vmem>>, vector<16xf32>,
        tpu.vector_store %arg21[%swap3A_506, %swap3A_507], %mul3A_503 {strides = array<i32>} : memref<32x128xf32, #tpu.memory_space<vmem>>, vector<16xf32>,
        %mul3A_509 = arith.mulf %get3A_380, %mul3A_473 : vector<16xf32>
        %add3A_510 = arith.constant 16 : i32
        %add3A_511 = arith.addi %add3A_510, %add3A_359 : i32
        %swap3A_512 = arith.index_cast %add3A_511 : i32 to index
        %swap3A_513 = arith.constant 96 : index
        %swap3A_514 = tpu.vector_load %arg21[%swap3A_512, %swap3A_513] {strides = array<i32>} : memref<32x128xf32, #tpu.memory_space<vmem>>, vector<16xf32>,
        tpu.vector_store %arg21[%swap3A_512, %swap3A_513], %mul3A_509 {strides = array<i32>} : memref<32x128xf32, #tpu.memory_space<vmem>>, vector<16xf32>,
        %mul3A_515 = arith.mulf %get3A_383, %mul3A_473 : vector<16xf32>
        %add3A_516 = arith.constant 16 : i32
        %add3A_517 = arith.addi %add3A_516, %add3A_359 : i32
        %swap3A_518 = arith.index_cast %add3A_517 : i32 to index
        %swap3A_519 = arith.constant 112 : index
        %swap3A_520 = tpu.vector_load %arg21[%swap3A_518, %swap3A_519] {strides = array<i32>} : memref<32x128xf32, #tpu.memory_space<vmem>>, vector<16xf32>,
        tpu.vector_store %arg21[%swap3A_518, %swap3A_519], %mul3A_515 {strides = array<i32>} : memref<32x128xf32, #tpu.memory_space<vmem>>, vector<16xf32>,
        %eq3A = vector.broadcast %scan3A_356 : i32 to vector<16xi32>
        %eq3A_521 = arith.cmpi eq, %iota3A, %eq3A : vector<16xi32>
        %select_n3A = arith.select %eq3A_521, %exp3A, %scan3A_357 : vector<16xi1>, vector<16xf32>
        scf.yield %select_n3A : vector<16xf32>
      }
      %scan3A_349 = arith.constant 16 : i32
      tpu.vector_store_idx %arg23[%get3A_340], %scan3A_348 {add = true} : memref<10240xf32, #tpu.memory_space<vmem>>[vector<16xi32>], vector<16xf32>,
      %dma_start3A_350 = arith.constant 16 : i32
      %dma_start3A_351 = arith.constant 0 : i32
      %dma_start3A_352 = tpu.memref_slice %arg21[%dma_start3A_350, %dma_start3A_351] : memref<32x128xf32, #tpu.memory_space<vmem>> -> memref<16x128xf32, #tpu.memory_space<vmem>>
      %dma_start3A_353 = arith.constant 0 : i32
      %dma_start3A_354 = arith.constant 0 : i32
      %dma_start3A_355 = tpu.memref_slice %arg25[%dma_start3A_353, %dma_start3A_354] : memref<10240x128xf32, #tpu.memory_space<vmem_shared>> -> memref<10240x128xf32, #tpu.memory_space<vmem_shared>>
      tpu.enqueue_indirect_dma source(%dma_start3A_352 : memref<16x128xf32, #tpu.memory_space<vmem>>) target(%dma_start3A_355 : memref<10240x128xf32, #tpu.memory_space<vmem_shared>>) offsets(%arg17 : memref<16xi32, #tpu.memory_space<vmem>>) semaphore(%arg37 : memref<!tpu.dma_semaphore, #tpu.memory_space<semaphore_mem>>) {add = true}
    }
    %scan3A_69 = arith.constant 156 : i32
    %dma_wait3A_70 = arith.constant 0 : i32
    %dma_wait3A_71 = arith.constant 0 : i32
    %dma_wait3A_72 = tpu.memref_slice %arg2[%dma_wait3A_70, %dma_wait3A_71] : memref<10240x128xf32, #tpu.memory_space<hbm>> -> memref<10240x128xf32, #tpu.memory_space<hbm>>
    tpu.wait_indirect_dma semaphore(%arg30 : memref<!tpu.dma_semaphore, #tpu.memory_space<semaphore_mem>>) src(%dma_wait3A_72 : memref<10240x128xf32, #tpu.memory_space<hbm>>) dst(%arg18 : memref<32x128xf32, #tpu.memory_space<vmem>>)
    %get3A_73 = arith.constant 0 : index
    %get3A_74 = tpu.vector_load %arg10[%get3A_73] {strides = array<i32>} : memref<32xi32, #tpu.memory_space<vmem>>, vector<16xi32>,
    %get3A_75 = arith.constant 0 : index
    %get3A_76 = tpu.vector_load %arg14[%get3A_75] {strides = array<i32>} : memref<16xi32, #tpu.memory_space<vmem>>, vector<16xi32>,
    %gather3A = tpu.vector_load_idx %arg22[%get3A_74] : memref<10240xf32, #tpu.memory_space<vmem>>[vector<16xi32>], vector<16xf32>,
    %broadcast_in_dim3A = arith.constant 0.000000e+00 : f32
    %broadcast_in_dim3A_77 = vector.broadcast %broadcast_in_dim3A : f32 to vector<16xf32>
    %scan3A_78 = arith.constant 0 : i32
    %scan3A_79 = arith.constant 16 : i32
    %scan3A_80 = arith.addi %scan3A_78, %scan3A_79 : i32
    %scan3A_81 = arith.constant 1 : i32
    %scan3A_82 = scf.for %scan3A_115 = %scan3A_78 to %scan3A_80 step %scan3A_81 iter_args(%scan3A_116 = %broadcast_in_dim3A_77) -> (vector<16xf32>)  : i32 {
      %add3A_117 = arith.constant 0 : i32
      %add3A_118 = arith.addi %add3A_117, %scan3A_115 : i32
      %get3A_119 = arith.index_cast %add3A_118 : i32 to index
      %get3A_120 = arith.constant 0 : index
      %get3A_121 = tpu.vector_load %arg18[%get3A_119, %get3A_120] {strides = array<i32>} : memref<32x128xf32, #tpu.memory_space<vmem>>, vector<16xf32>,
      %get3A_122 = arith.index_cast %add3A_118 : i32 to index
      %get3A_123 = arith.constant 16 : index
      %get3A_124 = tpu.vector_load %arg18[%get3A_122, %get3A_123] {strides = array<i32>} : memref<32x128xf32, #tpu.memory_space<vmem>>, vector<16xf32>,
      %get3A_125 = arith.index_cast %add3A_118 : i32 to index
      %get3A_126 = arith.constant 32 : index
      %get3A_127 = tpu.vector_load %arg18[%get3A_125, %get3A_126] {strides = array<i32>} : memref<32x128xf32, #tpu.memory_space<vmem>>, vector<16xf32>,
      %get3A_128 = arith.index_cast %add3A_118 : i32 to index
      %get3A_129 = arith.constant 48 : index
      %get3A_130 = tpu.vector_load %arg18[%get3A_128, %get3A_129] {strides = array<i32>} : memref<32x128xf32, #tpu.memory_space<vmem>>, vector<16xf32>,
      %get3A_131 = arith.index_cast %add3A_118 : i32 to index
      %get3A_132 = arith.constant 64 : index
      %get3A_133 = tpu.vector_load %arg18[%get3A_131, %get3A_132] {strides = array<i32>} : memref<32x128xf32, #tpu.memory_space<vmem>>, vector<16xf32>,
      %get3A_134 = arith.index_cast %add3A_118 : i32 to index
      %get3A_135 = arith.constant 80 : index
      %get3A_136 = tpu.vector_load %arg18[%get3A_134, %get3A_135] {strides = array<i32>} : memref<32x128xf32, #tpu.memory_space<vmem>>, vector<16xf32>,
      %get3A_137 = arith.index_cast %add3A_118 : i32 to index
      %get3A_138 = arith.constant 96 : index
      %get3A_139 = tpu.vector_load %arg18[%get3A_137, %get3A_138] {strides = array<i32>} : memref<32x128xf32, #tpu.memory_space<vmem>>, vector<16xf32>,
      %get3A_140 = arith.index_cast %add3A_118 : i32 to index
      %get3A_141 = arith.constant 112 : index
      %get3A_142 = tpu.vector_load %arg18[%get3A_140, %get3A_141] {strides = array<i32>} : memref<32x128xf32, #tpu.memory_space<vmem>>, vector<16xf32>,
      %add3A_143 = arith.constant 16 : i32
      %add3A_144 = arith.addi %add3A_143, %add3A_118 : i32
      %get3A_145 = arith.index_cast %add3A_144 : i32 to index
      %get3A_146 = arith.constant 0 : index
      %get3A_147 = tpu.vector_load %arg18[%get3A_145, %get3A_146] {strides = array<i32>} : memref<32x128xf32, #tpu.memory_space<vmem>>, vector<16xf32>,
      %mul3A_148 = arith.mulf %get3A_121, %get3A_147 : vector<16xf32>
      %add3A_149 = arith.constant 16 : i32
      %add3A_150 = arith.addi %add3A_149, %add3A_118 : i32
      %get3A_151 = arith.index_cast %add3A_150 : i32 to index
      %get3A_152 = arith.constant 16 : index
      %get3A_153 = tpu.vector_load %arg18[%get3A_151, %get3A_152] {strides = array<i32>} : memref<32x128xf32, #tpu.memory_space<vmem>>, vector<16xf32>,
      %mul3A_154 = arith.mulf %get3A_124, %get3A_153 : vector<16xf32>
      %add3A_155 = arith.addf %mul3A_148, %mul3A_154 : vector<16xf32>
      %add3A_156 = arith.constant 16 : i32
      %add3A_157 = arith.addi %add3A_156, %add3A_118 : i32
      %get3A_158 = arith.index_cast %add3A_157 : i32 to index
      %get3A_159 = arith.constant 32 : index
      %get3A_160 = tpu.vector_load %arg18[%get3A_158, %get3A_159] {strides = array<i32>} : memref<32x128xf32, #tpu.memory_space<vmem>>, vector<16xf32>,
      %mul3A_161 = arith.mulf %get3A_127, %get3A_160 : vector<16xf32>
      %add3A_162 = arith.addf %add3A_155, %mul3A_161 : vector<16xf32>
      %add3A_163 = arith.constant 16 : i32
      %add3A_164 = arith.addi %add3A_163, %add3A_118 : i32
      %get3A_165 = arith.index_cast %add3A_164 : i32 to index
      %get3A_166 = arith.constant 48 : index
      %get3A_167 = tpu.vector_load %arg18[%get3A_165, %get3A_166] {strides = array<i32>} : memref<32x128xf32, #tpu.memory_space<vmem>>, vector<16xf32>,
      %mul3A_168 = arith.mulf %get3A_130, %get3A_167 : vector<16xf32>
      %add3A_169 = arith.addf %add3A_162, %mul3A_168 : vector<16xf32>
      %add3A_170 = arith.constant 16 : i32
      %add3A_171 = arith.addi %add3A_170, %add3A_118 : i32
      %get3A_172 = arith.index_cast %add3A_171 : i32 to index
      %get3A_173 = arith.constant 64 : index
      %get3A_174 = tpu.vector_load %arg18[%get3A_172, %get3A_173] {strides = array<i32>} : memref<32x128xf32, #tpu.memory_space<vmem>>, vector<16xf32>,
      %mul3A_175 = arith.mulf %get3A_133, %get3A_174 : vector<16xf32>
      %add3A_176 = arith.addf %add3A_169, %mul3A_175 : vector<16xf32>
      %add3A_177 = arith.constant 16 : i32
      %add3A_178 = arith.addi %add3A_177, %add3A_118 : i32
      %get3A_179 = arith.index_cast %add3A_178 : i32 to index
      %get3A_180 = arith.constant 80 : index
      %get3A_181 = tpu.vector_load %arg18[%get3A_179, %get3A_180] {strides = array<i32>} : memref<32x128xf32, #tpu.memory_space<vmem>>, vector<16xf32>,
      %mul3A_182 = arith.mulf %get3A_136, %get3A_181 : vector<16xf32>
      %add3A_183 = arith.addf %add3A_176, %mul3A_182 : vector<16xf32>
      %add3A_184 = arith.constant 16 : i32
      %add3A_185 = arith.addi %add3A_184, %add3A_118 : i32
      %get3A_186 = arith.index_cast %add3A_185 : i32 to index
      %get3A_187 = arith.constant 96 : index
      %get3A_188 = tpu.vector_load %arg18[%get3A_186, %get3A_187] {strides = array<i32>} : memref<32x128xf32, #tpu.memory_space<vmem>>, vector<16xf32>,
      %mul3A_189 = arith.mulf %get3A_139, %get3A_188 : vector<16xf32>
      %add3A_190 = arith.addf %add3A_183, %mul3A_189 : vector<16xf32>
      %add3A_191 = arith.constant 16 : i32
      %add3A_192 = arith.addi %add3A_191, %add3A_118 : i32
      %get3A_193 = arith.index_cast %add3A_192 : i32 to index
      %get3A_194 = arith.constant 112 : index
      %get3A_195 = tpu.vector_load %arg18[%get3A_193, %get3A_194] {strides = array<i32>} : memref<32x128xf32, #tpu.memory_space<vmem>>, vector<16xf32>,
      %mul3A_196 = arith.mulf %get3A_142, %get3A_195 : vector<16xf32>
      %add3A_197 = arith.addf %add3A_190, %mul3A_196 : vector<16xf32>
      %xor3A = arith.constant 8 : i32
      %xor3A_198 = vector.broadcast %xor3A : i32 to vector<16xi32>
      %xor3A_199 = arith.xori %iota3A, %xor3A_198 : vector<16xi32>
      %broadcast_in_dim3A_200 = vector.shape_cast %xor3A_199 : vector<16xi32> to vector<16x1xi32>
      %gather3A_201 = vector.shape_cast %broadcast_in_dim3A_200 : vector<16x1xi32> to vector<16xi32>
      %gather3A_202 = tpu.dynamic_gather %add3A_197[%gather3A_201] in [0] : vector<16xf32>, vector<16xi32> -> vector<16xf32>
      %add3A_203 = arith.addf %add3A_197, %gather3A_202 : vector<16xf32>
      %xor3A_204 = arith.constant 4 : i32
      %xor3A_205 = vector.broadcast %xor3A_204 : i32 to vector<16xi32>
      %xor3A_206 = arith.xori %iota3A, %xor3A_205 : vector<16xi32>
      %broadcast_in_dim3A_207 = vector.shape_cast %xor3A_206 : vector<16xi32> to vector<16x1xi32>
      %gather3A_208 = vector.shape_cast %broadcast_in_dim3A_207 : vector<16x1xi32> to vector<16xi32>
      %gather3A_209 = tpu.dynamic_gather %add3A_203[%gather3A_208] in [0] : vector<16xf32>, vector<16xi32> -> vector<16xf32>
      %add3A_210 = arith.addf %add3A_203, %gather3A_209 : vector<16xf32>
      %xor3A_211 = arith.constant 2 : i32
      %xor3A_212 = vector.broadcast %xor3A_211 : i32 to vector<16xi32>
      %xor3A_213 = arith.xori %iota3A, %xor3A_212 : vector<16xi32>
      %broadcast_in_dim3A_214 = vector.shape_cast %xor3A_213 : vector<16xi32> to vector<16x1xi32>
      %gather3A_215 = vector.shape_cast %broadcast_in_dim3A_214 : vector<16x1xi32> to vector<16xi32>
      %gather3A_216 = tpu.dynamic_gather %add3A_210[%gather3A_215] in [0] : vector<16xf32>, vector<16xi32> -> vector<16xf32>
      %add3A_217 = arith.addf %add3A_210, %gather3A_216 : vector<16xf32>
      %xor3A_218 = arith.constant 1 : i32
      %xor3A_219 = vector.broadcast %xor3A_218 : i32 to vector<16xi32>
      %xor3A_220 = arith.xori %iota3A, %xor3A_219 : vector<16xi32>
      %broadcast_in_dim3A_221 = vector.shape_cast %xor3A_220 : vector<16xi32> to vector<16x1xi32>
      %gather3A_222 = vector.shape_cast %broadcast_in_dim3A_221 : vector<16x1xi32> to vector<16xi32>
      %gather3A_223 = tpu.dynamic_gather %add3A_217[%gather3A_222] in [0] : vector<16xf32>, vector<16xi32> -> vector<16xf32>
      %add3A_224 = arith.addf %add3A_217, %gather3A_223 : vector<16xf32>
      %mul3A_225 = arith.mulf %add3A_224, %get3A_10 : vector<16xf32>
      %sub3A = arith.constant 1.000000e+00 : f32
      %sub3A_226 = vector.broadcast %sub3A : f32 to vector<16xf32>
      %sub3A_227 = arith.subf %mul3A_225, %sub3A_226 : vector<16xf32>
      %exp3A = math.exp %sub3A_227 : vector<16xf32>
      %broadcast_in_dim3A_228 = vector.broadcast %scan3A_115 : i32 to vector<16xi32>
      %broadcast_in_dim3A_229 = vector.shape_cast %broadcast_in_dim3A_228 : vector<16xi32> to vector<16x1xi32>
      %gather3A_230 = vector.shape_cast %broadcast_in_dim3A_229 : vector<16x1xi32> to vector<16xi32>
      %gather3A_231 = tpu.dynamic_gather %gather3A[%gather3A_230] in [0] : vector<16xf32>, vector<16xi32> -> vector<16xf32>
      %mul3A_232 = arith.mulf %exp3A, %gather3A_231 : vector<16xf32>
      %mul3A_233 = arith.mulf %get3A_121, %mul3A_232 : vector<16xf32>
      %add3A_234 = arith.constant 16 : i32
      %add3A_235 = arith.addi %add3A_234, %add3A_118 : i32
      %swap3A = arith.index_cast %add3A_235 : i32 to index
      %swap3A_236 = arith.constant 0 : index
      %swap3A_237 = tpu.vector_load %arg18[%swap3A, %swap3A_236] {strides = array<i32>} : memref<32x128xf32, #tpu.memory_space<vmem>>, vector<16xf32>,
      tpu.vector_store %arg18[%swap3A, %swap3A_236], %mul3A_233 {strides = array<i32>} : memref<32x128xf32, #tpu.memory_space<vmem>>, vector<16xf32>,
      %mul3A_238 = arith.mulf %get3A_124, %mul3A_232 : vector<16xf32>
      %add3A_239 = arith.constant 16 : i32
      %add3A_240 = arith.addi %add3A_239, %add3A_118 : i32
      %swap3A_241 = arith.index_cast %add3A_240 : i32 to index
      %swap3A_242 = arith.constant 16 : index
      %swap3A_243 = tpu.vector_load %arg18[%swap3A_241, %swap3A_242] {strides = array<i32>} : memref<32x128xf32, #tpu.memory_space<vmem>>, vector<16xf32>,
      tpu.vector_store %arg18[%swap3A_241, %swap3A_242], %mul3A_238 {strides = array<i32>} : memref<32x128xf32, #tpu.memory_space<vmem>>, vector<16xf32>,
      %mul3A_244 = arith.mulf %get3A_127, %mul3A_232 : vector<16xf32>
      %add3A_245 = arith.constant 16 : i32
      %add3A_246 = arith.addi %add3A_245, %add3A_118 : i32
      %swap3A_247 = arith.index_cast %add3A_246 : i32 to index
      %swap3A_248 = arith.constant 32 : index
      %swap3A_249 = tpu.vector_load %arg18[%swap3A_247, %swap3A_248] {strides = array<i32>} : memref<32x128xf32, #tpu.memory_space<vmem>>, vector<16xf32>,
      tpu.vector_store %arg18[%swap3A_247, %swap3A_248], %mul3A_244 {strides = array<i32>} : memref<32x128xf32, #tpu.memory_space<vmem>>, vector<16xf32>,
      %mul3A_250 = arith.mulf %get3A_130, %mul3A_232 : vector<16xf32>
      %add3A_251 = arith.constant 16 : i32
      %add3A_252 = arith.addi %add3A_251, %add3A_118 : i32
      %swap3A_253 = arith.index_cast %add3A_252 : i32 to index
      %swap3A_254 = arith.constant 48 : index
      %swap3A_255 = tpu.vector_load %arg18[%swap3A_253, %swap3A_254] {strides = array<i32>} : memref<32x128xf32, #tpu.memory_space<vmem>>, vector<16xf32>,
      tpu.vector_store %arg18[%swap3A_253, %swap3A_254], %mul3A_250 {strides = array<i32>} : memref<32x128xf32, #tpu.memory_space<vmem>>, vector<16xf32>,
      %mul3A_256 = arith.mulf %get3A_133, %mul3A_232 : vector<16xf32>
      %add3A_257 = arith.constant 16 : i32
      %add3A_258 = arith.addi %add3A_257, %add3A_118 : i32
      %swap3A_259 = arith.index_cast %add3A_258 : i32 to index
      %swap3A_260 = arith.constant 64 : index
      %swap3A_261 = tpu.vector_load %arg18[%swap3A_259, %swap3A_260] {strides = array<i32>} : memref<32x128xf32, #tpu.memory_space<vmem>>, vector<16xf32>,
      tpu.vector_store %arg18[%swap3A_259, %swap3A_260], %mul3A_256 {strides = array<i32>} : memref<32x128xf32, #tpu.memory_space<vmem>>, vector<16xf32>,
      %mul3A_262 = arith.mulf %get3A_136, %mul3A_232 : vector<16xf32>
      %add3A_263 = arith.constant 16 : i32
      %add3A_264 = arith.addi %add3A_263, %add3A_118 : i32
      %swap3A_265 = arith.index_cast %add3A_264 : i32 to index
      %swap3A_266 = arith.constant 80 : index
      %swap3A_267 = tpu.vector_load %arg18[%swap3A_265, %swap3A_266] {strides = array<i32>} : memref<32x128xf32, #tpu.memory_space<vmem>>, vector<16xf32>,
      tpu.vector_store %arg18[%swap3A_265, %swap3A_266], %mul3A_262 {strides = array<i32>} : memref<32x128xf32, #tpu.memory_space<vmem>>, vector<16xf32>,
      %mul3A_268 = arith.mulf %get3A_139, %mul3A_232 : vector<16xf32>
      %add3A_269 = arith.constant 16 : i32
      %add3A_270 = arith.addi %add3A_269, %add3A_118 : i32
      %swap3A_271 = arith.index_cast %add3A_270 : i32 to index
      %swap3A_272 = arith.constant 96 : index
      %swap3A_273 = tpu.vector_load %arg18[%swap3A_271, %swap3A_272] {strides = array<i32>} : memref<32x128xf32, #tpu.memory_space<vmem>>, vector<16xf32>,
      tpu.vector_store %arg18[%swap3A_271, %swap3A_272], %mul3A_268 {strides = array<i32>} : memref<32x128xf32, #tpu.memory_space<vmem>>, vector<16xf32>,
      %mul3A_274 = arith.mulf %get3A_142, %mul3A_232 : vector<16xf32>
      %add3A_275 = arith.constant 16 : i32
      %add3A_276 = arith.addi %add3A_275, %add3A_118 : i32
      %swap3A_277 = arith.index_cast %add3A_276 : i32 to index
      %swap3A_278 = arith.constant 112 : index
      %swap3A_279 = tpu.vector_load %arg18[%swap3A_277, %swap3A_278] {strides = array<i32>} : memref<32x128xf32, #tpu.memory_space<vmem>>, vector<16xf32>,
      tpu.vector_store %arg18[%swap3A_277, %swap3A_278], %mul3A_274 {strides = array<i32>} : memref<32x128xf32, #tpu.memory_space<vmem>>, vector<16xf32>,
      %eq3A = vector.broadcast %scan3A_115 : i32 to vector<16xi32>
      %eq3A_280 = arith.cmpi eq, %iota3A, %eq3A : vector<16xi32>
      %select_n3A = arith.select %eq3A_280, %exp3A, %scan3A_116 : vector<16xi1>, vector<16xf32>
      scf.yield %select_n3A : vector<16xf32>
    }
    %scan3A_83 = arith.constant 16 : i32
    tpu.vector_store_idx %arg23[%get3A_76], %scan3A_82 {add = true} : memref<10240xf32, #tpu.memory_space<vmem>>[vector<16xi32>], vector<16xf32>,
    %dma_start3A_84 = arith.constant 16 : i32
    %dma_start3A_85 = arith.constant 0 : i32
    %dma_start3A_86 = tpu.memref_slice %arg18[%dma_start3A_84, %dma_start3A_85] : memref<32x128xf32, #tpu.memory_space<vmem>> -> memref<16x128xf32, #tpu.memory_space<vmem>>
    %dma_start3A_87 = arith.constant 0 : i32
    %dma_start3A_88 = arith.constant 0 : i32
    %dma_start3A_89 = tpu.memref_slice %arg25[%dma_start3A_87, %dma_start3A_88] : memref<10240x128xf32, #tpu.memory_space<vmem_shared>> -> memref<10240x128xf32, #tpu.memory_space<vmem_shared>>
    tpu.enqueue_indirect_dma source(%dma_start3A_86 : memref<16x128xf32, #tpu.memory_space<vmem>>) target(%dma_start3A_89 : memref<10240x128xf32, #tpu.memory_space<vmem_shared>>) offsets(%arg14 : memref<16xi32, #tpu.memory_space<vmem>>) semaphore(%arg34 : memref<!tpu.dma_semaphore, #tpu.memory_space<semaphore_mem>>) {add = true}
    %dma_wait3A_90 = arith.constant 16 : i32
    %dma_wait3A_91 = arith.constant 0 : i32
    %dma_wait3A_92 = tpu.memref_slice %arg20[%dma_wait3A_90, %dma_wait3A_91] : memref<32x128xf32, #tpu.memory_space<vmem>> -> memref<16x128xf32, #tpu.memory_space<vmem>>
    %dma_wait3A_93 = arith.constant 0 : i32
    %dma_wait3A_94 = arith.constant 0 : i32
    %dma_wait3A_95 = tpu.memref_slice %arg25[%dma_wait3A_93, %dma_wait3A_94] : memref<10240x128xf32, #tpu.memory_space<vmem_shared>> -> memref<10240x128xf32, #tpu.memory_space<vmem_shared>>
    tpu.wait_indirect_dma semaphore(%arg36 : memref<!tpu.dma_semaphore, #tpu.memory_space<semaphore_mem>>) src(%dma_wait3A_92 : memref<16x128xf32, #tpu.memory_space<vmem>>) dst(%dma_wait3A_95 : memref<10240x128xf32, #tpu.memory_space<vmem_shared>>)
    %dma_wait3A_96 = arith.constant 16 : i32
    %dma_wait3A_97 = arith.constant 0 : i32
    %dma_wait3A_98 = tpu.memref_slice %arg21[%dma_wait3A_96, %dma_wait3A_97] : memref<32x128xf32, #tpu.memory_space<vmem>> -> memref<16x128xf32, #tpu.memory_space<vmem>>
    %dma_wait3A_99 = arith.constant 0 : i32
    %dma_wait3A_100 = arith.constant 0 : i32
    %dma_wait3A_101 = tpu.memref_slice %arg25[%dma_wait3A_99, %dma_wait3A_100] : memref<10240x128xf32, #tpu.memory_space<vmem_shared>> -> memref<10240x128xf32, #tpu.memory_space<vmem_shared>>
    tpu.wait_indirect_dma semaphore(%arg37 : memref<!tpu.dma_semaphore, #tpu.memory_space<semaphore_mem>>) src(%dma_wait3A_98 : memref<16x128xf32, #tpu.memory_space<vmem>>) dst(%dma_wait3A_101 : memref<10240x128xf32, #tpu.memory_space<vmem_shared>>)
    %dma_wait3A_102 = arith.constant 16 : i32
    %dma_wait3A_103 = arith.constant 0 : i32
    %dma_wait3A_104 = tpu.memref_slice %arg18[%dma_wait3A_102, %dma_wait3A_103] : memref<32x128xf32, #tpu.memory_space<vmem>> -> memref<16x128xf32, #tpu.memory_space<vmem>>
    %dma_wait3A_105 = arith.constant 0 : i32
    %dma_wait3A_106 = arith.constant 0 : i32
    %dma_wait3A_107 = tpu.memref_slice %arg25[%dma_wait3A_105, %dma_wait3A_106] : memref<10240x128xf32, #tpu.memory_space<vmem_shared>> -> memref<10240x128xf32, #tpu.memory_space<vmem_shared>>
    tpu.wait_indirect_dma semaphore(%arg34 : memref<!tpu.dma_semaphore, #tpu.memory_space<semaphore_mem>>) src(%dma_wait3A_104 : memref<16x128xf32, #tpu.memory_space<vmem>>) dst(%dma_wait3A_107 : memref<10240x128xf32, #tpu.memory_space<vmem_shared>>)
    %barrier3A_108 = arith.constant 0 : index
    tpu.barrier barrier_id(%barrier3A_108)
    %mul3A_109 = arith.constant 10240 : i32
    %mul3A_110 = arith.muli %add3A, %mul3A_109 : i32
    "tpu.region"() ({
      %run_scoped3A = tpu.sem_alloc : memref<!tpu.dma_semaphore, #tpu.memory_space<semaphore_mem>>
      %dma_start3A_115 = tpu.memref_slice %arg9[%mul3A_110] : memref<327680xf32, #tpu.memory_space<hbm>> -> memref<10240xf32, #tpu.memory_space<hbm>>
      %dma_start3A_116 = tpu.memref_slice %arg9[%mul3A_110] : memref<327680xf32, #tpu.memory_space<hbm>> -> memref<10240xf32, #tpu.memory_space<hbm>>
      tpu.enqueue_dma source(%arg23 : memref<10240xf32, #tpu.memory_space<vmem>>) target(%dma_start3A_116 : memref<10240xf32, #tpu.memory_space<hbm>>) target_semaphore(%run_scoped3A : memref<!tpu.dma_semaphore, #tpu.memory_space<semaphore_mem>>)
      %dma_wait3A_117 = tpu.memref_slice %arg9[%mul3A_110] : memref<327680xf32, #tpu.memory_space<hbm>> -> memref<10240xf32, #tpu.memory_space<hbm>>
      %dma_wait3A_118 = tpu.memref_slice %arg9[%mul3A_110] : memref<327680xf32, #tpu.memory_space<hbm>> -> memref<10240xf32, #tpu.memory_space<hbm>>
      tpu.wait_dma2 semaphore(%run_scoped3A : memref<!tpu.dma_semaphore, #tpu.memory_space<semaphore_mem>>) src(%arg23 : memref<10240xf32, #tpu.memory_space<vmem>>) dst(%dma_wait3A_118 : memref<10240xf32, #tpu.memory_space<hbm>>)
      tpu.yield
    }) : () -> ()
    %mul3A_111 = arith.constant 640 : i32
    %mul3A_112 = arith.muli %arg1, %mul3A_111 : i32
    %mul3A_113 = arith.constant 640 : i32
    %mul3A_114 = arith.muli %arg1, %mul3A_113 : i32
    "tpu.region"() ({
      %run_scoped3A = tpu.sem_alloc : memref<!tpu.dma_semaphore, #tpu.memory_space<semaphore_mem>>
      %dma_start3A_115 = arith.constant 0 : i32
      %dma_start3A_116 = tpu.memref_slice %arg8[%arg0, %mul3A_114, %dma_start3A_115] : memref<2x10240x128xf32, #tpu.memory_space<hbm>> -> memref<1x640x128xf32, #tpu.memory_space<hbm>>
      %dma_start3A_117 = tpu.memref_squeeze %dma_start3A_116 : memref<1x640x128xf32, #tpu.memory_space<hbm>> -> memref<640x128xf32, #tpu.memory_space<hbm>>
      %dma_start3A_118 = arith.constant 0 : i32
      %dma_start3A_119 = tpu.memref_slice %arg25[%mul3A_112, %dma_start3A_118] : memref<10240x128xf32, #tpu.memory_space<vmem_shared>> -> memref<640x128xf32, #tpu.memory_space<vmem_shared>>
      tpu.enqueue_dma source(%dma_start3A_119 : memref<640x128xf32, #tpu.memory_space<vmem_shared>>) target(%dma_start3A_117 : memref<640x128xf32, #tpu.memory_space<hbm>>) target_semaphore(%run_scoped3A : memref<!tpu.dma_semaphore, #tpu.memory_space<semaphore_mem>>)
      %dma_wait3A_120 = arith.constant 0 : i32
      %dma_wait3A_121 = tpu.memref_slice %arg8[%arg0, %mul3A_114, %dma_wait3A_120] : memref<2x10240x128xf32, #tpu.memory_space<hbm>> -> memref<1x640x128xf32, #tpu.memory_space<hbm>>
      %dma_wait3A_122 = tpu.memref_squeeze %dma_wait3A_121 : memref<1x640x128xf32, #tpu.memory_space<hbm>> -> memref<640x128xf32, #tpu.memory_space<hbm>>
      %dma_wait3A_123 = arith.constant 0 : i32
      %dma_wait3A_124 = tpu.memref_slice %arg25[%mul3A_112, %dma_wait3A_123] : memref<10240x128xf32, #tpu.memory_space<vmem_shared>> -> memref<640x128xf32, #tpu.memory_space<vmem_shared>>
      tpu.wait_dma2 semaphore(%run_scoped3A : memref<!tpu.dma_semaphore, #tpu.memory_space<semaphore_mem>>) src(%dma_wait3A_124 : memref<640x128xf32, #tpu.memory_space<vmem_shared>>) dst(%dma_wait3A_122 : memref<640x128xf32, #tpu.memory_space<hbm>>)
      tpu.yield
    }) : () -> ()
    return
  }
}

#map = affine_map<(d0, d1) -> (0, 0)>
#map1 = affine_map<(d0, d1) -> (0)>
#map2 = affine_map<(d0, d1) -> (0, 0, 0)>
module attributes {stable_mosaic.version = 14 : i64} {
  func.func @body(%arg0: i32, %arg1: i32, %arg2: memref<10240x128xf32, #tpu.memory_space<hbm>>, %arg3: memref<10240xf32, #tpu.memory_space<hbm>>, %arg4: memref<16xf32, #tpu.memory_space<hbm>>, %arg5: memref<320000xi32, #tpu.memory_space<hbm>>, %arg6: memref<320000xi32, #tpu.memory_space<hbm>>, %arg7: memref<640x128xf32, #tpu.memory_space<hbm>>, %arg8: memref<2x10240x128xf32, #tpu.memory_space<hbm>>, %arg9: memref<327680xf32, #tpu.memory_space<hbm>>, %arg10: memref<32xi32, #tpu.memory_space<vmem>>, %arg11: memref<32xi32, #tpu.memory_space<vmem>>, %arg12: memref<32xi32, #tpu.memory_space<vmem>>, %arg13: memref<32xi32, #tpu.memory_space<vmem>>, %arg14: memref<16xi32, #tpu.memory_space<vmem>>, %arg15: memref<16xi32, #tpu.memory_space<vmem>>, %arg16: memref<16xi32, #tpu.memory_space<vmem>>, %arg17: memref<16xi32, #tpu.memory_space<vmem>>, %arg18: memref<32x128xf32, #tpu.memory_space<vmem>>, %arg19: memref<32x128xf32, #tpu.memory_space<vmem>>, %arg20: memref<32x128xf32, #tpu.memory_space<vmem>>, %arg21: memref<32x128xf32, #tpu.memory_space<vmem>>, %arg22: memref<10240xf32, #tpu.memory_space<vmem>>, %arg23: memref<10240xf32, #tpu.memory_space<vmem>>, %arg24: memref<16xf32, #tpu.memory_space<vmem>>, %arg25: memref<10240x128xf32, #tpu.memory_space<vmem_shared>>, %arg26: memref<!tpu.dma_semaphore, #tpu.memory_space<semaphore_mem>>, %arg27: memref<!tpu.dma_semaphore, #tpu.memory_space<semaphore_mem>>, %arg28: memref<!tpu.dma_semaphore, #tpu.memory_space<semaphore_mem>>, %arg29: memref<!tpu.dma_semaphore, #tpu.memory_space<semaphore_mem>>, %arg30: memref<!tpu.dma_semaphore, #tpu.memory_space<semaphore_mem>>, %arg31: memref<!tpu.dma_semaphore, #tpu.memory_space<semaphore_mem>>, %arg32: memref<!tpu.dma_semaphore, #tpu.memory_space<semaphore_mem>>, %arg33: memref<!tpu.dma_semaphore, #tpu.memory_space<semaphore_mem>>, %arg34: memref<!tpu.dma_semaphore, #tpu.memory_space<semaphore_mem>>, %arg35: memref<!tpu.dma_semaphore, #tpu.memory_space<semaphore_mem>>, %arg36: memref<!tpu.dma_semaphore, #tpu.memory_space<semaphore_mem>>, %arg37: memref<!tpu.dma_semaphore, #tpu.memory_space<semaphore_mem>>) attributes {dimension_semantics = [#tpu.dimension_semantics<core_parallel>, #tpu.dimension_semantics<subcore_parallel>], iteration_bounds = array<i64: 2, 16>, scalar_prefetch = 0 : i64, scratch_operands = 28 : i64, tpu.core_type = #tpu.core_type<sc_vector_subcore>, window_params = [{transform_indices = #map}, {transform_indices = #map1}, {transform_indices = #map1}, {transform_indices = #map1}, {transform_indices = #map1}, {transform_indices = #map}, {transform_indices = #map2}, {transform_indices = #map1}]} {
    %mul3A = arith.constant 2 : i32
    %mul3A_0 = arith.muli %arg1, %mul3A : i32
    %add3A = arith.addi %mul3A_0, %arg0 : i32
    %mul3A_1 = arith.constant 10000 : i32
    %mul3A_2 = arith.muli %add3A, %mul3A_1 : i32
    "tpu.region"() ({
      %run_scoped3A = tpu.sem_alloc : memref<!tpu.dma_semaphore, #tpu.memory_space<semaphore_mem>>
      tpu.enqueue_dma source(%arg3 : memref<10240xf32, #tpu.memory_space<hbm>>) target(%arg22 : memref<10240xf32, #tpu.memory_space<vmem>>) target_semaphore(%run_scoped3A : memref<!tpu.dma_semaphore, #tpu.memory_space<semaphore_mem>>)
      tpu.wait_dma2 semaphore(%run_scoped3A : memref<!tpu.dma_semaphore, #tpu.memory_space<semaphore_mem>>) src(%arg3 : memref<10240xf32, #tpu.memory_space<hbm>>) dst(%arg22 : memref<10240xf32, #tpu.memory_space<vmem>>)
      tpu.yield
    }) : () -> ()
    "tpu.region"() ({
      %run_scoped3A = tpu.sem_alloc : memref<!tpu.dma_semaphore, #tpu.memory_space<semaphore_mem>>
      tpu.enqueue_dma source(%arg4 : memref<16xf32, #tpu.memory_space<hbm>>) target(%arg24 : memref<16xf32, #tpu.memory_space<vmem>>) target_semaphore(%run_scoped3A : memref<!tpu.dma_semaphore, #tpu.memory_space<semaphore_mem>>)
      tpu.wait_dma2 semaphore(%run_scoped3A : memref<!tpu.dma_semaphore, #tpu.memory_space<semaphore_mem>>) src(%arg4 : memref<16xf32, #tpu.memory_space<hbm>>) dst(%arg24 : memref<16xf32, #tpu.memory_space<vmem>>)
      tpu.yield
    }) : () -> ()
    %mul3A_3 = arith.constant 640 : i32
    %mul3A_4 = arith.muli %arg1, %mul3A_3 : i32
    "tpu.region"() ({
      %run_scoped3A = tpu.sem_alloc : memref<!tpu.dma_semaphore, #tpu.memory_space<semaphore_mem>>
      %dma_start3A_115 = arith.constant 0 : i32
      %dma_start3A_116 = tpu.memref_slice %arg25[%mul3A_4, %dma_start3A_115] : memref<10240x128xf32, #tpu.memory_space<vmem_shared>> -> memref<640x128xf32, #tpu.memory_space<vmem_shared>>
      tpu.enqueue_dma source(%arg7 : memref<640x128xf32, #tpu.memory_space<hbm>>) target(%dma_start3A_116 : memref<640x128xf32, #tpu.memory_space<vmem_shared>>) target_semaphore(%run_scoped3A : memref<!tpu.dma_semaphore, #tpu.memory_space<semaphore_mem>>)
      %dma_wait3A_117 = arith.constant 0 : i32
      %dma_wait3A_118 = tpu.memref_slice %arg25[%mul3A_4, %dma_wait3A_117] : memref<10240x128xf32, #tpu.memory_space<vmem_shared>> -> memref<640x128xf32, #tpu.memory_space<vmem_shared>>
      tpu.wait_dma2 semaphore(%run_scoped3A : memref<!tpu.dma_semaphore, #tpu.memory_space<semaphore_mem>>) src(%arg7 : memref<640x128xf32, #tpu.memory_space<hbm>>) dst(%dma_wait3A_118 : memref<640x128xf32, #tpu.memory_space<vmem_shared>>)
      tpu.yield
    }) : () -> ()
    %scan3A = arith.constant 0 : i32
    %scan3A_5 = arith.constant 0 : i32
    %scan3A_6 = arith.constant 640 : i32
    %scan3A_7 = arith.addi %scan3A_5, %scan3A_6 : i32
    %scan3A_8 = arith.constant 1 : i32
    scf.for %scan3A_115 = %scan3A_5 to %scan3A_7 step %scan3A_8  : i32 {
      %broadcast_in_dim3A_116 = arith.constant 0.000000e+00 : f32
      %broadcast_in_dim3A_117 = vector.broadcast %broadcast_in_dim3A_116 : f32 to vector<16xf32>
      %mul3A_118 = arith.constant 16 : i32
      %mul3A_119 = arith.muli %scan3A_115, %mul3A_118 : i32
      %swap3A = arith.index_cast %mul3A_119 : i32 to index
      %swap3A_120 = tpu.vector_load %arg23[%swap3A] {strides = array<i32>} : memref<10240xf32, #tpu.memory_space<vmem>>, vector<16xf32>,
      tpu.vector_store %arg23[%swap3A], %broadcast_in_dim3A_117 {strides = array<i32>} : memref<10240xf32, #tpu.memory_space<vmem>>, vector<16xf32>,
    }
    %scan3A_9 = arith.constant 640 : i32
    %get3A = arith.constant 0 : index
    %get3A_10 = tpu.vector_load %arg24[%get3A] {strides = array<i32>} : memref<16xf32, #tpu.memory_space<vmem>>, vector<16xf32>,
    %barrier3A = arith.constant 0 : index
    tpu.barrier barrier_id(%barrier3A)
    %iota3A = tpu.iota {dimensions = array<i32: 0>} : vector<16xi32>
    %add3A_11 = arith.constant 0 : i32
    %add3A_12 = arith.addi %mul3A_2, %add3A_11 : i32
    %dma_start3A = arith.constant 0 : i32
    %dma_start3A_13 = tpu.memref_slice %arg10[%dma_start3A] : memref<32xi32, #tpu.memory_space<vmem>> -> memref<16xi32, #tpu.memory_space<vmem>>
    %dma_start3A_14 = tpu.memref_slice %arg5[%add3A_12] : memref<320000xi32, #tpu.memory_space<hbm>> -> memref<16xi32, #tpu.memory_space<hbm>>
    %dma_start3A_15 = arith.constant 0 : i32
    %dma_start3A_16 = tpu.memref_slice %arg10[%dma_start3A_15] : memref<32xi32, #tpu.memory_space<vmem>> -> memref<16xi32, #tpu.memory_space<vmem>>
    %dma_start3A_17 = tpu.memref_slice %arg5[%add3A_12] : memref<320000xi32, #tpu.memory_space<hbm>> -> memref<16xi32, #tpu.memory_space<hbm>>
    tpu.enqueue_dma source(%dma_start3A_17 : memref<16xi32, #tpu.memory_space<hbm>>) target(%dma_start3A_16 : memref<16xi32, #tpu.memory_space<vmem>>) target_semaphore(%arg26 : memref<!tpu.dma_semaphore, #tpu.memory_space<semaphore_mem>>)
    %dma_start3A_18 = arith.constant 16 : i32
    %dma_start3A_19 = tpu.memref_slice %arg10[%dma_start3A_18] : memref<32xi32, #tpu.memory_space<vmem>> -> memref<16xi32, #tpu.memory_space<vmem>>
    %dma_start3A_20 = tpu.memref_slice %arg6[%add3A_12] : memref<320000xi32, #tpu.memory_space<hbm>> -> memref<16xi32, #tpu.memory_space<hbm>>
    %dma_start3A_21 = arith.constant 16 : i32
    %dma_start3A_22 = tpu.memref_slice %arg10[%dma_start3A_21] : memref<32xi32, #tpu.memory_space<vmem>> -> memref<16xi32, #tpu.memory_space<vmem>>
    %dma_start3A_23 = tpu.memref_slice %arg6[%add3A_12] : memref<320000xi32, #tpu.memory_space<hbm>> -> memref<16xi32, #tpu.memory_space<hbm>>
    tpu.enqueue_dma source(%dma_start3A_23 : memref<16xi32, #tpu.memory_space<hbm>>) target(%dma_start3A_22 : memref<16xi32, #tpu.memory_space<vmem>>) target_semaphore(%arg26 : memref<!tpu.dma_semaphore, #tpu.memory_space<semaphore_mem>>)
    %dma_start3A_24 = tpu.memref_slice %arg6[%add3A_12] : memref<320000xi32, #tpu.memory_space<hbm>> -> memref<16xi32, #tpu.memory_space<hbm>>
    %dma_start3A_25 = tpu.memref_slice %arg6[%add3A_12] : memref<320000xi32, #tpu.memory_space<hbm>> -> memref<16xi32, #tpu.memory_space<hbm>>
    tpu.enqueue_dma source(%dma_start3A_25 : memref<16xi32, #tpu.memory_space<hbm>>) target(%arg14 : memref<16xi32, #tpu.memory_space<vmem>>) target_semaphore(%arg26 : memref<!tpu.dma_semaphore, #tpu.memory_space<semaphore_mem>>)
    %add3A_26 = arith.constant 16 : i32
    %add3A_27 = arith.addi %mul3A_2, %add3A_26 : i32
    %dma_start3A_28 = arith.constant 0 : i32
    %dma_start3A_29 = tpu.memref_slice %arg11[%dma_start3A_28] : memref<32xi32, #tpu.memory_space<vmem>> -> memref<16xi32, #tpu.memory_space<vmem>>
    %dma_start3A_30 = tpu.memref_slice %arg5[%add3A_27] : memref<320000xi32, #tpu.memory_space<hbm>> -> memref<16xi32, #tpu.memory_space<hbm>>
    %dma_start3A_31 = arith.constant 0 : i32
    %dma_start3A_32 = tpu.memref_slice %arg11[%dma_start3A_31] : memref<32xi32, #tpu.memory_space<vmem>> -> memref<16xi32, #tpu.memory_space<vmem>>
    %dma_start3A_33 = tpu.memref_slice %arg5[%add3A_27] : memref<320000xi32, #tpu.memory_space<hbm>> -> memref<16xi32, #tpu.memory_space<hbm>>
    tpu.enqueue_dma source(%dma_start3A_33 : memref<16xi32, #tpu.memory_space<hbm>>) target(%dma_start3A_32 : memref<16xi32, #tpu.memory_space<vmem>>) target_semaphore(%arg27 : memref<!tpu.dma_semaphore, #tpu.memory_space<semaphore_mem>>)
    %dma_start3A_34 = arith.constant 16 : i32
    %dma_start3A_35 = tpu.memref_slice %arg11[%dma_start3A_34] : memref<32xi32, #tpu.memory_space<vmem>> -> memref<16xi32, #tpu.memory_space<vmem>>
    %dma_start3A_36 = tpu.memref_slice %arg6[%add3A_27] : memref<320000xi32, #tpu.memory_space<hbm>> -> memref<16xi32, #tpu.memory_space<hbm>>
    %dma_start3A_37 = arith.constant 16 : i32
    %dma_start3A_38 = tpu.memref_slice %arg11[%dma_start3A_37] : memref<32xi32, #tpu.memory_space<vmem>> -> memref<16xi32, #tpu.memory_space<vmem>>
    %dma_start3A_39 = tpu.memref_slice %arg6[%add3A_27] : memref<320000xi32, #tpu.memory_space<hbm>> -> memref<16xi32, #tpu.memory_space<hbm>>
    tpu.enqueue_dma source(%dma_start3A_39 : memref<16xi32, #tpu.memory_space<hbm>>) target(%dma_start3A_38 : memref<16xi32, #tpu.memory_space<vmem>>) target_semaphore(%arg27 : memref<!tpu.dma_semaphore, #tpu.memory_space<semaphore_mem>>)
    %dma_start3A_40 = tpu.memref_slice %arg6[%add3A_27] : memref<320000xi32, #tpu.memory_space<hbm>> -> memref<16xi32, #tpu.memory_space<hbm>>
    %dma_start3A_41 = tpu.memref_slice %arg6[%add3A_27] : memref<320000xi32, #tpu.memory_space<hbm>> -> memref<16xi32, #tpu.memory_space<hbm>>
    tpu.enqueue_dma source(%dma_start3A_41 : memref<16xi32, #tpu.memory_space<hbm>>) target(%arg15 : memref<16xi32, #tpu.memory_space<vmem>>) target_semaphore(%arg27 : memref<!tpu.dma_semaphore, #tpu.memory_space<semaphore_mem>>)
    %dma_wait3A = arith.constant 0 : i32
    %dma_wait3A_42 = tpu.memref_slice %arg10[%dma_wait3A] : memref<32xi32, #tpu.memory_space<vmem>> -> memref<16xi32, #tpu.memory_space<vmem>>
    %dma_wait3A_43 = arith.constant 0 : i32
    %dma_wait3A_44 = tpu.memref_slice %arg5[%dma_wait3A_43] : memref<320000xi32, #tpu.memory_space<hbm>> -> memref<16xi32, #tpu.memory_space<hbm>>
    %dma_wait3A_45 = arith.constant 0 : i32
    %dma_wait3A_46 = tpu.memref_slice %arg10[%dma_wait3A_45] : memref<32xi32, #tpu.memory_space<vmem>> -> memref<16xi32, #tpu.memory_space<vmem>>
    %dma_wait3A_47 = arith.constant 0 : i32
    %dma_wait3A_48 = tpu.memref_slice %arg5[%dma_wait3A_47] : memref<320000xi32, #tpu.memory_space<hbm>> -> memref<16xi32, #tpu.memory_space<hbm>>
    tpu.wait_dma2 semaphore(%arg26 : memref<!tpu.dma_semaphore, #tpu.memory_space<semaphore_mem>>) src(%dma_wait3A_48 : memref<16xi32, #tpu.memory_space<hbm>>) dst(%dma_wait3A_46 : memref<16xi32, #tpu.memory_space<vmem>>)
    %dma_wait3A_49 = arith.constant 16 : i32
    %dma_wait3A_50 = tpu.memref_slice %arg10[%dma_wait3A_49] : memref<32xi32, #tpu.memory_space<vmem>> -> memref<16xi32, #tpu.memory_space<vmem>>
    %dma_wait3A_51 = arith.constant 0 : i32
    %dma_wait3A_52 = tpu.memref_slice %arg6[%dma_wait3A_51] : memref<320000xi32, #tpu.memory_space<hbm>> -> memref<16xi32, #tpu.memory_space<hbm>>
    %dma_wait3A_53 = arith.constant 16 : i32
    %dma_wait3A_54 = tpu.memref_slice %arg10[%dma_wait3A_53] : memref<32xi32, #tpu.memory_space<vmem>> -> memref<16xi32, #tpu.memory_space<vmem>>
    %dma_wait3A_55 = arith.constant 0 : i32
    %dma_wait3A_56 = tpu.memref_slice %arg6[%dma_wait3A_55] : memref<320000xi32, #tpu.memory_space<hbm>> -> memref<16xi32, #tpu.memory_space<hbm>>
    tpu.wait_dma2 semaphore(%arg26 : memref<!tpu.dma_semaphore, #tpu.memory_space<semaphore_mem>>) src(%dma_wait3A_56 : memref<16xi32, #tpu.memory_space<hbm>>) dst(%dma_wait3A_54 : memref<16xi32, #tpu.memory_space<vmem>>)
    %dma_wait3A_57 = arith.constant 0 : i32
    %dma_wait3A_58 = tpu.memref_slice %arg6[%dma_wait3A_57] : memref<320000xi32, #tpu.memory_space<hbm>> -> memref<16xi32, #tpu.memory_space<hbm>>
    %dma_wait3A_59 = arith.constant 0 : i32
    %dma_wait3A_60 = tpu.memref_slice %arg6[%dma_wait3A_59] : memref<320000xi32, #tpu.memory_space<hbm>> -> memref<16xi32, #tpu.memory_space<hbm>>
    tpu.wait_dma2 semaphore(%arg26 : memref<!tpu.dma_semaphore, #tpu.memory_space<semaphore_mem>>) src(%dma_wait3A_60 : memref<16xi32, #tpu.memory_space<hbm>>) dst(%arg14 : memref<16xi32, #tpu.memory_space<vmem>>)
    %dma_start3A_61 = arith.constant 0 : i32
    %dma_start3A_62 = arith.constant 0 : i32
    %dma_start3A_63 = tpu.memref_slice %arg2[%dma_start3A_61, %dma_start3A_62] : memref<10240x128xf32, #tpu.memory_space<hbm>> -> memref<10240x128xf32, #tpu.memory_space<hbm>>
    tpu.enqueue_indirect_dma source(%dma_start3A_63 : memref<10240x128xf32, #tpu.memory_space<hbm>>) target(%arg18 : memref<32x128xf32, #tpu.memory_space<vmem>>) offsets(%arg10 : memref<32xi32, #tpu.memory_space<vmem>>) semaphore(%arg30 : memref<!tpu.dma_semaphore, #tpu.memory_space<semaphore_mem>>)
    %scan3A_64 = arith.constant 0 : i32
    %scan3A_65 = arith.constant 0 : i32
    %scan3A_66 = arith.constant 156 : i32
    %scan3A_67 = arith.addi %scan3A_65, %scan3A_66 : i32
    %scan3A_68 = arith.constant 1 : i32
    scf.for %scan3A_115 = %scan3A_65 to %scan3A_67 step %scan3A_68  : i32 {
      %mul3A_116 = arith.constant 4 : i32
      %mul3A_117 = arith.muli %mul3A_116, %scan3A_115 : i32
      %add3A_118 = arith.constant 0 : i32
      %add3A_119 = arith.addi %mul3A_117, %add3A_118 : i32
      %ge3A = arith.constant 2 : i32
      %ge3A_120 = arith.cmpi sge, %add3A_119, %ge3A : i32
      %convert_element_type3A = arith.extui %ge3A_120 : i1 to i32
      %cond3A = arith.constant 0 : i32
      %cond3A_121 = arith.cmpi ne, %convert_element_type3A, %cond3A : i32
      scf.if %cond3A_121 {
        %dma_wait3A_356 = arith.constant 16 : i32
        %dma_wait3A_357 = arith.constant 0 : i32
        %dma_wait3A_358 = tpu.memref_slice %arg20[%dma_wait3A_356, %dma_wait3A_357] : memref<32x128xf32, #tpu.memory_space<vmem>> -> memref<16x128xf32, #tpu.memory_space<vmem>>
        %dma_wait3A_359 = arith.constant 0 : i32
        %dma_wait3A_360 = arith.constant 0 : i32
        %dma_wait3A_361 = tpu.memref_slice %arg25[%dma_wait3A_359, %dma_wait3A_360] : memref<10240x128xf32, #tpu.memory_space<vmem_shared>> -> memref<10240x128xf32, #tpu.memory_space<vmem_shared>>
        tpu.wait_indirect_dma semaphore(%arg36 : memref<!tpu.dma_semaphore, #tpu.memory_space<semaphore_mem>>) src(%dma_wait3A_358 : memref<16x128xf32, #tpu.memory_space<vmem>>) dst(%dma_wait3A_361 : memref<10240x128xf32, #tpu.memory_space<vmem_shared>>)
      } else {
      }
      %add3A_122 = arith.constant 2 : i32
      %add3A_123 = arith.addi %add3A_119, %add3A_122 : i32
      %lt3A = arith.constant 625 : i32
      %lt3A_124 = arith.cmpi slt, %add3A_123, %lt3A : i32
      %convert_element_type3A_125 = arith.extui %lt3A_124 : i1 to i32
      %cond3A_126 = arith.constant 0 : i32
      %cond3A_127 = arith.cmpi ne, %convert_element_type3A_125, %cond3A_126 : i32
      scf.if %cond3A_127 {
        %add3A_356 = arith.constant 2 : i32
        %add3A_357 = arith.addi %add3A_119, %add3A_356 : i32
        %mul3A_358 = arith.constant 16 : i32
        %mul3A_359 = arith.muli %add3A_357, %mul3A_358 : i32
        %add3A_360 = arith.addi %mul3A_2, %mul3A_359 : i32
        %dma_start3A_361 = arith.constant 0 : i32
        %dma_start3A_362 = tpu.memref_slice %arg12[%dma_start3A_361] : memref<32xi32, #tpu.memory_space<vmem>> -> memref<16xi32, #tpu.memory_space<vmem>>
        %dma_start3A_363 = tpu.memref_slice %arg5[%add3A_360] : memref<320000xi32, #tpu.memory_space<hbm>> -> memref<16xi32, #tpu.memory_space<hbm>>
        %dma_start3A_364 = arith.constant 0 : i32
        %dma_start3A_365 = tpu.memref_slice %arg12[%dma_start3A_364] : memref<32xi32, #tpu.memory_space<vmem>> -> memref<16xi32, #tpu.memory_space<vmem>>
        %dma_start3A_366 = tpu.memref_slice %arg5[%add3A_360] : memref<320000xi32, #tpu.memory_space<hbm>> -> memref<16xi32, #tpu.memory_space<hbm>>
        tpu.enqueue_dma source(%dma_start3A_366 : memref<16xi32, #tpu.memory_space<hbm>>) target(%dma_start3A_365 : memref<16xi32, #tpu.memory_space<vmem>>) target_semaphore(%arg28 : memref<!tpu.dma_semaphore, #tpu.memory_space<semaphore_mem>>)
        %dma_start3A_367 = arith.constant 16 : i32
        %dma_start3A_368 = tpu.memref_slice %arg12[%dma_start3A_367] : memref<32xi32, #tpu.memory_space<vmem>> -> memref<16xi32, #tpu.memory_space<vmem>>
        %dma_start3A_369 = tpu.memref_slice %arg6[%add3A_360] : memref<320000xi32, #tpu.memory_space<hbm>> -> memref<16xi32, #tpu.memory_space<hbm>>
        %dma_start3A_370 = arith.constant 16 : i32
        %dma_start3A_371 = tpu.memref_slice %arg12[%dma_start3A_370] : memref<32xi32, #tpu.memory_space<vmem>> -> memref<16xi32, #tpu.memory_space<vmem>>
        %dma_start3A_372 = tpu.memref_slice %arg6[%add3A_360] : memref<320000xi32, #tpu.memory_space<hbm>> -> memref<16xi32, #tpu.memory_space<hbm>>
        tpu.enqueue_dma source(%dma_start3A_372 : memref<16xi32, #tpu.memory_space<hbm>>) target(%dma_start3A_371 : memref<16xi32, #tpu.memory_space<vmem>>) target_semaphore(%arg28 : memref<!tpu.dma_semaphore, #tpu.memory_space<semaphore_mem>>)
        %dma_start3A_373 = tpu.memref_slice %arg6[%add3A_360] : memref<320000xi32, #tpu.memory_space<hbm>> -> memref<16xi32, #tpu.memory_space<hbm>>
        %dma_start3A_374 = tpu.memref_slice %arg6[%add3A_360] : memref<320000xi32, #tpu.memory_space<hbm>> -> memref<16xi32, #tpu.memory_space<hbm>>
        tpu.enqueue_dma source(%dma_start3A_374 : memref<16xi32, #tpu.memory_space<hbm>>) target(%arg16 : memref<16xi32, #tpu.memory_space<vmem>>) target_semaphore(%arg28 : memref<!tpu.dma_semaphore, #tpu.memory_space<semaphore_mem>>)
      } else {
      }
      %dma_wait3A_128 = arith.constant 0 : i32
      %dma_wait3A_129 = tpu.memref_slice %arg11[%dma_wait3A_128] : memref<32xi32, #tpu.memory_space<vmem>> -> memref<16xi32, #tpu.memory_space<vmem>>
      %dma_wait3A_130 = arith.constant 0 : i32
      %dma_wait3A_131 = tpu.memref_slice %arg5[%dma_wait3A_130] : memref<320000xi32, #tpu.memory_space<hbm>> -> memref<16xi32, #tpu.memory_space<hbm>>
      %dma_wait3A_132 = arith.constant 0 : i32
      %dma_wait3A_133 = tpu.memref_slice %arg11[%dma_wait3A_132] : memref<32xi32, #tpu.memory_space<vmem>> -> memref<16xi32, #tpu.memory_space<vmem>>
      %dma_wait3A_134 = arith.constant 0 : i32
      %dma_wait3A_135 = tpu.memref_slice %arg5[%dma_wait3A_134] : memref<320000xi32, #tpu.memory_space<hbm>> -> memref<16xi32, #tpu.memory_space<hbm>>
      tpu.wait_dma2 semaphore(%arg27 : memref<!tpu.dma_semaphore, #tpu.memory_space<semaphore_mem>>) src(%dma_wait3A_135 : memref<16xi32, #tpu.memory_space<hbm>>) dst(%dma_wait3A_133 : memref<16xi32, #tpu.memory_space<vmem>>)
      %dma_wait3A_136 = arith.constant 16 : i32
      %dma_wait3A_137 = tpu.memref_slice %arg11[%dma_wait3A_136] : memref<32xi32, #tpu.memory_space<vmem>> -> memref<16xi32, #tpu.memory_space<vmem>>
      %dma_wait3A_138 = arith.constant 0 : i32
      %dma_wait3A_139 = tpu.memref_slice %arg6[%dma_wait3A_138] : memref<320000xi32, #tpu.memory_space<hbm>> -> memref<16xi32, #tpu.memory_space<hbm>>
      %dma_wait3A_140 = arith.constant 16 : i32
      %dma_wait3A_141 = tpu.memref_slice %arg11[%dma_wait3A_140] : memref<32xi32, #tpu.memory_space<vmem>> -> memref<16xi32, #tpu.memory_space<vmem>>
      %dma_wait3A_142 = arith.constant 0 : i32
      %dma_wait3A_143 = tpu.memref_slice %arg6[%dma_wait3A_142] : memref<320000xi32, #tpu.memory_space<hbm>> -> memref<16xi32, #tpu.memory_space<hbm>>
      tpu.wait_dma2 semaphore(%arg27 : memref<!tpu.dma_semaphore, #tpu.memory_space<semaphore_mem>>) src(%dma_wait3A_143 : memref<16xi32, #tpu.memory_space<hbm>>) dst(%dma_wait3A_141 : memref<16xi32, #tpu.memory_space<vmem>>)
      %dma_wait3A_144 = arith.constant 0 : i32
      %dma_wait3A_145 = tpu.memref_slice %arg6[%dma_wait3A_144] : memref<320000xi32, #tpu.memory_space<hbm>> -> memref<16xi32, #tpu.memory_space<hbm>>
      %dma_wait3A_146 = arith.constant 0 : i32
      %dma_wait3A_147 = tpu.memref_slice %arg6[%dma_wait3A_146] : memref<320000xi32, #tpu.memory_space<hbm>> -> memref<16xi32, #tpu.memory_space<hbm>>
      tpu.wait_dma2 semaphore(%arg27 : memref<!tpu.dma_semaphore, #tpu.memory_space<semaphore_mem>>) src(%dma_wait3A_147 : memref<16xi32, #tpu.memory_space<hbm>>) dst(%arg15 : memref<16xi32, #tpu.memory_space<vmem>>)
      %dma_start3A_148 = arith.constant 0 : i32
      %dma_start3A_149 = arith.constant 0 : i32
      %dma_start3A_150 = tpu.memref_slice %arg2[%dma_start3A_148, %dma_start3A_149] : memref<10240x128xf32, #tpu.memory_space<hbm>> -> memref<10240x128xf32, #tpu.memory_space<hbm>>
      tpu.enqueue_indirect_dma source(%dma_start3A_150 : memref<10240x128xf32, #tpu.memory_space<hbm>>) target(%arg19 : memref<32x128xf32, #tpu.memory_space<vmem>>) offsets(%arg11 : memref<32xi32, #tpu.memory_space<vmem>>) semaphore(%arg31 : memref<!tpu.dma_semaphore, #tpu.memory_space<semaphore_mem>>)
      %dma_wait3A_151 = arith.constant 0 : i32
      %dma_wait3A_152 = arith.constant 0 : i32
      %dma_wait3A_153 = tpu.memref_slice %arg2[%dma_wait3A_151, %dma_wait3A_152] : memref<10240x128xf32, #tpu.memory_space<hbm>> -> memref<10240x128xf32, #tpu.memory_space<hbm>>
      tpu.wait_indirect_dma semaphore(%arg30 : memref<!tpu.dma_semaphore, #tpu.memory_space<semaphore_mem>>) src(%dma_wait3A_153 : memref<10240x128xf32, #tpu.memory_space<hbm>>) dst(%arg18 : memref<32x128xf32, #tpu.memory_space<vmem>>)
      %get3A_154 = arith.constant 0 : index
      %get3A_155 = tpu.vector_load %arg10[%get3A_154] {strides = array<i32>} : memref<32xi32, #tpu.memory_space<vmem>>, vector<16xi32>,
      %get3A_156 = arith.constant 0 : index
      %get3A_157 = tpu.vector_load %arg14[%get3A_156] {strides = array<i32>} : memref<16xi32, #tpu.memory_space<vmem>>, vector<16xi32>,
      %gather3A_158 = tpu.vector_load_idx %arg22[%get3A_155] : memref<10240xf32, #tpu.memory_space<vmem>>[vector<16xi32>], vector<16xf32>,
      %broadcast_in_dim3A_159 = arith.constant 0.000000e+00 : f32
      %broadcast_in_dim3A_160 = vector.broadcast %broadcast_in_dim3A_159 : f32 to vector<16xf32>
      %scan3A_161 = arith.constant 0 : i32
      %scan3A_162 = arith.constant 16 : i32
      %scan3A_163 = arith.addi %scan3A_161, %scan3A_162 : i32
      %scan3A_164 = arith.constant 1 : i32
      %scan3A_165 = scf.for %scan3A_356 = %scan3A_161 to %scan3A_163 step %scan3A_164 iter_args(%scan3A_357 = %broadcast_in_dim3A_160) -> (vector<16xf32>)  : i32 {
        %add3A_358 = arith.constant 0 : i32
        %add3A_359 = arith.addi %add3A_358, %scan3A_356 : i32
        %get3A_360 = arith.index_cast %add3A_359 : i32 to index
        %get3A_361 = arith.constant 0 : index
        %get3A_362 = tpu.vector_load %arg18[%get3A_360, %get3A_361] {strides = array<i32>} : memref<32x128xf32, #tpu.memory_space<vmem>>, vector<16xf32>,
        %get3A_363 = arith.index_cast %add3A_359 : i32 to index
        %get3A_364 = arith.constant 16 : index
        %get3A_365 = tpu.vector_load %arg18[%get3A_363, %get3A_364] {strides = array<i32>} : memref<32x128xf32, #tpu.memory_space<vmem>>, vector<16xf32>,
        %get3A_366 = arith.index_cast %add3A_359 : i32 to index
        %get3A_367 = arith.constant 32 : index
        %get3A_368 = tpu.vector_load %arg18[%get3A_366, %get3A_367] {strides = array<i32>} : memref<32x128xf32, #tpu.memory_space<vmem>>, vector<16xf32>,
        %get3A_369 = arith.index_cast %add3A_359 : i32 to index
        %get3A_370 = arith.constant 48 : index
        %get3A_371 = tpu.vector_load %arg18[%get3A_369, %get3A_370] {strides = array<i32>} : memref<32x128xf32, #tpu.memory_space<vmem>>, vector<16xf32>,
        %get3A_372 = arith.index_cast %add3A_359 : i32 to index
        %get3A_373 = arith.constant 64 : index
        %get3A_374 = tpu.vector_load %arg18[%get3A_372, %get3A_373] {strides = array<i32>} : memref<32x128xf32, #tpu.memory_space<vmem>>, vector<16xf32>,
        %get3A_375 = arith.index_cast %add3A_359 : i32 to index
        %get3A_376 = arith.constant 80 : index
        %get3A_377 = tpu.vector_load %arg18[%get3A_375, %get3A_376] {strides = array<i32>} : memref<32x128xf32, #tpu.memory_space<vmem>>, vector<16xf32>,
        %get3A_378 = arith.index_cast %add3A_359 : i32 to index
        %get3A_379 = arith.constant 96 : index
        %get3A_380 = tpu.vector_load %arg18[%get3A_378, %get3A_379] {strides = array<i32>} : memref<32x128xf32, #tpu.memory_space<vmem>>, vector<16xf32>,
        %get3A_381 = arith.index_cast %add3A_359 : i32 to index
        %get3A_382 = arith.constant 112 : index
        %get3A_383 = tpu.vector_load %arg18[%get3A_381, %get3A_382] {strides = array<i32>} : memref<32x128xf32, #tpu.memory_space<vmem>>, vector<16xf32>,
        %add3A_384 = arith.constant 16 : i32
        %add3A_385 = arith.addi %add3A_384, %add3A_359 : i32
        %get3A_386 = arith.index_cast %add3A_385 : i32 to index
        %get3A_387 = arith.constant 0 : index
        %get3A_388 = tpu.vector_load %arg18[%get3A_386, %get3A_387] {strides = array<i32>} : memref<32x128xf32, #tpu.memory_space<vmem>>, vector<16xf32>,
        %mul3A_389 = arith.mulf %get3A_362, %get3A_388 : vector<16xf32>
        %add3A_390 = arith.constant 16 : i32
        %add3A_391 = arith.addi %add3A_390, %add3A_359 : i32
        %get3A_392 = arith.index_cast %add3A_391 : i32 to index
        %get3A_393 = arith.constant 16 : index
        %get3A_394 = tpu.vector_load %arg18[%get3A_392, %get3A_393] {strides = array<i32>} : memref<32x128xf32, #tpu.memory_space<vmem>>, vector<16xf32>,
        %mul3A_395 = arith.mulf %get3A_365, %get3A_394 : vector<16xf32>
        %add3A_396 = arith.addf %mul3A_389, %mul3A_395 : vector<16xf32>
        %add3A_397 = arith.constant 16 : i32
        %add3A_398 = arith.addi %add3A_397, %add3A_359 : i32
        %get3A_399 = arith.index_cast %add3A_398 : i32 to index
        %get3A_400 = arith.constant 32 : index
        %get3A_401 = tpu.vector_load %arg18[%get3A_399, %get3A_400] {strides = array<i32>} : memref<32x128xf32, #tpu.memory_space<vmem>>, vector<16xf32>,
        %mul3A_402 = arith.mulf %get3A_368, %get3A_401 : vector<16xf32>
        %add3A_403 = arith.addf %add3A_396, %mul3A_402 : vector<16xf32>
        %add3A_404 = arith.constant 16 : i32
        %add3A_405 = arith.addi %add3A_404, %add3A_359 : i32
        %get3A_406 = arith.index_cast %add3A_405 : i32 to index
        %get3A_407 = arith.constant 48 : index
        %get3A_408 = tpu.vector_load %arg18[%get3A_406, %get3A_407] {strides = array<i32>} : memref<32x128xf32, #tpu.memory_space<vmem>>, vector<16xf32>,
        %mul3A_409 = arith.mulf %get3A_371, %get3A_408 : vector<16xf32>
        %add3A_410 = arith.addf %add3A_403, %mul3A_409 : vector<16xf32>
        %add3A_411 = arith.constant 16 : i32
        %add3A_412 = arith.addi %add3A_411, %add3A_359 : i32
        %get3A_413 = arith.index_cast %add3A_412 : i32 to index
        %get3A_414 = arith.constant 64 : index
        %get3A_415 = tpu.vector_load %arg18[%get3A_413, %get3A_414] {strides = array<i32>} : memref<32x128xf32, #tpu.memory_space<vmem>>, vector<16xf32>,
        %mul3A_416 = arith.mulf %get3A_374, %get3A_415 : vector<16xf32>
        %add3A_417 = arith.addf %add3A_410, %mul3A_416 : vector<16xf32>
        %add3A_418 = arith.constant 16 : i32
        %add3A_419 = arith.addi %add3A_418, %add3A_359 : i32
        %get3A_420 = arith.index_cast %add3A_419 : i32 to index
        %get3A_421 = arith.constant 80 : index
        %get3A_422 = tpu.vector_load %arg18[%get3A_420, %get3A_421] {strides = array<i32>} : memref<32x128xf32, #tpu.memory_space<vmem>>, vector<16xf32>,
        %mul3A_423 = arith.mulf %get3A_377, %get3A_422 : vector<16xf32>
        %add3A_424 = arith.addf %add3A_417, %mul3A_423 : vector<16xf32>
        %add3A_425 = arith.constant 16 : i32
        %add3A_426 = arith.addi %add3A_425, %add3A_359 : i32
        %get3A_427 = arith.index_cast %add3A_426 : i32 to index
        %get3A_428 = arith.constant 96 : index
        %get3A_429 = tpu.vector_load %arg18[%get3A_427, %get3A_428] {strides = array<i32>} : memref<32x128xf32, #tpu.memory_space<vmem>>, vector<16xf32>,
        %mul3A_430 = arith.mulf %get3A_380, %get3A_429 : vector<16xf32>
        %add3A_431 = arith.addf %add3A_424, %mul3A_430 : vector<16xf32>
        %add3A_432 = arith.constant 16 : i32
        %add3A_433 = arith.addi %add3A_432, %add3A_359 : i32
        %get3A_434 = arith.index_cast %add3A_433 : i32 to index
        %get3A_435 = arith.constant 112 : index
        %get3A_436 = tpu.vector_load %arg18[%get3A_434, %get3A_435] {strides = array<i32>} : memref<32x128xf32, #tpu.memory_space<vmem>>, vector<16xf32>,
        %mul3A_437 = arith.mulf %get3A_383, %get3A_436 : vector<16xf32>
        %add3A_438 = arith.addf %add3A_431, %mul3A_437 : vector<16xf32>
        %xor3A = arith.constant 8 : i32
        %xor3A_439 = vector.broadcast %xor3A : i32 to vector<16xi32>
        %xor3A_440 = arith.xori %iota3A, %xor3A_439 : vector<16xi32>
        %broadcast_in_dim3A_441 = vector.shape_cast %xor3A_440 : vector<16xi32> to vector<16x1xi32>
        %gather3A_442 = vector.shape_cast %broadcast_in_dim3A_441 : vector<16x1xi32> to vector<16xi32>
        %gather3A_443 = tpu.dynamic_gather %add3A_438[%gather3A_442] in [0] : vector<16xf32>, vector<16xi32> -> vector<16xf32>
        %add3A_444 = arith.addf %add3A_438, %gather3A_443 : vector<16xf32>
        %xor3A_445 = arith.constant 4 : i32
        %xor3A_446 = vector.broadcast %xor3A_445 : i32 to vector<16xi32>
        %xor3A_447 = arith.xori %iota3A, %xor3A_446 : vector<16xi32>
        %broadcast_in_dim3A_448 = vector.shape_cast %xor3A_447 : vector<16xi32> to vector<16x1xi32>
        %gather3A_449 = vector.shape_cast %broadcast_in_dim3A_448 : vector<16x1xi32> to vector<16xi32>
        %gather3A_450 = tpu.dynamic_gather %add3A_444[%gather3A_449] in [0] : vector<16xf32>, vector<16xi32> -> vector<16xf32>
        %add3A_451 = arith.addf %add3A_444, %gather3A_450 : vector<16xf32>
        %xor3A_452 = arith.constant 2 : i32
        %xor3A_453 = vector.broadcast %xor3A_452 : i32 to vector<16xi32>
        %xor3A_454 = arith.xori %iota3A, %xor3A_453 : vector<16xi32>
        %broadcast_in_dim3A_455 = vector.shape_cast %xor3A_454 : vector<16xi32> to vector<16x1xi32>
        %gather3A_456 = vector.shape_cast %broadcast_in_dim3A_455 : vector<16x1xi32> to vector<16xi32>
        %gather3A_457 = tpu.dynamic_gather %add3A_451[%gather3A_456] in [0] : vector<16xf32>, vector<16xi32> -> vector<16xf32>
        %add3A_458 = arith.addf %add3A_451, %gather3A_457 : vector<16xf32>
        %xor3A_459 = arith.constant 1 : i32
        %xor3A_460 = vector.broadcast %xor3A_459 : i32 to vector<16xi32>
        %xor3A_461 = arith.xori %iota3A, %xor3A_460 : vector<16xi32>
        %broadcast_in_dim3A_462 = vector.shape_cast %xor3A_461 : vector<16xi32> to vector<16x1xi32>
        %gather3A_463 = vector.shape_cast %broadcast_in_dim3A_462 : vector<16x1xi32> to vector<16xi32>
        %gather3A_464 = tpu.dynamic_gather %add3A_458[%gather3A_463] in [0] : vector<16xf32>, vector<16xi32> -> vector<16xf32>
        %add3A_465 = arith.addf %add3A_458, %gather3A_464 : vector<16xf32>
        %mul3A_466 = arith.mulf %add3A_465, %get3A_10 : vector<16xf32>
        %sub3A = arith.constant 1.000000e+00 : f32
        %sub3A_467 = vector.broadcast %sub3A : f32 to vector<16xf32>
        %sub3A_468 = arith.subf %mul3A_466, %sub3A_467 : vector<16xf32>
        %exp3A = math.exp %sub3A_468 : vector<16xf32>
        %broadcast_in_dim3A_469 = vector.broadcast %scan3A_356 : i32 to vector<16xi32>
        %broadcast_in_dim3A_470 = vector.shape_cast %broadcast_in_dim3A_469 : vector<16xi32> to vector<16x1xi32>
        %gather3A_471 = vector.shape_cast %broadcast_in_dim3A_470 : vector<16x1xi32> to vector<16xi32>
        %gather3A_472 = tpu.dynamic_gather %gather3A_158[%gather3A_471] in [0] : vector<16xf32>, vector<16xi32> -> vector<16xf32>
        %mul3A_473 = arith.mulf %exp3A, %gather3A_472 : vector<16xf32>
        %mul3A_474 = arith.mulf %get3A_362, %mul3A_473 : vector<16xf32>
        %add3A_475 = arith.constant 16 : i32
        %add3A_476 = arith.addi %add3A_475, %add3A_359 : i32
        %swap3A = arith.index_cast %add3A_476 : i32 to index
        %swap3A_477 = arith.constant 0 : index
        %swap3A_478 = tpu.vector_load %arg18[%swap3A, %swap3A_477] {strides = array<i32>} : memref<32x128xf32, #tpu.memory_space<vmem>>, vector<16xf32>,
        tpu.vector_store %arg18[%swap3A, %swap3A_477], %mul3A_474 {strides = array<i32>} : memref<32x128xf32, #tpu.memory_space<vmem>>, vector<16xf32>,
        %mul3A_479 = arith.mulf %get3A_365, %mul3A_473 : vector<16xf32>
        %add3A_480 = arith.constant 16 : i32
        %add3A_481 = arith.addi %add3A_480, %add3A_359 : i32
        %swap3A_482 = arith.index_cast %add3A_481 : i32 to index
        %swap3A_483 = arith.constant 16 : index
        %swap3A_484 = tpu.vector_load %arg18[%swap3A_482, %swap3A_483] {strides = array<i32>} : memref<32x128xf32, #tpu.memory_space<vmem>>, vector<16xf32>,
        tpu.vector_store %arg18[%swap3A_482, %swap3A_483], %mul3A_479 {strides = array<i32>} : memref<32x128xf32, #tpu.memory_space<vmem>>, vector<16xf32>,
        %mul3A_485 = arith.mulf %get3A_368, %mul3A_473 : vector<16xf32>
        %add3A_486 = arith.constant 16 : i32
        %add3A_487 = arith.addi %add3A_486, %add3A_359 : i32
        %swap3A_488 = arith.index_cast %add3A_487 : i32 to index
        %swap3A_489 = arith.constant 32 : index
        %swap3A_490 = tpu.vector_load %arg18[%swap3A_488, %swap3A_489] {strides = array<i32>} : memref<32x128xf32, #tpu.memory_space<vmem>>, vector<16xf32>,
        tpu.vector_store %arg18[%swap3A_488, %swap3A_489], %mul3A_485 {strides = array<i32>} : memref<32x128xf32, #tpu.memory_space<vmem>>, vector<16xf32>,
        %mul3A_491 = arith.mulf %get3A_371, %mul3A_473 : vector<16xf32>
        %add3A_492 = arith.constant 16 : i32
        %add3A_493 = arith.addi %add3A_492, %add3A_359 : i32
        %swap3A_494 = arith.index_cast %add3A_493 : i32 to index
        %swap3A_495 = arith.constant 48 : index
        %swap3A_496 = tpu.vector_load %arg18[%swap3A_494, %swap3A_495] {strides = array<i32>} : memref<32x128xf32, #tpu.memory_space<vmem>>, vector<16xf32>,
        tpu.vector_store %arg18[%swap3A_494, %swap3A_495], %mul3A_491 {strides = array<i32>} : memref<32x128xf32, #tpu.memory_space<vmem>>, vector<16xf32>,
        %mul3A_497 = arith.mulf %get3A_374, %mul3A_473 : vector<16xf32>
        %add3A_498 = arith.constant 16 : i32
        %add3A_499 = arith.addi %add3A_498, %add3A_359 : i32
        %swap3A_500 = arith.index_cast %add3A_499 : i32 to index
        %swap3A_501 = arith.constant 64 : index
        %swap3A_502 = tpu.vector_load %arg18[%swap3A_500, %swap3A_501] {strides = array<i32>} : memref<32x128xf32, #tpu.memory_space<vmem>>, vector<16xf32>,
        tpu.vector_store %arg18[%swap3A_500, %swap3A_501], %mul3A_497 {strides = array<i32>} : memref<32x128xf32, #tpu.memory_space<vmem>>, vector<16xf32>,
        %mul3A_503 = arith.mulf %get3A_377, %mul3A_473 : vector<16xf32>
        %add3A_504 = arith.constant 16 : i32
        %add3A_505 = arith.addi %add3A_504, %add3A_359 : i32
        %swap3A_506 = arith.index_cast %add3A_505 : i32 to index
        %swap3A_507 = arith.constant 80 : index
        %swap3A_508 = tpu.vector_load %arg18[%swap3A_506, %swap3A_507] {strides = array<i32>} : memref<32x128xf32, #tpu.memory_space<vmem>>, vector<16xf32>,
        tpu.vector_store %arg18[%swap3A_506, %swap3A_507], %mul3A_503 {strides = array<i32>} : memref<32x128xf32, #tpu.memory_space<vmem>>, vector<16xf32>,
        %mul3A_509 = arith.mulf %get3A_380, %mul3A_473 : vector<16xf32>
        %add3A_510 = arith.constant 16 : i32
        %add3A_511 = arith.addi %add3A_510, %add3A_359 : i32
        %swap3A_512 = arith.index_cast %add3A_511 : i32 to index
        %swap3A_513 = arith.constant 96 : index
        %swap3A_514 = tpu.vector_load %arg18[%swap3A_512, %swap3A_513] {strides = array<i32>} : memref<32x128xf32, #tpu.memory_space<vmem>>, vector<16xf32>,
        tpu.vector_store %arg18[%swap3A_512, %swap3A_513], %mul3A_509 {strides = array<i32>} : memref<32x128xf32, #tpu.memory_space<vmem>>, vector<16xf32>,
        %mul3A_515 = arith.mulf %get3A_383, %mul3A_473 : vector<16xf32>
        %add3A_516 = arith.constant 16 : i32
        %add3A_517 = arith.addi %add3A_516, %add3A_359 : i32
        %swap3A_518 = arith.index_cast %add3A_517 : i32 to index
        %swap3A_519 = arith.constant 112 : index
        %swap3A_520 = tpu.vector_load %arg18[%swap3A_518, %swap3A_519] {strides = array<i32>} : memref<32x128xf32, #tpu.memory_space<vmem>>, vector<16xf32>,
        tpu.vector_store %arg18[%swap3A_518, %swap3A_519], %mul3A_515 {strides = array<i32>} : memref<32x128xf32, #tpu.memory_space<vmem>>, vector<16xf32>,
        %eq3A = vector.broadcast %scan3A_356 : i32 to vector<16xi32>
        %eq3A_521 = arith.cmpi eq, %iota3A, %eq3A : vector<16xi32>
        %select_n3A = arith.select %eq3A_521, %exp3A, %scan3A_357 : vector<16xi1>, vector<16xf32>
        scf.yield %select_n3A : vector<16xf32>
      }
      %scan3A_166 = arith.constant 16 : i32
      tpu.vector_store_idx %arg23[%get3A_157], %scan3A_165 {add = true} : memref<10240xf32, #tpu.memory_space<vmem>>[vector<16xi32>], vector<16xf32>,
      %dma_start3A_167 = arith.constant 16 : i32
      %dma_start3A_168 = arith.constant 0 : i32
      %dma_start3A_169 = tpu.memref_slice %arg18[%dma_start3A_167, %dma_start3A_168] : memref<32x128xf32, #tpu.memory_space<vmem>> -> memref<16x128xf32, #tpu.memory_space<vmem>>
      %dma_start3A_170 = arith.constant 0 : i32
      %dma_start3A_171 = arith.constant 0 : i32
      %dma_start3A_172 = tpu.memref_slice %arg25[%dma_start3A_170, %dma_start3A_171] : memref<10240x128xf32, #tpu.memory_space<vmem_shared>> -> memref<10240x128xf32, #tpu.memory_space<vmem_shared>>
      tpu.enqueue_indirect_dma source(%dma_start3A_169 : memref<16x128xf32, #tpu.memory_space<vmem>>) target(%dma_start3A_172 : memref<10240x128xf32, #tpu.memory_space<vmem_shared>>) offsets(%arg14 : memref<16xi32, #tpu.memory_space<vmem>>) semaphore(%arg34 : memref<!tpu.dma_semaphore, #tpu.memory_space<semaphore_mem>>) {add = true}
      %mul3A_173 = arith.constant 4 : i32
      %mul3A_174 = arith.muli %mul3A_173, %scan3A_115 : i32
      %add3A_175 = arith.constant 1 : i32
      %add3A_176 = arith.addi %mul3A_174, %add3A_175 : i32
      %ge3A_177 = arith.constant 2 : i32
      %ge3A_178 = arith.cmpi sge, %add3A_176, %ge3A_177 : i32
      %convert_element_type3A_179 = arith.extui %ge3A_178 : i1 to i32
      %cond3A_180 = arith.constant 0 : i32
      %cond3A_181 = arith.cmpi ne, %convert_element_type3A_179, %cond3A_180 : i32
      scf.if %cond3A_181 {
        %dma_wait3A_356 = arith.constant 16 : i32
        %dma_wait3A_357 = arith.constant 0 : i32
        %dma_wait3A_358 = tpu.memref_slice %arg21[%dma_wait3A_356, %dma_wait3A_357] : memref<32x128xf32, #tpu.memory_space<vmem>> -> memref<16x128xf32, #tpu.memory_space<vmem>>
        %dma_wait3A_359 = arith.constant 0 : i32
        %dma_wait3A_360 = arith.constant 0 : i32
        %dma_wait3A_361 = tpu.memref_slice %arg25[%dma_wait3A_359, %dma_wait3A_360] : memref<10240x128xf32, #tpu.memory_space<vmem_shared>> -> memref<10240x128xf32, #tpu.memory_space<vmem_shared>>
        tpu.wait_indirect_dma semaphore(%arg37 : memref<!tpu.dma_semaphore, #tpu.memory_space<semaphore_mem>>) src(%dma_wait3A_358 : memref<16x128xf32, #tpu.memory_space<vmem>>) dst(%dma_wait3A_361 : memref<10240x128xf32, #tpu.memory_space<vmem_shared>>)
      } else {
      }
      %add3A_182 = arith.constant 2 : i32
      %add3A_183 = arith.addi %add3A_176, %add3A_182 : i32
      %lt3A_184 = arith.constant 625 : i32
      %lt3A_185 = arith.cmpi slt, %add3A_183, %lt3A_184 : i32
      %convert_element_type3A_186 = arith.extui %lt3A_185 : i1 to i32
      %cond3A_187 = arith.constant 0 : i32
      %cond3A_188 = arith.cmpi ne, %convert_element_type3A_186, %cond3A_187 : i32
      scf.if %cond3A_188 {
        %add3A_356 = arith.constant 2 : i32
        %add3A_357 = arith.addi %add3A_176, %add3A_356 : i32
        %mul3A_358 = arith.constant 16 : i32
        %mul3A_359 = arith.muli %add3A_357, %mul3A_358 : i32
        %add3A_360 = arith.addi %mul3A_2, %mul3A_359 : i32
        %dma_start3A_361 = arith.constant 0 : i32
        %dma_start3A_362 = tpu.memref_slice %arg13[%dma_start3A_361] : memref<32xi32, #tpu.memory_space<vmem>> -> memref<16xi32, #tpu.memory_space<vmem>>
        %dma_start3A_363 = tpu.memref_slice %arg5[%add3A_360] : memref<320000xi32, #tpu.memory_space<hbm>> -> memref<16xi32, #tpu.memory_space<hbm>>
        %dma_start3A_364 = arith.constant 0 : i32
        %dma_start3A_365 = tpu.memref_slice %arg13[%dma_start3A_364] : memref<32xi32, #tpu.memory_space<vmem>> -> memref<16xi32, #tpu.memory_space<vmem>>
        %dma_start3A_366 = tpu.memref_slice %arg5[%add3A_360] : memref<320000xi32, #tpu.memory_space<hbm>> -> memref<16xi32, #tpu.memory_space<hbm>>
        tpu.enqueue_dma source(%dma_start3A_366 : memref<16xi32, #tpu.memory_space<hbm>>) target(%dma_start3A_365 : memref<16xi32, #tpu.memory_space<vmem>>) target_semaphore(%arg29 : memref<!tpu.dma_semaphore, #tpu.memory_space<semaphore_mem>>)
        %dma_start3A_367 = arith.constant 16 : i32
        %dma_start3A_368 = tpu.memref_slice %arg13[%dma_start3A_367] : memref<32xi32, #tpu.memory_space<vmem>> -> memref<16xi32, #tpu.memory_space<vmem>>
        %dma_start3A_369 = tpu.memref_slice %arg6[%add3A_360] : memref<320000xi32, #tpu.memory_space<hbm>> -> memref<16xi32, #tpu.memory_space<hbm>>
        %dma_start3A_370 = arith.constant 16 : i32
        %dma_start3A_371 = tpu.memref_slice %arg13[%dma_start3A_370] : memref<32xi32, #tpu.memory_space<vmem>> -> memref<16xi32, #tpu.memory_space<vmem>>
        %dma_start3A_372 = tpu.memref_slice %arg6[%add3A_360] : memref<320000xi32, #tpu.memory_space<hbm>> -> memref<16xi32, #tpu.memory_space<hbm>>
        tpu.enqueue_dma source(%dma_start3A_372 : memref<16xi32, #tpu.memory_space<hbm>>) target(%dma_start3A_371 : memref<16xi32, #tpu.memory_space<vmem>>) target_semaphore(%arg29 : memref<!tpu.dma_semaphore, #tpu.memory_space<semaphore_mem>>)
        %dma_start3A_373 = tpu.memref_slice %arg6[%add3A_360] : memref<320000xi32, #tpu.memory_space<hbm>> -> memref<16xi32, #tpu.memory_space<hbm>>
        %dma_start3A_374 = tpu.memref_slice %arg6[%add3A_360] : memref<320000xi32, #tpu.memory_space<hbm>> -> memref<16xi32, #tpu.memory_space<hbm>>
        tpu.enqueue_dma source(%dma_start3A_374 : memref<16xi32, #tpu.memory_space<hbm>>) target(%arg17 : memref<16xi32, #tpu.memory_space<vmem>>) target_semaphore(%arg29 : memref<!tpu.dma_semaphore, #tpu.memory_space<semaphore_mem>>)
      } else {
      }
      %dma_wait3A_189 = arith.constant 0 : i32
      %dma_wait3A_190 = tpu.memref_slice %arg12[%dma_wait3A_189] : memref<32xi32, #tpu.memory_space<vmem>> -> memref<16xi32, #tpu.memory_space<vmem>>
      %dma_wait3A_191 = arith.constant 0 : i32
      %dma_wait3A_192 = tpu.memref_slice %arg5[%dma_wait3A_191] : memref<320000xi32, #tpu.memory_space<hbm>> -> memref<16xi32, #tpu.memory_space<hbm>>
      %dma_wait3A_193 = arith.constant 0 : i32
      %dma_wait3A_194 = tpu.memref_slice %arg12[%dma_wait3A_193] : memref<32xi32, #tpu.memory_space<vmem>> -> memref<16xi32, #tpu.memory_space<vmem>>
      %dma_wait3A_195 = arith.constant 0 : i32
      %dma_wait3A_196 = tpu.memref_slice %arg5[%dma_wait3A_195] : memref<320000xi32, #tpu.memory_space<hbm>> -> memref<16xi32, #tpu.memory_space<hbm>>
      tpu.wait_dma2 semaphore(%arg28 : memref<!tpu.dma_semaphore, #tpu.memory_space<semaphore_mem>>) src(%dma_wait3A_196 : memref<16xi32, #tpu.memory_space<hbm>>) dst(%dma_wait3A_194 : memref<16xi32, #tpu.memory_space<vmem>>)
      %dma_wait3A_197 = arith.constant 16 : i32
      %dma_wait3A_198 = tpu.memref_slice %arg12[%dma_wait3A_197] : memref<32xi32, #tpu.memory_space<vmem>> -> memref<16xi32, #tpu.memory_space<vmem>>
      %dma_wait3A_199 = arith.constant 0 : i32
      %dma_wait3A_200 = tpu.memref_slice %arg6[%dma_wait3A_199] : memref<320000xi32, #tpu.memory_space<hbm>> -> memref<16xi32, #tpu.memory_space<hbm>>
      %dma_wait3A_201 = arith.constant 16 : i32
      %dma_wait3A_202 = tpu.memref_slice %arg12[%dma_wait3A_201] : memref<32xi32, #tpu.memory_space<vmem>> -> memref<16xi32, #tpu.memory_space<vmem>>
      %dma_wait3A_203 = arith.constant 0 : i32
      %dma_wait3A_204 = tpu.memref_slice %arg6[%dma_wait3A_203] : memref<320000xi32, #tpu.memory_space<hbm>> -> memref<16xi32, #tpu.memory_space<hbm>>
      tpu.wait_dma2 semaphore(%arg28 : memref<!tpu.dma_semaphore, #tpu.memory_space<semaphore_mem>>) src(%dma_wait3A_204 : memref<16xi32, #tpu.memory_space<hbm>>) dst(%dma_wait3A_202 : memref<16xi32, #tpu.memory_space<vmem>>)
      %dma_wait3A_205 = arith.constant 0 : i32
      %dma_wait3A_206 = tpu.memref_slice %arg6[%dma_wait3A_205] : memref<320000xi32, #tpu.memory_space<hbm>> -> memref<16xi32, #tpu.memory_space<hbm>>
      %dma_wait3A_207 = arith.constant 0 : i32
      %dma_wait3A_208 = tpu.memref_slice %arg6[%dma_wait3A_207] : memref<320000xi32, #tpu.memory_space<hbm>> -> memref<16xi32, #tpu.memory_space<hbm>>
      tpu.wait_dma2 semaphore(%arg28 : memref<!tpu.dma_semaphore, #tpu.memory_space<semaphore_mem>>) src(%dma_wait3A_208 : memref<16xi32, #tpu.memory_space<hbm>>) dst(%arg16 : memref<16xi32, #tpu.memory_space<vmem>>)
      %dma_start3A_209 = arith.constant 0 : i32
      %dma_start3A_210 = arith.constant 0 : i32
      %dma_start3A_211 = tpu.memref_slice %arg2[%dma_start3A_209, %dma_start3A_210] : memref<10240x128xf32, #tpu.memory_space<hbm>> -> memref<10240x128xf32, #tpu.memory_space<hbm>>
      tpu.enqueue_indirect_dma source(%dma_start3A_211 : memref<10240x128xf32, #tpu.memory_space<hbm>>) target(%arg20 : memref<32x128xf32, #tpu.memory_space<vmem>>) offsets(%arg12 : memref<32xi32, #tpu.memory_space<vmem>>) semaphore(%arg32 : memref<!tpu.dma_semaphore, #tpu.memory_space<semaphore_mem>>)
      %dma_wait3A_212 = arith.constant 0 : i32
      %dma_wait3A_213 = arith.constant 0 : i32
      %dma_wait3A_214 = tpu.memref_slice %arg2[%dma_wait3A_212, %dma_wait3A_213] : memref<10240x128xf32, #tpu.memory_space<hbm>> -> memref<10240x128xf32, #tpu.memory_space<hbm>>
      tpu.wait_indirect_dma semaphore(%arg31 : memref<!tpu.dma_semaphore, #tpu.memory_space<semaphore_mem>>) src(%dma_wait3A_214 : memref<10240x128xf32, #tpu.memory_space<hbm>>) dst(%arg19 : memref<32x128xf32, #tpu.memory_space<vmem>>)
      %get3A_215 = arith.constant 0 : index
      %get3A_216 = tpu.vector_load %arg11[%get3A_215] {strides = array<i32>} : memref<32xi32, #tpu.memory_space<vmem>>, vector<16xi32>,
      %get3A_217 = arith.constant 0 : index
      %get3A_218 = tpu.vector_load %arg15[%get3A_217] {strides = array<i32>} : memref<16xi32, #tpu.memory_space<vmem>>, vector<16xi32>,
      %gather3A_219 = tpu.vector_load_idx %arg22[%get3A_216] : memref<10240xf32, #tpu.memory_space<vmem>>[vector<16xi32>], vector<16xf32>,
      %broadcast_in_dim3A_220 = arith.constant 0.000000e+00 : f32
      %broadcast_in_dim3A_221 = vector.broadcast %broadcast_in_dim3A_220 : f32 to vector<16xf32>
      %scan3A_222 = arith.constant 0 : i32
      %scan3A_223 = arith.constant 16 : i32
      %scan3A_224 = arith.addi %scan3A_222, %scan3A_223 : i32
      %scan3A_225 = arith.constant 1 : i32
      %scan3A_226 = scf.for %scan3A_356 = %scan3A_222 to %scan3A_224 step %scan3A_225 iter_args(%scan3A_357 = %broadcast_in_dim3A_221) -> (vector<16xf32>)  : i32 {
        %add3A_358 = arith.constant 0 : i32
        %add3A_359 = arith.addi %add3A_358, %scan3A_356 : i32
        %get3A_360 = arith.index_cast %add3A_359 : i32 to index
        %get3A_361 = arith.constant 0 : index
        %get3A_362 = tpu.vector_load %arg19[%get3A_360, %get3A_361] {strides = array<i32>} : memref<32x128xf32, #tpu.memory_space<vmem>>, vector<16xf32>,
        %get3A_363 = arith.index_cast %add3A_359 : i32 to index
        %get3A_364 = arith.constant 16 : index
        %get3A_365 = tpu.vector_load %arg19[%get3A_363, %get3A_364] {strides = array<i32>} : memref<32x128xf32, #tpu.memory_space<vmem>>, vector<16xf32>,
        %get3A_366 = arith.index_cast %add3A_359 : i32 to index
        %get3A_367 = arith.constant 32 : index
        %get3A_368 = tpu.vector_load %arg19[%get3A_366, %get3A_367] {strides = array<i32>} : memref<32x128xf32, #tpu.memory_space<vmem>>, vector<16xf32>,
        %get3A_369 = arith.index_cast %add3A_359 : i32 to index
        %get3A_370 = arith.constant 48 : index
        %get3A_371 = tpu.vector_load %arg19[%get3A_369, %get3A_370] {strides = array<i32>} : memref<32x128xf32, #tpu.memory_space<vmem>>, vector<16xf32>,
        %get3A_372 = arith.index_cast %add3A_359 : i32 to index
        %get3A_373 = arith.constant 64 : index
        %get3A_374 = tpu.vector_load %arg19[%get3A_372, %get3A_373] {strides = array<i32>} : memref<32x128xf32, #tpu.memory_space<vmem>>, vector<16xf32>,
        %get3A_375 = arith.index_cast %add3A_359 : i32 to index
        %get3A_376 = arith.constant 80 : index
        %get3A_377 = tpu.vector_load %arg19[%get3A_375, %get3A_376] {strides = array<i32>} : memref<32x128xf32, #tpu.memory_space<vmem>>, vector<16xf32>,
        %get3A_378 = arith.index_cast %add3A_359 : i32 to index
        %get3A_379 = arith.constant 96 : index
        %get3A_380 = tpu.vector_load %arg19[%get3A_378, %get3A_379] {strides = array<i32>} : memref<32x128xf32, #tpu.memory_space<vmem>>, vector<16xf32>,
        %get3A_381 = arith.index_cast %add3A_359 : i32 to index
        %get3A_382 = arith.constant 112 : index
        %get3A_383 = tpu.vector_load %arg19[%get3A_381, %get3A_382] {strides = array<i32>} : memref<32x128xf32, #tpu.memory_space<vmem>>, vector<16xf32>,
        %add3A_384 = arith.constant 16 : i32
        %add3A_385 = arith.addi %add3A_384, %add3A_359 : i32
        %get3A_386 = arith.index_cast %add3A_385 : i32 to index
        %get3A_387 = arith.constant 0 : index
        %get3A_388 = tpu.vector_load %arg19[%get3A_386, %get3A_387] {strides = array<i32>} : memref<32x128xf32, #tpu.memory_space<vmem>>, vector<16xf32>,
        %mul3A_389 = arith.mulf %get3A_362, %get3A_388 : vector<16xf32>
        %add3A_390 = arith.constant 16 : i32
        %add3A_391 = arith.addi %add3A_390, %add3A_359 : i32
        %get3A_392 = arith.index_cast %add3A_391 : i32 to index
        %get3A_393 = arith.constant 16 : index
        %get3A_394 = tpu.vector_load %arg19[%get3A_392, %get3A_393] {strides = array<i32>} : memref<32x128xf32, #tpu.memory_space<vmem>>, vector<16xf32>,
        %mul3A_395 = arith.mulf %get3A_365, %get3A_394 : vector<16xf32>
        %add3A_396 = arith.addf %mul3A_389, %mul3A_395 : vector<16xf32>
        %add3A_397 = arith.constant 16 : i32
        %add3A_398 = arith.addi %add3A_397, %add3A_359 : i32
        %get3A_399 = arith.index_cast %add3A_398 : i32 to index
        %get3A_400 = arith.constant 32 : index
        %get3A_401 = tpu.vector_load %arg19[%get3A_399, %get3A_400] {strides = array<i32>} : memref<32x128xf32, #tpu.memory_space<vmem>>, vector<16xf32>,
        %mul3A_402 = arith.mulf %get3A_368, %get3A_401 : vector<16xf32>
        %add3A_403 = arith.addf %add3A_396, %mul3A_402 : vector<16xf32>
        %add3A_404 = arith.constant 16 : i32
        %add3A_405 = arith.addi %add3A_404, %add3A_359 : i32
        %get3A_406 = arith.index_cast %add3A_405 : i32 to index
        %get3A_407 = arith.constant 48 : index
        %get3A_408 = tpu.vector_load %arg19[%get3A_406, %get3A_407] {strides = array<i32>} : memref<32x128xf32, #tpu.memory_space<vmem>>, vector<16xf32>,
        %mul3A_409 = arith.mulf %get3A_371, %get3A_408 : vector<16xf32>
        %add3A_410 = arith.addf %add3A_403, %mul3A_409 : vector<16xf32>
        %add3A_411 = arith.constant 16 : i32
        %add3A_412 = arith.addi %add3A_411, %add3A_359 : i32
        %get3A_413 = arith.index_cast %add3A_412 : i32 to index
        %get3A_414 = arith.constant 64 : index
        %get3A_415 = tpu.vector_load %arg19[%get3A_413, %get3A_414] {strides = array<i32>} : memref<32x128xf32, #tpu.memory_space<vmem>>, vector<16xf32>,
        %mul3A_416 = arith.mulf %get3A_374, %get3A_415 : vector<16xf32>
        %add3A_417 = arith.addf %add3A_410, %mul3A_416 : vector<16xf32>
        %add3A_418 = arith.constant 16 : i32
        %add3A_419 = arith.addi %add3A_418, %add3A_359 : i32
        %get3A_420 = arith.index_cast %add3A_419 : i32 to index
        %get3A_421 = arith.constant 80 : index
        %get3A_422 = tpu.vector_load %arg19[%get3A_420, %get3A_421] {strides = array<i32>} : memref<32x128xf32, #tpu.memory_space<vmem>>, vector<16xf32>,
        %mul3A_423 = arith.mulf %get3A_377, %get3A_422 : vector<16xf32>
        %add3A_424 = arith.addf %add3A_417, %mul3A_423 : vector<16xf32>
        %add3A_425 = arith.constant 16 : i32
        %add3A_426 = arith.addi %add3A_425, %add3A_359 : i32
        %get3A_427 = arith.index_cast %add3A_426 : i32 to index
        %get3A_428 = arith.constant 96 : index
        %get3A_429 = tpu.vector_load %arg19[%get3A_427, %get3A_428] {strides = array<i32>} : memref<32x128xf32, #tpu.memory_space<vmem>>, vector<16xf32>,
        %mul3A_430 = arith.mulf %get3A_380, %get3A_429 : vector<16xf32>
        %add3A_431 = arith.addf %add3A_424, %mul3A_430 : vector<16xf32>
        %add3A_432 = arith.constant 16 : i32
        %add3A_433 = arith.addi %add3A_432, %add3A_359 : i32
        %get3A_434 = arith.index_cast %add3A_433 : i32 to index
        %get3A_435 = arith.constant 112 : index
        %get3A_436 = tpu.vector_load %arg19[%get3A_434, %get3A_435] {strides = array<i32>} : memref<32x128xf32, #tpu.memory_space<vmem>>, vector<16xf32>,
        %mul3A_437 = arith.mulf %get3A_383, %get3A_436 : vector<16xf32>
        %add3A_438 = arith.addf %add3A_431, %mul3A_437 : vector<16xf32>
        %xor3A = arith.constant 8 : i32
        %xor3A_439 = vector.broadcast %xor3A : i32 to vector<16xi32>
        %xor3A_440 = arith.xori %iota3A, %xor3A_439 : vector<16xi32>
        %broadcast_in_dim3A_441 = vector.shape_cast %xor3A_440 : vector<16xi32> to vector<16x1xi32>
        %gather3A_442 = vector.shape_cast %broadcast_in_dim3A_441 : vector<16x1xi32> to vector<16xi32>
        %gather3A_443 = tpu.dynamic_gather %add3A_438[%gather3A_442] in [0] : vector<16xf32>, vector<16xi32> -> vector<16xf32>
        %add3A_444 = arith.addf %add3A_438, %gather3A_443 : vector<16xf32>
        %xor3A_445 = arith.constant 4 : i32
        %xor3A_446 = vector.broadcast %xor3A_445 : i32 to vector<16xi32>
        %xor3A_447 = arith.xori %iota3A, %xor3A_446 : vector<16xi32>
        %broadcast_in_dim3A_448 = vector.shape_cast %xor3A_447 : vector<16xi32> to vector<16x1xi32>
        %gather3A_449 = vector.shape_cast %broadcast_in_dim3A_448 : vector<16x1xi32> to vector<16xi32>
        %gather3A_450 = tpu.dynamic_gather %add3A_444[%gather3A_449] in [0] : vector<16xf32>, vector<16xi32> -> vector<16xf32>
        %add3A_451 = arith.addf %add3A_444, %gather3A_450 : vector<16xf32>
        %xor3A_452 = arith.constant 2 : i32
        %xor3A_453 = vector.broadcast %xor3A_452 : i32 to vector<16xi32>
        %xor3A_454 = arith.xori %iota3A, %xor3A_453 : vector<16xi32>
        %broadcast_in_dim3A_455 = vector.shape_cast %xor3A_454 : vector<16xi32> to vector<16x1xi32>
        %gather3A_456 = vector.shape_cast %broadcast_in_dim3A_455 : vector<16x1xi32> to vector<16xi32>
        %gather3A_457 = tpu.dynamic_gather %add3A_451[%gather3A_456] in [0] : vector<16xf32>, vector<16xi32> -> vector<16xf32>
        %add3A_458 = arith.addf %add3A_451, %gather3A_457 : vector<16xf32>
        %xor3A_459 = arith.constant 1 : i32
        %xor3A_460 = vector.broadcast %xor3A_459 : i32 to vector<16xi32>
        %xor3A_461 = arith.xori %iota3A, %xor3A_460 : vector<16xi32>
        %broadcast_in_dim3A_462 = vector.shape_cast %xor3A_461 : vector<16xi32> to vector<16x1xi32>
        %gather3A_463 = vector.shape_cast %broadcast_in_dim3A_462 : vector<16x1xi32> to vector<16xi32>
        %gather3A_464 = tpu.dynamic_gather %add3A_458[%gather3A_463] in [0] : vector<16xf32>, vector<16xi32> -> vector<16xf32>
        %add3A_465 = arith.addf %add3A_458, %gather3A_464 : vector<16xf32>
        %mul3A_466 = arith.mulf %add3A_465, %get3A_10 : vector<16xf32>
        %sub3A = arith.constant 1.000000e+00 : f32
        %sub3A_467 = vector.broadcast %sub3A : f32 to vector<16xf32>
        %sub3A_468 = arith.subf %mul3A_466, %sub3A_467 : vector<16xf32>
        %exp3A = math.exp %sub3A_468 : vector<16xf32>
        %broadcast_in_dim3A_469 = vector.broadcast %scan3A_356 : i32 to vector<16xi32>
        %broadcast_in_dim3A_470 = vector.shape_cast %broadcast_in_dim3A_469 : vector<16xi32> to vector<16x1xi32>
        %gather3A_471 = vector.shape_cast %broadcast_in_dim3A_470 : vector<16x1xi32> to vector<16xi32>
        %gather3A_472 = tpu.dynamic_gather %gather3A_219[%gather3A_471] in [0] : vector<16xf32>, vector<16xi32> -> vector<16xf32>
        %mul3A_473 = arith.mulf %exp3A, %gather3A_472 : vector<16xf32>
        %mul3A_474 = arith.mulf %get3A_362, %mul3A_473 : vector<16xf32>
        %add3A_475 = arith.constant 16 : i32
        %add3A_476 = arith.addi %add3A_475, %add3A_359 : i32
        %swap3A = arith.index_cast %add3A_476 : i32 to index
        %swap3A_477 = arith.constant 0 : index
        %swap3A_478 = tpu.vector_load %arg19[%swap3A, %swap3A_477] {strides = array<i32>} : memref<32x128xf32, #tpu.memory_space<vmem>>, vector<16xf32>,
        tpu.vector_store %arg19[%swap3A, %swap3A_477], %mul3A_474 {strides = array<i32>} : memref<32x128xf32, #tpu.memory_space<vmem>>, vector<16xf32>,
        %mul3A_479 = arith.mulf %get3A_365, %mul3A_473 : vector<16xf32>
        %add3A_480 = arith.constant 16 : i32
        %add3A_481 = arith.addi %add3A_480, %add3A_359 : i32
        %swap3A_482 = arith.index_cast %add3A_481 : i32 to index
        %swap3A_483 = arith.constant 16 : index
        %swap3A_484 = tpu.vector_load %arg19[%swap3A_482, %swap3A_483] {strides = array<i32>} : memref<32x128xf32, #tpu.memory_space<vmem>>, vector<16xf32>,
        tpu.vector_store %arg19[%swap3A_482, %swap3A_483], %mul3A_479 {strides = array<i32>} : memref<32x128xf32, #tpu.memory_space<vmem>>, vector<16xf32>,
        %mul3A_485 = arith.mulf %get3A_368, %mul3A_473 : vector<16xf32>
        %add3A_486 = arith.constant 16 : i32
        %add3A_487 = arith.addi %add3A_486, %add3A_359 : i32
        %swap3A_488 = arith.index_cast %add3A_487 : i32 to index
        %swap3A_489 = arith.constant 32 : index
        %swap3A_490 = tpu.vector_load %arg19[%swap3A_488, %swap3A_489] {strides = array<i32>} : memref<32x128xf32, #tpu.memory_space<vmem>>, vector<16xf32>,
        tpu.vector_store %arg19[%swap3A_488, %swap3A_489], %mul3A_485 {strides = array<i32>} : memref<32x128xf32, #tpu.memory_space<vmem>>, vector<16xf32>,
        %mul3A_491 = arith.mulf %get3A_371, %mul3A_473 : vector<16xf32>
        %add3A_492 = arith.constant 16 : i32
        %add3A_493 = arith.addi %add3A_492, %add3A_359 : i32
        %swap3A_494 = arith.index_cast %add3A_493 : i32 to index
        %swap3A_495 = arith.constant 48 : index
        %swap3A_496 = tpu.vector_load %arg19[%swap3A_494, %swap3A_495] {strides = array<i32>} : memref<32x128xf32, #tpu.memory_space<vmem>>, vector<16xf32>,
        tpu.vector_store %arg19[%swap3A_494, %swap3A_495], %mul3A_491 {strides = array<i32>} : memref<32x128xf32, #tpu.memory_space<vmem>>, vector<16xf32>,
        %mul3A_497 = arith.mulf %get3A_374, %mul3A_473 : vector<16xf32>
        %add3A_498 = arith.constant 16 : i32
        %add3A_499 = arith.addi %add3A_498, %add3A_359 : i32
        %swap3A_500 = arith.index_cast %add3A_499 : i32 to index
        %swap3A_501 = arith.constant 64 : index
        %swap3A_502 = tpu.vector_load %arg19[%swap3A_500, %swap3A_501] {strides = array<i32>} : memref<32x128xf32, #tpu.memory_space<vmem>>, vector<16xf32>,
        tpu.vector_store %arg19[%swap3A_500, %swap3A_501], %mul3A_497 {strides = array<i32>} : memref<32x128xf32, #tpu.memory_space<vmem>>, vector<16xf32>,
        %mul3A_503 = arith.mulf %get3A_377, %mul3A_473 : vector<16xf32>
        %add3A_504 = arith.constant 16 : i32
        %add3A_505 = arith.addi %add3A_504, %add3A_359 : i32
        %swap3A_506 = arith.index_cast %add3A_505 : i32 to index
        %swap3A_507 = arith.constant 80 : index
        %swap3A_508 = tpu.vector_load %arg19[%swap3A_506, %swap3A_507] {strides = array<i32>} : memref<32x128xf32, #tpu.memory_space<vmem>>, vector<16xf32>,
        tpu.vector_store %arg19[%swap3A_506, %swap3A_507], %mul3A_503 {strides = array<i32>} : memref<32x128xf32, #tpu.memory_space<vmem>>, vector<16xf32>,
        %mul3A_509 = arith.mulf %get3A_380, %mul3A_473 : vector<16xf32>
        %add3A_510 = arith.constant 16 : i32
        %add3A_511 = arith.addi %add3A_510, %add3A_359 : i32
        %swap3A_512 = arith.index_cast %add3A_511 : i32 to index
        %swap3A_513 = arith.constant 96 : index
        %swap3A_514 = tpu.vector_load %arg19[%swap3A_512, %swap3A_513] {strides = array<i32>} : memref<32x128xf32, #tpu.memory_space<vmem>>, vector<16xf32>,
        tpu.vector_store %arg19[%swap3A_512, %swap3A_513], %mul3A_509 {strides = array<i32>} : memref<32x128xf32, #tpu.memory_space<vmem>>, vector<16xf32>,
        %mul3A_515 = arith.mulf %get3A_383, %mul3A_473 : vector<16xf32>
        %add3A_516 = arith.constant 16 : i32
        %add3A_517 = arith.addi %add3A_516, %add3A_359 : i32
        %swap3A_518 = arith.index_cast %add3A_517 : i32 to index
        %swap3A_519 = arith.constant 112 : index
        %swap3A_520 = tpu.vector_load %arg19[%swap3A_518, %swap3A_519] {strides = array<i32>} : memref<32x128xf32, #tpu.memory_space<vmem>>, vector<16xf32>,
        tpu.vector_store %arg19[%swap3A_518, %swap3A_519], %mul3A_515 {strides = array<i32>} : memref<32x128xf32, #tpu.memory_space<vmem>>, vector<16xf32>,
        %eq3A = vector.broadcast %scan3A_356 : i32 to vector<16xi32>
        %eq3A_521 = arith.cmpi eq, %iota3A, %eq3A : vector<16xi32>
        %select_n3A = arith.select %eq3A_521, %exp3A, %scan3A_357 : vector<16xi1>, vector<16xf32>
        scf.yield %select_n3A : vector<16xf32>
      }
      %scan3A_227 = arith.constant 16 : i32
      tpu.vector_store_idx %arg23[%get3A_218], %scan3A_226 {add = true} : memref<10240xf32, #tpu.memory_space<vmem>>[vector<16xi32>], vector<16xf32>,
      %dma_start3A_228 = arith.constant 16 : i32
      %dma_start3A_229 = arith.constant 0 : i32
      %dma_start3A_230 = tpu.memref_slice %arg19[%dma_start3A_228, %dma_start3A_229] : memref<32x128xf32, #tpu.memory_space<vmem>> -> memref<16x128xf32, #tpu.memory_space<vmem>>
      %dma_start3A_231 = arith.constant 0 : i32
      %dma_start3A_232 = arith.constant 0 : i32
      %dma_start3A_233 = tpu.memref_slice %arg25[%dma_start3A_231, %dma_start3A_232] : memref<10240x128xf32, #tpu.memory_space<vmem_shared>> -> memref<10240x128xf32, #tpu.memory_space<vmem_shared>>
      tpu.enqueue_indirect_dma source(%dma_start3A_230 : memref<16x128xf32, #tpu.memory_space<vmem>>) target(%dma_start3A_233 : memref<10240x128xf32, #tpu.memory_space<vmem_shared>>) offsets(%arg15 : memref<16xi32, #tpu.memory_space<vmem>>) semaphore(%arg35 : memref<!tpu.dma_semaphore, #tpu.memory_space<semaphore_mem>>) {add = true}
      %mul3A_234 = arith.constant 4 : i32
      %mul3A_235 = arith.muli %mul3A_234, %scan3A_115 : i32
      %add3A_236 = arith.constant 2 : i32
      %add3A_237 = arith.addi %mul3A_235, %add3A_236 : i32
      %ge3A_238 = arith.constant 2 : i32
      %ge3A_239 = arith.cmpi sge, %add3A_237, %ge3A_238 : i32
      %convert_element_type3A_240 = arith.extui %ge3A_239 : i1 to i32
      %cond3A_241 = arith.constant 0 : i32
      %cond3A_242 = arith.cmpi ne, %convert_element_type3A_240, %cond3A_241 : i32
      scf.if %cond3A_242 {
        %dma_wait3A_356 = arith.constant 16 : i32
        %dma_wait3A_357 = arith.constant 0 : i32
        %dma_wait3A_358 = tpu.memref_slice %arg18[%dma_wait3A_356, %dma_wait3A_357] : memref<32x128xf32, #tpu.memory_space<vmem>> -> memref<16x128xf32, #tpu.memory_space<vmem>>
        %dma_wait3A_359 = arith.constant 0 : i32
        %dma_wait3A_360 = arith.constant 0 : i32
        %dma_wait3A_361 = tpu.memref_slice %arg25[%dma_wait3A_359, %dma_wait3A_360] : memref<10240x128xf32, #tpu.memory_space<vmem_shared>> -> memref<10240x128xf32, #tpu.memory_space<vmem_shared>>
        tpu.wait_indirect_dma semaphore(%arg34 : memref<!tpu.dma_semaphore, #tpu.memory_space<semaphore_mem>>) src(%dma_wait3A_358 : memref<16x128xf32, #tpu.memory_space<vmem>>) dst(%dma_wait3A_361 : memref<10240x128xf32, #tpu.memory_space<vmem_shared>>)
      } else {
      }
      %add3A_243 = arith.constant 2 : i32
      %add3A_244 = arith.addi %add3A_237, %add3A_243 : i32
      %lt3A_245 = arith.constant 625 : i32
      %lt3A_246 = arith.cmpi slt, %add3A_244, %lt3A_245 : i32
      %convert_element_type3A_247 = arith.extui %lt3A_246 : i1 to i32
      %cond3A_248 = arith.constant 0 : i32
      %cond3A_249 = arith.cmpi ne, %convert_element_type3A_247, %cond3A_248 : i32
      scf.if %cond3A_249 {
        %add3A_356 = arith.constant 2 : i32
        %add3A_357 = arith.addi %add3A_237, %add3A_356 : i32
        %mul3A_358 = arith.constant 16 : i32
        %mul3A_359 = arith.muli %add3A_357, %mul3A_358 : i32
        %add3A_360 = arith.addi %mul3A_2, %mul3A_359 : i32
        %dma_start3A_361 = arith.constant 0 : i32
        %dma_start3A_362 = tpu.memref_slice %arg10[%dma_start3A_361] : memref<32xi32, #tpu.memory_space<vmem>> -> memref<16xi32, #tpu.memory_space<vmem>>
        %dma_start3A_363 = tpu.memref_slice %arg5[%add3A_360] : memref<320000xi32, #tpu.memory_space<hbm>> -> memref<16xi32, #tpu.memory_space<hbm>>
        %dma_start3A_364 = arith.constant 0 : i32
        %dma_start3A_365 = tpu.memref_slice %arg10[%dma_start3A_364] : memref<32xi32, #tpu.memory_space<vmem>> -> memref<16xi32, #tpu.memory_space<vmem>>
        %dma_start3A_366 = tpu.memref_slice %arg5[%add3A_360] : memref<320000xi32, #tpu.memory_space<hbm>> -> memref<16xi32, #tpu.memory_space<hbm>>
        tpu.enqueue_dma source(%dma_start3A_366 : memref<16xi32, #tpu.memory_space<hbm>>) target(%dma_start3A_365 : memref<16xi32, #tpu.memory_space<vmem>>) target_semaphore(%arg26 : memref<!tpu.dma_semaphore, #tpu.memory_space<semaphore_mem>>)
        %dma_start3A_367 = arith.constant 16 : i32
        %dma_start3A_368 = tpu.memref_slice %arg10[%dma_start3A_367] : memref<32xi32, #tpu.memory_space<vmem>> -> memref<16xi32, #tpu.memory_space<vmem>>
        %dma_start3A_369 = tpu.memref_slice %arg6[%add3A_360] : memref<320000xi32, #tpu.memory_space<hbm>> -> memref<16xi32, #tpu.memory_space<hbm>>
        %dma_start3A_370 = arith.constant 16 : i32
        %dma_start3A_371 = tpu.memref_slice %arg10[%dma_start3A_370] : memref<32xi32, #tpu.memory_space<vmem>> -> memref<16xi32, #tpu.memory_space<vmem>>
        %dma_start3A_372 = tpu.memref_slice %arg6[%add3A_360] : memref<320000xi32, #tpu.memory_space<hbm>> -> memref<16xi32, #tpu.memory_space<hbm>>
        tpu.enqueue_dma source(%dma_start3A_372 : memref<16xi32, #tpu.memory_space<hbm>>) target(%dma_start3A_371 : memref<16xi32, #tpu.memory_space<vmem>>) target_semaphore(%arg26 : memref<!tpu.dma_semaphore, #tpu.memory_space<semaphore_mem>>)
        %dma_start3A_373 = tpu.memref_slice %arg6[%add3A_360] : memref<320000xi32, #tpu.memory_space<hbm>> -> memref<16xi32, #tpu.memory_space<hbm>>
        %dma_start3A_374 = tpu.memref_slice %arg6[%add3A_360] : memref<320000xi32, #tpu.memory_space<hbm>> -> memref<16xi32, #tpu.memory_space<hbm>>
        tpu.enqueue_dma source(%dma_start3A_374 : memref<16xi32, #tpu.memory_space<hbm>>) target(%arg14 : memref<16xi32, #tpu.memory_space<vmem>>) target_semaphore(%arg26 : memref<!tpu.dma_semaphore, #tpu.memory_space<semaphore_mem>>)
      } else {
      }
      %dma_wait3A_250 = arith.constant 0 : i32
      %dma_wait3A_251 = tpu.memref_slice %arg13[%dma_wait3A_250] : memref<32xi32, #tpu.memory_space<vmem>> -> memref<16xi32, #tpu.memory_space<vmem>>
      %dma_wait3A_252 = arith.constant 0 : i32
      %dma_wait3A_253 = tpu.memref_slice %arg5[%dma_wait3A_252] : memref<320000xi32, #tpu.memory_space<hbm>> -> memref<16xi32, #tpu.memory_space<hbm>>
      %dma_wait3A_254 = arith.constant 0 : i32
      %dma_wait3A_255 = tpu.memref_slice %arg13[%dma_wait3A_254] : memref<32xi32, #tpu.memory_space<vmem>> -> memref<16xi32, #tpu.memory_space<vmem>>
      %dma_wait3A_256 = arith.constant 0 : i32
      %dma_wait3A_257 = tpu.memref_slice %arg5[%dma_wait3A_256] : memref<320000xi32, #tpu.memory_space<hbm>> -> memref<16xi32, #tpu.memory_space<hbm>>
      tpu.wait_dma2 semaphore(%arg29 : memref<!tpu.dma_semaphore, #tpu.memory_space<semaphore_mem>>) src(%dma_wait3A_257 : memref<16xi32, #tpu.memory_space<hbm>>) dst(%dma_wait3A_255 : memref<16xi32, #tpu.memory_space<vmem>>)
      %dma_wait3A_258 = arith.constant 16 : i32
      %dma_wait3A_259 = tpu.memref_slice %arg13[%dma_wait3A_258] : memref<32xi32, #tpu.memory_space<vmem>> -> memref<16xi32, #tpu.memory_space<vmem>>
      %dma_wait3A_260 = arith.constant 0 : i32
      %dma_wait3A_261 = tpu.memref_slice %arg6[%dma_wait3A_260] : memref<320000xi32, #tpu.memory_space<hbm>> -> memref<16xi32, #tpu.memory_space<hbm>>
      %dma_wait3A_262 = arith.constant 16 : i32
      %dma_wait3A_263 = tpu.memref_slice %arg13[%dma_wait3A_262] : memref<32xi32, #tpu.memory_space<vmem>> -> memref<16xi32, #tpu.memory_space<vmem>>
      %dma_wait3A_264 = arith.constant 0 : i32
      %dma_wait3A_265 = tpu.memref_slice %arg6[%dma_wait3A_264] : memref<320000xi32, #tpu.memory_space<hbm>> -> memref<16xi32, #tpu.memory_space<hbm>>
      tpu.wait_dma2 semaphore(%arg29 : memref<!tpu.dma_semaphore, #tpu.memory_space<semaphore_mem>>) src(%dma_wait3A_265 : memref<16xi32, #tpu.memory_space<hbm>>) dst(%dma_wait3A_263 : memref<16xi32, #tpu.memory_space<vmem>>)
      %dma_wait3A_266 = arith.constant 0 : i32
      %dma_wait3A_267 = tpu.memref_slice %arg6[%dma_wait3A_266] : memref<320000xi32, #tpu.memory_space<hbm>> -> memref<16xi32, #tpu.memory_space<hbm>>
      %dma_wait3A_268 = arith.constant 0 : i32
      %dma_wait3A_269 = tpu.memref_slice %arg6[%dma_wait3A_268] : memref<320000xi32, #tpu.memory_space<hbm>> -> memref<16xi32, #tpu.memory_space<hbm>>
      tpu.wait_dma2 semaphore(%arg29 : memref<!tpu.dma_semaphore, #tpu.memory_space<semaphore_mem>>) src(%dma_wait3A_269 : memref<16xi32, #tpu.memory_space<hbm>>) dst(%arg17 : memref<16xi32, #tpu.memory_space<vmem>>)
      %dma_start3A_270 = arith.constant 0 : i32
      %dma_start3A_271 = arith.constant 0 : i32
      %dma_start3A_272 = tpu.memref_slice %arg2[%dma_start3A_270, %dma_start3A_271] : memref<10240x128xf32, #tpu.memory_space<hbm>> -> memref<10240x128xf32, #tpu.memory_space<hbm>>
      tpu.enqueue_indirect_dma source(%dma_start3A_272 : memref<10240x128xf32, #tpu.memory_space<hbm>>) target(%arg21 : memref<32x128xf32, #tpu.memory_space<vmem>>) offsets(%arg13 : memref<32xi32, #tpu.memory_space<vmem>>) semaphore(%arg33 : memref<!tpu.dma_semaphore, #tpu.memory_space<semaphore_mem>>)
      %dma_wait3A_273 = arith.constant 0 : i32
      %dma_wait3A_274 = arith.constant 0 : i32
      %dma_wait3A_275 = tpu.memref_slice %arg2[%dma_wait3A_273, %dma_wait3A_274] : memref<10240x128xf32, #tpu.memory_space<hbm>> -> memref<10240x128xf32, #tpu.memory_space<hbm>>
      tpu.wait_indirect_dma semaphore(%arg32 : memref<!tpu.dma_semaphore, #tpu.memory_space<semaphore_mem>>) src(%dma_wait3A_275 : memref<10240x128xf32, #tpu.memory_space<hbm>>) dst(%arg20 : memref<32x128xf32, #tpu.memory_space<vmem>>)
      %get3A_276 = arith.constant 0 : index
      %get3A_277 = tpu.vector_load %arg12[%get3A_276] {strides = array<i32>} : memref<32xi32, #tpu.memory_space<vmem>>, vector<16xi32>,
      %get3A_278 = arith.constant 0 : index
      %get3A_279 = tpu.vector_load %arg16[%get3A_278] {strides = array<i32>} : memref<16xi32, #tpu.memory_space<vmem>>, vector<16xi32>,
      %gather3A_280 = tpu.vector_load_idx %arg22[%get3A_277] : memref<10240xf32, #tpu.memory_space<vmem>>[vector<16xi32>], vector<16xf32>,
      %broadcast_in_dim3A_281 = arith.constant 0.000000e+00 : f32
      %broadcast_in_dim3A_282 = vector.broadcast %broadcast_in_dim3A_281 : f32 to vector<16xf32>
      %scan3A_283 = arith.constant 0 : i32
      %scan3A_284 = arith.constant 16 : i32
      %scan3A_285 = arith.addi %scan3A_283, %scan3A_284 : i32
      %scan3A_286 = arith.constant 1 : i32
      %scan3A_287 = scf.for %scan3A_356 = %scan3A_283 to %scan3A_285 step %scan3A_286 iter_args(%scan3A_357 = %broadcast_in_dim3A_282) -> (vector<16xf32>)  : i32 {
        %add3A_358 = arith.constant 0 : i32
        %add3A_359 = arith.addi %add3A_358, %scan3A_356 : i32
        %get3A_360 = arith.index_cast %add3A_359 : i32 to index
        %get3A_361 = arith.constant 0 : index
        %get3A_362 = tpu.vector_load %arg20[%get3A_360, %get3A_361] {strides = array<i32>} : memref<32x128xf32, #tpu.memory_space<vmem>>, vector<16xf32>,
        %get3A_363 = arith.index_cast %add3A_359 : i32 to index
        %get3A_364 = arith.constant 16 : index
        %get3A_365 = tpu.vector_load %arg20[%get3A_363, %get3A_364] {strides = array<i32>} : memref<32x128xf32, #tpu.memory_space<vmem>>, vector<16xf32>,
        %get3A_366 = arith.index_cast %add3A_359 : i32 to index
        %get3A_367 = arith.constant 32 : index
        %get3A_368 = tpu.vector_load %arg20[%get3A_366, %get3A_367] {strides = array<i32>} : memref<32x128xf32, #tpu.memory_space<vmem>>, vector<16xf32>,
        %get3A_369 = arith.index_cast %add3A_359 : i32 to index
        %get3A_370 = arith.constant 48 : index
        %get3A_371 = tpu.vector_load %arg20[%get3A_369, %get3A_370] {strides = array<i32>} : memref<32x128xf32, #tpu.memory_space<vmem>>, vector<16xf32>,
        %get3A_372 = arith.index_cast %add3A_359 : i32 to index
        %get3A_373 = arith.constant 64 : index
        %get3A_374 = tpu.vector_load %arg20[%get3A_372, %get3A_373] {strides = array<i32>} : memref<32x128xf32, #tpu.memory_space<vmem>>, vector<16xf32>,
        %get3A_375 = arith.index_cast %add3A_359 : i32 to index
        %get3A_376 = arith.constant 80 : index
        %get3A_377 = tpu.vector_load %arg20[%get3A_375, %get3A_376] {strides = array<i32>} : memref<32x128xf32, #tpu.memory_space<vmem>>, vector<16xf32>,
        %get3A_378 = arith.index_cast %add3A_359 : i32 to index
        %get3A_379 = arith.constant 96 : index
        %get3A_380 = tpu.vector_load %arg20[%get3A_378, %get3A_379] {strides = array<i32>} : memref<32x128xf32, #tpu.memory_space<vmem>>, vector<16xf32>,
        %get3A_381 = arith.index_cast %add3A_359 : i32 to index
        %get3A_382 = arith.constant 112 : index
        %get3A_383 = tpu.vector_load %arg20[%get3A_381, %get3A_382] {strides = array<i32>} : memref<32x128xf32, #tpu.memory_space<vmem>>, vector<16xf32>,
        %add3A_384 = arith.constant 16 : i32
        %add3A_385 = arith.addi %add3A_384, %add3A_359 : i32
        %get3A_386 = arith.index_cast %add3A_385 : i32 to index
        %get3A_387 = arith.constant 0 : index
        %get3A_388 = tpu.vector_load %arg20[%get3A_386, %get3A_387] {strides = array<i32>} : memref<32x128xf32, #tpu.memory_space<vmem>>, vector<16xf32>,
        %mul3A_389 = arith.mulf %get3A_362, %get3A_388 : vector<16xf32>
        %add3A_390 = arith.constant 16 : i32
        %add3A_391 = arith.addi %add3A_390, %add3A_359 : i32
        %get3A_392 = arith.index_cast %add3A_391 : i32 to index
        %get3A_393 = arith.constant 16 : index
        %get3A_394 = tpu.vector_load %arg20[%get3A_392, %get3A_393] {strides = array<i32>} : memref<32x128xf32, #tpu.memory_space<vmem>>, vector<16xf32>,
        %mul3A_395 = arith.mulf %get3A_365, %get3A_394 : vector<16xf32>
        %add3A_396 = arith.addf %mul3A_389, %mul3A_395 : vector<16xf32>
        %add3A_397 = arith.constant 16 : i32
        %add3A_398 = arith.addi %add3A_397, %add3A_359 : i32
        %get3A_399 = arith.index_cast %add3A_398 : i32 to index
        %get3A_400 = arith.constant 32 : index
        %get3A_401 = tpu.vector_load %arg20[%get3A_399, %get3A_400] {strides = array<i32>} : memref<32x128xf32, #tpu.memory_space<vmem>>, vector<16xf32>,
        %mul3A_402 = arith.mulf %get3A_368, %get3A_401 : vector<16xf32>
        %add3A_403 = arith.addf %add3A_396, %mul3A_402 : vector<16xf32>
        %add3A_404 = arith.constant 16 : i32
        %add3A_405 = arith.addi %add3A_404, %add3A_359 : i32
        %get3A_406 = arith.index_cast %add3A_405 : i32 to index
        %get3A_407 = arith.constant 48 : index
        %get3A_408 = tpu.vector_load %arg20[%get3A_406, %get3A_407] {strides = array<i32>} : memref<32x128xf32, #tpu.memory_space<vmem>>, vector<16xf32>,
        %mul3A_409 = arith.mulf %get3A_371, %get3A_408 : vector<16xf32>
        %add3A_410 = arith.addf %add3A_403, %mul3A_409 : vector<16xf32>
        %add3A_411 = arith.constant 16 : i32
        %add3A_412 = arith.addi %add3A_411, %add3A_359 : i32
        %get3A_413 = arith.index_cast %add3A_412 : i32 to index
        %get3A_414 = arith.constant 64 : index
        %get3A_415 = tpu.vector_load %arg20[%get3A_413, %get3A_414] {strides = array<i32>} : memref<32x128xf32, #tpu.memory_space<vmem>>, vector<16xf32>,
        %mul3A_416 = arith.mulf %get3A_374, %get3A_415 : vector<16xf32>
        %add3A_417 = arith.addf %add3A_410, %mul3A_416 : vector<16xf32>
        %add3A_418 = arith.constant 16 : i32
        %add3A_419 = arith.addi %add3A_418, %add3A_359 : i32
        %get3A_420 = arith.index_cast %add3A_419 : i32 to index
        %get3A_421 = arith.constant 80 : index
        %get3A_422 = tpu.vector_load %arg20[%get3A_420, %get3A_421] {strides = array<i32>} : memref<32x128xf32, #tpu.memory_space<vmem>>, vector<16xf32>,
        %mul3A_423 = arith.mulf %get3A_377, %get3A_422 : vector<16xf32>
        %add3A_424 = arith.addf %add3A_417, %mul3A_423 : vector<16xf32>
        %add3A_425 = arith.constant 16 : i32
        %add3A_426 = arith.addi %add3A_425, %add3A_359 : i32
        %get3A_427 = arith.index_cast %add3A_426 : i32 to index
        %get3A_428 = arith.constant 96 : index
        %get3A_429 = tpu.vector_load %arg20[%get3A_427, %get3A_428] {strides = array<i32>} : memref<32x128xf32, #tpu.memory_space<vmem>>, vector<16xf32>,
        %mul3A_430 = arith.mulf %get3A_380, %get3A_429 : vector<16xf32>
        %add3A_431 = arith.addf %add3A_424, %mul3A_430 : vector<16xf32>
        %add3A_432 = arith.constant 16 : i32
        %add3A_433 = arith.addi %add3A_432, %add3A_359 : i32
        %get3A_434 = arith.index_cast %add3A_433 : i32 to index
        %get3A_435 = arith.constant 112 : index
        %get3A_436 = tpu.vector_load %arg20[%get3A_434, %get3A_435] {strides = array<i32>} : memref<32x128xf32, #tpu.memory_space<vmem>>, vector<16xf32>,
        %mul3A_437 = arith.mulf %get3A_383, %get3A_436 : vector<16xf32>
        %add3A_438 = arith.addf %add3A_431, %mul3A_437 : vector<16xf32>
        %xor3A = arith.constant 8 : i32
        %xor3A_439 = vector.broadcast %xor3A : i32 to vector<16xi32>
        %xor3A_440 = arith.xori %iota3A, %xor3A_439 : vector<16xi32>
        %broadcast_in_dim3A_441 = vector.shape_cast %xor3A_440 : vector<16xi32> to vector<16x1xi32>
        %gather3A_442 = vector.shape_cast %broadcast_in_dim3A_441 : vector<16x1xi32> to vector<16xi32>
        %gather3A_443 = tpu.dynamic_gather %add3A_438[%gather3A_442] in [0] : vector<16xf32>, vector<16xi32> -> vector<16xf32>
        %add3A_444 = arith.addf %add3A_438, %gather3A_443 : vector<16xf32>
        %xor3A_445 = arith.constant 4 : i32
        %xor3A_446 = vector.broadcast %xor3A_445 : i32 to vector<16xi32>
        %xor3A_447 = arith.xori %iota3A, %xor3A_446 : vector<16xi32>
        %broadcast_in_dim3A_448 = vector.shape_cast %xor3A_447 : vector<16xi32> to vector<16x1xi32>
        %gather3A_449 = vector.shape_cast %broadcast_in_dim3A_448 : vector<16x1xi32> to vector<16xi32>
        %gather3A_450 = tpu.dynamic_gather %add3A_444[%gather3A_449] in [0] : vector<16xf32>, vector<16xi32> -> vector<16xf32>
        %add3A_451 = arith.addf %add3A_444, %gather3A_450 : vector<16xf32>
        %xor3A_452 = arith.constant 2 : i32
        %xor3A_453 = vector.broadcast %xor3A_452 : i32 to vector<16xi32>
        %xor3A_454 = arith.xori %iota3A, %xor3A_453 : vector<16xi32>
        %broadcast_in_dim3A_455 = vector.shape_cast %xor3A_454 : vector<16xi32> to vector<16x1xi32>
        %gather3A_456 = vector.shape_cast %broadcast_in_dim3A_455 : vector<16x1xi32> to vector<16xi32>
        %gather3A_457 = tpu.dynamic_gather %add3A_451[%gather3A_456] in [0] : vector<16xf32>, vector<16xi32> -> vector<16xf32>
        %add3A_458 = arith.addf %add3A_451, %gather3A_457 : vector<16xf32>
        %xor3A_459 = arith.constant 1 : i32
        %xor3A_460 = vector.broadcast %xor3A_459 : i32 to vector<16xi32>
        %xor3A_461 = arith.xori %iota3A, %xor3A_460 : vector<16xi32>
        %broadcast_in_dim3A_462 = vector.shape_cast %xor3A_461 : vector<16xi32> to vector<16x1xi32>
        %gather3A_463 = vector.shape_cast %broadcast_in_dim3A_462 : vector<16x1xi32> to vector<16xi32>
        %gather3A_464 = tpu.dynamic_gather %add3A_458[%gather3A_463] in [0] : vector<16xf32>, vector<16xi32> -> vector<16xf32>
        %add3A_465 = arith.addf %add3A_458, %gather3A_464 : vector<16xf32>
        %mul3A_466 = arith.mulf %add3A_465, %get3A_10 : vector<16xf32>
        %sub3A = arith.constant 1.000000e+00 : f32
        %sub3A_467 = vector.broadcast %sub3A : f32 to vector<16xf32>
        %sub3A_468 = arith.subf %mul3A_466, %sub3A_467 : vector<16xf32>
        %exp3A = math.exp %sub3A_468 : vector<16xf32>
        %broadcast_in_dim3A_469 = vector.broadcast %scan3A_356 : i32 to vector<16xi32>
        %broadcast_in_dim3A_470 = vector.shape_cast %broadcast_in_dim3A_469 : vector<16xi32> to vector<16x1xi32>
        %gather3A_471 = vector.shape_cast %broadcast_in_dim3A_470 : vector<16x1xi32> to vector<16xi32>
        %gather3A_472 = tpu.dynamic_gather %gather3A_280[%gather3A_471] in [0] : vector<16xf32>, vector<16xi32> -> vector<16xf32>
        %mul3A_473 = arith.mulf %exp3A, %gather3A_472 : vector<16xf32>
        %mul3A_474 = arith.mulf %get3A_362, %mul3A_473 : vector<16xf32>
        %add3A_475 = arith.constant 16 : i32
        %add3A_476 = arith.addi %add3A_475, %add3A_359 : i32
        %swap3A = arith.index_cast %add3A_476 : i32 to index
        %swap3A_477 = arith.constant 0 : index
        %swap3A_478 = tpu.vector_load %arg20[%swap3A, %swap3A_477] {strides = array<i32>} : memref<32x128xf32, #tpu.memory_space<vmem>>, vector<16xf32>,
        tpu.vector_store %arg20[%swap3A, %swap3A_477], %mul3A_474 {strides = array<i32>} : memref<32x128xf32, #tpu.memory_space<vmem>>, vector<16xf32>,
        %mul3A_479 = arith.mulf %get3A_365, %mul3A_473 : vector<16xf32>
        %add3A_480 = arith.constant 16 : i32
        %add3A_481 = arith.addi %add3A_480, %add3A_359 : i32
        %swap3A_482 = arith.index_cast %add3A_481 : i32 to index
        %swap3A_483 = arith.constant 16 : index
        %swap3A_484 = tpu.vector_load %arg20[%swap3A_482, %swap3A_483] {strides = array<i32>} : memref<32x128xf32, #tpu.memory_space<vmem>>, vector<16xf32>,
        tpu.vector_store %arg20[%swap3A_482, %swap3A_483], %mul3A_479 {strides = array<i32>} : memref<32x128xf32, #tpu.memory_space<vmem>>, vector<16xf32>,
        %mul3A_485 = arith.mulf %get3A_368, %mul3A_473 : vector<16xf32>
        %add3A_486 = arith.constant 16 : i32
        %add3A_487 = arith.addi %add3A_486, %add3A_359 : i32
        %swap3A_488 = arith.index_cast %add3A_487 : i32 to index
        %swap3A_489 = arith.constant 32 : index
        %swap3A_490 = tpu.vector_load %arg20[%swap3A_488, %swap3A_489] {strides = array<i32>} : memref<32x128xf32, #tpu.memory_space<vmem>>, vector<16xf32>,
        tpu.vector_store %arg20[%swap3A_488, %swap3A_489], %mul3A_485 {strides = array<i32>} : memref<32x128xf32, #tpu.memory_space<vmem>>, vector<16xf32>,
        %mul3A_491 = arith.mulf %get3A_371, %mul3A_473 : vector<16xf32>
        %add3A_492 = arith.constant 16 : i32
        %add3A_493 = arith.addi %add3A_492, %add3A_359 : i32
        %swap3A_494 = arith.index_cast %add3A_493 : i32 to index
        %swap3A_495 = arith.constant 48 : index
        %swap3A_496 = tpu.vector_load %arg20[%swap3A_494, %swap3A_495] {strides = array<i32>} : memref<32x128xf32, #tpu.memory_space<vmem>>, vector<16xf32>,
        tpu.vector_store %arg20[%swap3A_494, %swap3A_495], %mul3A_491 {strides = array<i32>} : memref<32x128xf32, #tpu.memory_space<vmem>>, vector<16xf32>,
        %mul3A_497 = arith.mulf %get3A_374, %mul3A_473 : vector<16xf32>
        %add3A_498 = arith.constant 16 : i32
        %add3A_499 = arith.addi %add3A_498, %add3A_359 : i32
        %swap3A_500 = arith.index_cast %add3A_499 : i32 to index
        %swap3A_501 = arith.constant 64 : index
        %swap3A_502 = tpu.vector_load %arg20[%swap3A_500, %swap3A_501] {strides = array<i32>} : memref<32x128xf32, #tpu.memory_space<vmem>>, vector<16xf32>,
        tpu.vector_store %arg20[%swap3A_500, %swap3A_501], %mul3A_497 {strides = array<i32>} : memref<32x128xf32, #tpu.memory_space<vmem>>, vector<16xf32>,
        %mul3A_503 = arith.mulf %get3A_377, %mul3A_473 : vector<16xf32>
        %add3A_504 = arith.constant 16 : i32
        %add3A_505 = arith.addi %add3A_504, %add3A_359 : i32
        %swap3A_506 = arith.index_cast %add3A_505 : i32 to index
        %swap3A_507 = arith.constant 80 : index
        %swap3A_508 = tpu.vector_load %arg20[%swap3A_506, %swap3A_507] {strides = array<i32>} : memref<32x128xf32, #tpu.memory_space<vmem>>, vector<16xf32>,
        tpu.vector_store %arg20[%swap3A_506, %swap3A_507], %mul3A_503 {strides = array<i32>} : memref<32x128xf32, #tpu.memory_space<vmem>>, vector<16xf32>,
        %mul3A_509 = arith.mulf %get3A_380, %mul3A_473 : vector<16xf32>
        %add3A_510 = arith.constant 16 : i32
        %add3A_511 = arith.addi %add3A_510, %add3A_359 : i32
        %swap3A_512 = arith.index_cast %add3A_511 : i32 to index
        %swap3A_513 = arith.constant 96 : index
        %swap3A_514 = tpu.vector_load %arg20[%swap3A_512, %swap3A_513] {strides = array<i32>} : memref<32x128xf32, #tpu.memory_space<vmem>>, vector<16xf32>,
        tpu.vector_store %arg20[%swap3A_512, %swap3A_513], %mul3A_509 {strides = array<i32>} : memref<32x128xf32, #tpu.memory_space<vmem>>, vector<16xf32>,
        %mul3A_515 = arith.mulf %get3A_383, %mul3A_473 : vector<16xf32>
        %add3A_516 = arith.constant 16 : i32
        %add3A_517 = arith.addi %add3A_516, %add3A_359 : i32
        %swap3A_518 = arith.index_cast %add3A_517 : i32 to index
        %swap3A_519 = arith.constant 112 : index
        %swap3A_520 = tpu.vector_load %arg20[%swap3A_518, %swap3A_519] {strides = array<i32>} : memref<32x128xf32, #tpu.memory_space<vmem>>, vector<16xf32>,
        tpu.vector_store %arg20[%swap3A_518, %swap3A_519], %mul3A_515 {strides = array<i32>} : memref<32x128xf32, #tpu.memory_space<vmem>>, vector<16xf32>,
        %eq3A = vector.broadcast %scan3A_356 : i32 to vector<16xi32>
        %eq3A_521 = arith.cmpi eq, %iota3A, %eq3A : vector<16xi32>
        %select_n3A = arith.select %eq3A_521, %exp3A, %scan3A_357 : vector<16xi1>, vector<16xf32>
        scf.yield %select_n3A : vector<16xf32>
      }
      %scan3A_288 = arith.constant 16 : i32
      tpu.vector_store_idx %arg23[%get3A_279], %scan3A_287 {add = true} : memref<10240xf32, #tpu.memory_space<vmem>>[vector<16xi32>], vector<16xf32>,
      %dma_start3A_289 = arith.constant 16 : i32
      %dma_start3A_290 = arith.constant 0 : i32
      %dma_start3A_291 = tpu.memref_slice %arg20[%dma_start3A_289, %dma_start3A_290] : memref<32x128xf32, #tpu.memory_space<vmem>> -> memref<16x128xf32, #tpu.memory_space<vmem>>
      %dma_start3A_292 = arith.constant 0 : i32
      %dma_start3A_293 = arith.constant 0 : i32
      %dma_start3A_294 = tpu.memref_slice %arg25[%dma_start3A_292, %dma_start3A_293] : memref<10240x128xf32, #tpu.memory_space<vmem_shared>> -> memref<10240x128xf32, #tpu.memory_space<vmem_shared>>
      tpu.enqueue_indirect_dma source(%dma_start3A_291 : memref<16x128xf32, #tpu.memory_space<vmem>>) target(%dma_start3A_294 : memref<10240x128xf32, #tpu.memory_space<vmem_shared>>) offsets(%arg16 : memref<16xi32, #tpu.memory_space<vmem>>) semaphore(%arg36 : memref<!tpu.dma_semaphore, #tpu.memory_space<semaphore_mem>>) {add = true}
      %mul3A_295 = arith.constant 4 : i32
      %mul3A_296 = arith.muli %mul3A_295, %scan3A_115 : i32
      %add3A_297 = arith.constant 3 : i32
      %add3A_298 = arith.addi %mul3A_296, %add3A_297 : i32
      %ge3A_299 = arith.constant 2 : i32
      %ge3A_300 = arith.cmpi sge, %add3A_298, %ge3A_299 : i32
      %convert_element_type3A_301 = arith.extui %ge3A_300 : i1 to i32
      %cond3A_302 = arith.constant 0 : i32
      %cond3A_303 = arith.cmpi ne, %convert_element_type3A_301, %cond3A_302 : i32
      scf.if %cond3A_303 {
        %dma_wait3A_356 = arith.constant 16 : i32
        %dma_wait3A_357 = arith.constant 0 : i32
        %dma_wait3A_358 = tpu.memref_slice %arg19[%dma_wait3A_356, %dma_wait3A_357] : memref<32x128xf32, #tpu.memory_space<vmem>> -> memref<16x128xf32, #tpu.memory_space<vmem>>
        %dma_wait3A_359 = arith.constant 0 : i32
        %dma_wait3A_360 = arith.constant 0 : i32
        %dma_wait3A_361 = tpu.memref_slice %arg25[%dma_wait3A_359, %dma_wait3A_360] : memref<10240x128xf32, #tpu.memory_space<vmem_shared>> -> memref<10240x128xf32, #tpu.memory_space<vmem_shared>>
        tpu.wait_indirect_dma semaphore(%arg35 : memref<!tpu.dma_semaphore, #tpu.memory_space<semaphore_mem>>) src(%dma_wait3A_358 : memref<16x128xf32, #tpu.memory_space<vmem>>) dst(%dma_wait3A_361 : memref<10240x128xf32, #tpu.memory_space<vmem_shared>>)
      } else {
      }
      %add3A_304 = arith.constant 2 : i32
      %add3A_305 = arith.addi %add3A_298, %add3A_304 : i32
      %lt3A_306 = arith.constant 625 : i32
      %lt3A_307 = arith.cmpi slt, %add3A_305, %lt3A_306 : i32
      %convert_element_type3A_308 = arith.extui %lt3A_307 : i1 to i32
      %cond3A_309 = arith.constant 0 : i32
      %cond3A_310 = arith.cmpi ne, %convert_element_type3A_308, %cond3A_309 : i32
      scf.if %cond3A_310 {
        %add3A_356 = arith.constant 2 : i32
        %add3A_357 = arith.addi %add3A_298, %add3A_356 : i32
        %mul3A_358 = arith.constant 16 : i32
        %mul3A_359 = arith.muli %add3A_357, %mul3A_358 : i32
        %add3A_360 = arith.addi %mul3A_2, %mul3A_359 : i32
        %dma_start3A_361 = arith.constant 0 : i32
        %dma_start3A_362 = tpu.memref_slice %arg11[%dma_start3A_361] : memref<32xi32, #tpu.memory_space<vmem>> -> memref<16xi32, #tpu.memory_space<vmem>>
        %dma_start3A_363 = tpu.memref_slice %arg5[%add3A_360] : memref<320000xi32, #tpu.memory_space<hbm>> -> memref<16xi32, #tpu.memory_space<hbm>>
        %dma_start3A_364 = arith.constant 0 : i32
        %dma_start3A_365 = tpu.memref_slice %arg11[%dma_start3A_364] : memref<32xi32, #tpu.memory_space<vmem>> -> memref<16xi32, #tpu.memory_space<vmem>>
        %dma_start3A_366 = tpu.memref_slice %arg5[%add3A_360] : memref<320000xi32, #tpu.memory_space<hbm>> -> memref<16xi32, #tpu.memory_space<hbm>>
        tpu.enqueue_dma source(%dma_start3A_366 : memref<16xi32, #tpu.memory_space<hbm>>) target(%dma_start3A_365 : memref<16xi32, #tpu.memory_space<vmem>>) target_semaphore(%arg27 : memref<!tpu.dma_semaphore, #tpu.memory_space<semaphore_mem>>)
        %dma_start3A_367 = arith.constant 16 : i32
        %dma_start3A_368 = tpu.memref_slice %arg11[%dma_start3A_367] : memref<32xi32, #tpu.memory_space<vmem>> -> memref<16xi32, #tpu.memory_space<vmem>>
        %dma_start3A_369 = tpu.memref_slice %arg6[%add3A_360] : memref<320000xi32, #tpu.memory_space<hbm>> -> memref<16xi32, #tpu.memory_space<hbm>>
        %dma_start3A_370 = arith.constant 16 : i32
        %dma_start3A_371 = tpu.memref_slice %arg11[%dma_start3A_370] : memref<32xi32, #tpu.memory_space<vmem>> -> memref<16xi32, #tpu.memory_space<vmem>>
        %dma_start3A_372 = tpu.memref_slice %arg6[%add3A_360] : memref<320000xi32, #tpu.memory_space<hbm>> -> memref<16xi32, #tpu.memory_space<hbm>>
        tpu.enqueue_dma source(%dma_start3A_372 : memref<16xi32, #tpu.memory_space<hbm>>) target(%dma_start3A_371 : memref<16xi32, #tpu.memory_space<vmem>>) target_semaphore(%arg27 : memref<!tpu.dma_semaphore, #tpu.memory_space<semaphore_mem>>)
        %dma_start3A_373 = tpu.memref_slice %arg6[%add3A_360] : memref<320000xi32, #tpu.memory_space<hbm>> -> memref<16xi32, #tpu.memory_space<hbm>>
        %dma_start3A_374 = tpu.memref_slice %arg6[%add3A_360] : memref<320000xi32, #tpu.memory_space<hbm>> -> memref<16xi32, #tpu.memory_space<hbm>>
        tpu.enqueue_dma source(%dma_start3A_374 : memref<16xi32, #tpu.memory_space<hbm>>) target(%arg15 : memref<16xi32, #tpu.memory_space<vmem>>) target_semaphore(%arg27 : memref<!tpu.dma_semaphore, #tpu.memory_space<semaphore_mem>>)
      } else {
      }
      %dma_wait3A_311 = arith.constant 0 : i32
      %dma_wait3A_312 = tpu.memref_slice %arg10[%dma_wait3A_311] : memref<32xi32, #tpu.memory_space<vmem>> -> memref<16xi32, #tpu.memory_space<vmem>>
      %dma_wait3A_313 = arith.constant 0 : i32
      %dma_wait3A_314 = tpu.memref_slice %arg5[%dma_wait3A_313] : memref<320000xi32, #tpu.memory_space<hbm>> -> memref<16xi32, #tpu.memory_space<hbm>>
      %dma_wait3A_315 = arith.constant 0 : i32
      %dma_wait3A_316 = tpu.memref_slice %arg10[%dma_wait3A_315] : memref<32xi32, #tpu.memory_space<vmem>> -> memref<16xi32, #tpu.memory_space<vmem>>
      %dma_wait3A_317 = arith.constant 0 : i32
      %dma_wait3A_318 = tpu.memref_slice %arg5[%dma_wait3A_317] : memref<320000xi32, #tpu.memory_space<hbm>> -> memref<16xi32, #tpu.memory_space<hbm>>
      tpu.wait_dma2 semaphore(%arg26 : memref<!tpu.dma_semaphore, #tpu.memory_space<semaphore_mem>>) src(%dma_wait3A_318 : memref<16xi32, #tpu.memory_space<hbm>>) dst(%dma_wait3A_316 : memref<16xi32, #tpu.memory_space<vmem>>)
      %dma_wait3A_319 = arith.constant 16 : i32
      %dma_wait3A_320 = tpu.memref_slice %arg10[%dma_wait3A_319] : memref<32xi32, #tpu.memory_space<vmem>> -> memref<16xi32, #tpu.memory_space<vmem>>
      %dma_wait3A_321 = arith.constant 0 : i32
      %dma_wait3A_322 = tpu.memref_slice %arg6[%dma_wait3A_321] : memref<320000xi32, #tpu.memory_space<hbm>> -> memref<16xi32, #tpu.memory_space<hbm>>
      %dma_wait3A_323 = arith.constant 16 : i32
      %dma_wait3A_324 = tpu.memref_slice %arg10[%dma_wait3A_323] : memref<32xi32, #tpu.memory_space<vmem>> -> memref<16xi32, #tpu.memory_space<vmem>>
      %dma_wait3A_325 = arith.constant 0 : i32
      %dma_wait3A_326 = tpu.memref_slice %arg6[%dma_wait3A_325] : memref<320000xi32, #tpu.memory_space<hbm>> -> memref<16xi32, #tpu.memory_space<hbm>>
      tpu.wait_dma2 semaphore(%arg26 : memref<!tpu.dma_semaphore, #tpu.memory_space<semaphore_mem>>) src(%dma_wait3A_326 : memref<16xi32, #tpu.memory_space<hbm>>) dst(%dma_wait3A_324 : memref<16xi32, #tpu.memory_space<vmem>>)
      %dma_wait3A_327 = arith.constant 0 : i32
      %dma_wait3A_328 = tpu.memref_slice %arg6[%dma_wait3A_327] : memref<320000xi32, #tpu.memory_space<hbm>> -> memref<16xi32, #tpu.memory_space<hbm>>
      %dma_wait3A_329 = arith.constant 0 : i32
      %dma_wait3A_330 = tpu.memref_slice %arg6[%dma_wait3A_329] : memref<320000xi32, #tpu.memory_space<hbm>> -> memref<16xi32, #tpu.memory_space<hbm>>
      tpu.wait_dma2 semaphore(%arg26 : memref<!tpu.dma_semaphore, #tpu.memory_space<semaphore_mem>>) src(%dma_wait3A_330 : memref<16xi32, #tpu.memory_space<hbm>>) dst(%arg14 : memref<16xi32, #tpu.memory_space<vmem>>)
      %dma_start3A_331 = arith.constant 0 : i32
      %dma_start3A_332 = arith.constant 0 : i32
      %dma_start3A_333 = tpu.memref_slice %arg2[%dma_start3A_331, %dma_start3A_332] : memref<10240x128xf32, #tpu.memory_space<hbm>> -> memref<10240x128xf32, #tpu.memory_space<hbm>>
      tpu.enqueue_indirect_dma source(%dma_start3A_333 : memref<10240x128xf32, #tpu.memory_space<hbm>>) target(%arg18 : memref<32x128xf32, #tpu.memory_space<vmem>>) offsets(%arg10 : memref<32xi32, #tpu.memory_space<vmem>>) semaphore(%arg30 : memref<!tpu.dma_semaphore, #tpu.memory_space<semaphore_mem>>)
      %dma_wait3A_334 = arith.constant 0 : i32
      %dma_wait3A_335 = arith.constant 0 : i32
      %dma_wait3A_336 = tpu.memref_slice %arg2[%dma_wait3A_334, %dma_wait3A_335] : memref<10240x128xf32, #tpu.memory_space<hbm>> -> memref<10240x128xf32, #tpu.memory_space<hbm>>
      tpu.wait_indirect_dma semaphore(%arg33 : memref<!tpu.dma_semaphore, #tpu.memory_space<semaphore_mem>>) src(%dma_wait3A_336 : memref<10240x128xf32, #tpu.memory_space<hbm>>) dst(%arg21 : memref<32x128xf32, #tpu.memory_space<vmem>>)
      %get3A_337 = arith.constant 0 : index
      %get3A_338 = tpu.vector_load %arg13[%get3A_337] {strides = array<i32>} : memref<32xi32, #tpu.memory_space<vmem>>, vector<16xi32>,
      %get3A_339 = arith.constant 0 : index
      %get3A_340 = tpu.vector_load %arg17[%get3A_339] {strides = array<i32>} : memref<16xi32, #tpu.memory_space<vmem>>, vector<16xi32>,
      %gather3A_341 = tpu.vector_load_idx %arg22[%get3A_338] : memref<10240xf32, #tpu.memory_space<vmem>>[vector<16xi32>], vector<16xf32>,
      %broadcast_in_dim3A_342 = arith.constant 0.000000e+00 : f32
      %broadcast_in_dim3A_343 = vector.broadcast %broadcast_in_dim3A_342 : f32 to vector<16xf32>
      %scan3A_344 = arith.constant 0 : i32
      %scan3A_345 = arith.constant 16 : i32
      %scan3A_346 = arith.addi %scan3A_344, %scan3A_345 : i32
      %scan3A_347 = arith.constant 1 : i32
      %scan3A_348 = scf.for %scan3A_356 = %scan3A_344 to %scan3A_346 step %scan3A_347 iter_args(%scan3A_357 = %broadcast_in_dim3A_343) -> (vector<16xf32>)  : i32 {
        %add3A_358 = arith.constant 0 : i32
        %add3A_359 = arith.addi %add3A_358, %scan3A_356 : i32
        %get3A_360 = arith.index_cast %add3A_359 : i32 to index
        %get3A_361 = arith.constant 0 : index
        %get3A_362 = tpu.vector_load %arg21[%get3A_360, %get3A_361] {strides = array<i32>} : memref<32x128xf32, #tpu.memory_space<vmem>>, vector<16xf32>,
        %get3A_363 = arith.index_cast %add3A_359 : i32 to index
        %get3A_364 = arith.constant 16 : index
        %get3A_365 = tpu.vector_load %arg21[%get3A_363, %get3A_364] {strides = array<i32>} : memref<32x128xf32, #tpu.memory_space<vmem>>, vector<16xf32>,
        %get3A_366 = arith.index_cast %add3A_359 : i32 to index
        %get3A_367 = arith.constant 32 : index
        %get3A_368 = tpu.vector_load %arg21[%get3A_366, %get3A_367] {strides = array<i32>} : memref<32x128xf32, #tpu.memory_space<vmem>>, vector<16xf32>,
        %get3A_369 = arith.index_cast %add3A_359 : i32 to index
        %get3A_370 = arith.constant 48 : index
        %get3A_371 = tpu.vector_load %arg21[%get3A_369, %get3A_370] {strides = array<i32>} : memref<32x128xf32, #tpu.memory_space<vmem>>, vector<16xf32>,
        %get3A_372 = arith.index_cast %add3A_359 : i32 to index
        %get3A_373 = arith.constant 64 : index
        %get3A_374 = tpu.vector_load %arg21[%get3A_372, %get3A_373] {strides = array<i32>} : memref<32x128xf32, #tpu.memory_space<vmem>>, vector<16xf32>,
        %get3A_375 = arith.index_cast %add3A_359 : i32 to index
        %get3A_376 = arith.constant 80 : index
        %get3A_377 = tpu.vector_load %arg21[%get3A_375, %get3A_376] {strides = array<i32>} : memref<32x128xf32, #tpu.memory_space<vmem>>, vector<16xf32>,
        %get3A_378 = arith.index_cast %add3A_359 : i32 to index
        %get3A_379 = arith.constant 96 : index
        %get3A_380 = tpu.vector_load %arg21[%get3A_378, %get3A_379] {strides = array<i32>} : memref<32x128xf32, #tpu.memory_space<vmem>>, vector<16xf32>,
        %get3A_381 = arith.index_cast %add3A_359 : i32 to index
        %get3A_382 = arith.constant 112 : index
        %get3A_383 = tpu.vector_load %arg21[%get3A_381, %get3A_382] {strides = array<i32>} : memref<32x128xf32, #tpu.memory_space<vmem>>, vector<16xf32>,
        %add3A_384 = arith.constant 16 : i32
        %add3A_385 = arith.addi %add3A_384, %add3A_359 : i32
        %get3A_386 = arith.index_cast %add3A_385 : i32 to index
        %get3A_387 = arith.constant 0 : index
        %get3A_388 = tpu.vector_load %arg21[%get3A_386, %get3A_387] {strides = array<i32>} : memref<32x128xf32, #tpu.memory_space<vmem>>, vector<16xf32>,
        %mul3A_389 = arith.mulf %get3A_362, %get3A_388 : vector<16xf32>
        %add3A_390 = arith.constant 16 : i32
        %add3A_391 = arith.addi %add3A_390, %add3A_359 : i32
        %get3A_392 = arith.index_cast %add3A_391 : i32 to index
        %get3A_393 = arith.constant 16 : index
        %get3A_394 = tpu.vector_load %arg21[%get3A_392, %get3A_393] {strides = array<i32>} : memref<32x128xf32, #tpu.memory_space<vmem>>, vector<16xf32>,
        %mul3A_395 = arith.mulf %get3A_365, %get3A_394 : vector<16xf32>
        %add3A_396 = arith.addf %mul3A_389, %mul3A_395 : vector<16xf32>
        %add3A_397 = arith.constant 16 : i32
        %add3A_398 = arith.addi %add3A_397, %add3A_359 : i32
        %get3A_399 = arith.index_cast %add3A_398 : i32 to index
        %get3A_400 = arith.constant 32 : index
        %get3A_401 = tpu.vector_load %arg21[%get3A_399, %get3A_400] {strides = array<i32>} : memref<32x128xf32, #tpu.memory_space<vmem>>, vector<16xf32>,
        %mul3A_402 = arith.mulf %get3A_368, %get3A_401 : vector<16xf32>
        %add3A_403 = arith.addf %add3A_396, %mul3A_402 : vector<16xf32>
        %add3A_404 = arith.constant 16 : i32
        %add3A_405 = arith.addi %add3A_404, %add3A_359 : i32
        %get3A_406 = arith.index_cast %add3A_405 : i32 to index
        %get3A_407 = arith.constant 48 : index
        %get3A_408 = tpu.vector_load %arg21[%get3A_406, %get3A_407] {strides = array<i32>} : memref<32x128xf32, #tpu.memory_space<vmem>>, vector<16xf32>,
        %mul3A_409 = arith.mulf %get3A_371, %get3A_408 : vector<16xf32>
        %add3A_410 = arith.addf %add3A_403, %mul3A_409 : vector<16xf32>
        %add3A_411 = arith.constant 16 : i32
        %add3A_412 = arith.addi %add3A_411, %add3A_359 : i32
        %get3A_413 = arith.index_cast %add3A_412 : i32 to index
        %get3A_414 = arith.constant 64 : index
        %get3A_415 = tpu.vector_load %arg21[%get3A_413, %get3A_414] {strides = array<i32>} : memref<32x128xf32, #tpu.memory_space<vmem>>, vector<16xf32>,
        %mul3A_416 = arith.mulf %get3A_374, %get3A_415 : vector<16xf32>
        %add3A_417 = arith.addf %add3A_410, %mul3A_416 : vector<16xf32>
        %add3A_418 = arith.constant 16 : i32
        %add3A_419 = arith.addi %add3A_418, %add3A_359 : i32
        %get3A_420 = arith.index_cast %add3A_419 : i32 to index
        %get3A_421 = arith.constant 80 : index
        %get3A_422 = tpu.vector_load %arg21[%get3A_420, %get3A_421] {strides = array<i32>} : memref<32x128xf32, #tpu.memory_space<vmem>>, vector<16xf32>,
        %mul3A_423 = arith.mulf %get3A_377, %get3A_422 : vector<16xf32>
        %add3A_424 = arith.addf %add3A_417, %mul3A_423 : vector<16xf32>
        %add3A_425 = arith.constant 16 : i32
        %add3A_426 = arith.addi %add3A_425, %add3A_359 : i32
        %get3A_427 = arith.index_cast %add3A_426 : i32 to index
        %get3A_428 = arith.constant 96 : index
        %get3A_429 = tpu.vector_load %arg21[%get3A_427, %get3A_428] {strides = array<i32>} : memref<32x128xf32, #tpu.memory_space<vmem>>, vector<16xf32>,
        %mul3A_430 = arith.mulf %get3A_380, %get3A_429 : vector<16xf32>
        %add3A_431 = arith.addf %add3A_424, %mul3A_430 : vector<16xf32>
        %add3A_432 = arith.constant 16 : i32
        %add3A_433 = arith.addi %add3A_432, %add3A_359 : i32
        %get3A_434 = arith.index_cast %add3A_433 : i32 to index
        %get3A_435 = arith.constant 112 : index
        %get3A_436 = tpu.vector_load %arg21[%get3A_434, %get3A_435] {strides = array<i32>} : memref<32x128xf32, #tpu.memory_space<vmem>>, vector<16xf32>,
        %mul3A_437 = arith.mulf %get3A_383, %get3A_436 : vector<16xf32>
        %add3A_438 = arith.addf %add3A_431, %mul3A_437 : vector<16xf32>
        %xor3A = arith.constant 8 : i32
        %xor3A_439 = vector.broadcast %xor3A : i32 to vector<16xi32>
        %xor3A_440 = arith.xori %iota3A, %xor3A_439 : vector<16xi32>
        %broadcast_in_dim3A_441 = vector.shape_cast %xor3A_440 : vector<16xi32> to vector<16x1xi32>
        %gather3A_442 = vector.shape_cast %broadcast_in_dim3A_441 : vector<16x1xi32> to vector<16xi32>
        %gather3A_443 = tpu.dynamic_gather %add3A_438[%gather3A_442] in [0] : vector<16xf32>, vector<16xi32> -> vector<16xf32>
        %add3A_444 = arith.addf %add3A_438, %gather3A_443 : vector<16xf32>
        %xor3A_445 = arith.constant 4 : i32
        %xor3A_446 = vector.broadcast %xor3A_445 : i32 to vector<16xi32>
        %xor3A_447 = arith.xori %iota3A, %xor3A_446 : vector<16xi32>
        %broadcast_in_dim3A_448 = vector.shape_cast %xor3A_447 : vector<16xi32> to vector<16x1xi32>
        %gather3A_449 = vector.shape_cast %broadcast_in_dim3A_448 : vector<16x1xi32> to vector<16xi32>
        %gather3A_450 = tpu.dynamic_gather %add3A_444[%gather3A_449] in [0] : vector<16xf32>, vector<16xi32> -> vector<16xf32>
        %add3A_451 = arith.addf %add3A_444, %gather3A_450 : vector<16xf32>
        %xor3A_452 = arith.constant 2 : i32
        %xor3A_453 = vector.broadcast %xor3A_452 : i32 to vector<16xi32>
        %xor3A_454 = arith.xori %iota3A, %xor3A_453 : vector<16xi32>
        %broadcast_in_dim3A_455 = vector.shape_cast %xor3A_454 : vector<16xi32> to vector<16x1xi32>
        %gather3A_456 = vector.shape_cast %broadcast_in_dim3A_455 : vector<16x1xi32> to vector<16xi32>
        %gather3A_457 = tpu.dynamic_gather %add3A_451[%gather3A_456] in [0] : vector<16xf32>, vector<16xi32> -> vector<16xf32>
        %add3A_458 = arith.addf %add3A_451, %gather3A_457 : vector<16xf32>
        %xor3A_459 = arith.constant 1 : i32
        %xor3A_460 = vector.broadcast %xor3A_459 : i32 to vector<16xi32>
        %xor3A_461 = arith.xori %iota3A, %xor3A_460 : vector<16xi32>
        %broadcast_in_dim3A_462 = vector.shape_cast %xor3A_461 : vector<16xi32> to vector<16x1xi32>
        %gather3A_463 = vector.shape_cast %broadcast_in_dim3A_462 : vector<16x1xi32> to vector<16xi32>
        %gather3A_464 = tpu.dynamic_gather %add3A_458[%gather3A_463] in [0] : vector<16xf32>, vector<16xi32> -> vector<16xf32>
        %add3A_465 = arith.addf %add3A_458, %gather3A_464 : vector<16xf32>
        %mul3A_466 = arith.mulf %add3A_465, %get3A_10 : vector<16xf32>
        %sub3A = arith.constant 1.000000e+00 : f32
        %sub3A_467 = vector.broadcast %sub3A : f32 to vector<16xf32>
        %sub3A_468 = arith.subf %mul3A_466, %sub3A_467 : vector<16xf32>
        %exp3A = math.exp %sub3A_468 : vector<16xf32>
        %broadcast_in_dim3A_469 = vector.broadcast %scan3A_356 : i32 to vector<16xi32>
        %broadcast_in_dim3A_470 = vector.shape_cast %broadcast_in_dim3A_469 : vector<16xi32> to vector<16x1xi32>
        %gather3A_471 = vector.shape_cast %broadcast_in_dim3A_470 : vector<16x1xi32> to vector<16xi32>
        %gather3A_472 = tpu.dynamic_gather %gather3A_341[%gather3A_471] in [0] : vector<16xf32>, vector<16xi32> -> vector<16xf32>
        %mul3A_473 = arith.mulf %exp3A, %gather3A_472 : vector<16xf32>
        %mul3A_474 = arith.mulf %get3A_362, %mul3A_473 : vector<16xf32>
        %add3A_475 = arith.constant 16 : i32
        %add3A_476 = arith.addi %add3A_475, %add3A_359 : i32
        %swap3A = arith.index_cast %add3A_476 : i32 to index
        %swap3A_477 = arith.constant 0 : index
        %swap3A_478 = tpu.vector_load %arg21[%swap3A, %swap3A_477] {strides = array<i32>} : memref<32x128xf32, #tpu.memory_space<vmem>>, vector<16xf32>,
        tpu.vector_store %arg21[%swap3A, %swap3A_477], %mul3A_474 {strides = array<i32>} : memref<32x128xf32, #tpu.memory_space<vmem>>, vector<16xf32>,
        %mul3A_479 = arith.mulf %get3A_365, %mul3A_473 : vector<16xf32>
        %add3A_480 = arith.constant 16 : i32
        %add3A_481 = arith.addi %add3A_480, %add3A_359 : i32
        %swap3A_482 = arith.index_cast %add3A_481 : i32 to index
        %swap3A_483 = arith.constant 16 : index
        %swap3A_484 = tpu.vector_load %arg21[%swap3A_482, %swap3A_483] {strides = array<i32>} : memref<32x128xf32, #tpu.memory_space<vmem>>, vector<16xf32>,
        tpu.vector_store %arg21[%swap3A_482, %swap3A_483], %mul3A_479 {strides = array<i32>} : memref<32x128xf32, #tpu.memory_space<vmem>>, vector<16xf32>,
        %mul3A_485 = arith.mulf %get3A_368, %mul3A_473 : vector<16xf32>
        %add3A_486 = arith.constant 16 : i32
        %add3A_487 = arith.addi %add3A_486, %add3A_359 : i32
        %swap3A_488 = arith.index_cast %add3A_487 : i32 to index
        %swap3A_489 = arith.constant 32 : index
        %swap3A_490 = tpu.vector_load %arg21[%swap3A_488, %swap3A_489] {strides = array<i32>} : memref<32x128xf32, #tpu.memory_space<vmem>>, vector<16xf32>,
        tpu.vector_store %arg21[%swap3A_488, %swap3A_489], %mul3A_485 {strides = array<i32>} : memref<32x128xf32, #tpu.memory_space<vmem>>, vector<16xf32>,
        %mul3A_491 = arith.mulf %get3A_371, %mul3A_473 : vector<16xf32>
        %add3A_492 = arith.constant 16 : i32
        %add3A_493 = arith.addi %add3A_492, %add3A_359 : i32
        %swap3A_494 = arith.index_cast %add3A_493 : i32 to index
        %swap3A_495 = arith.constant 48 : index
        %swap3A_496 = tpu.vector_load %arg21[%swap3A_494, %swap3A_495] {strides = array<i32>} : memref<32x128xf32, #tpu.memory_space<vmem>>, vector<16xf32>,
        tpu.vector_store %arg21[%swap3A_494, %swap3A_495], %mul3A_491 {strides = array<i32>} : memref<32x128xf32, #tpu.memory_space<vmem>>, vector<16xf32>,
        %mul3A_497 = arith.mulf %get3A_374, %mul3A_473 : vector<16xf32>
        %add3A_498 = arith.constant 16 : i32
        %add3A_499 = arith.addi %add3A_498, %add3A_359 : i32
        %swap3A_500 = arith.index_cast %add3A_499 : i32 to index
        %swap3A_501 = arith.constant 64 : index
        %swap3A_502 = tpu.vector_load %arg21[%swap3A_500, %swap3A_501] {strides = array<i32>} : memref<32x128xf32, #tpu.memory_space<vmem>>, vector<16xf32>,
        tpu.vector_store %arg21[%swap3A_500, %swap3A_501], %mul3A_497 {strides = array<i32>} : memref<32x128xf32, #tpu.memory_space<vmem>>, vector<16xf32>,
        %mul3A_503 = arith.mulf %get3A_377, %mul3A_473 : vector<16xf32>
        %add3A_504 = arith.constant 16 : i32
        %add3A_505 = arith.addi %add3A_504, %add3A_359 : i32
        %swap3A_506 = arith.index_cast %add3A_505 : i32 to index
        %swap3A_507 = arith.constant 80 : index
        %swap3A_508 = tpu.vector_load %arg21[%swap3A_506, %swap3A_507] {strides = array<i32>} : memref<32x128xf32, #tpu.memory_space<vmem>>, vector<16xf32>,
        tpu.vector_store %arg21[%swap3A_506, %swap3A_507], %mul3A_503 {strides = array<i32>} : memref<32x128xf32, #tpu.memory_space<vmem>>, vector<16xf32>,
        %mul3A_509 = arith.mulf %get3A_380, %mul3A_473 : vector<16xf32>
        %add3A_510 = arith.constant 16 : i32
        %add3A_511 = arith.addi %add3A_510, %add3A_359 : i32
        %swap3A_512 = arith.index_cast %add3A_511 : i32 to index
        %swap3A_513 = arith.constant 96 : index
        %swap3A_514 = tpu.vector_load %arg21[%swap3A_512, %swap3A_513] {strides = array<i32>} : memref<32x128xf32, #tpu.memory_space<vmem>>, vector<16xf32>,
        tpu.vector_store %arg21[%swap3A_512, %swap3A_513], %mul3A_509 {strides = array<i32>} : memref<32x128xf32, #tpu.memory_space<vmem>>, vector<16xf32>,
        %mul3A_515 = arith.mulf %get3A_383, %mul3A_473 : vector<16xf32>
        %add3A_516 = arith.constant 16 : i32
        %add3A_517 = arith.addi %add3A_516, %add3A_359 : i32
        %swap3A_518 = arith.index_cast %add3A_517 : i32 to index
        %swap3A_519 = arith.constant 112 : index
        %swap3A_520 = tpu.vector_load %arg21[%swap3A_518, %swap3A_519] {strides = array<i32>} : memref<32x128xf32, #tpu.memory_space<vmem>>, vector<16xf32>,
        tpu.vector_store %arg21[%swap3A_518, %swap3A_519], %mul3A_515 {strides = array<i32>} : memref<32x128xf32, #tpu.memory_space<vmem>>, vector<16xf32>,
        %eq3A = vector.broadcast %scan3A_356 : i32 to vector<16xi32>
        %eq3A_521 = arith.cmpi eq, %iota3A, %eq3A : vector<16xi32>
        %select_n3A = arith.select %eq3A_521, %exp3A, %scan3A_357 : vector<16xi1>, vector<16xf32>
        scf.yield %select_n3A : vector<16xf32>
      }
      %scan3A_349 = arith.constant 16 : i32
      tpu.vector_store_idx %arg23[%get3A_340], %scan3A_348 {add = true} : memref<10240xf32, #tpu.memory_space<vmem>>[vector<16xi32>], vector<16xf32>,
      %dma_start3A_350 = arith.constant 16 : i32
      %dma_start3A_351 = arith.constant 0 : i32
      %dma_start3A_352 = tpu.memref_slice %arg21[%dma_start3A_350, %dma_start3A_351] : memref<32x128xf32, #tpu.memory_space<vmem>> -> memref<16x128xf32, #tpu.memory_space<vmem>>
      %dma_start3A_353 = arith.constant 0 : i32
      %dma_start3A_354 = arith.constant 0 : i32
      %dma_start3A_355 = tpu.memref_slice %arg25[%dma_start3A_353, %dma_start3A_354] : memref<10240x128xf32, #tpu.memory_space<vmem_shared>> -> memref<10240x128xf32, #tpu.memory_space<vmem_shared>>
      tpu.enqueue_indirect_dma source(%dma_start3A_352 : memref<16x128xf32, #tpu.memory_space<vmem>>) target(%dma_start3A_355 : memref<10240x128xf32, #tpu.memory_space<vmem_shared>>) offsets(%arg17 : memref<16xi32, #tpu.memory_space<vmem>>) semaphore(%arg37 : memref<!tpu.dma_semaphore, #tpu.memory_space<semaphore_mem>>) {add = true}
    }
    %scan3A_69 = arith.constant 156 : i32
    %dma_wait3A_70 = arith.constant 0 : i32
    %dma_wait3A_71 = arith.constant 0 : i32
    %dma_wait3A_72 = tpu.memref_slice %arg2[%dma_wait3A_70, %dma_wait3A_71] : memref<10240x128xf32, #tpu.memory_space<hbm>> -> memref<10240x128xf32, #tpu.memory_space<hbm>>
    tpu.wait_indirect_dma semaphore(%arg30 : memref<!tpu.dma_semaphore, #tpu.memory_space<semaphore_mem>>) src(%dma_wait3A_72 : memref<10240x128xf32, #tpu.memory_space<hbm>>) dst(%arg18 : memref<32x128xf32, #tpu.memory_space<vmem>>)
    %get3A_73 = arith.constant 0 : index
    %get3A_74 = tpu.vector_load %arg10[%get3A_73] {strides = array<i32>} : memref<32xi32, #tpu.memory_space<vmem>>, vector<16xi32>,
    %get3A_75 = arith.constant 0 : index
    %get3A_76 = tpu.vector_load %arg14[%get3A_75] {strides = array<i32>} : memref<16xi32, #tpu.memory_space<vmem>>, vector<16xi32>,
    %gather3A = tpu.vector_load_idx %arg22[%get3A_74] : memref<10240xf32, #tpu.memory_space<vmem>>[vector<16xi32>], vector<16xf32>,
    %broadcast_in_dim3A = arith.constant 0.000000e+00 : f32
    %broadcast_in_dim3A_77 = vector.broadcast %broadcast_in_dim3A : f32 to vector<16xf32>
    %scan3A_78 = arith.constant 0 : i32
    %scan3A_79 = arith.constant 16 : i32
    %scan3A_80 = arith.addi %scan3A_78, %scan3A_79 : i32
    %scan3A_81 = arith.constant 1 : i32
    %scan3A_82 = scf.for %scan3A_115 = %scan3A_78 to %scan3A_80 step %scan3A_81 iter_args(%scan3A_116 = %broadcast_in_dim3A_77) -> (vector<16xf32>)  : i32 {
      %add3A_117 = arith.constant 0 : i32
      %add3A_118 = arith.addi %add3A_117, %scan3A_115 : i32
      %get3A_119 = arith.index_cast %add3A_118 : i32 to index
      %get3A_120 = arith.constant 0 : index
      %get3A_121 = tpu.vector_load %arg18[%get3A_119, %get3A_120] {strides = array<i32>} : memref<32x128xf32, #tpu.memory_space<vmem>>, vector<16xf32>,
      %get3A_122 = arith.index_cast %add3A_118 : i32 to index
      %get3A_123 = arith.constant 16 : index
      %get3A_124 = tpu.vector_load %arg18[%get3A_122, %get3A_123] {strides = array<i32>} : memref<32x128xf32, #tpu.memory_space<vmem>>, vector<16xf32>,
      %get3A_125 = arith.index_cast %add3A_118 : i32 to index
      %get3A_126 = arith.constant 32 : index
      %get3A_127 = tpu.vector_load %arg18[%get3A_125, %get3A_126] {strides = array<i32>} : memref<32x128xf32, #tpu.memory_space<vmem>>, vector<16xf32>,
      %get3A_128 = arith.index_cast %add3A_118 : i32 to index
      %get3A_129 = arith.constant 48 : index
      %get3A_130 = tpu.vector_load %arg18[%get3A_128, %get3A_129] {strides = array<i32>} : memref<32x128xf32, #tpu.memory_space<vmem>>, vector<16xf32>,
      %get3A_131 = arith.index_cast %add3A_118 : i32 to index
      %get3A_132 = arith.constant 64 : index
      %get3A_133 = tpu.vector_load %arg18[%get3A_131, %get3A_132] {strides = array<i32>} : memref<32x128xf32, #tpu.memory_space<vmem>>, vector<16xf32>,
      %get3A_134 = arith.index_cast %add3A_118 : i32 to index
      %get3A_135 = arith.constant 80 : index
      %get3A_136 = tpu.vector_load %arg18[%get3A_134, %get3A_135] {strides = array<i32>} : memref<32x128xf32, #tpu.memory_space<vmem>>, vector<16xf32>,
      %get3A_137 = arith.index_cast %add3A_118 : i32 to index
      %get3A_138 = arith.constant 96 : index
      %get3A_139 = tpu.vector_load %arg18[%get3A_137, %get3A_138] {strides = array<i32>} : memref<32x128xf32, #tpu.memory_space<vmem>>, vector<16xf32>,
      %get3A_140 = arith.index_cast %add3A_118 : i32 to index
      %get3A_141 = arith.constant 112 : index
      %get3A_142 = tpu.vector_load %arg18[%get3A_140, %get3A_141] {strides = array<i32>} : memref<32x128xf32, #tpu.memory_space<vmem>>, vector<16xf32>,
      %add3A_143 = arith.constant 16 : i32
      %add3A_144 = arith.addi %add3A_143, %add3A_118 : i32
      %get3A_145 = arith.index_cast %add3A_144 : i32 to index
      %get3A_146 = arith.constant 0 : index
      %get3A_147 = tpu.vector_load %arg18[%get3A_145, %get3A_146] {strides = array<i32>} : memref<32x128xf32, #tpu.memory_space<vmem>>, vector<16xf32>,
      %mul3A_148 = arith.mulf %get3A_121, %get3A_147 : vector<16xf32>
      %add3A_149 = arith.constant 16 : i32
      %add3A_150 = arith.addi %add3A_149, %add3A_118 : i32
      %get3A_151 = arith.index_cast %add3A_150 : i32 to index
      %get3A_152 = arith.constant 16 : index
      %get3A_153 = tpu.vector_load %arg18[%get3A_151, %get3A_152] {strides = array<i32>} : memref<32x128xf32, #tpu.memory_space<vmem>>, vector<16xf32>,
      %mul3A_154 = arith.mulf %get3A_124, %get3A_153 : vector<16xf32>
      %add3A_155 = arith.addf %mul3A_148, %mul3A_154 : vector<16xf32>
      %add3A_156 = arith.constant 16 : i32
      %add3A_157 = arith.addi %add3A_156, %add3A_118 : i32
      %get3A_158 = arith.index_cast %add3A_157 : i32 to index
      %get3A_159 = arith.constant 32 : index
      %get3A_160 = tpu.vector_load %arg18[%get3A_158, %get3A_159] {strides = array<i32>} : memref<32x128xf32, #tpu.memory_space<vmem>>, vector<16xf32>,
      %mul3A_161 = arith.mulf %get3A_127, %get3A_160 : vector<16xf32>
      %add3A_162 = arith.addf %add3A_155, %mul3A_161 : vector<16xf32>
      %add3A_163 = arith.constant 16 : i32
      %add3A_164 = arith.addi %add3A_163, %add3A_118 : i32
      %get3A_165 = arith.index_cast %add3A_164 : i32 to index
      %get3A_166 = arith.constant 48 : index
      %get3A_167 = tpu.vector_load %arg18[%get3A_165, %get3A_166] {strides = array<i32>} : memref<32x128xf32, #tpu.memory_space<vmem>>, vector<16xf32>,
      %mul3A_168 = arith.mulf %get3A_130, %get3A_167 : vector<16xf32>
      %add3A_169 = arith.addf %add3A_162, %mul3A_168 : vector<16xf32>
      %add3A_170 = arith.constant 16 : i32
      %add3A_171 = arith.addi %add3A_170, %add3A_118 : i32
      %get3A_172 = arith.index_cast %add3A_171 : i32 to index
      %get3A_173 = arith.constant 64 : index
      %get3A_174 = tpu.vector_load %arg18[%get3A_172, %get3A_173] {strides = array<i32>} : memref<32x128xf32, #tpu.memory_space<vmem>>, vector<16xf32>,
      %mul3A_175 = arith.mulf %get3A_133, %get3A_174 : vector<16xf32>
      %add3A_176 = arith.addf %add3A_169, %mul3A_175 : vector<16xf32>
      %add3A_177 = arith.constant 16 : i32
      %add3A_178 = arith.addi %add3A_177, %add3A_118 : i32
      %get3A_179 = arith.index_cast %add3A_178 : i32 to index
      %get3A_180 = arith.constant 80 : index
      %get3A_181 = tpu.vector_load %arg18[%get3A_179, %get3A_180] {strides = array<i32>} : memref<32x128xf32, #tpu.memory_space<vmem>>, vector<16xf32>,
      %mul3A_182 = arith.mulf %get3A_136, %get3A_181 : vector<16xf32>
      %add3A_183 = arith.addf %add3A_176, %mul3A_182 : vector<16xf32>
      %add3A_184 = arith.constant 16 : i32
      %add3A_185 = arith.addi %add3A_184, %add3A_118 : i32
      %get3A_186 = arith.index_cast %add3A_185 : i32 to index
      %get3A_187 = arith.constant 96 : index
      %get3A_188 = tpu.vector_load %arg18[%get3A_186, %get3A_187] {strides = array<i32>} : memref<32x128xf32, #tpu.memory_space<vmem>>, vector<16xf32>,
      %mul3A_189 = arith.mulf %get3A_139, %get3A_188 : vector<16xf32>
      %add3A_190 = arith.addf %add3A_183, %mul3A_189 : vector<16xf32>
      %add3A_191 = arith.constant 16 : i32
      %add3A_192 = arith.addi %add3A_191, %add3A_118 : i32
      %get3A_193 = arith.index_cast %add3A_192 : i32 to index
      %get3A_194 = arith.constant 112 : index
      %get3A_195 = tpu.vector_load %arg18[%get3A_193, %get3A_194] {strides = array<i32>} : memref<32x128xf32, #tpu.memory_space<vmem>>, vector<16xf32>,
      %mul3A_196 = arith.mulf %get3A_142, %get3A_195 : vector<16xf32>
      %add3A_197 = arith.addf %add3A_190, %mul3A_196 : vector<16xf32>
      %xor3A = arith.constant 8 : i32
      %xor3A_198 = vector.broadcast %xor3A : i32 to vector<16xi32>
      %xor3A_199 = arith.xori %iota3A, %xor3A_198 : vector<16xi32>
      %broadcast_in_dim3A_200 = vector.shape_cast %xor3A_199 : vector<16xi32> to vector<16x1xi32>
      %gather3A_201 = vector.shape_cast %broadcast_in_dim3A_200 : vector<16x1xi32> to vector<16xi32>
      %gather3A_202 = tpu.dynamic_gather %add3A_197[%gather3A_201] in [0] : vector<16xf32>, vector<16xi32> -> vector<16xf32>
      %add3A_203 = arith.addf %add3A_197, %gather3A_202 : vector<16xf32>
      %xor3A_204 = arith.constant 4 : i32
      %xor3A_205 = vector.broadcast %xor3A_204 : i32 to vector<16xi32>
      %xor3A_206 = arith.xori %iota3A, %xor3A_205 : vector<16xi32>
      %broadcast_in_dim3A_207 = vector.shape_cast %xor3A_206 : vector<16xi32> to vector<16x1xi32>
      %gather3A_208 = vector.shape_cast %broadcast_in_dim3A_207 : vector<16x1xi32> to vector<16xi32>
      %gather3A_209 = tpu.dynamic_gather %add3A_203[%gather3A_208] in [0] : vector<16xf32>, vector<16xi32> -> vector<16xf32>
      %add3A_210 = arith.addf %add3A_203, %gather3A_209 : vector<16xf32>
      %xor3A_211 = arith.constant 2 : i32
      %xor3A_212 = vector.broadcast %xor3A_211 : i32 to vector<16xi32>
      %xor3A_213 = arith.xori %iota3A, %xor3A_212 : vector<16xi32>
      %broadcast_in_dim3A_214 = vector.shape_cast %xor3A_213 : vector<16xi32> to vector<16x1xi32>
      %gather3A_215 = vector.shape_cast %broadcast_in_dim3A_214 : vector<16x1xi32> to vector<16xi32>
      %gather3A_216 = tpu.dynamic_gather %add3A_210[%gather3A_215] in [0] : vector<16xf32>, vector<16xi32> -> vector<16xf32>
      %add3A_217 = arith.addf %add3A_210, %gather3A_216 : vector<16xf32>
      %xor3A_218 = arith.constant 1 : i32
      %xor3A_219 = vector.broadcast %xor3A_218 : i32 to vector<16xi32>
      %xor3A_220 = arith.xori %iota3A, %xor3A_219 : vector<16xi32>
      %broadcast_in_dim3A_221 = vector.shape_cast %xor3A_220 : vector<16xi32> to vector<16x1xi32>
      %gather3A_222 = vector.shape_cast %broadcast_in_dim3A_221 : vector<16x1xi32> to vector<16xi32>
      %gather3A_223 = tpu.dynamic_gather %add3A_217[%gather3A_222] in [0] : vector<16xf32>, vector<16xi32> -> vector<16xf32>
      %add3A_224 = arith.addf %add3A_217, %gather3A_223 : vector<16xf32>
      %mul3A_225 = arith.mulf %add3A_224, %get3A_10 : vector<16xf32>
      %sub3A = arith.constant 1.000000e+00 : f32
      %sub3A_226 = vector.broadcast %sub3A : f32 to vector<16xf32>
      %sub3A_227 = arith.subf %mul3A_225, %sub3A_226 : vector<16xf32>
      %exp3A = math.exp %sub3A_227 : vector<16xf32>
      %broadcast_in_dim3A_228 = vector.broadcast %scan3A_115 : i32 to vector<16xi32>
      %broadcast_in_dim3A_229 = vector.shape_cast %broadcast_in_dim3A_228 : vector<16xi32> to vector<16x1xi32>
      %gather3A_230 = vector.shape_cast %broadcast_in_dim3A_229 : vector<16x1xi32> to vector<16xi32>
      %gather3A_231 = tpu.dynamic_gather %gather3A[%gather3A_230] in [0] : vector<16xf32>, vector<16xi32> -> vector<16xf32>
      %mul3A_232 = arith.mulf %exp3A, %gather3A_231 : vector<16xf32>
      %mul3A_233 = arith.mulf %get3A_121, %mul3A_232 : vector<16xf32>
      %add3A_234 = arith.constant 16 : i32
      %add3A_235 = arith.addi %add3A_234, %add3A_118 : i32
      %swap3A = arith.index_cast %add3A_235 : i32 to index
      %swap3A_236 = arith.constant 0 : index
      %swap3A_237 = tpu.vector_load %arg18[%swap3A, %swap3A_236] {strides = array<i32>} : memref<32x128xf32, #tpu.memory_space<vmem>>, vector<16xf32>,
      tpu.vector_store %arg18[%swap3A, %swap3A_236], %mul3A_233 {strides = array<i32>} : memref<32x128xf32, #tpu.memory_space<vmem>>, vector<16xf32>,
      %mul3A_238 = arith.mulf %get3A_124, %mul3A_232 : vector<16xf32>
      %add3A_239 = arith.constant 16 : i32
      %add3A_240 = arith.addi %add3A_239, %add3A_118 : i32
      %swap3A_241 = arith.index_cast %add3A_240 : i32 to index
      %swap3A_242 = arith.constant 16 : index
      %swap3A_243 = tpu.vector_load %arg18[%swap3A_241, %swap3A_242] {strides = array<i32>} : memref<32x128xf32, #tpu.memory_space<vmem>>, vector<16xf32>,
      tpu.vector_store %arg18[%swap3A_241, %swap3A_242], %mul3A_238 {strides = array<i32>} : memref<32x128xf32, #tpu.memory_space<vmem>>, vector<16xf32>,
      %mul3A_244 = arith.mulf %get3A_127, %mul3A_232 : vector<16xf32>
      %add3A_245 = arith.constant 16 : i32
      %add3A_246 = arith.addi %add3A_245, %add3A_118 : i32
      %swap3A_247 = arith.index_cast %add3A_246 : i32 to index
      %swap3A_248 = arith.constant 32 : index
      %swap3A_249 = tpu.vector_load %arg18[%swap3A_247, %swap3A_248] {strides = array<i32>} : memref<32x128xf32, #tpu.memory_space<vmem>>, vector<16xf32>,
      tpu.vector_store %arg18[%swap3A_247, %swap3A_248], %mul3A_244 {strides = array<i32>} : memref<32x128xf32, #tpu.memory_space<vmem>>, vector<16xf32>,
      %mul3A_250 = arith.mulf %get3A_130, %mul3A_232 : vector<16xf32>
      %add3A_251 = arith.constant 16 : i32
      %add3A_252 = arith.addi %add3A_251, %add3A_118 : i32
      %swap3A_253 = arith.index_cast %add3A_252 : i32 to index
      %swap3A_254 = arith.constant 48 : index
      %swap3A_255 = tpu.vector_load %arg18[%swap3A_253, %swap3A_254] {strides = array<i32>} : memref<32x128xf32, #tpu.memory_space<vmem>>, vector<16xf32>,
      tpu.vector_store %arg18[%swap3A_253, %swap3A_254], %mul3A_250 {strides = array<i32>} : memref<32x128xf32, #tpu.memory_space<vmem>>, vector<16xf32>,
      %mul3A_256 = arith.mulf %get3A_133, %mul3A_232 : vector<16xf32>
      %add3A_257 = arith.constant 16 : i32
      %add3A_258 = arith.addi %add3A_257, %add3A_118 : i32
      %swap3A_259 = arith.index_cast %add3A_258 : i32 to index
      %swap3A_260 = arith.constant 64 : index
      %swap3A_261 = tpu.vector_load %arg18[%swap3A_259, %swap3A_260] {strides = array<i32>} : memref<32x128xf32, #tpu.memory_space<vmem>>, vector<16xf32>,
      tpu.vector_store %arg18[%swap3A_259, %swap3A_260], %mul3A_256 {strides = array<i32>} : memref<32x128xf32, #tpu.memory_space<vmem>>, vector<16xf32>,
      %mul3A_262 = arith.mulf %get3A_136, %mul3A_232 : vector<16xf32>
      %add3A_263 = arith.constant 16 : i32
      %add3A_264 = arith.addi %add3A_263, %add3A_118 : i32
      %swap3A_265 = arith.index_cast %add3A_264 : i32 to index
      %swap3A_266 = arith.constant 80 : index
      %swap3A_267 = tpu.vector_load %arg18[%swap3A_265, %swap3A_266] {strides = array<i32>} : memref<32x128xf32, #tpu.memory_space<vmem>>, vector<16xf32>,
      tpu.vector_store %arg18[%swap3A_265, %swap3A_266], %mul3A_262 {strides = array<i32>} : memref<32x128xf32, #tpu.memory_space<vmem>>, vector<16xf32>,
      %mul3A_268 = arith.mulf %get3A_139, %mul3A_232 : vector<16xf32>
      %add3A_269 = arith.constant 16 : i32
      %add3A_270 = arith.addi %add3A_269, %add3A_118 : i32
      %swap3A_271 = arith.index_cast %add3A_270 : i32 to index
      %swap3A_272 = arith.constant 96 : index
      %swap3A_273 = tpu.vector_load %arg18[%swap3A_271, %swap3A_272] {strides = array<i32>} : memref<32x128xf32, #tpu.memory_space<vmem>>, vector<16xf32>,
      tpu.vector_store %arg18[%swap3A_271, %swap3A_272], %mul3A_268 {strides = array<i32>} : memref<32x128xf32, #tpu.memory_space<vmem>>, vector<16xf32>,
      %mul3A_274 = arith.mulf %get3A_142, %mul3A_232 : vector<16xf32>
      %add3A_275 = arith.constant 16 : i32
      %add3A_276 = arith.addi %add3A_275, %add3A_118 : i32
      %swap3A_277 = arith.index_cast %add3A_276 : i32 to index
      %swap3A_278 = arith.constant 112 : index
      %swap3A_279 = tpu.vector_load %arg18[%swap3A_277, %swap3A_278] {strides = array<i32>} : memref<32x128xf32, #tpu.memory_space<vmem>>, vector<16xf32>,
      tpu.vector_store %arg18[%swap3A_277, %swap3A_278], %mul3A_274 {strides = array<i32>} : memref<32x128xf32, #tpu.memory_space<vmem>>, vector<16xf32>,
      %eq3A = vector.broadcast %scan3A_115 : i32 to vector<16xi32>
      %eq3A_280 = arith.cmpi eq, %iota3A, %eq3A : vector<16xi32>
      %select_n3A = arith.select %eq3A_280, %exp3A, %scan3A_116 : vector<16xi1>, vector<16xf32>
      scf.yield %select_n3A : vector<16xf32>
    }
    %scan3A_83 = arith.constant 16 : i32
    tpu.vector_store_idx %arg23[%get3A_76], %scan3A_82 {add = true} : memref<10240xf32, #tpu.memory_space<vmem>>[vector<16xi32>], vector<16xf32>,
    %dma_start3A_84 = arith.constant 16 : i32
    %dma_start3A_85 = arith.constant 0 : i32
    %dma_start3A_86 = tpu.memref_slice %arg18[%dma_start3A_84, %dma_start3A_85] : memref<32x128xf32, #tpu.memory_space<vmem>> -> memref<16x128xf32, #tpu.memory_space<vmem>>
    %dma_start3A_87 = arith.constant 0 : i32
    %dma_start3A_88 = arith.constant 0 : i32
    %dma_start3A_89 = tpu.memref_slice %arg25[%dma_start3A_87, %dma_start3A_88] : memref<10240x128xf32, #tpu.memory_space<vmem_shared>> -> memref<10240x128xf32, #tpu.memory_space<vmem_shared>>
    tpu.enqueue_indirect_dma source(%dma_start3A_86 : memref<16x128xf32, #tpu.memory_space<vmem>>) target(%dma_start3A_89 : memref<10240x128xf32, #tpu.memory_space<vmem_shared>>) offsets(%arg14 : memref<16xi32, #tpu.memory_space<vmem>>) semaphore(%arg34 : memref<!tpu.dma_semaphore, #tpu.memory_space<semaphore_mem>>) {add = true}
    %dma_wait3A_90 = arith.constant 16 : i32
    %dma_wait3A_91 = arith.constant 0 : i32
    %dma_wait3A_92 = tpu.memref_slice %arg20[%dma_wait3A_90, %dma_wait3A_91] : memref<32x128xf32, #tpu.memory_space<vmem>> -> memref<16x128xf32, #tpu.memory_space<vmem>>
    %dma_wait3A_93 = arith.constant 0 : i32
    %dma_wait3A_94 = arith.constant 0 : i32
    %dma_wait3A_95 = tpu.memref_slice %arg25[%dma_wait3A_93, %dma_wait3A_94] : memref<10240x128xf32, #tpu.memory_space<vmem_shared>> -> memref<10240x128xf32, #tpu.memory_space<vmem_shared>>
    tpu.wait_indirect_dma semaphore(%arg36 : memref<!tpu.dma_semaphore, #tpu.memory_space<semaphore_mem>>) src(%dma_wait3A_92 : memref<16x128xf32, #tpu.memory_space<vmem>>) dst(%dma_wait3A_95 : memref<10240x128xf32, #tpu.memory_space<vmem_shared>>)
    %dma_wait3A_96 = arith.constant 16 : i32
    %dma_wait3A_97 = arith.constant 0 : i32
    %dma_wait3A_98 = tpu.memref_slice %arg21[%dma_wait3A_96, %dma_wait3A_97] : memref<32x128xf32, #tpu.memory_space<vmem>> -> memref<16x128xf32, #tpu.memory_space<vmem>>
    %dma_wait3A_99 = arith.constant 0 : i32
    %dma_wait3A_100 = arith.constant 0 : i32
    %dma_wait3A_101 = tpu.memref_slice %arg25[%dma_wait3A_99, %dma_wait3A_100] : memref<10240x128xf32, #tpu.memory_space<vmem_shared>> -> memref<10240x128xf32, #tpu.memory_space<vmem_shared>>
    tpu.wait_indirect_dma semaphore(%arg37 : memref<!tpu.dma_semaphore, #tpu.memory_space<semaphore_mem>>) src(%dma_wait3A_98 : memref<16x128xf32, #tpu.memory_space<vmem>>) dst(%dma_wait3A_101 : memref<10240x128xf32, #tpu.memory_space<vmem_shared>>)
    %dma_wait3A_102 = arith.constant 16 : i32
    %dma_wait3A_103 = arith.constant 0 : i32
    %dma_wait3A_104 = tpu.memref_slice %arg18[%dma_wait3A_102, %dma_wait3A_103] : memref<32x128xf32, #tpu.memory_space<vmem>> -> memref<16x128xf32, #tpu.memory_space<vmem>>
    %dma_wait3A_105 = arith.constant 0 : i32
    %dma_wait3A_106 = arith.constant 0 : i32
    %dma_wait3A_107 = tpu.memref_slice %arg25[%dma_wait3A_105, %dma_wait3A_106] : memref<10240x128xf32, #tpu.memory_space<vmem_shared>> -> memref<10240x128xf32, #tpu.memory_space<vmem_shared>>
    tpu.wait_indirect_dma semaphore(%arg34 : memref<!tpu.dma_semaphore, #tpu.memory_space<semaphore_mem>>) src(%dma_wait3A_104 : memref<16x128xf32, #tpu.memory_space<vmem>>) dst(%dma_wait3A_107 : memref<10240x128xf32, #tpu.memory_space<vmem_shared>>)
    %barrier3A_108 = arith.constant 0 : index
    tpu.barrier barrier_id(%barrier3A_108)
    %mul3A_109 = arith.constant 10240 : i32
    %mul3A_110 = arith.muli %add3A, %mul3A_109 : i32
    "tpu.region"() ({
      %run_scoped3A = tpu.sem_alloc : memref<!tpu.dma_semaphore, #tpu.memory_space<semaphore_mem>>
      %dma_start3A_115 = tpu.memref_slice %arg9[%mul3A_110] : memref<327680xf32, #tpu.memory_space<hbm>> -> memref<10240xf32, #tpu.memory_space<hbm>>
      %dma_start3A_116 = tpu.memref_slice %arg9[%mul3A_110] : memref<327680xf32, #tpu.memory_space<hbm>> -> memref<10240xf32, #tpu.memory_space<hbm>>
      tpu.enqueue_dma source(%arg23 : memref<10240xf32, #tpu.memory_space<vmem>>) target(%dma_start3A_116 : memref<10240xf32, #tpu.memory_space<hbm>>) target_semaphore(%run_scoped3A : memref<!tpu.dma_semaphore, #tpu.memory_space<semaphore_mem>>)
      %dma_wait3A_117 = tpu.memref_slice %arg9[%mul3A_110] : memref<327680xf32, #tpu.memory_space<hbm>> -> memref<10240xf32, #tpu.memory_space<hbm>>
      %dma_wait3A_118 = tpu.memref_slice %arg9[%mul3A_110] : memref<327680xf32, #tpu.memory_space<hbm>> -> memref<10240xf32, #tpu.memory_space<hbm>>
      tpu.wait_dma2 semaphore(%run_scoped3A : memref<!tpu.dma_semaphore, #tpu.memory_space<semaphore_mem>>) src(%arg23 : memref<10240xf32, #tpu.memory_space<vmem>>) dst(%dma_wait3A_118 : memref<10240xf32, #tpu.memory_space<hbm>>)
      tpu.yield
    }) : () -> ()
    %mul3A_111 = arith.constant 640 : i32
    %mul3A_112 = arith.muli %arg1, %mul3A_111 : i32
    %mul3A_113 = arith.constant 640 : i32
    %mul3A_114 = arith.muli %arg1, %mul3A_113 : i32
    "tpu.region"() ({
      %run_scoped3A = tpu.sem_alloc : memref<!tpu.dma_semaphore, #tpu.memory_space<semaphore_mem>>
      %dma_start3A_115 = arith.constant 0 : i32
      %dma_start3A_116 = tpu.memref_slice %arg8[%arg0, %mul3A_114, %dma_start3A_115] : memref<2x10240x128xf32, #tpu.memory_space<hbm>> -> memref<1x640x128xf32, #tpu.memory_space<hbm>>
      %dma_start3A_117 = tpu.memref_squeeze %dma_start3A_116 : memref<1x640x128xf32, #tpu.memory_space<hbm>> -> memref<640x128xf32, #tpu.memory_space<hbm>>
      %dma_start3A_118 = arith.constant 0 : i32
      %dma_start3A_119 = tpu.memref_slice %arg25[%mul3A_112, %dma_start3A_118] : memref<10240x128xf32, #tpu.memory_space<vmem_shared>> -> memref<640x128xf32, #tpu.memory_space<vmem_shared>>
      tpu.enqueue_dma source(%dma_start3A_119 : memref<640x128xf32, #tpu.memory_space<vmem_shared>>) target(%dma_start3A_117 : memref<640x128xf32, #tpu.memory_space<hbm>>) target_semaphore(%run_scoped3A : memref<!tpu.dma_semaphore, #tpu.memory_space<semaphore_mem>>)
      %dma_wait3A_120 = arith.constant 0 : i32
      %dma_wait3A_121 = tpu.memref_slice %arg8[%arg0, %mul3A_114, %dma_wait3A_120] : memref<2x10240x128xf32, #tpu.memory_space<hbm>> -> memref<1x640x128xf32, #tpu.memory_space<hbm>>
      %dma_wait3A_122 = tpu.memref_squeeze %dma_wait3A_121 : memref<1x640x128xf32, #tpu.memory_space<hbm>> -> memref<640x128xf32, #tpu.memory_space<hbm>>
      %dma_wait3A_123 = arith.constant 0 : i32
      %dma_wait3A_124 = tpu.memref_slice %arg25[%mul3A_112, %dma_wait3A_123] : memref<10240x128xf32, #tpu.memory_space<vmem_shared>> -> memref<640x128xf32, #tpu.memory_space<vmem_shared>>
      tpu.wait_dma2 semaphore(%run_scoped3A : memref<!tpu.dma_semaphore, #tpu.memory_space<semaphore_mem>>) src(%dma_wait3A_124 : memref<640x128xf32, #tpu.memory_space<vmem_shared>>) dst(%dma_wait3A_122 : memref<640x128xf32, #tpu.memory_space<hbm>>)
      tpu.yield
    }) : () -> ()
    return
  }
}

module attributes {stable_mosaic.version = 14 : i64} {
  func.func @_proj_body(%arg0: memref<10240x128xf32, #tpu.memory_space<vmem>>, %arg1: memref<128x128xf32, #tpu.memory_space<vmem>>, %arg2: memref<128xf32, #tpu.memory_space<vmem>>, %arg3: memref<10240x128xf32, #tpu.memory_space<vmem>>, %arg4: memref<10240x1xf32, #tpu.memory_space<vmem>>) attributes {dimension_semantics = [], scalar_prefetch = 0 : i64, scratch_operands = 0 : i64, tpu.core_type = #tpu.core_type<tc>} {
    %get3A = arith.constant 0 : index
    %get3A_0 = arith.constant 0 : index
    %get3A_1 = vector.load %arg0[%get3A, %get3A_0] : memref<10240x128xf32, #tpu.memory_space<vmem>>, vector<10240x128xf32>
    %get3A_2 = arith.constant 0 : index
    %get3A_3 = arith.constant 0 : index
    %get3A_4 = vector.load %arg1[%get3A_2, %get3A_3] : memref<128x128xf32, #tpu.memory_space<vmem>>, vector<128x128xf32>
    %dot_general3A = arith.constant dense<0.000000e+00> : vector<10240x128xf32>
    %dot_general3A_5 = tpu.matmul %get3A_1, %get3A_4, %dot_general3A {dimension_numbers = #tpu.dot_dimension_numbers<[1], [1], [0], [0], [0, 0, 1, 0], [], []>, transpose_lhs_hint = false} : vector<10240x128xf32>, vector<128x128xf32>, vector<10240x128xf32> -> vector<10240x128xf32>
    %get3A_6 = arith.constant 0 : index
    %get3A_7 = vector.load %arg2[%get3A_6] : memref<128xf32, #tpu.memory_space<vmem>>, vector<128xf32>
    %broadcast_in_dim3A = vector.shape_cast %get3A_7 : vector<128xf32> to vector<1x128xf32>
    %add3A = vector.broadcast %broadcast_in_dim3A : vector<1x128xf32> to vector<10240x128xf32>
    %add3A_8 = arith.addf %dot_general3A_5, %add3A : vector<10240x128xf32>
    %max3A = arith.constant 0.000000e+00 : f32
    %max3A_9 = vector.broadcast %max3A : f32 to vector<10240x128xf32>
    %max3A_10 = arith.maximumf %add3A_8, %max3A_9 : vector<10240x128xf32>
    %mul3A = arith.mulf %max3A_10, %max3A_10 : vector<10240x128xf32>
    %reduce_sum3A = arith.constant dense<0.000000e+00> : vector<10240xf32>
    %reduce_sum3A_11 = vector.multi_reduction <add>, %mul3A, %reduce_sum3A [1] : vector<10240x128xf32> to vector<10240xf32>
    %broadcast_in_dim3A_12 = vector.shape_cast %reduce_sum3A_11 : vector<10240xf32> to vector<10240x1xf32>
    %sqrt3A = math.sqrt %broadcast_in_dim3A_12 : vector<10240x1xf32>
    %swap3A = arith.constant 0 : index
    %swap3A_13 = arith.constant 0 : index
    %swap3A_14 = vector.load %arg4[%swap3A, %swap3A_13] : memref<10240x1xf32, #tpu.memory_space<vmem>>, vector<10240x1xf32>
    tpu.vector_store %arg4[%swap3A, %swap3A_13], %sqrt3A {strides = array<i32>} : memref<10240x1xf32, #tpu.memory_space<vmem>>, vector<10240x1xf32>,
    %max3A_15 = arith.constant 9.99999996E-13 : f32
    %max3A_16 = vector.broadcast %max3A_15 : f32 to vector<10240x1xf32>
    %max3A_17 = arith.maximumf %sqrt3A, %max3A_16 : vector<10240x1xf32>
    %div3A = vector.broadcast %max3A_17 : vector<10240x1xf32> to vector<10240x128xf32>
    %div3A_18 = arith.divf %max3A_10, %div3A : vector<10240x128xf32>
    %swap3A_19 = arith.constant 0 : index
    %swap3A_20 = arith.constant 0 : index
    %swap3A_21 = vector.load %arg3[%swap3A_19, %swap3A_20] : memref<10240x128xf32, #tpu.memory_space<vmem>>, vector<10240x128xf32>
    tpu.vector_store %arg3[%swap3A_19, %swap3A_20], %div3A_18 {strides = array<i32>} : memref<10240x128xf32, #tpu.memory_space<vmem>>, vector<10240x128xf32>,
    return
  }
}

module attributes {stable_mosaic.version = 14 : i64} {
  func.func @_sred_body(%arg0: memref<32x10240xf32, #tpu.memory_space<vmem>>, %arg1: memref<10240xf32, #tpu.memory_space<vmem>>) attributes {dimension_semantics = [], scalar_prefetch = 0 : i64, scratch_operands = 0 : i64, tpu.core_type = #tpu.core_type<tc>} {
    %get3A = arith.constant 0 : index
    %get3A_0 = arith.constant 0 : index
    %get3A_1 = vector.load %arg0[%get3A, %get3A_0] : memref<32x10240xf32, #tpu.memory_space<vmem>>, vector<32x10240xf32>
    %reduce_sum3A = arith.constant dense<0.000000e+00> : vector<10240xf32>
    %reduce_sum3A_2 = vector.multi_reduction <add>, %get3A_1, %reduce_sum3A [0] : vector<32x10240xf32> to vector<10240xf32>
    %max3A = arith.constant 1.000000e-30 : f32
    %max3A_3 = vector.broadcast %max3A : f32 to vector<10240xf32>
    %max3A_4 = arith.maximumf %reduce_sum3A_2, %max3A_3 : vector<10240xf32>
    %div3A = arith.constant 1.000000e+00 : f32
    %div3A_5 = vector.broadcast %div3A : f32 to vector<10240xf32>
    %div3A_6 = arith.divf %div3A_5, %max3A_4 : vector<10240xf32>
    %swap3A = arith.constant 0 : index
    %swap3A_7 = vector.load %arg1[%swap3A] : memref<10240xf32, #tpu.memory_space<vmem>>, vector<10240xf32>
    tpu.vector_store %arg1[%swap3A], %div3A_6 {strides = array<i32>} : memref<10240xf32, #tpu.memory_space<vmem>>, vector<10240xf32>,
    return
  }
}

module attributes {stable_mosaic.version = 14 : i64} {
  func.func @_combine_body(%arg0: memref<2x10240x128xf32, #tpu.memory_space<vmem>>, %arg1: memref<10240x1xf32, #tpu.memory_space<vmem>>, %arg2: memref<10240x128xf32, #tpu.memory_space<vmem>>, %arg3: memref<10240x1xf32, #tpu.memory_space<vmem>>) attributes {dimension_semantics = [], scalar_prefetch = 0 : i64, scratch_operands = 0 : i64, tpu.core_type = #tpu.core_type<tc>} {
    %get3A = arith.constant 0 : index
    %get3A_0 = arith.constant 0 : index
    %get3A_1 = arith.constant 0 : index
    %get3A_2 = vector.load %arg0[%get3A, %get3A_0, %get3A_1] : memref<2x10240x128xf32, #tpu.memory_space<vmem>>, vector<1x10240x128xf32>
    %get3A_3 = vector.shape_cast %get3A_2 : vector<1x10240x128xf32> to vector<10240x128xf32>
    %get3A_4 = arith.constant 1 : index
    %get3A_5 = arith.constant 0 : index
    %get3A_6 = arith.constant 0 : index
    %get3A_7 = vector.load %arg0[%get3A_4, %get3A_5, %get3A_6] : memref<2x10240x128xf32, #tpu.memory_space<vmem>>, vector<1x10240x128xf32>
    %get3A_8 = vector.shape_cast %get3A_7 : vector<1x10240x128xf32> to vector<10240x128xf32>
    %add3A = arith.addf %get3A_3, %get3A_8 : vector<10240x128xf32>
    %get3A_9 = arith.constant 0 : index
    %get3A_10 = arith.constant 0 : index
    %get3A_11 = vector.load %arg1[%get3A_9, %get3A_10] : memref<10240x1xf32, #tpu.memory_space<vmem>>, vector<10240x1xf32>
    %mul3A = vector.broadcast %get3A_11 : vector<10240x1xf32> to vector<10240x128xf32>
    %mul3A_12 = arith.mulf %add3A, %mul3A : vector<10240x128xf32>
    %mul3A_13 = arith.mulf %mul3A_12, %mul3A_12 : vector<10240x128xf32>
    %reduce_sum3A = arith.constant dense<0.000000e+00> : vector<10240xf32>
    %reduce_sum3A_14 = vector.multi_reduction <add>, %mul3A_13, %reduce_sum3A [1] : vector<10240x128xf32> to vector<10240xf32>
    %broadcast_in_dim3A = vector.shape_cast %reduce_sum3A_14 : vector<10240xf32> to vector<10240x1xf32>
    %sqrt3A = math.sqrt %broadcast_in_dim3A : vector<10240x1xf32>
    %swap3A = arith.constant 0 : index
    %swap3A_15 = arith.constant 0 : index
    %swap3A_16 = vector.load %arg3[%swap3A, %swap3A_15] : memref<10240x1xf32, #tpu.memory_space<vmem>>, vector<10240x1xf32>
    tpu.vector_store %arg3[%swap3A, %swap3A_15], %sqrt3A {strides = array<i32>} : memref<10240x1xf32, #tpu.memory_space<vmem>>, vector<10240x1xf32>,
    %max3A = arith.constant 9.99999996E-13 : f32
    %max3A_17 = vector.broadcast %max3A : f32 to vector<10240x1xf32>
    %max3A_18 = arith.maximumf %sqrt3A, %max3A_17 : vector<10240x1xf32>
    %div3A = vector.broadcast %max3A_18 : vector<10240x1xf32> to vector<10240x128xf32>
    %div3A_19 = arith.divf %mul3A_12, %div3A : vector<10240x128xf32>
    %swap3A_20 = arith.constant 0 : index
    %swap3A_21 = arith.constant 0 : index
    %swap3A_22 = vector.load %arg2[%swap3A_20, %swap3A_21] : memref<10240x128xf32, #tpu.memory_space<vmem>>, vector<10240x128xf32>
    tpu.vector_store %arg2[%swap3A_20, %swap3A_21], %div3A_19 {strides = array<i32>} : memref<10240x128xf32, #tpu.memory_space<vmem>>, vector<10240x128xf32>,
    return
  }
}

module attributes {stable_mosaic.version = 14 : i64} {
  func.func @_cls_body(%arg0: memref<2x10240x128xf32, #tpu.memory_space<vmem>>, %arg1: memref<10240x1xf32, #tpu.memory_space<vmem>>, %arg2: memref<40x128xf32, #tpu.memory_space<vmem>>, %arg3: memref<40xf32, #tpu.memory_space<vmem>>, %arg4: memref<10240x40xf32, #tpu.memory_space<vmem>>) attributes {dimension_semantics = [], scalar_prefetch = 0 : i64, scratch_operands = 0 : i64, tpu.core_type = #tpu.core_type<tc>} {
    %get3A = arith.constant 0 : index
    %get3A_0 = arith.constant 0 : index
    %get3A_1 = arith.constant 0 : index
    %get3A_2 = vector.load %arg0[%get3A, %get3A_0, %get3A_1] : memref<2x10240x128xf32, #tpu.memory_space<vmem>>, vector<1x10240x128xf32>
    %get3A_3 = vector.shape_cast %get3A_2 : vector<1x10240x128xf32> to vector<10240x128xf32>
    %get3A_4 = arith.constant 1 : index
    %get3A_5 = arith.constant 0 : index
    %get3A_6 = arith.constant 0 : index
    %get3A_7 = vector.load %arg0[%get3A_4, %get3A_5, %get3A_6] : memref<2x10240x128xf32, #tpu.memory_space<vmem>>, vector<1x10240x128xf32>
    %get3A_8 = vector.shape_cast %get3A_7 : vector<1x10240x128xf32> to vector<10240x128xf32>
    %add3A = arith.addf %get3A_3, %get3A_8 : vector<10240x128xf32>
    %get3A_9 = arith.constant 0 : index
    %get3A_10 = arith.constant 0 : index
    %get3A_11 = vector.load %arg1[%get3A_9, %get3A_10] : memref<10240x1xf32, #tpu.memory_space<vmem>>, vector<10240x1xf32>
    %mul3A = vector.broadcast %get3A_11 : vector<10240x1xf32> to vector<10240x128xf32>
    %mul3A_12 = arith.mulf %add3A, %mul3A : vector<10240x128xf32>
    %get3A_13 = arith.constant 0 : index
    %get3A_14 = arith.constant 0 : index
    %get3A_15 = vector.load %arg2[%get3A_13, %get3A_14] : memref<40x128xf32, #tpu.memory_space<vmem>>, vector<40x128xf32>
    %dot_general3A = arith.constant dense<0.000000e+00> : vector<10240x40xf32>
    %dot_general3A_16 = tpu.matmul %mul3A_12, %get3A_15, %dot_general3A {dimension_numbers = #tpu.dot_dimension_numbers<[1], [1], [0], [0], [0, 0, 1, 0], [], []>, transpose_lhs_hint = false} : vector<10240x128xf32>, vector<40x128xf32>, vector<10240x40xf32> -> vector<10240x40xf32>
    %get3A_17 = arith.constant 0 : index
    %get3A_18 = vector.load %arg3[%get3A_17] : memref<40xf32, #tpu.memory_space<vmem>>, vector<40xf32>
    %broadcast_in_dim3A = vector.shape_cast %get3A_18 : vector<40xf32> to vector<1x40xf32>
    %add3A_19 = vector.broadcast %broadcast_in_dim3A : vector<1x40xf32> to vector<10240x40xf32>
    %add3A_20 = arith.addf %dot_general3A_16, %add3A_19 : vector<10240x40xf32>
    %swap3A = arith.constant 0 : index
    %swap3A_21 = arith.constant 0 : index
    %swap3A_22 = vector.load %arg4[%swap3A, %swap3A_21] : memref<10240x40xf32, #tpu.memory_space<vmem>>, vector<10240x40xf32>
    tpu.vector_store %arg4[%swap3A, %swap3A_21], %add3A_20 {strides = array<i32>} : memref<10240x40xf32, #tpu.memory_space<vmem>>, vector<10240x40xf32>,
    return
  }
}

</mosaic_0001>

<sc_bundles>
// kernel: kernel.12.cloned.1.call-start
scs
__scs_entry_jumppad:
0x0: {  	(pc) =	sbr.rel $0x88, $3  }
0x1: {  	(tag) =	ssettag $0x0;
	lr =	simm.s32 $0x1  }
0x2: {  	[smem:$0x3F9A] =	sst lr;
	_ =	strace $0xD0000000  }
0x3: {  	_ = 	snop  }
0x4: {  	_ = 	snop  }
0x5: {  	_ = 	snop  }
0x6: {  	_ = 	snop  }
0x7: {  	_ = 	snop  }
__scs_overlays_trampoline_lowered:
0x8: {  	[smem:$0x3FA9] =	sst s0  }
0x9: {  	[smem:$0x3FAA] =	sst s1  }
0xa: {  	[smem:$0x3FAB] =	sst s2  }
0xb: {  	[smem:$0x3FAC] =	sst s3  }
0xc: {  	[smem:$0x3FAD] =	sst s4  }
0xd: {  	[smem:$0x3FAE] =	sst s5  }
0xe: {  	[smem:$0x3FAF] =	sst s6  }
0xf: {  	[smem:$0x3FB0] =	sst s7  }
0x10: {  	[smem:$0x3FB1] =	sst s8  }
0x11: {  	[smem:$0x3FB2] =	sst s9;
	s0 =	simm.s32 @!p0 $0x0  }
0x12: {  	s1 =	sld [smem:$0x3F98];
	s0 =	simm.s32 @p0 $0x1  }
0x13: {  	[smem:$0x3FB3] =	sst s0;
	s0 =	simm.s32 @!p1 $0x0  }
0x14: {  	s2 =	sld [smem:$0x3F97];
	s0 =	simm.s32 @p1 $0x1  }
0x15: {  	[smem:$0x3FB4] =	sst s0;
	s0 =	simm.s32 @!p2 $0x0  }
0x16: {  	s3 =	sld [smem:$0x3FDB];
	s0 =	simm.s32 @p2 $0x1  }
0x17: {  	s4 =	simm.s32 $0x1BF5;
	[smem:$0x3FB6] =	sst s0  }
0x18: {  	s0 =	sld [smem:$0x3F99];
	_ =	swait.ge [sflag:s4], $0x0  }
0x19: {  	s7 =	sld [smem:$0x3F9A]  }
0x1a: {  	s8 =	sadd.s32 $0xFFFFE003, lr  }
0x1b: {  	s9 =	sadd.s32 $0xFFFFFEF7, lr;
	s5 =	simm.s32 $0xFFFFFFFF;
	p2 =	slt.u32 s8, $0xFFFFF086  }
0x1c: {  	p1 =	slt.u32 s9, $0xF7A;
	s5 =	simm.s32 @!p2 $0x0  }
0x1d: {  	s5 =	simm.s32 @p1 $0x1;
	p0 =	seq.s32 s7, s2  }
0x1e: {  	s7 =	smul.u32 @!p0 $0xF7A, s2;
	p2 =	seq.s32 @!p0 s5, $0x0  }
0x1f: {  	s9 =	smul.u32 $0xF7A, s1;
	s8 =	simm.s32 @!p0 $0x1BF5;
	p2 =	por !p2, p0  }
0x20: {  	[sflag:s8] =	ssyncset.s32 @!p0 $0xFFFFF086;
	s6 =	sadd.s32 @!p0 s3, s7;
	s7 =	simm.s32 @!p0 $0x108  }
0x21: {  	s3 =	sadd.s32 s3, s9;
	s6 =	sadd.s32 @!p0 $0x88, s6;
	s7 =	simm.s32 @p2 $0x1082  }
0x22: {  	[simem:s7], [sflag:s8] =	dma.local @!p0 [hbm:s6], $0xF7A  }
0x23: {  	s9 =	sor.u32 $0xD0000000, s2;
	s6 =	simm.s32 $0x108;
	_ =	swait.ge @!p0 [sflag:s8], $0x0  }
0x24: {  	s3 =	sadd.s32 $0x88, s3;
	s6 =	simm.s32 @!p1 $0x1082;
	[sflag:s4] =	ssyncset.s32 $0xFFFFF086  }
0x25: {  	[simem:s6], [sflag:s4] =	dma.local [hbm:s3], $0xF7A  }
0x26: {  	[smem:$0x3F9A] =	sst s1;
	(tag) =	ssettag s2;
	_ =	strace s9  }
0x27: {  	s1 =	sld [smem:$0x3FAA]  }
0x28: {  	s2 =	sld [smem:$0x3FAB]  }
0x29: {  	s4 =	sld [smem:$0x3FAD]  }
0x2a: {  	p0 =	seq.s32 s5, $0x0;
	s5 =	sld [smem:$0x3FAE]  }
0x2b: {  	s6 =	sld [smem:$0x3FAF]  }
0x2c: {  	s7 =	sld [smem:$0x3FB0]  }
0x2d: {  	s3 =	simm.s32 $0x108;
	s8 =	sld [smem:$0x3FB1]  }
0x2e: {  	s3 =	simm.s32 @!p0 $0x1082;
	s9 =	sld [smem:$0x3FB2]  }
0x2f: {  	lr =	sadd.s32 s0, s3;
	s0 =	sld [smem:$0x3FA9]  }
0x30: {  	s3 =	sld [smem:$0x3FAC]  }
0x31: {  	[smem:$0x3FB5] =	sst s10  }
0x32: {  	s10 =	sld [smem:$0x3FB3];
	_ =	sdelay $0x3  }
0x33: {  	p0 =	seq.s32 s10, $0x1;
	s10 =	sld [smem:$0x3FB5];
	_ =	sdelay $0x3  }
0x34: {  	[smem:$0x3FB5] =	sst s10  }
0x35: {  	s10 =	sld [smem:$0x3FB4];
	_ =	sdelay $0x3  }
0x36: {  	p1 =	seq.s32 s10, $0x1;
	s10 =	sld [smem:$0x3FB5];
	_ =	sdelay $0x3  }
0x37: {  	[smem:$0x3FB5] =	sst s10  }
0x38: {  	s10 =	sld [smem:$0x3FB6]  }
0x39: {  	_ = 	snop;
	(pc) =	sbr.ind lr, $3  }
0x3a: {  	_ = 	snop  }
0x3b: {  	_ = 	snop  }
0x3c: {  	p2 =	seq.s32 s10, $0x1;
	s10 =	sld [smem:$0x3FB5]  }
0x3d: {  	_ =	shalt  }
0x3e: {  	_ =	shalt  }
0x3f: {  	_ =	shalt  }
0x40: {  	_ =	shalt  }
0x41: {  	_ =	shalt  }
0x42: {  	_ =	shalt  }
0x43: {  	_ =	shalt  }
0x44: {  	_ =	shalt  }
0x45: {  	_ =	shalt  }
0x46: {  	_ =	shalt  }
0x47: {  	_ =	shalt  }
0x48: {  	_ =	shalt  }
0x49: {  	_ =	shalt  }
0x4a: {  	_ =	shalt  }
0x4b: {  	_ =	shalt  }
0x4c: {  	_ =	shalt  }
0x4d: {  	_ =	shalt  }
0x4e: {  	_ =	shalt  }
0x4f: {  	_ =	shalt  }
0x50: {  	_ =	shalt  }
0x51: {  	_ =	shalt  }
0x52: {  	_ =	shalt  }
0x53: {  	_ =	shalt  }
0x54: {  	_ =	shalt  }
0x55: {  	_ =	shalt  }
0x56: {  	_ =	shalt  }
0x57: {  	_ =	shalt  }
0x58: {  	_ =	shalt  }
0x59: {  	_ =	shalt  }
0x5a: {  	_ =	shalt  }
0x5b: {  	_ =	shalt  }
0x5c: {  	_ =	shalt  }
0x5d: {  	_ =	shalt  }
0x5e: {  	_ =	shalt  }
0x5f: {  	_ =	shalt  }
0x60: {  	_ =	shalt  }
0x61: {  	_ =	shalt  }
0x62: {  	_ =	shalt  }
0x63: {  	_ =	shalt  }
0x64: {  	_ =	shalt  }
0x65: {  	_ =	shalt  }
0x66: {  	_ =	shalt  }
0x67: {  	_ =	shalt  }
0x68: {  	_ =	shalt  }
0x69: {  	_ =	shalt  }
0x6a: {  	_ =	shalt  }
0x6b: {  	_ =	shalt  }
0x6c: {  	_ =	shalt  }
0x6d: {  	_ =	shalt  }
0x6e: {  	_ =	shalt  }
0x6f: {  	_ =	shalt  }
0x70: {  	_ =	shalt  }
0x71: {  	_ =	shalt  }
0x72: {  	_ =	shalt  }
0x73: {  	_ =	shalt  }
0x74: {  	_ =	shalt  }
0x75: {  	_ =	shalt  }
0x76: {  	_ =	shalt  }
0x77: {  	_ =	shalt  }
0x78: {  	_ =	shalt  }
0x79: {  	_ =	shalt  }
0x7a: {  	_ =	shalt  }
0x7b: {  	_ =	shalt  }
0x7c: {  	_ =	shalt  }
0x7d: {  	_ =	shalt  }
0x7e: {  	_ =	shalt  }
0x7f: {  	_ =	shalt  }
0x80: {  	_ =	shalt  }
0x81: {  	_ =	shalt  }
0x82: {  	_ =	shalt  }
0x83: {  	_ =	shalt  }
0x84: {  	_ =	shalt  }
0x85: {  	_ =	shalt  }
0x86: {  	_ =	shalt  }
0x87: {  	_ =	shalt  }
.Lfunc_end0:
.L_simem_size_0:
called_computation.1_lowered:
.L_overlay_start_0:
0x88: {  	s2 =	sld [smem:$0x3FD9]  }
0x89: {  	s3 =	sld [smem:$0x3FFE];
	_ =	sdelay $0x1  }
0x8a: {  	s1 =	srdreg.scid  }
0x8b: {  	s0 =	sand.u32 $0x1, s1  }
0x8c: {  	s17 =	sshll.u32 s0, $0xA;
	s2 =	sadd.s32 s3, s2  }
0x8d: {  	s2 =	sadd.s32 s2, s17  }
0x8e: {  	[smem:$0x3FC1] =	sst s2  }
0x8f: {  	_ = 	snop  }
0x90: {  	s2 =	sld [smem:$0x3FD0];
	(tm) =	ssettm $0x1  }
0x91: {  	s18 =	sld [smem:$0x3FFB];
	_ =	sdelay $0x3  }
0x92: {  	_ =	strace s18  }
0x93: {  	s3 =	sld [smem:$0x3FFC];
	_ =	sdelay $0x3  }
0x94: {  	_ =	strace s3  }
0x95: {  	s3 =	sld [smem:$0x3FFD];
	_ =	sdelay $0x3  }
0x96: {  	_ =	strace s3  }
0x97: {  	_ =	strace $0x8FFFFFFF  }
0x98: {  	s19 =	sld [smem:$0x3FDB];
	_ =	sdelay $0x1  }
0x99: {  	s4 =	simm.s32 $_scs_section_size  }
0x9a: {  	s5 =	simm.s32 $_size__tile_overlayer_lowered;
	s6 =	simm.s32 $_tile_overlayer_lowered  }
0x9b: {  	s22 =	simm.s32 $0x1BFF;
	s21 =	sshll.u32 s6, $0x1;
	s3 =	sadd.s32 s4, s19  }
0x9c: {  	s7 =	simm.s32 $0x0;
	s20 =	sshll.u32 s5, $0x1;
	s5 =	sadd.s32 s21, s3  }
0x9d: {  	[timem:s7], [sflag:s22] =	dma.local [hbm:s5], s20  }
0x9e: {  	_ =	swait.ge [sflag:s22], s20  }
0x9f: {  	s4 =	ssub.s32 $0x0, s20;
	[sflag:s22] =	ssyncset.done $0x0  }
0xa0: {  	[sflag:s22] =	ssyncadd.s32 s4;
	_ =	sdelay $0x1  }
0xa1: {  	s23 =	simm.s32 $0x1B8B  }
0xa2: {  	_ =	swait.ge [sflag:s23], $0x1  }
0xa3: {  	[sflag:s23] =	ssyncset.done $0x0  }
0xa4: {  	s25 =	simm.s32 $0x1B8E;
	s24 =	sld [smem:$0x3FFE];
	[sflag:s23] =	ssyncadd.s32 $0xFFFFFFFF  }
0xa5: {  	s26 =	simm.s32 $execute0_lowered;
	[smem:$0x3FD2] =	sst s25  }
0xa6: {  	s5 =	sshll.u32 s26, $0x1;
	_ =	strace $0x80000049;
	[dreg:$0x1] =	wrdreg $0xFFFFFFFF  }
0xa7: {  	s28 =	simm.s32 $_size_execute0_lowered;
	s3 =	sadd.s32 s3, s5;
	[dreg:$0x0] =	wrdreg $0x0  }
0xa8: {  	s5 =	sshll.u32 s28, $0x1;
	[dreg:$0x2] =	wrdreg s3  }
0xa9: {  	[dreg:$0x3] =	wrdreg s5  }
0xaa: {  	[dreg:$0x4] =	wrdreg $0xC0  }
0xab: {  	_ =	task [dreg:s7], $0x5FFFF  }
0xac: {  	[dreg:$0x1] =	wrdreg $0xFFFFFFFF  }
0xad: {  	[dreg:$0x0] =	wrdreg $0x60  }
0xae: {  	[dreg:$0x2] =	wrdreg s24  }
0xaf: {  	[dreg:$0x3] =	wrdreg s2  }
0xb0: {  	[dreg:$0x4] =	wrdreg $0x94800  }
0xb1: {  	[dreg:$0x5] =	wrdreg $0x9  }
0xb2: {  	_ =	task.clear_ibuf [dreg:s7], $0x6FFFF;
	_ =	strace $0x90000049  }
0xb3: {  	s29 =	simm.s32 $0x9;
	_ =	strace $0x8000004B  }
0xb4: {  	_ =	swait.ge [sflag:s29], $0x1  }
0xb5: {  	[sflag:s29] =	ssyncadd.s32 $0xFFFFFFFF  }
0xb6: {  	_ =	strace $0x9000004B  }
0xb7: {  	_ =	sfence  }
0xb8: {  	s30 =	sld [smem:$0x0];
	_ =	sdelay $0x2  }
0xb9: {  	s31 =	sshll.u32 s1, $0xD;
	s1 =	sshrl.u32 s1, $0x2  }
0xba: {  	s3 =	sand.u32 $0x4000, s31;
	s1 =	sadd.s32 s1, s30  }
0xbb: {  	s0 =	sor.u32 s3, s0;
	s1 =	sshll.u32 s1, $0x11  }
0xbc: {  	s0 =	sor.u32 s1, s0  }
0xbd: {  	s0 =	sadd.s32 $0x8F2B, s0  }
0xbe: {  	[sflag:s0] =	ssyncadd.remote.s32 $0x1  }
0xbf: {  	_ =	sfence.sel $0xFFFF  }
0xc0: {  	[dreg:$0x0] =	wrdreg $0xFFFFFFFF;
	(pc) =	sbr.abs _section_cstart, $3  }
0xc1: {  	[dreg:$0x1] =	wrdreg $0xFFFFFFFF  }
0xc2: {  	_ =	task.clear_ibuf [dreg:s7], $0x2FFFF;
	_ =	strace $0x9FFFFFFF  }
0xc3: {  	(tm) =	ssettm $0x7FFFFFFF  }
tec
execute0_lowered:
.L_overlay_start_1:
0x0: {  	(tag) =	ssettag $0x1  }
0x1: {  	s0 =	rddreg [dreg:$0x0]  }
0x2: {  	s2 =	rddreg [dreg:$0x1]  }
0x3: {  	s1 =	rddreg [dreg:$0x2];
	s13 =	simm.s32 $0x0;
	s3 =	srdreg.scid  }
0x4: {  	s11 =	stileid.u32;
	s31 =	simm.s32 $0x1;
	s29 =	simm.s32 $0x4  }
0x5: {  	s28 =	simm.s32 $0x8;
	s14 =	simm.s32 $0x0;
	[smem:$0x7FF] =	sst s13  }
0x6: {  	s3 =	sand.u32 $0x1, s3;
	s4 =	sadd.s32 $0x15000, s0;
	s6 =	sadd.s32 $0x3D000, s0  }
0x7: {  	s15 =	smul.u32 $0x14000, s11;
	s8 =	sshll.u32 s11, $0x1;
	s7 =	sadd.s32 $0x3D600, s0  }
0x8: {  	s16 =	smul.u32 $0x50000, s11;
	s12 =	sadd.s32 $0x3D800, s0;
	s30 =	sshll.u32 s11, $0x6  }
0x9: {  	s11 =	simm.s32 $0x5;
	_ =	strace $0x8000004A;
	[dreg:$0x4] =	wrdreg s6  }
0xa: {  	s5 =	smul.u32 $0x140000, s3;
	[dreg:$0x5] =	wrdreg s7;
	s7 =	sadd.s32 $0xB200, s0  }
0xb: {  	s10 =	sor.u32 s3, s8;
	s8 =	sadd.s32 $0x1400, s0;
	s3 =	ssub.s32 $0x2, s3  }
0xc: {  	[dreg:$0x6] =	wrdreg s12;
	s12 =	simm.s32 $0x6C00;
	s9 =	smul.u32 $0x2710, s10  }
0xd: {  	s17 =	sshrl.u32 s3, $0x1;
	s18 =	sshrl.u32 s16, $0x2;
	s23 =	smul.u32 $0x500, s10  }
0xe: {  	s10 =	simm.s32 $0xD;
	s16 =	sor.u32 $0x1C0D, s30;
	s5 =	sadd.s32 s15, s5  }
0xf: {  	s3 =	ssub.s32 s3, s17;
	s15 =	simm.s32 $0x6;
	[dreg:$0x11] =	wrdreg s16  }
0x10: {  	s5 =	sshrl.u32 s5, $0x3;
	s19 =	sshrl.u32 s9, $0x3;
	s24 =	sadd.s32 $0x40, s9  }
0x11: {  	v0 =	vimm.s32 $0xFEDCBA98;
	v1 =	vimm.s32 $0x76543210;
	s25 =	sadd.s32 $0x50, s9;
	s2 =	sadd.s32 s2, s23;
	[dreg:$0xc] =	wrdreg s24  }
0x12: {  	v2 =	vimm.s32 $0xBA98FEDC;
	v3 =	vimm.s32 $0x32107654;
	v4 =	vimm.s32 $0xDCFE98BA;
	s26 =	smax.u32 s3, $0x1;
	s0 =	sadd.s32 s5, s0;
	[dreg:$0xd] =	wrdreg s25  }
0x13: {  	v5 =	vimm.s32 $0x54761032;
	v6 =	vimm.s32 $0xEFCDAB89;
	v7 =	vimm.s32 $0x67452301;
	s5 =	sadd.s32 s18, s1;
	s20 =	sadd.s32 s7, s19;
	[dreg:$0xe] =	wrdreg s2  }
0x14: {  	v0 =	vunpack.c.l.s4.s8 v0;
	v1 =	vunpack.c.l.s4.s8 v1;
	v2 =	vunpack.c.l.s4.s8 v2;
	s21 =	sadd.s32 $0x2, s19;
	s6 =	sadd.s32 s8, s19;
	[dreg:$0x10] =	wrdreg s26  }
0x15: {  	v3 =	vunpack.c.l.s4.s8 v3;
	v4 =	vunpack.c.l.s4.s8 v4;
	v5 =	vunpack.c.l.s4.s8 v5;
	s25 =	simm.s32 $0x10;
	s26 =	simm.s32 $0x200;
	[dreg:$0x7] =	wrdreg s5  }
0x16: {  	v6 =	vunpack.c.l.s4.s8 v6;
	v7 =	vunpack.c.l.s4.s8 v7;
	v0 =	vunpack.c.0.s8.s32 v0;
	s18 =	simm.s32 $0x180;
	s2 =	simm.s32 $0x3;
	[dreg:$0x8] =	wrdreg s20  }
0x17: {  	v1 =	vunpack.c.0.s8.s32 v1;
	v2 =	vunpack.c.0.s8.s32 v2;
	v3 =	vunpack.c.0.s8.s32 v3;
	s19 =	simm.s32 $0x7;
	[dreg:$0x9] =	wrdreg s6;
	s22 =	sadd.s32 s7, s21  }
0x18: {  	v4 =	vunpack.c.0.s8.s32 v4;
	v5 =	vunpack.c.0.s8.s32 v5;
	v0 =	vand.u32 $0xF, v0;
	s24 =	simm.s32 $0xA;
	s5 =	sadd.s32 s8, s21;
	[dreg:$0xa] =	wrdreg s22  }
0x19: {  	v6 =	vunpack.c.0.s8.s32 v6;
	v7 =	vunpack.c.0.s8.s32 v7;
	v0 =	vcombine.low v0, v1;
	s0 =	sadd.s32 $0x40000, s0;
	s21 =	simm.s32 $0x4400;
	[dreg:$0xb] =	wrdreg s5  }
0x1a: {  	v1 =	vcombine.low v3, v2;
	v2 =	vcombine.low v5, v4;
	s6 =	simm.s32 $0x2;
	s20 =	simm.s32 $0x380;
	[dreg:$0xf] =	wrdreg s0  }
0x1b: {  	v3 =	vimm.f32 $0.0e+00;
	v4 =	vcombine.low v7, v6;
	v5 =	vlaneseq.u32;
	s0 =	simm.s32 $0x20;
	s5 =	simm.s32 $0x300;
	s22 =	simm.s32 $0x9  }
.LBB2_1:
0x1c: {  	[dreg:$0x12] =	wrdreg s14  }
0x1d: {  	s3 =	rddreg [dreg:$0x4]  }
0x1e: {  	[tilespmem:s21], [sflag:$0xD] =	stream.linear.gather [hbm4b:s3+s13], $0x2800, $0x38;
	[tilespmem:$0x1D480] =	vst v63  }
0x1f: {  	_ =	swait.ge [sflag:s10], $0x2800  }
0x20: {  	[sflag:s10] =	ssyncset.done $0x0  }
0x21: {  	s30 =	simm.s32 $0x9400;
	s23 =	rddreg [dreg:$0x5];
	[sflag:s10] =	ssyncadd.s32 $0xFFFFD800  }
0x22: {  	[tilespmem:s30], [sflag:$0xD] =	stream.linear.gather [hbm4b:s23+s13], $0x80, $0x38;
	[tilespmem:$0x1D480] =	vst v63  }
0x23: {  	_ =	swait.ge [sflag:s10], $0x80  }
0x24: {  	s17 =	rddreg [dreg:$0x7]  }
0x25: {  	[sflag:s10] =	ssyncset.done $0x0;
	s30 =	rddreg [dreg:$0x6];
	s23 =	sshrl.u32 s17, $0x3  }
0x26: {  	[sflag:s10] =	ssyncadd.s32 $0xFFFFFF80;
	[dreg:$0x13] =	wrdreg s23  }
0x27: {  	[spmem:s23], [sflag:s16] =	dma.local [hbm:s30], $0x2800  }
0x28: {  	_ =	swait.ge [sflag:s10], $0x2800  }
0x29: {  	[sflag:s10] =	ssyncset.done $0x0  }
0x2a: {  	s3 =	simm.s32 $0x40;
	[sflag:s10] =	ssyncadd.s32 $0xFFFFD800;
	s10 =	simm.s32 $0x0  }
.LBB2_2:
0x2b: {  	p0 =	sne.s32 s3, $0x9FC0;
	[tilespmem:s10+$0x6C00] =	vst v3;
	s10 =	smov.u32 s3;
	s3 =	sadd.s32 $0x40, s3  }
.Ltmp0:
0x2c: {  	(pc) =	sbr.rel @p0 .LBB2_2-.Ltmp0, $2  }
0x2d: {  	_ =	sdelay $0x2  }
0x2e: {  	s10 =	sshra.s32 s10, $0x2  }
0x2f: {  	[tilespmem:s10+$0x6C00] =	vst v3  }
0x30: {  	v6 =	vld [tilespmem:$0x9400];
	[bflag:$0x0] =	sbarrier.arrive $0xFFFF  }
0x31: {  	s10 =	simm.s32 $0x0;
	s3 =	rddreg [dreg:$0x8]  }
0x32: {  	[tilespmem:s10], [sflag:$0x1] =	stream.linear.gather [hbm4b:s3+s10], $0x10, $0x38;
	[tilespmem:$0x1D480] =	vst v63  }
0x33: {  	s13 =	rddreg [dreg:$0x9]  }
0x34: {  	[tilespmem:s25], [sflag:$0x1] =	stream.linear.gather [hbm4b:s13+s10], $0x10, $0x38;
	[tilespmem:$0x1D480] =	vst v63  }
0x35: {  	_ = 	snop  }
0x36: {  	[tilespmem:s26], [sflag:$0x1] =	stream.linear.gather [hbm4b:s13+s10], $0x10, $0x38;
	[tilespmem:$0x1D480] =	vst v63  }
0x37: {  	s14 =	rddreg [dreg:$0xa];
	s13 =	simm.s32 $0x80  }
0x38: {  	[tilespmem:s13], [sflag:$0x2] =	stream.linear.gather [hbm4b:s14+s10], $0x10, $0x38;
	[tilespmem:$0x1D480] =	vst v63  }
0x39: {  	s17 =	simm.s32 $0x90;
	s16 =	rddreg [dreg:$0xb]  }
0x3a: {  	[tilespmem:s17], [sflag:$0x2] =	stream.linear.gather [hbm4b:s16+s10], $0x10, $0x38;
	[tilespmem:$0x1D480] =	vst v63  }
0x3b: {  	s23 =	simm.s32 $0x280  }
0x3c: {  	[tilespmem:s23], [sflag:$0x2] =	stream.linear.gather [hbm4b:s16+s10], $0x10, $0x38;
	[tilespmem:$0x1D480] =	vst v63  }
0x3d: {  	_ =	swait.ge [sflag:s31], $0x10  }
0x3e: {  	[sflag:s31] =	ssyncset.done $0x0  }
0x3f: {  	[sflag:s31] =	ssyncadd.s32 $0xFFFFFFF0  }
0x40: {  	_ =	swait.ge [sflag:s31], $0x10  }
0x41: {  	[sflag:s31] =	ssyncset.done $0x0  }
0x42: {  	[sflag:s31] =	ssyncadd.s32 $0xFFFFFFF0  }
0x43: {  	_ =	swait.ge [sflag:s31], $0x10  }
0x44: {  	[sflag:s31] =	ssyncset.done $0x0  }
0x45: {  	s30 =	simm.s32 $0x400;
	s13 =	simm.s32 $0x0;
	[sflag:s31] =	ssyncadd.s32 $0xFFFFFFF0  }
0x46: {  	[tilespmem:s30], [sflag:$0x5] =	stream.indirect.gather [hbm4b:s4+s0], $0x80, s10, s0, $0xb8;
	[tilespmem:$0x1D480] =	vst v63  }
.LBB2_4:
0x47: {  	s3 =	sshll.u32 s13, $0x6;
	p0 =	seq.s32 s13, $0x0  }
0x48: {  	s14 =	sor.u32 @!p0 $0x20, s3  }
0x49: {  	s16 =	simm.s32 @!p0 $0xB;
	s14 =	simm.s32 @p0 $0x20  }
0x4a: {  	_ =	swait.ge @!p0 [sflag:s16], $0x800;
	s14 =	sadd.s32 s9, s14  }
0x4b: {  	[sflag:s16] =	ssyncset.done @!p0 $0x0;
	s14 =	sshrl.u32 s14, $0x3  }
0x4c: {  	s17 =	simm.s32 $0x100;
	[sflag:s16] =	ssyncadd.s32 @!p0 $0xFFFFF800;
	s23 =	sadd.s32 s7, s14  }
0x4d: {  	[tilespmem:s17], [sflag:$0x3] =	stream.linear.gather [hbm4b:s23+s10], $0x10, $0x38;
	[tilespmem:$0x1D480] =	vst v63  }
0x4e: {  	s14 =	sadd.s32 s8, s14;
	s23 =	simm.s32 $0x110  }
0x4f: {  	[tilespmem:s23], [sflag:$0x3] =	stream.linear.gather [hbm4b:s14+s10], $0x10, $0x38;
	[tilespmem:$0x1D480] =	vst v63  }
0x50: {  	_ = 	snop  }
0x51: {  	[tilespmem:s5], [sflag:$0x3] =	stream.linear.gather [hbm4b:s14+s10], $0x10, $0x38;
	[tilespmem:$0x1D480] =	vst v63  }
0x52: {  	_ =	swait.ge [sflag:s6], $0x10  }
0x53: {  	[sflag:s6] =	ssyncset.done $0x0  }
0x54: {  	[sflag:s6] =	ssyncadd.s32 $0xFFFFFFF0  }
0x55: {  	_ =	swait.ge [sflag:s6], $0x10  }
0x56: {  	[sflag:s6] =	ssyncset.done $0x0  }
0x57: {  	[sflag:s6] =	ssyncadd.s32 $0xFFFFFFF0  }
0x58: {  	_ =	swait.ge [sflag:s6], $0x10  }
0x59: {  	[sflag:s6] =	ssyncset.done $0x0  }
0x5a: {  	s17 =	simm.s32 $0x80;
	s23 =	simm.s32 $0x1400;
	[sflag:s6] =	ssyncadd.s32 $0xFFFFFFF0  }
0x5b: {  	[tilespmem:s23], [sflag:$0x6] =	stream.indirect.gather [hbm4b:s4+s0], $0x80, s17, s0, $0xb8;
	[tilespmem:$0x1D480] =	vst v63  }
0x5c: {  	_ =	swait.ge [sflag:s11], $0x1000  }
0x5d: {  	[sflag:s11] =	ssyncset.done $0x0  }
0x5e: {  	s30 =	simm.s32 $0xC00;
	[sflag:s11] =	ssyncadd.s32 $0xFFFFF000  }
0x5f: {  	v7 =	vld [tilespmem:s30+$0xFFFFF800]  }
0x60: {  	v8 =	vld [tilespmem:s30+$0xFFFFF810]  }
0x61: {  	v9 =	vld [tilespmem:s30+$0x0]  }
0x62: {  	v10 =	vld [tilespmem:s30+$0x10]  }
0x63: {  	v11 =	vld [tilespmem:s30+$0xFFFFF820]  }
0x64: {  	v15 =	vld [tilespmem:s30+$0x20]  }
0x65: {  	v17 =	vld [tilespmem:s30+$0x30]  }
0x66: {  	v13 =	vld [tilespmem:s30+$0xFFFFF830]  }
0x67: {  	v12 =	vld [tilespmem:s30+$0xFFFFF840]  }
0x68: {  	v18 =	vld [tilespmem:s30+$0x40];
	v9 =	vmul.f32 v9, v7;
	v10 =	vmul.f32 v10, v8  }
0x69: {  	v14 =	vld [tilespmem:s30+$0xFFFFF850]  }
0x6a: {  	v16 =	vld [tilespmem:s30+$0xFFFFF860];
	v9 =	vadd.f32 v10, v9;
	v10 =	vmul.f32 v15, v11  }
0x6b: {  	v15 =	vld [tilespmem:s30+$0x50]  }
0x6c: {  	v19 =	vld [tilespmem:s30+$0x60];
	v9 =	vadd.f32 v10, v9;
	v10 =	vmul.f32 v17, v13  }
0x6d: {  	v20 =	vld [tilespmem:$0x0]  }
0x6e: {  	v17 =	vld [tilespmem:s30+$0xFFFFF870];
	v9 =	vadd.f32 v10, v9;
	v10 =	vmul.f32 v18, v12  }
0x6f: {  	v18 =	vld [tilespmem:s30+$0x70]  }
0x70: {  	v9 =	vadd.f32 v10, v9;
	v10 =	vmul.f32 v15, v14;
	_ =	sdelay $0x1  }
0x71: {  	v9 =	vadd.f32 v10, v9;
	v10 =	vmul.f32 v19, v16;
	_ =	sdelay $0x1  }
0x72: {  	v9 =	vadd.f32 v10, v9;
	v10 =	vmul.f32 v18, v17;
	_ =	sdelay $0x1  }
0x73: {  	v18 =	vadd.f32 v10, v9  }
0x74: {  	v15 =	vld.idx.msk [tilespmem:v20+s21+$0x0], $0xffff  }
0x75: {  	s16 =	simm.s32 $0x0;
	s14 =	simm.s32 $0xC00;
	s17 =	simm.s32 $0x1;
	v9 =	vld [tilespmem:$0x200];
	v10 =	vimm.f32 $0.0e+00;
	v19 =	vperm.xlane v18, v0  }
.LBB2_5:
0x76: {  	p1 =	sne.s32 s17, $0xF  }
0x77: {  	s30 =	sadd.s32 $0x80, s30;
	s23 =	smov.u32 s17;
	s17 =	sadd.s32 $0x1, s17;
	v18 =	vadd.f32 v18, v19  }
0x78: {  	_ = 	snop  }
0x79: {  	v19 =	vperm.xlane v18, v1;
	_ =	sdelay $0x1  }
0x7a: {  	v18 =	vadd.f32 v18, v19;
	_ =	sdelay $0x1  }
0x7b: {  	v19 =	vperm.xlane v18, v2;
	_ =	sdelay $0x1  }
0x7c: {  	v18 =	vadd.f32 v18, v19;
	_ =	sdelay $0x1  }
0x7d: {  	v19 =	vperm.xlane v18, v4;
	_ =	sdelay $0x1  }
0x7e: {  	v18 =	vadd.f32 v18, v19;
	_ =	sdelay $0x1  }
0x7f: {  	v18 =	vmul.f32 v18, v6;
	_ =	sdelay $0x1  }
0x80: {  	v18 =	vadd.f32 $-1.000000000e+00, v18;
	_ =	sdelay $0x1  }
0x81: {  	v18 =	vmul.f32 $1.442695020e+00, v18;
	_ =	sdelay $0x1  }
0x82: {  	(erf) = vpow2.f32 v18;
	_ =	sdelay $0x6  }
0x83: {  	v20 =	vmov s16;
	s16 =	smov.u32 s23  }
0x84: {  	v19 =	vperm.xlane v15, v20  }
0x85: {  	vm0 =	veq.s32 v20, v5;
	v18 =	vpop (erf)  }
0x86: {  	v19 =	vmul.f32 v18, v19;
	v10 =	vsel vm0, v18, v10;
	_ =	sdelay $0x1  }
0x87: {  	v18 =	vmul.f32 v19, v7;
	v20 =	vmul.f32 v19, v8  }
0x88: {  	v11 =	vmul.f32 v19, v11;
	v13 =	vmul.f32 v19, v13;
	v7 =	vld [tilespmem:s30+$0xFFFFF800]  }
0x89: {  	v8 =	vld [tilespmem:s30+$0xFFFFF810];
	[tilespmem:s14+$0x0] =	vst v18;
	v18 =	vmul.f32 v19, v12;
	v12 =	vmul.f32 v19, v14  }
0x8a: {  	v16 =	vmul.f32 v19, v16;
	v17 =	vmul.f32 v19, v17;
	v14 =	vld [tilespmem:s30+$0x0];
	[tilespmem:s14+$0x10] =	vst v20  }
0x8b: {  	v19 =	vld [tilespmem:s30+$0x10];
	[tilespmem:s14+$0x20] =	vst v11  }
0x8c: {  	v11 =	vld [tilespmem:s30+$0xFFFFF820];
	[tilespmem:s14+$0x60] =	vst v16  }
0x8d: {  	v16 =	vld [tilespmem:s30+$0x20];
	[tilespmem:s14+$0x30] =	vst v13  }
0x8e: {  	v20 =	vld [tilespmem:s30+$0x30];
	[tilespmem:s14+$0x50] =	vst v12  }
0x8f: {  	v13 =	vld [tilespmem:s30+$0xFFFFF830];
	[tilespmem:s14+$0x70] =	vst v17  }
0x90: {  	v17 =	vmul.f32 v14, v7;
	v12 =	vld [tilespmem:s30+$0xFFFFF840];
	v19 =	vmul.f32 v19, v8;
	[tilespmem:s14+$0x40] =	vst v18;
	s14 =	smov.u32 s30  }
0x91: {  	v18 =	vld [tilespmem:s30+$0x40]  }
0x92: {  	v14 =	vld [tilespmem:s30+$0xFFFFF850];
	v17 =	vadd.f32 v19, v17;
	v19 =	vmul.f32 v16, v11  }
0x93: {  	v21 =	vld [tilespmem:s30+$0x50]  }
0x94: {  	v16 =	vld [tilespmem:s30+$0xFFFFF860];
	v19 =	vadd.f32 v19, v17;
	v20 =	vmul.f32 v20, v13  }
0x95: {  	v22 =	vld [tilespmem:s30+$0x60]  }
0x96: {  	v17 =	vld [tilespmem:s30+$0xFFFFF870];
	v19 =	vadd.f32 v20, v19;
	v18 =	vmul.f32 v18, v12  }
0x97: {  	v20 =	vld [tilespmem:s30+$0x70]  }
0x98: {  	v18 =	vadd.f32 v18, v19;
	v19 =	vmul.f32 v21, v14;
	_ =	sdelay $0x1  }
0x99: {  	v18 =	vadd.f32 v19, v18;
	v19 =	vmul.f32 v22, v16;
	_ =	sdelay $0x1  }
.Ltmp1:
0x9a: {  	v18 =	vadd.f32 v19, v18;
	v19 =	vmul.f32 v20, v17;
	(pc) =	sbr.rel @p1 .LBB2_5-.Ltmp1, $3  }
0x9b: {  	_ = 	snop  }
0x9c: {  	v18 =	vadd.f32 v19, v18;
	_ =	sdelay $0x1  }
0x9d: {  	v19 =	vperm.xlane v18, v0  }
0x9e: {  	_ = 	snop  }
0x9f: {  	v18 =	vadd.f32 v18, v19;
	_ =	sdelay $0x1  }
0xa0: {  	v19 =	vperm.xlane v18, v1;
	_ =	sdelay $0x1  }
0xa1: {  	v18 =	vadd.f32 v18, v19;
	_ =	sdelay $0x1  }
0xa2: {  	v19 =	vperm.xlane v18, v2;
	_ =	sdelay $0x1  }
0xa3: {  	v18 =	vadd.f32 v18, v19;
	_ =	sdelay $0x1  }
0xa4: {  	v19 =	vperm.xlane v18, v4;
	_ =	sdelay $0x1  }
0xa5: {  	v18 =	vadd.f32 v18, v19;
	_ =	sdelay $0x1  }
0xa6: {  	v18 =	vmul.f32 v18, v6;
	_ =	sdelay $0x1  }
0xa7: {  	v18 =	vadd.f32 $-1.000000000e+00, v18;
	_ =	sdelay $0x1  }
0xa8: {  	v18 =	vmul.f32 $1.442695020e+00, v18;
	_ =	sdelay $0x1  }
0xa9: {  	(erf) = vpow2.f32 v18;
	_ =	sdelay $0x6  }
0xaa: {  	v18 =	vmov s16  }
0xab: {  	v15 =	vperm.xlane v15, v18  }
0xac: {  	v19 =	vpop (erf)  }
0xad: {  	v15 =	vmul.f32 v19, v15;
	_ =	sdelay $0x1  }
0xae: {  	v7 =	vmul.f32 v15, v7  }
0xaf: {  	v8 =	vmul.f32 v15, v8  }
0xb0: {  	v11 =	vmul.f32 v15, v11;
	[tilespmem:s14+$0x0] =	vst v7  }
0xb1: {  	[tilespmem:s14+$0x10] =	vst v8;
	v7 =	vmul.f32 v15, v16  }
0xb2: {  	v8 =	vmul.f32 v15, v13;
	[tilespmem:s14+$0x20] =	vst v11  }
0xb3: {  	v11 =	vmul.f32 v15, v14;
	[tilespmem:s14+$0x60] =	vst v7  }
0xb4: {  	v7 =	vmul.f32 v15, v17;
	[tilespmem:s14+$0x30] =	vst v8  }
0xb5: {  	v8 =	vmul.f32 v15, v12;
	[tilespmem:s14+$0x50] =	vst v11  }
0xb6: {  	vm0 =	veq.s32 v18, v5;
	[tilespmem:s14+$0x70] =	vst v7  }
0xb7: {  	v7 =	vsel vm0, v19, v10;
	[tilespmem:s14+$0x40] =	vst v8  }
0xb8: {  	s16 =	simm.s32 $0xC00;
	s14 =	sor.u32 @!p0 $0x30, s3;
	[tilespmem:v9+s12+$0x0] =	vst.idx.add.f32.msk $0xffff, v7  }
0xb9: {  	[spmem:s1] =	stream.indirect.scatter.add.f32 [tilespmem:s16], [sflag:$0x9], $0x80, s26, s25, $0xb8;
	[tilespmem:$0x1D480] =	vst v63  }
0xba: {  	s14 =	simm.s32 @p0 $0x30;
	s16 =	simm.s32 @!p0 $0xC  }
0xbb: {  	s14 =	sadd.s32 s9, s14;
	_ =	swait.ge @!p0 [sflag:s16], $0x800  }
0xbc: {  	s14 =	sshrl.u32 s14, $0x3;
	[sflag:s16] =	ssyncset.done @!p0 $0x0  }
0xbd: {  	s30 =	simm.s32 $0x0;
	s17 =	sadd.s32 s7, s14;
	[sflag:s16] =	ssyncadd.s32 @!p0 $0xFFFFF800  }
0xbe: {  	[tilespmem:s18], [sflag:$0x4] =	stream.linear.gather [hbm4b:s17+s30], $0x10, $0x38;
	[tilespmem:$0x1D480] =	vst v63  }
0xbf: {  	s23 =	simm.s32 $0x190;
	s14 =	sadd.s32 s8, s14  }
0xc0: {  	[tilespmem:s23], [sflag:$0x4] =	stream.linear.gather [hbm4b:s14+s30], $0x10, $0x38;
	[tilespmem:$0x1D480] =	vst v63  }
0xc1: {  	_ = 	snop  }
0xc2: {  	[tilespmem:s20], [sflag:$0x4] =	stream.linear.gather [hbm4b:s14+s30], $0x10, $0x38;
	[tilespmem:$0x1D480] =	vst v63  }
0xc3: {  	_ =	swait.ge [sflag:s2], $0x10  }
0xc4: {  	[sflag:s2] =	ssyncset.done $0x0  }
0xc5: {  	[sflag:s2] =	ssyncadd.s32 $0xFFFFFFF0  }
0xc6: {  	_ =	swait.ge [sflag:s2], $0x10  }
0xc7: {  	[sflag:s2] =	ssyncset.done $0x0  }
0xc8: {  	[sflag:s2] =	ssyncadd.s32 $0xFFFFFFF0  }
0xc9: {  	_ =	swait.ge [sflag:s2], $0x10  }
0xca: {  	[sflag:s2] =	ssyncset.done $0x0  }
0xcb: {  	s17 =	simm.s32 $0x100;
	s23 =	simm.s32 $0x2400;
	[sflag:s2] =	ssyncadd.s32 $0xFFFFFFF0  }
0xcc: {  	[tilespmem:s23], [sflag:$0x7] =	stream.indirect.gather [hbm4b:s4+s0], $0x80, s17, s0, $0xb8;
	[tilespmem:$0x1D480] =	vst v63  }
0xcd: {  	_ =	swait.ge [sflag:s15], $0x1000  }
0xce: {  	[sflag:s15] =	ssyncset.done $0x0  }
0xcf: {  	s14 =	simm.s32 $0x1C00;
	[sflag:s15] =	ssyncadd.s32 $0xFFFFF000  }
0xd0: {  	v7 =	vld [tilespmem:s14+$0xFFFFF800]  }
0xd1: {  	v8 =	vld [tilespmem:s14+$0xFFFFF810]  }
0xd2: {  	v9 =	vld [tilespmem:s14+$0x0]  }
0xd3: {  	v10 =	vld [tilespmem:s14+$0x10]  }
0xd4: {  	v11 =	vld [tilespmem:s14+$0xFFFFF820]  }
0xd5: {  	v15 =	vld [tilespmem:s14+$0x20]  }
0xd6: {  	v17 =	vld [tilespmem:s14+$0x30]  }
0xd7: {  	v13 =	vld [tilespmem:s14+$0xFFFFF830]  }
0xd8: {  	v12 =	vld [tilespmem:s14+$0xFFFFF840]  }
0xd9: {  	v18 =	vld [tilespmem:s14+$0x40];
	v9 =	vmul.f32 v9, v7;
	v10 =	vmul.f32 v10, v8  }
0xda: {  	v14 =	vld [tilespmem:s14+$0xFFFFF850]  }
0xdb: {  	v16 =	vld [tilespmem:s14+$0xFFFFF860];
	v9 =	vadd.f32 v10, v9;
	v10 =	vmul.f32 v15, v11  }
0xdc: {  	v15 =	vld [tilespmem:s14+$0x50]  }
0xdd: {  	v19 =	vld [tilespmem:s14+$0x60];
	v9 =	vadd.f32 v10, v9;
	v10 =	vmul.f32 v17, v13  }
0xde: {  	v20 =	vld [tilespmem:$0x80]  }
0xdf: {  	v17 =	vld [tilespmem:s14+$0xFFFFF870];
	v9 =	vadd.f32 v10, v9;
	v10 =	vmul.f32 v18, v12  }
0xe0: {  	v18 =	vld [tilespmem:s14+$0x70]  }
0xe1: {  	v9 =	vadd.f32 v10, v9;
	v10 =	vmul.f32 v15, v14;
	_ =	sdelay $0x1  }
0xe2: {  	v9 =	vadd.f32 v10, v9;
	v10 =	vmul.f32 v19, v16;
	_ =	sdelay $0x1  }
0xe3: {  	v9 =	vadd.f32 v10, v9;
	v10 =	vmul.f32 v18, v17;
	_ =	sdelay $0x1  }
0xe4: {  	v18 =	vadd.f32 v10, v9  }
0xe5: {  	v15 =	vld.idx.msk [tilespmem:v20+s21+$0x0], $0xffff  }
0xe6: {  	s16 =	simm.s32 $0x1C00;
	s17 =	simm.s32 $0x1;
	v9 =	vld [tilespmem:$0x280];
	v10 =	vimm.f32 $0.0e+00;
	v19 =	vperm.xlane v18, v0  }
.LBB2_7:
0xe7: {  	p0 =	sne.s32 s17, $0xF  }
0xe8: {  	s14 =	sadd.s32 $0x80, s14;
	s23 =	smov.u32 s17;
	s17 =	sadd.s32 $0x1, s17;
	v18 =	vadd.f32 v18, v19  }
0xe9: {  	_ = 	snop  }
0xea: {  	v19 =	vperm.xlane v18, v1;
	_ =	sdelay $0x1  }
0xeb: {  	v18 =	vadd.f32 v18, v19;
	_ =	sdelay $0x1  }
0xec: {  	v19 =	vperm.xlane v18, v2;
	_ =	sdelay $0x1  }
0xed: {  	v18 =	vadd.f32 v18, v19;
	_ =	sdelay $0x1  }
0xee: {  	v19 =	vperm.xlane v18, v4;
	_ =	sdelay $0x1  }
0xef: {  	v18 =	vadd.f32 v18, v19;
	_ =	sdelay $0x1  }
0xf0: {  	v18 =	vmul.f32 v18, v6;
	_ =	sdelay $0x1  }
0xf1: {  	v18 =	vadd.f32 $-1.000000000e+00, v18;
	_ =	sdelay $0x1  }
0xf2: {  	v18 =	vmul.f32 $1.442695020e+00, v18;
	_ =	sdelay $0x1  }
0xf3: {  	(erf) = vpow2.f32 v18;
	_ =	sdelay $0x6  }
0xf4: {  	v20 =	vmov s30;
	s30 =	smov.u32 s23  }
0xf5: {  	v19 =	vperm.xlane v15, v20  }
0xf6: {  	vm0 =	veq.s32 v20, v5;
	v18 =	vpop (erf)  }
0xf7: {  	v19 =	vmul.f32 v18, v19;
	v10 =	vsel vm0, v18, v10;
	_ =	sdelay $0x1  }
0xf8: {  	v18 =	vmul.f32 v19, v7;
	v20 =	vmul.f32 v19, v8  }
0xf9: {  	v11 =	vmul.f32 v19, v11;
	v13 =	vmul.f32 v19, v13;
	v7 =	vld [tilespmem:s14+$0xFFFFF800]  }
0xfa: {  	v8 =	vld [tilespmem:s14+$0xFFFFF810];
	[tilespmem:s16+$0x0] =	vst v18;
	v18 =	vmul.f32 v19, v12;
	v12 =	vmul.f32 v19, v14  }
0xfb: {  	v16 =	vmul.f32 v19, v16;
	v17 =	vmul.f32 v19, v17;
	v14 =	vld [tilespmem:s14+$0x0];
	[tilespmem:s16+$0x10] =	vst v20  }
0xfc: {  	v19 =	vld [tilespmem:s14+$0x10];
	[tilespmem:s16+$0x20] =	vst v11  }
0xfd: {  	v11 =	vld [tilespmem:s14+$0xFFFFF820];
	[tilespmem:s16+$0x60] =	vst v16  }
0xfe: {  	v16 =	vld [tilespmem:s14+$0x20];
	[tilespmem:s16+$0x30] =	vst v13  }
0xff: {  	v20 =	vld [tilespmem:s14+$0x30];
	[tilespmem:s16+$0x50] =	vst v12  }
0x100: {  	v13 =	vld [tilespmem:s14+$0xFFFFF830];
	[tilespmem:s16+$0x70] =	vst v17  }
0x101: {  	v17 =	vmul.f32 v14, v7;
	v12 =	vld [tilespmem:s14+$0xFFFFF840];
	v19 =	vmul.f32 v19, v8;
	[tilespmem:s16+$0x40] =	vst v18;
	s16 =	smov.u32 s14  }
0x102: {  	v18 =	vld [tilespmem:s14+$0x40]  }
0x103: {  	v14 =	vld [tilespmem:s14+$0xFFFFF850];
	v17 =	vadd.f32 v19, v17;
	v19 =	vmul.f32 v16, v11  }
0x104: {  	v21 =	vld [tilespmem:s14+$0x50]  }
0x105: {  	v16 =	vld [tilespmem:s14+$0xFFFFF860];
	v19 =	vadd.f32 v19, v17;
	v20 =	vmul.f32 v20, v13  }
0x106: {  	v22 =	vld [tilespmem:s14+$0x60]  }
0x107: {  	v17 =	vld [tilespmem:s14+$0xFFFFF870];
	v19 =	vadd.f32 v20, v19;
	v18 =	vmul.f32 v18, v12  }
0x108: {  	v20 =	vld [tilespmem:s14+$0x70]  }
0x109: {  	v18 =	vadd.f32 v18, v19;
	v19 =	vmul.f32 v21, v14;
	_ =	sdelay $0x1  }
0x10a: {  	v18 =	vadd.f32 v19, v18;
	v19 =	vmul.f32 v22, v16;
	_ =	sdelay $0x1  }
.Ltmp2:
0x10b: {  	v18 =	vadd.f32 v19, v18;
	v19 =	vmul.f32 v20, v17;
	(pc) =	sbr.rel @p0 .LBB2_7-.Ltmp2, $3  }
0x10c: {  	_ = 	snop  }
0x10d: {  	v18 =	vadd.f32 v19, v18;
	_ =	sdelay $0x1  }
0x10e: {  	v19 =	vperm.xlane v18, v0  }
0x10f: {  	_ = 	snop  }
0x110: {  	v18 =	vadd.f32 v18, v19;
	_ =	sdelay $0x1  }
0x111: {  	v19 =	vperm.xlane v18, v1;
	_ =	sdelay $0x1  }
0x112: {  	v18 =	vadd.f32 v18, v19;
	_ =	sdelay $0x1  }
0x113: {  	v19 =	vperm.xlane v18, v2;
	_ =	sdelay $0x1  }
0x114: {  	v18 =	vadd.f32 v18, v19;
	_ =	sdelay $0x1  }
0x115: {  	v19 =	vperm.xlane v18, v4;
	_ =	sdelay $0x1  }
0x116: {  	v18 =	vadd.f32 v18, v19;
	_ =	sdelay $0x1  }
0x117: {  	v18 =	vmul.f32 v18, v6;
	_ =	sdelay $0x1  }
0x118: {  	v18 =	vadd.f32 $-1.000000000e+00, v18;
	_ =	sdelay $0x1  }
0x119: {  	v18 =	vmul.f32 $1.442695020e+00, v18;
	_ =	sdelay $0x1  }
0x11a: {  	(erf) = vpow2.f32 v18;
	_ =	sdelay $0x6  }
0x11b: {  	v18 =	vmov s30  }
0x11c: {  	v15 =	vperm.xlane v15, v18  }
0x11d: {  	v19 =	vpop (erf)  }
0x11e: {  	v15 =	vmul.f32 v19, v15;
	_ =	sdelay $0x1  }
0x11f: {  	v7 =	vmul.f32 v15, v7  }
0x120: {  	v8 =	vmul.f32 v15, v8  }
0x121: {  	v11 =	vmul.f32 v15, v11;
	[tilespmem:s16+$0x0] =	vst v7  }
0x122: {  	[tilespmem:s16+$0x10] =	vst v8;
	v7 =	vmul.f32 v15, v16  }
0x123: {  	v8 =	vmul.f32 v15, v13;
	[tilespmem:s16+$0x20] =	vst v11  }
0x124: {  	v11 =	vmul.f32 v15, v14;
	[tilespmem:s16+$0x60] =	vst v7  }
0x125: {  	v7 =	vmul.f32 v15, v17;
	[tilespmem:s16+$0x30] =	vst v8  }
0x126: {  	v8 =	vmul.f32 v15, v12;
	[tilespmem:s16+$0x50] =	vst v11  }
0x127: {  	vm0 =	veq.s32 v18, v5;
	[tilespmem:s16+$0x70] =	vst v7  }
0x128: {  	v7 =	vsel vm0, v19, v10;
	[tilespmem:s16+$0x40] =	vst v8  }
0x129: {  	s14 =	simm.s32 $0x280;
	s23 =	simm.s32 $0x1C00;
	[tilespmem:v9+s12+$0x0] =	vst.idx.add.f32.msk $0xffff, v7  }
0x12a: {  	[spmem:s1] =	stream.indirect.scatter.add.f32 [tilespmem:s23], [sflag:$0xA], $0x80, s14, s25, $0xb8;
	[tilespmem:$0x1D480] =	vst v63  }
0x12b: {  	_ =	swait.ge [sflag:s22], $0x800  }
0x12c: {  	s16 =	rddreg [dreg:$0xc]  }
0x12d: {  	s14 =	sadd.s32 s3, s16  }
0x12e: {  	[sflag:s22] =	ssyncset.done $0x0;
	s14 =	sshrl.u32 s14, $0x3  }
0x12f: {  	s30 =	simm.s32 $0x0;
	[sflag:s22] =	ssyncadd.s32 $0xFFFFF800;
	s17 =	sadd.s32 s7, s14  }
0x130: {  	[tilespmem:s30], [sflag:$0x1] =	stream.linear.gather [hbm4b:s17+s30], $0x10, $0x38;
	[tilespmem:$0x1D480] =	vst v63  }
0x131: {  	s14 =	sadd.s32 s8, s14  }
0x132: {  	[tilespmem:s25], [sflag:$0x1] =	stream.linear.gather [hbm4b:s14+s30], $0x10, $0x38;
	[tilespmem:$0x1D480] =	vst v63  }
0x133: {  	_ = 	snop  }
0x134: {  	[tilespmem:s26], [sflag:$0x1] =	stream.linear.gather [hbm4b:s14+s30], $0x10, $0x38;
	[tilespmem:$0x1D480] =	vst v63  }
0x135: {  	_ =	swait.ge [sflag:s29], $0x10  }
0x136: {  	[sflag:s29] =	ssyncset.done $0x0  }
0x137: {  	[sflag:s29] =	ssyncadd.s32 $0xFFFFFFF0  }
0x138: {  	_ =	swait.ge [sflag:s29], $0x10  }
0x139: {  	[sflag:s29] =	ssyncset.done $0x0  }
0x13a: {  	[sflag:s29] =	ssyncadd.s32 $0xFFFFFFF0  }
0x13b: {  	_ =	swait.ge [sflag:s29], $0x10  }
0x13c: {  	[sflag:s29] =	ssyncset.done $0x0  }
0x13d: {  	s23 =	simm.s32 $0x3400;
	[sflag:s29] =	ssyncadd.s32 $0xFFFFFFF0  }
0x13e: {  	[tilespmem:s23], [sflag:$0x8] =	stream.indirect.gather [hbm4b:s4+s0], $0x80, s18, s0, $0xb8;
	[tilespmem:$0x1D480] =	vst v63  }
0x13f: {  	_ =	swait.ge [sflag:s19], $0x1000  }
0x140: {  	[sflag:s19] =	ssyncset.done $0x0  }
0x141: {  	s14 =	simm.s32 $0x2C00;
	[sflag:s19] =	ssyncadd.s32 $0xFFFFF000  }
0x142: {  	v7 =	vld [tilespmem:s14+$0xFFFFF800]  }
0x143: {  	v8 =	vld [tilespmem:s14+$0xFFFFF810]  }
0x144: {  	v9 =	vld [tilespmem:s14+$0x0]  }
0x145: {  	v10 =	vld [tilespmem:s14+$0x10]  }
0x146: {  	v11 =	vld [tilespmem:s14+$0xFFFFF820]  }
0x147: {  	v15 =	vld [tilespmem:s14+$0x20]  }
0x148: {  	v17 =	vld [tilespmem:s14+$0x30]  }
0x149: {  	v13 =	vld [tilespmem:s14+$0xFFFFF830]  }
0x14a: {  	v12 =	vld [tilespmem:s14+$0xFFFFF840]  }
0x14b: {  	v18 =	vld [tilespmem:s14+$0x40];
	v9 =	vmul.f32 v9, v7;
	v10 =	vmul.f32 v10, v8  }
0x14c: {  	v14 =	vld [tilespmem:s14+$0xFFFFF850]  }
0x14d: {  	v16 =	vld [tilespmem:s14+$0xFFFFF860];
	v9 =	vadd.f32 v10, v9;
	v10 =	vmul.f32 v15, v11  }
0x14e: {  	v15 =	vld [tilespmem:s14+$0x50]  }
0x14f: {  	v19 =	vld [tilespmem:s14+$0x60];
	v9 =	vadd.f32 v10, v9;
	v10 =	vmul.f32 v17, v13  }
0x150: {  	v20 =	vld [tilespmem:$0x100]  }
0x151: {  	v17 =	vld [tilespmem:s14+$0xFFFFF870];
	v9 =	vadd.f32 v10, v9;
	v10 =	vmul.f32 v18, v12  }
0x152: {  	v18 =	vld [tilespmem:s14+$0x70]  }
0x153: {  	v9 =	vadd.f32 v10, v9;
	v10 =	vmul.f32 v15, v14;
	_ =	sdelay $0x1  }
0x154: {  	v9 =	vadd.f32 v10, v9;
	v10 =	vmul.f32 v19, v16;
	_ =	sdelay $0x1  }
0x155: {  	v9 =	vadd.f32 v10, v9;
	v10 =	vmul.f32 v18, v17;
	_ =	sdelay $0x1  }
0x156: {  	v18 =	vadd.f32 v10, v9  }
0x157: {  	v15 =	vld.idx.msk [tilespmem:v20+s21+$0x0], $0xffff  }
0x158: {  	s16 =	simm.s32 $0x2C00;
	s17 =	simm.s32 $0x1;
	v9 =	vld [tilespmem:$0x300];
	v10 =	vimm.f32 $0.0e+00;
	v19 =	vperm.xlane v18, v0  }
.LBB2_9:
0x159: {  	p0 =	sne.s32 s17, $0xF  }
0x15a: {  	s14 =	sadd.s32 $0x80, s14;
	s23 =	smov.u32 s17;
	s17 =	sadd.s32 $0x1, s17;
	v18 =	vadd.f32 v18, v19  }
0x15b: {  	_ = 	snop  }
0x15c: {  	v19 =	vperm.xlane v18, v1;
	_ =	sdelay $0x1  }
0x15d: {  	v18 =	vadd.f32 v18, v19;
	_ =	sdelay $0x1  }
0x15e: {  	v19 =	vperm.xlane v18, v2;
	_ =	sdelay $0x1  }
0x15f: {  	v18 =	vadd.f32 v18, v19;
	_ =	sdelay $0x1  }
0x160: {  	v19 =	vperm.xlane v18, v4;
	_ =	sdelay $0x1  }
0x161: {  	v18 =	vadd.f32 v18, v19;
	_ =	sdelay $0x1  }
0x162: {  	v18 =	vmul.f32 v18, v6;
	_ =	sdelay $0x1  }
0x163: {  	v18 =	vadd.f32 $-1.000000000e+00, v18;
	_ =	sdelay $0x1  }
0x164: {  	v18 =	vmul.f32 $1.442695020e+00, v18;
	_ =	sdelay $0x1  }
0x165: {  	(erf) = vpow2.f32 v18;
	_ =	sdelay $0x6  }
0x166: {  	v20 =	vmov s30;
	s30 =	smov.u32 s23  }
0x167: {  	v19 =	vperm.xlane v15, v20  }
0x168: {  	vm0 =	veq.s32 v20, v5;
	v18 =	vpop (erf)  }
0x169: {  	v19 =	vmul.f32 v18, v19;
	v10 =	vsel vm0, v18, v10;
	_ =	sdelay $0x1  }
0x16a: {  	v18 =	vmul.f32 v19, v7;
	v20 =	vmul.f32 v19, v8  }
0x16b: {  	v11 =	vmul.f32 v19, v11;
	v13 =	vmul.f32 v19, v13;
	v7 =	vld [tilespmem:s14+$0xFFFFF800]  }
0x16c: {  	v8 =	vld [tilespmem:s14+$0xFFFFF810];
	[tilespmem:s16+$0x0] =	vst v18;
	v18 =	vmul.f32 v19, v12;
	v12 =	vmul.f32 v19, v14  }
0x16d: {  	v16 =	vmul.f32 v19, v16;
	v17 =	vmul.f32 v19, v17;
	v14 =	vld [tilespmem:s14+$0x0];
	[tilespmem:s16+$0x10] =	vst v20  }
0x16e: {  	v19 =	vld [tilespmem:s14+$0x10];
	[tilespmem:s16+$0x20] =	vst v11  }
0x16f: {  	v11 =	vld [tilespmem:s14+$0xFFFFF820];
	[tilespmem:s16+$0x60] =	vst v16  }
0x170: {  	v16 =	vld [tilespmem:s14+$0x20];
	[tilespmem:s16+$0x30] =	vst v13  }
0x171: {  	v20 =	vld [tilespmem:s14+$0x30];
	[tilespmem:s16+$0x50] =	vst v12  }
0x172: {  	v13 =	vld [tilespmem:s14+$0xFFFFF830];
	[tilespmem:s16+$0x70] =	vst v17  }
0x173: {  	v17 =	vmul.f32 v14, v7;
	v12 =	vld [tilespmem:s14+$0xFFFFF840];
	v19 =	vmul.f32 v19, v8;
	[tilespmem:s16+$0x40] =	vst v18;
	s16 =	smov.u32 s14  }
0x174: {  	v18 =	vld [tilespmem:s14+$0x40]  }
0x175: {  	v14 =	vld [tilespmem:s14+$0xFFFFF850];
	v17 =	vadd.f32 v19, v17;
	v19 =	vmul.f32 v16, v11  }
0x176: {  	v21 =	vld [tilespmem:s14+$0x50]  }
0x177: {  	v16 =	vld [tilespmem:s14+$0xFFFFF860];
	v19 =	vadd.f32 v19, v17;
	v20 =	vmul.f32 v20, v13  }
0x178: {  	v22 =	vld [tilespmem:s14+$0x60]  }
0x179: {  	v17 =	vld [tilespmem:s14+$0xFFFFF870];
	v19 =	vadd.f32 v20, v19;
	v18 =	vmul.f32 v18, v12  }
0x17a: {  	v20 =	vld [tilespmem:s14+$0x70]  }
0x17b: {  	v18 =	vadd.f32 v18, v19;
	v19 =	vmul.f32 v21, v14;
	_ =	sdelay $0x1  }
0x17c: {  	v18 =	vadd.f32 v19, v18;
	v19 =	vmul.f32 v22, v16;
	_ =	sdelay $0x1  }
.Ltmp3:
0x17d: {  	v18 =	vadd.f32 v19, v18;
	v19 =	vmul.f32 v20, v17;
	(pc) =	sbr.rel @p0 .LBB2_9-.Ltmp3, $3  }
0x17e: {  	_ = 	snop  }
0x17f: {  	v18 =	vadd.f32 v19, v18;
	_ =	sdelay $0x1  }
0x180: {  	v19 =	vperm.xlane v18, v0  }
0x181: {  	_ = 	snop  }
0x182: {  	v18 =	vadd.f32 v18, v19;
	_ =	sdelay $0x1  }
0x183: {  	v19 =	vperm.xlane v18, v1;
	_ =	sdelay $0x1  }
0x184: {  	v18 =	vadd.f32 v18, v19;
	_ =	sdelay $0x1  }
0x185: {  	v19 =	vperm.xlane v18, v2;
	_ =	sdelay $0x1  }
0x186: {  	v18 =	vadd.f32 v18, v19;
	_ =	sdelay $0x1  }
0x187: {  	v19 =	vperm.xlane v18, v4;
	_ =	sdelay $0x1  }
0x188: {  	v18 =	vadd.f32 v18, v19;
	_ =	sdelay $0x1  }
0x189: {  	v18 =	vmul.f32 v18, v6;
	_ =	sdelay $0x1  }
0x18a: {  	v18 =	vadd.f32 $-1.000000000e+00, v18;
	_ =	sdelay $0x1  }
0x18b: {  	v18 =	vmul.f32 $1.442695020e+00, v18;
	_ =	sdelay $0x1  }
0x18c: {  	(erf) = vpow2.f32 v18;
	_ =	sdelay $0x6  }
0x18d: {  	v18 =	vmov s30  }
0x18e: {  	v15 =	vperm.xlane v15, v18  }
0x18f: {  	v19 =	vpop (erf)  }
0x190: {  	v15 =	vmul.f32 v19, v15;
	_ =	sdelay $0x1  }
0x191: {  	v7 =	vmul.f32 v15, v7  }
0x192: {  	v8 =	vmul.f32 v15, v8  }
0x193: {  	v11 =	vmul.f32 v15, v11;
	[tilespmem:s16+$0x0] =	vst v7  }
0x194: {  	[tilespmem:s16+$0x10] =	vst v8;
	v7 =	vmul.f32 v15, v16  }
0x195: {  	v8 =	vmul.f32 v15, v13;
	[tilespmem:s16+$0x20] =	vst v11  }
0x196: {  	v11 =	vmul.f32 v15, v14;
	[tilespmem:s16+$0x60] =	vst v7  }
0x197: {  	v7 =	vmul.f32 v15, v17;
	[tilespmem:s16+$0x30] =	vst v8  }
0x198: {  	v8 =	vmul.f32 v15, v12;
	[tilespmem:s16+$0x50] =	vst v11  }
0x199: {  	vm0 =	veq.s32 v18, v5;
	[tilespmem:s16+$0x70] =	vst v7  }
0x19a: {  	v7 =	vsel vm0, v19, v10;
	[tilespmem:s16+$0x40] =	vst v8  }
0x19b: {  	s14 =	simm.s32 $0x2C00;
	[tilespmem:v9+s12+$0x0] =	vst.idx.add.f32.msk $0xffff, v7  }
0x19c: {  	[spmem:s1] =	stream.indirect.scatter.add.f32 [tilespmem:s14], [sflag:$0xB], $0x80, s5, s25, $0xb8;
	[tilespmem:$0x1D480] =	vst v63  }
0x19d: {  	_ =	swait.ge [sflag:s24], $0x800  }
0x19e: {  	p0 =	seq.s32 s13, $0x9B;
	s14 =	rddreg [dreg:$0xd]  }
0x19f: {  	s3 =	sadd.s32 @!p0 s3, s14  }
0x1a0: {  	s17 =	simm.s32 @!p0 $0x80;
	[sflag:s24] =	ssyncset.done $0x0;
	s3 =	sshrl.u32 @!p0 s3, $0x3  }
0x1a1: {  	s16 =	simm.s32 @!p0 $0x0;
	[sflag:s24] =	ssyncadd.s32 $0xFFFFF800;
	s14 =	sadd.s32 @!p0 s7, s3  }
0x1a2: {  	[tilespmem:s17], [sflag:$0x2] =	stream.linear.gather @!p0 [hbm4b:s14+s16], $0x10, $0x38;
	[tilespmem:$0x1D480] =	vst v63  }
0x1a3: {  	s3 =	sadd.s32 @!p0 s8, s3;
	s14 =	simm.s32 @!p0 $0x90  }
0x1a4: {  	[tilespmem:s14], [sflag:$0x2] =	stream.linear.gather @!p0 [hbm4b:s3+s16], $0x10, $0x38;
	[tilespmem:$0x1D480] =	vst v63  }
0x1a5: {  	s14 =	simm.s32 @!p0 $0x280  }
0x1a6: {  	[tilespmem:s14], [sflag:$0x2] =	stream.linear.gather @!p0 [hbm4b:s3+s16], $0x10, $0x38;
	[tilespmem:$0x1D480] =	vst v63  }
0x1a7: {  	_ =	swait.ge [sflag:s31], $0x10  }
0x1a8: {  	[sflag:s31] =	ssyncset.done $0x0  }
0x1a9: {  	[sflag:s31] =	ssyncadd.s32 $0xFFFFFFF0  }
0x1aa: {  	_ =	swait.ge [sflag:s31], $0x10  }
0x1ab: {  	[sflag:s31] =	ssyncset.done $0x0  }
0x1ac: {  	[sflag:s31] =	ssyncadd.s32 $0xFFFFFFF0  }
0x1ad: {  	_ =	swait.ge [sflag:s31], $0x10  }
0x1ae: {  	[sflag:s31] =	ssyncset.done $0x0  }
0x1af: {  	s30 =	simm.s32 $0x400;
	s3 =	simm.s32 $0x0;
	[sflag:s31] =	ssyncadd.s32 $0xFFFFFFF0  }
0x1b0: {  	[tilespmem:s30], [sflag:$0x5] =	stream.indirect.gather [hbm4b:s4+s0], $0x80, s3, s0, $0xb8;
	[tilespmem:$0x1D480] =	vst v63  }
0x1b1: {  	_ =	swait.ge [sflag:s28], $0x1000  }
0x1b2: {  	[sflag:s28] =	ssyncset.done $0x0  }
0x1b3: {  	s14 =	simm.s32 $0x3C00;
	[sflag:s28] =	ssyncadd.s32 $0xFFFFF000  }
0x1b4: {  	v7 =	vld [tilespmem:s14+$0xFFFFF800]  }
0x1b5: {  	v8 =	vld [tilespmem:s14+$0xFFFFF810]  }
0x1b6: {  	v9 =	vld [tilespmem:s14+$0x0]  }
0x1b7: {  	v10 =	vld [tilespmem:s14+$0x10]  }
0x1b8: {  	v11 =	vld [tilespmem:s14+$0xFFFFF820]  }
0x1b9: {  	v15 =	vld [tilespmem:s14+$0x20]  }
0x1ba: {  	v17 =	vld [tilespmem:s14+$0x30]  }
0x1bb: {  	v13 =	vld [tilespmem:s14+$0xFFFFF830]  }
0x1bc: {  	v12 =	vld [tilespmem:s14+$0xFFFFF840]  }
0x1bd: {  	v18 =	vld [tilespmem:s14+$0x40];
	v9 =	vmul.f32 v9, v7;
	v10 =	vmul.f32 v10, v8  }
0x1be: {  	v14 =	vld [tilespmem:s14+$0xFFFFF850]  }
0x1bf: {  	v16 =	vld [tilespmem:s14+$0xFFFFF860];
	v9 =	vadd.f32 v10, v9;
	v10 =	vmul.f32 v15, v11  }
0x1c0: {  	v15 =	vld [tilespmem:s14+$0x50]  }
0x1c1: {  	v19 =	vld [tilespmem:s14+$0x60];
	v9 =	vadd.f32 v10, v9;
	v10 =	vmul.f32 v17, v13  }
0x1c2: {  	v20 =	vld [tilespmem:$0x180]  }
0x1c3: {  	v17 =	vld [tilespmem:s14+$0xFFFFF870];
	v9 =	vadd.f32 v10, v9;
	v10 =	vmul.f32 v18, v12  }
0x1c4: {  	v18 =	vld [tilespmem:s14+$0x70]  }
0x1c5: {  	v9 =	vadd.f32 v10, v9;
	v10 =	vmul.f32 v15, v14;
	_ =	sdelay $0x1  }
0x1c6: {  	v9 =	vadd.f32 v10, v9;
	v10 =	vmul.f32 v19, v16;
	_ =	sdelay $0x1  }
0x1c7: {  	v9 =	vadd.f32 v10, v9;
	v10 =	vmul.f32 v18, v17;
	_ =	sdelay $0x1  }
0x1c8: {  	v18 =	vadd.f32 v10, v9  }
0x1c9: {  	v15 =	vld.idx.msk [tilespmem:v20+s21+$0x0], $0xffff  }
0x1ca: {  	s17 =	simm.s32 $0x1;
	s16 =	simm.s32 $0x3C00;
	v9 =	vld [tilespmem:$0x380];
	v10 =	vimm.f32 $0.0e+00;
	v19 =	vperm.xlane v18, v0  }
.LBB2_11:
0x1cb: {  	p0 =	sne.s32 s17, $0xF  }
0x1cc: {  	s14 =	sadd.s32 $0x80, s14;
	s23 =	smov.u32 s17;
	s17 =	sadd.s32 $0x1, s17;
	v18 =	vadd.f32 v18, v19  }
0x1cd: {  	_ = 	snop  }
0x1ce: {  	v19 =	vperm.xlane v18, v1;
	_ =	sdelay $0x1  }
0x1cf: {  	v18 =	vadd.f32 v18, v19;
	_ =	sdelay $0x1  }
0x1d0: {  	v19 =	vperm.xlane v18, v2;
	_ =	sdelay $0x1  }
0x1d1: {  	v18 =	vadd.f32 v18, v19;
	_ =	sdelay $0x1  }
0x1d2: {  	v19 =	vperm.xlane v18, v4;
	_ =	sdelay $0x1  }
0x1d3: {  	v18 =	vadd.f32 v18, v19;
	_ =	sdelay $0x1  }
0x1d4: {  	v18 =	vmul.f32 v18, v6;
	_ =	sdelay $0x1  }
0x1d5: {  	v18 =	vadd.f32 $-1.000000000e+00, v18;
	_ =	sdelay $0x1  }
0x1d6: {  	v18 =	vmul.f32 $1.442695020e+00, v18;
	_ =	sdelay $0x1  }
0x1d7: {  	(erf) = vpow2.f32 v18;
	_ =	sdelay $0x6  }
0x1d8: {  	v20 =	vmov s3;
	s3 =	smov.u32 s23  }
0x1d9: {  	v19 =	vperm.xlane v15, v20  }
0x1da: {  	vm0 =	veq.s32 v20, v5;
	v18 =	vpop (erf)  }
0x1db: {  	v19 =	vmul.f32 v18, v19;
	v10 =	vsel vm0, v18, v10;
	_ =	sdelay $0x1  }
0x1dc: {  	v18 =	vmul.f32 v19, v7;
	v20 =	vmul.f32 v19, v8  }
0x1dd: {  	v11 =	vmul.f32 v19, v11;
	v13 =	vmul.f32 v19, v13;
	v7 =	vld [tilespmem:s14+$0xFFFFF800]  }
0x1de: {  	v8 =	vld [tilespmem:s14+$0xFFFFF810];
	[tilespmem:s16+$0x0] =	vst v18;
	v18 =	vmul.f32 v19, v12;
	v12 =	vmul.f32 v19, v14  }
0x1df: {  	v16 =	vmul.f32 v19, v16;
	v17 =	vmul.f32 v19, v17;
	v14 =	vld [tilespmem:s14+$0x0];
	[tilespmem:s16+$0x10] =	vst v20  }
0x1e0: {  	v19 =	vld [tilespmem:s14+$0x10];
	[tilespmem:s16+$0x20] =	vst v11  }
0x1e1: {  	v11 =	vld [tilespmem:s14+$0xFFFFF820];
	[tilespmem:s16+$0x60] =	vst v16  }
0x1e2: {  	v16 =	vld [tilespmem:s14+$0x20];
	[tilespmem:s16+$0x30] =	vst v13  }
0x1e3: {  	v20 =	vld [tilespmem:s14+$0x30];
	[tilespmem:s16+$0x50] =	vst v12  }
0x1e4: {  	v13 =	vld [tilespmem:s14+$0xFFFFF830];
	[tilespmem:s16+$0x70] =	vst v17  }
0x1e5: {  	v17 =	vmul.f32 v14, v7;
	v12 =	vld [tilespmem:s14+$0xFFFFF840];
	v19 =	vmul.f32 v19, v8;
	[tilespmem:s16+$0x40] =	vst v18;
	s16 =	smov.u32 s14  }
0x1e6: {  	v18 =	vld [tilespmem:s14+$0x40]  }
0x1e7: {  	v14 =	vld [tilespmem:s14+$0xFFFFF850];
	v17 =	vadd.f32 v19, v17;
	v19 =	vmul.f32 v16, v11  }
0x1e8: {  	v21 =	vld [tilespmem:s14+$0x50]  }
0x1e9: {  	v16 =	vld [tilespmem:s14+$0xFFFFF860];
	v19 =	vadd.f32 v19, v17;
	v20 =	vmul.f32 v20, v13  }
0x1ea: {  	v22 =	vld [tilespmem:s14+$0x60]  }
0x1eb: {  	v17 =	vld [tilespmem:s14+$0xFFFFF870];
	v19 =	vadd.f32 v20, v19;
	v18 =	vmul.f32 v18, v12  }
0x1ec: {  	v20 =	vld [tilespmem:s14+$0x70]  }
0x1ed: {  	v18 =	vadd.f32 v18, v19;
	v19 =	vmul.f32 v21, v14;
	_ =	sdelay $0x1  }
0x1ee: {  	v18 =	vadd.f32 v19, v18;
	v19 =	vmul.f32 v22, v16;
	_ =	sdelay $0x1  }
.Ltmp4:
0x1ef: {  	v18 =	vadd.f32 v19, v18;
	v19 =	vmul.f32 v20, v17;
	(pc) =	sbr.rel @p0 .LBB2_11-.Ltmp4, $3  }
0x1f0: {  	_ = 	snop  }
0x1f1: {  	v18 =	vadd.f32 v19, v18;
	_ =	sdelay $0x1  }
0x1f2: {  	v19 =	vperm.xlane v18, v0  }
0x1f3: {  	_ = 	snop  }
0x1f4: {  	v18 =	vadd.f32 v18, v19;
	_ =	sdelay $0x1  }
0x1f5: {  	v19 =	vperm.xlane v18, v1;
	_ =	sdelay $0x1  }
0x1f6: {  	v18 =	vadd.f32 v18, v19;
	_ =	sdelay $0x1  }
0x1f7: {  	v19 =	vperm.xlane v18, v2;
	_ =	sdelay $0x1  }
0x1f8: {  	v18 =	vadd.f32 v18, v19;
	_ =	sdelay $0x1  }
0x1f9: {  	v19 =	vperm.xlane v18, v4;
	_ =	sdelay $0x1  }
0x1fa: {  	v18 =	vadd.f32 v18, v19;
	_ =	sdelay $0x1  }
0x1fb: {  	v18 =	vmul.f32 v18, v6;
	_ =	sdelay $0x1  }
0x1fc: {  	v18 =	vadd.f32 $-1.000000000e+00, v18;
	_ =	sdelay $0x1  }
0x1fd: {  	v18 =	vmul.f32 $1.442695020e+00, v18;
	_ =	sdelay $0x1  }
0x1fe: {  	(erf) = vpow2.f32 v18;
	_ =	sdelay $0x6  }
0x1ff: {  	v61 =	vmov s3  }
0x200: {  	v15 =	vperm.xlane v15, v61  }
0x201: {  	v62 =	vpop (erf)  }
0x202: {  	v15 =	vmul.f32 v62, v15;
	_ =	sdelay $0x1  }
0x203: {  	v7 =	vmul.f32 v15, v7  }
0x204: {  	v8 =	vmul.f32 v15, v8  }
0x205: {  	v11 =	vmul.f32 v15, v11;
	[tilespmem:s16+$0x0] =	vst v7  }
0x206: {  	v63 =	vmul.f32 v15, v14;
	[tilespmem:s16+$0x10] =	vst v8  }
0x207: {  	v7 =	vmul.f32 v15, v16;
	[tilespmem:s16+$0x20] =	vst v11  }
0x208: {  	s13 =	sadd.s32 $0x1, s13;
	v8 =	vmul.f32 v15, v13;
	[tilespmem:s16+$0x50] =	vst v63  }
0x209: {  	p0 =	sne.s32 s13, $0x9C;
	[tilespmem:s16+$0x60] =	vst v7;
	v7 =	vmul.f32 v15, v17  }
.Ltmp5:
0x20a: {  	[tilespmem:s16+$0x30] =	vst v8;
	v8 =	vmul.f32 v15, v12;
	(pc) =	sbr.rel @p0 .LBB2_4-.Ltmp5, $4  }
0x20b: {  	vm0 =	veq.s32 v61, v5;
	[tilespmem:s16+$0x70] =	vst v7  }
0x20c: {  	v7 =	vsel vm0, v62, v10;
	[tilespmem:s16+$0x40] =	vst v8  }
0x20d: {  	s30 =	simm.s32 $0x3C00;
	[tilespmem:v9+s12+$0x0] =	vst.idx.add.f32.msk $0xffff, v7  }
0x20e: {  	[spmem:s1] =	stream.indirect.scatter.add.f32 [tilespmem:s30], [sflag:$0xC], $0x80, s20, s25, $0xb8;
	[tilespmem:$0x1D480] =	vst v63  }
0x20f: {  	_ =	swait.ge [sflag:s11], $0x1000  }
0x210: {  	[sflag:s11] =	ssyncset.done $0x0  }
0x211: {  	s3 =	simm.s32 $0xC00;
	[sflag:s11] =	ssyncadd.s32 $0xFFFFF000  }
0x212: {  	v7 =	vld [tilespmem:s3+$0xFFFFF800]  }
0x213: {  	v8 =	vld [tilespmem:s3+$0xFFFFF810]  }
0x214: {  	v9 =	vld [tilespmem:s3+$0x0]  }
0x215: {  	v11 =	vld [tilespmem:s3+$0x10]  }
0x216: {  	v10 =	vld [tilespmem:s3+$0xFFFFF820]  }
0x217: {  	v15 =	vld [tilespmem:s3+$0x20]  }
0x218: {  	v17 =	vld [tilespmem:s3+$0x30]  }
0x219: {  	v13 =	vld [tilespmem:s3+$0xFFFFF830]  }
0x21a: {  	v12 =	vld [tilespmem:s3+$0xFFFFF840]  }
0x21b: {  	v18 =	vld [tilespmem:s3+$0x40];
	v9 =	vmul.f32 v9, v7;
	v11 =	vmul.f32 v11, v8  }
0x21c: {  	v14 =	vld [tilespmem:s3+$0xFFFFF850]  }
0x21d: {  	v16 =	vld [tilespmem:s3+$0xFFFFF860];
	v9 =	vadd.f32 v11, v9;
	v11 =	vmul.f32 v15, v10  }
0x21e: {  	v15 =	vld [tilespmem:s3+$0x50]  }
0x21f: {  	v19 =	vld [tilespmem:s3+$0x60];
	v9 =	vadd.f32 v11, v9;
	v11 =	vmul.f32 v17, v13  }
0x220: {  	v20 =	vld [tilespmem:$0x0]  }
0x221: {  	v17 =	vld [tilespmem:s3+$0xFFFFF870];
	v9 =	vadd.f32 v11, v9;
	v11 =	vmul.f32 v18, v12  }
0x222: {  	v18 =	vld [tilespmem:s3+$0x70]  }
0x223: {  	v9 =	vadd.f32 v11, v9;
	v11 =	vmul.f32 v15, v14;
	_ =	sdelay $0x1  }
0x224: {  	v9 =	vadd.f32 v11, v9;
	v11 =	vmul.f32 v19, v16;
	_ =	sdelay $0x1  }
0x225: {  	v9 =	vadd.f32 v11, v9;
	v11 =	vmul.f32 v18, v17;
	_ =	sdelay $0x1  }
0x226: {  	v18 =	vadd.f32 v11, v9  }
0x227: {  	v15 =	vld.idx.msk [tilespmem:v20+s21+$0x0], $0xffff  }
0x228: {  	s13 =	simm.s32 $0x0;
	s14 =	simm.s32 $0x1;
	s10 =	simm.s32 $0xC00;
	v9 =	vld [tilespmem:$0x200];
	v11 =	vimm.f32 $0.0e+00;
	v19 =	vperm.xlane v18, v0  }
.LBB2_14:
0x229: {  	p0 =	sne.s32 s14, $0xF  }
0x22a: {  	s3 =	sadd.s32 $0x80, s3;
	s16 =	smov.u32 s14;
	s14 =	sadd.s32 $0x1, s14;
	v18 =	vadd.f32 v18, v19  }
0x22b: {  	_ = 	snop  }
0x22c: {  	v19 =	vperm.xlane v18, v1;
	_ =	sdelay $0x1  }
0x22d: {  	v18 =	vadd.f32 v18, v19;
	_ =	sdelay $0x1  }
0x22e: {  	v19 =	vperm.xlane v18, v2;
	_ =	sdelay $0x1  }
0x22f: {  	v18 =	vadd.f32 v18, v19;
	_ =	sdelay $0x1  }
0x230: {  	v19 =	vperm.xlane v18, v4;
	_ =	sdelay $0x1  }
0x231: {  	v18 =	vadd.f32 v18, v19;
	_ =	sdelay $0x1  }
0x232: {  	v18 =	vmul.f32 v18, v6;
	_ =	sdelay $0x1  }
0x233: {  	v18 =	vadd.f32 $-1.000000000e+00, v18;
	_ =	sdelay $0x1  }
0x234: {  	v18 =	vmul.f32 $1.442695020e+00, v18;
	_ =	sdelay $0x1  }
0x235: {  	(erf) = vpow2.f32 v18;
	_ =	sdelay $0x6  }
0x236: {  	v20 =	vmov s13;
	s13 =	smov.u32 s16  }
0x237: {  	v19 =	vperm.xlane v15, v20  }
0x238: {  	vm0 =	veq.s32 v20, v5;
	v18 =	vpop (erf)  }
0x239: {  	v19 =	vmul.f32 v18, v19;
	v11 =	vsel vm0, v18, v11;
	_ =	sdelay $0x1  }
0x23a: {  	v18 =	vmul.f32 v19, v7;
	v20 =	vmul.f32 v19, v8  }
0x23b: {  	v10 =	vmul.f32 v19, v10;
	v13 =	vmul.f32 v19, v13;
	v7 =	vld [tilespmem:s3+$0xFFFFF800]  }
0x23c: {  	v8 =	vld [tilespmem:s3+$0xFFFFF810];
	[tilespmem:s10+$0x0] =	vst v18;
	v18 =	vmul.f32 v19, v12;
	v12 =	vmul.f32 v19, v14  }
0x23d: {  	v16 =	vmul.f32 v19, v16;
	v17 =	vmul.f32 v19, v17;
	v14 =	vld [tilespmem:s3+$0x0];
	[tilespmem:s10+$0x10] =	vst v20  }
0x23e: {  	v19 =	vld [tilespmem:s3+$0x10];
	[tilespmem:s10+$0x20] =	vst v10  }
0x23f: {  	v10 =	vld [tilespmem:s3+$0xFFFFF820];
	[tilespmem:s10+$0x60] =	vst v16  }
0x240: {  	v16 =	vld [tilespmem:s3+$0x20];
	[tilespmem:s10+$0x30] =	vst v13  }
0x241: {  	v20 =	vld [tilespmem:s3+$0x30];
	[tilespmem:s10+$0x50] =	vst v12  }
0x242: {  	v13 =	vld [tilespmem:s3+$0xFFFFF830];
	[tilespmem:s10+$0x70] =	vst v17  }
0x243: {  	v17 =	vmul.f32 v14, v7;
	v12 =	vld [tilespmem:s3+$0xFFFFF840];
	v19 =	vmul.f32 v19, v8;
	[tilespmem:s10+$0x40] =	vst v18;
	s10 =	smov.u32 s3  }
0x244: {  	v18 =	vld [tilespmem:s3+$0x40]  }
0x245: {  	v14 =	vld [tilespmem:s3+$0xFFFFF850];
	v17 =	vadd.f32 v19, v17;
	v19 =	vmul.f32 v16, v10  }
0x246: {  	v21 =	vld [tilespmem:s3+$0x50]  }
0x247: {  	v16 =	vld [tilespmem:s3+$0xFFFFF860];
	v19 =	vadd.f32 v19, v17;
	v20 =	vmul.f32 v20, v13  }
0x248: {  	v22 =	vld [tilespmem:s3+$0x60]  }
0x249: {  	v17 =	vld [tilespmem:s3+$0xFFFFF870];
	v19 =	vadd.f32 v20, v19;
	v18 =	vmul.f32 v18, v12  }
0x24a: {  	v20 =	vld [tilespmem:s3+$0x70]  }
0x24b: {  	v18 =	vadd.f32 v18, v19;
	v19 =	vmul.f32 v21, v14;
	_ =	sdelay $0x1  }
0x24c: {  	v18 =	vadd.f32 v19, v18;
	v19 =	vmul.f32 v22, v16;
	_ =	sdelay $0x1  }
.Ltmp6:
0x24d: {  	v18 =	vadd.f32 v19, v18;
	v19 =	vmul.f32 v20, v17;
	(pc) =	sbr.rel @p0 .LBB2_14-.Ltmp6, $3  }
0x24e: {  	_ = 	snop  }
0x24f: {  	v18 =	vadd.f32 v19, v18;
	_ =	sdelay $0x1  }
0x250: {  	v19 =	vperm.xlane v18, v0  }
0x251: {  	_ = 	snop  }
0x252: {  	v18 =	vadd.f32 v18, v19;
	_ =	sdelay $0x1  }
0x253: {  	v19 =	vperm.xlane v18, v1;
	_ =	sdelay $0x1  }
0x254: {  	v18 =	vadd.f32 v18, v19;
	_ =	sdelay $0x1  }
0x255: {  	v19 =	vperm.xlane v18, v2;
	_ =	sdelay $0x1  }
0x256: {  	v18 =	vadd.f32 v18, v19;
	_ =	sdelay $0x1  }
0x257: {  	v19 =	vperm.xlane v18, v4;
	_ =	sdelay $0x1  }
0x258: {  	v18 =	vadd.f32 v18, v19;
	_ =	sdelay $0x1  }
0x259: {  	v6 =	vmul.f32 v18, v6;
	_ =	sdelay $0x1  }
0x25a: {  	v6 =	vadd.f32 $-1.000000000e+00, v6;
	_ =	sdelay $0x1  }
0x25b: {  	v6 =	vmul.f32 $1.442695020e+00, v6;
	_ =	sdelay $0x1  }
0x25c: {  	(erf) = vpow2.f32 v6;
	_ =	sdelay $0x6  }
0x25d: {  	v6 =	vmov s13  }
0x25e: {  	v15 =	vperm.xlane v15, v6  }
0x25f: {  	v60 =	vpop (erf)  }
0x260: {  	v15 =	vmul.f32 v60, v15;
	_ =	sdelay $0x1  }
0x261: {  	v7 =	vmul.f32 v15, v7  }
0x262: {  	v8 =	vmul.f32 v15, v8  }
0x263: {  	v10 =	vmul.f32 v15, v10;
	[tilespmem:s10+$0x0] =	vst v7  }
0x264: {  	v61 =	vmul.f32 v15, v13;
	[tilespmem:s10+$0x10] =	vst v8  }
0x265: {  	v62 =	vmul.f32 v15, v14;
	[tilespmem:s10+$0x20] =	vst v10  }
0x266: {  	v7 =	vmul.f32 v15, v16;
	[tilespmem:s10+$0x30] =	vst v61  }
0x267: {  	v63 =	vmul.f32 v15, v12;
	[tilespmem:s10+$0x50] =	vst v62  }
0x268: {  	[tilespmem:s10+$0x60] =	vst v7;
	v7 =	vmul.f32 v15, v17  }
0x269: {  	vm0 =	veq.s32 v6, v5;
	[tilespmem:s10+$0x40] =	vst v63  }
0x26a: {  	v6 =	vsel vm0, v60, v11;
	[tilespmem:s10+$0x70] =	vst v7  }
0x26b: {  	s3 =	simm.s32 $0xC00;
	s13 =	simm.s32 $0xB;
	[tilespmem:v9+s12+$0x0] =	vst.idx.add.f32.msk $0xffff, v6  }
0x26c: {  	[spmem:s1] =	stream.indirect.scatter.add.f32 [tilespmem:s3], [sflag:$0x9], $0x80, s26, s25, $0xb8;
	[tilespmem:$0x1D480] =	vst v63  }
0x26d: {  	_ =	swait.ge [sflag:s13], $0x800  }
0x26e: {  	[sflag:s13] =	ssyncset.done $0x0  }
0x26f: {  	s14 =	simm.s32 $0xC;
	[sflag:s13] =	ssyncadd.s32 $0xFFFFF800  }
0x270: {  	_ =	swait.ge [sflag:s14], $0x800  }
0x271: {  	[sflag:s14] =	ssyncset.done $0x0  }
0x272: {  	[sflag:s14] =	ssyncadd.s32 $0xFFFFF800  }
0x273: {  	_ =	swait.ge [sflag:s22], $0x800  }
0x274: {  	[sflag:s22] =	ssyncset.done $0x0  }
0x275: {  	[sflag:s22] =	ssyncadd.s32 $0xFFFFF800  }
0x276: {  	[bflag:$0x0] =	sbarrier.arrive $0xFFFF  }
0x277: {  	s10 =	simm.s32 $0xD;
	s13 =	simm.s32 $0x0;
	s16 =	rddreg [dreg:$0xe]  }
0x278: {  	[hbm4b:s16+s13] =	stream.linear.scatter [tilespmem:s12], [sflag:$0xD], $0x2800, $0x38;
	[tilespmem:$0x1D480] =	vst v63  }
0x279: {  	_ =	swait.ge [sflag:s10], $0x2800  }
0x27a: {  	s17 =	rddreg [dreg:$0xf]  }
0x27b: {  	[sflag:s10] =	ssyncset.done $0x0;
	s16 =	rddreg [dreg:$0x11]  }
0x27c: {  	s14 =	rddreg [dreg:$0x13];
	[sflag:s10] =	ssyncadd.s32 $0xFFFFD800  }
0x27d: {  	[hbm:s17], [sflag:s16] =	dma.local [spmem:s14], $0x2800  }
0x27e: {  	_ =	swait.ge [sflag:s10], $0x2800  }
0x27f: {  	s23 =	rddreg [dreg:$0x12]  }
0x280: {  	s30 =	rddreg [dreg:$0x10];
	s14 =	sadd.s32 $0x1, s23  }
0x281: {  	p0 =	sne.s32 s14, s30  }
.Ltmp7:
0x282: {  	_ = 	snop;
	(pc) =	sbr.rel @p0 .LBB2_1-.Ltmp7, $3  }
0x283: {  	_ =	sdelay $0x1  }
0x284: {  	[sflag:s10] =	ssyncset.done $0x0  }
0x285: {  	[sflag:s10] =	ssyncadd.s32 $0xFFFFD800  }
0x286: {  	_ =	sfence.sel $0x180000  }
0x287: {  	[bflag:$0x0] =	sbarrier.arrive $0xFFFF  }
0x288: {  	_ =	strace $0x9000004A  }
0x289: {  	s0 =	stileid.u32;
	[bflag:$0x2] =	sbarrier.arrive $0xFFFF  }
0x28a: {  	p0 =	sne.s32 s0, $0x0;
	s0 =	rddreg [dreg:$0x3]  }
0x28b: {  	s0 =	sadd.s32 @!p0 $0x100000, s0  }
0x28c: {  	[sflag:s0] =	ssyncadd.tile.s32 @!p0 $0x1;
	_ =	shalt  }
.Lfunc_end2:
_tile_overlayer_lowered:
.L_overlay_start_2:
0x28d: {  	(tag) =	ssettag $0x2  }
0x28e: {  	s0 =	rddreg [dreg:$0x0];
	s2 =	stileid.u32  }
0x28f: {  	s1 =	rddreg [dreg:$0x1];
	p0 =	sne.s32 s2, $0x0  }
0x290: {  	s3 =	rddreg [dreg:$0x2];
	[bflag:$0x3] =	sbarrier.arrive $0xFFFF;
	s2 =	simm.s32 @!p0 $0x1C0D  }
0x291: {  	[timem:s3], [sflag:s2] =	dma.local @!p0 [hbm:s0], s1  }
0x292: {  	s0 =	simm.s32 @!p0 $0xD  }
0x293: {  	_ =	swait.ge @!p0 [sflag:s0], s1  }
0x294: {  	s1 =	ssub.s32 @!p0 $0x0, s1;
	[sflag:s0] =	ssyncset.done @!p0 $0x0  }
0x295: {  	[sflag:s0] =	ssyncadd.s32 @!p0 s1  }
0x296: {  	[bflag:$0x3] =	sbarrier.arrive $0xFFFF  }
0x297: {  	_ =	shalt  }

// kernel: kernel.9.cloned.1.call-start
scs
__scs_entry_jumppad:
0x0: {  	(pc) =	sbr.rel $0x88, $3  }
0x1: {  	(tag) =	ssettag $0x0;
	lr =	simm.s32 $0x1  }
0x2: {  	[smem:$0x3F9A] =	sst lr;
	_ =	strace $0xD0000000  }
0x3: {  	_ = 	snop  }
0x4: {  	_ = 	snop  }
0x5: {  	_ = 	snop  }
0x6: {  	_ = 	snop  }
0x7: {  	_ = 	snop  }
__scs_overlays_trampoline_lowered:
0x8: {  	[smem:$0x3FA9] =	sst s0  }
0x9: {  	[smem:$0x3FAA] =	sst s1  }
0xa: {  	[smem:$0x3FAB] =	sst s2  }
0xb: {  	[smem:$0x3FAC] =	sst s3  }
0xc: {  	[smem:$0x3FAD] =	sst s4  }
0xd: {  	[smem:$0x3FAE] =	sst s5  }
0xe: {  	[smem:$0x3FAF] =	sst s6  }
0xf: {  	[smem:$0x3FB0] =	sst s7  }
0x10: {  	[smem:$0x3FB1] =	sst s8  }
0x11: {  	[smem:$0x3FB2] =	sst s9;
	s0 =	simm.s32 @!p0 $0x0  }
0x12: {  	s1 =	sld [smem:$0x3F98];
	s0 =	simm.s32 @p0 $0x1  }
0x13: {  	[smem:$0x3FB3] =	sst s0;
	s0 =	simm.s32 @!p1 $0x0  }
0x14: {  	s2 =	sld [smem:$0x3F97];
	s0 =	simm.s32 @p1 $0x1  }
0x15: {  	[smem:$0x3FB4] =	sst s0;
	s0 =	simm.s32 @!p2 $0x0  }
0x16: {  	s3 =	sld [smem:$0x3FDB];
	s0 =	simm.s32 @p2 $0x1  }
0x17: {  	s4 =	simm.s32 $0x1BF5;
	[smem:$0x3FB6] =	sst s0  }
0x18: {  	s0 =	sld [smem:$0x3F99];
	_ =	swait.ge [sflag:s4], $0x0  }
0x19: {  	s7 =	sld [smem:$0x3F9A]  }
0x1a: {  	s8 =	sadd.s32 $0xFFFFE003, lr  }
0x1b: {  	s9 =	sadd.s32 $0xFFFFFEF7, lr;
	s5 =	simm.s32 $0xFFFFFFFF;
	p2 =	slt.u32 s8, $0xFFFFF086  }
0x1c: {  	p1 =	slt.u32 s9, $0xF7A;
	s5 =	simm.s32 @!p2 $0x0  }
0x1d: {  	s5 =	simm.s32 @p1 $0x1;
	p0 =	seq.s32 s7, s2  }
0x1e: {  	s7 =	smul.u32 @!p0 $0xF7A, s2;
	p2 =	seq.s32 @!p0 s5, $0x0  }
0x1f: {  	s9 =	smul.u32 $0xF7A, s1;
	s8 =	simm.s32 @!p0 $0x1BF5;
	p2 =	por !p2, p0  }
0x20: {  	[sflag:s8] =	ssyncset.s32 @!p0 $0xFFFFF086;
	s6 =	sadd.s32 @!p0 s3, s7;
	s7 =	simm.s32 @!p0 $0x108  }
0x21: {  	s3 =	sadd.s32 s3, s9;
	s6 =	sadd.s32 @!p0 $0x88, s6;
	s7 =	simm.s32 @p2 $0x1082  }
0x22: {  	[simem:s7], [sflag:s8] =	dma.local @!p0 [hbm:s6], $0xF7A  }
0x23: {  	s9 =	sor.u32 $0xD0000000, s2;
	s6 =	simm.s32 $0x108;
	_ =	swait.ge @!p0 [sflag:s8], $0x0  }
0x24: {  	s3 =	sadd.s32 $0x88, s3;
	s6 =	simm.s32 @!p1 $0x1082;
	[sflag:s4] =	ssyncset.s32 $0xFFFFF086  }
0x25: {  	[simem:s6], [sflag:s4] =	dma.local [hbm:s3], $0xF7A  }
0x26: {  	[smem:$0x3F9A] =	sst s1;
	(tag) =	ssettag s2;
	_ =	strace s9  }
0x27: {  	s1 =	sld [smem:$0x3FAA]  }
0x28: {  	s2 =	sld [smem:$0x3FAB]  }
0x29: {  	s4 =	sld [smem:$0x3FAD]  }
0x2a: {  	p0 =	seq.s32 s5, $0x0;
	s5 =	sld [smem:$0x3FAE]  }
0x2b: {  	s6 =	sld [smem:$0x3FAF]  }
0x2c: {  	s7 =	sld [smem:$0x3FB0]  }
0x2d: {  	s3 =	simm.s32 $0x108;
	s8 =	sld [smem:$0x3FB1]  }
0x2e: {  	s3 =	simm.s32 @!p0 $0x1082;
	s9 =	sld [smem:$0x3FB2]  }
0x2f: {  	lr =	sadd.s32 s0, s3;
	s0 =	sld [smem:$0x3FA9]  }
0x30: {  	s3 =	sld [smem:$0x3FAC]  }
0x31: {  	[smem:$0x3FB5] =	sst s10  }
0x32: {  	s10 =	sld [smem:$0x3FB3];
	_ =	sdelay $0x3  }
0x33: {  	p0 =	seq.s32 s10, $0x1;
	s10 =	sld [smem:$0x3FB5];
	_ =	sdelay $0x3  }
0x34: {  	[smem:$0x3FB5] =	sst s10  }
0x35: {  	s10 =	sld [smem:$0x3FB4];
	_ =	sdelay $0x3  }
0x36: {  	p1 =	seq.s32 s10, $0x1;
	s10 =	sld [smem:$0x3FB5];
	_ =	sdelay $0x3  }
0x37: {  	[smem:$0x3FB5] =	sst s10  }
0x38: {  	s10 =	sld [smem:$0x3FB6]  }
0x39: {  	_ = 	snop;
	(pc) =	sbr.ind lr, $3  }
0x3a: {  	_ = 	snop  }
0x3b: {  	_ = 	snop  }
0x3c: {  	p2 =	seq.s32 s10, $0x1;
	s10 =	sld [smem:$0x3FB5]  }
0x3d: {  	_ =	shalt  }
0x3e: {  	_ =	shalt  }
0x3f: {  	_ =	shalt  }
0x40: {  	_ =	shalt  }
0x41: {  	_ =	shalt  }
0x42: {  	_ =	shalt  }
0x43: {  	_ =	shalt  }
0x44: {  	_ =	shalt  }
0x45: {  	_ =	shalt  }
0x46: {  	_ =	shalt  }
0x47: {  	_ =	shalt  }
0x48: {  	_ =	shalt  }
0x49: {  	_ =	shalt  }
0x4a: {  	_ =	shalt  }
0x4b: {  	_ =	shalt  }
0x4c: {  	_ =	shalt  }
0x4d: {  	_ =	shalt  }
0x4e: {  	_ =	shalt  }
0x4f: {  	_ =	shalt  }
0x50: {  	_ =	shalt  }
0x51: {  	_ =	shalt  }
0x52: {  	_ =	shalt  }
0x53: {  	_ =	shalt  }
0x54: {  	_ =	shalt  }
0x55: {  	_ =	shalt  }
0x56: {  	_ =	shalt  }
0x57: {  	_ =	shalt  }
0x58: {  	_ =	shalt  }
0x59: {  	_ =	shalt  }
0x5a: {  	_ =	shalt  }
0x5b: {  	_ =	shalt  }
0x5c: {  	_ =	shalt  }
0x5d: {  	_ =	shalt  }
0x5e: {  	_ =	shalt  }
0x5f: {  	_ =	shalt  }
0x60: {  	_ =	shalt  }
0x61: {  	_ =	shalt  }
0x62: {  	_ =	shalt  }
0x63: {  	_ =	shalt  }
0x64: {  	_ =	shalt  }
0x65: {  	_ =	shalt  }
0x66: {  	_ =	shalt  }
0x67: {  	_ =	shalt  }
0x68: {  	_ =	shalt  }
0x69: {  	_ =	shalt  }
0x6a: {  	_ =	shalt  }
0x6b: {  	_ =	shalt  }
0x6c: {  	_ =	shalt  }
0x6d: {  	_ =	shalt  }
0x6e: {  	_ =	shalt  }
0x6f: {  	_ =	shalt  }
0x70: {  	_ =	shalt  }
0x71: {  	_ =	shalt  }
0x72: {  	_ =	shalt  }
0x73: {  	_ =	shalt  }
0x74: {  	_ =	shalt  }
0x75: {  	_ =	shalt  }
0x76: {  	_ =	shalt  }
0x77: {  	_ =	shalt  }
0x78: {  	_ =	shalt  }
0x79: {  	_ =	shalt  }
0x7a: {  	_ =	shalt  }
0x7b: {  	_ =	shalt  }
0x7c: {  	_ =	shalt  }
0x7d: {  	_ =	shalt  }
0x7e: {  	_ =	shalt  }
0x7f: {  	_ =	shalt  }
0x80: {  	_ =	shalt  }
0x81: {  	_ =	shalt  }
0x82: {  	_ =	shalt  }
0x83: {  	_ =	shalt  }
0x84: {  	_ =	shalt  }
0x85: {  	_ =	shalt  }
0x86: {  	_ =	shalt  }
0x87: {  	_ =	shalt  }
.Lfunc_end0:
.L_simem_size_0:
called_computation_lowered:
.L_overlay_start_0:
0x88: {  	s2 =	sld [smem:$0x3FD9]  }
0x89: {  	s3 =	sld [smem:$0x3FFE];
	_ =	sdelay $0x1  }
0x8a: {  	s1 =	srdreg.scid  }
0x8b: {  	s0 =	sand.u32 $0x1, s1  }
0x8c: {  	s17 =	sshll.u32 s0, $0xA;
	s2 =	sadd.s32 s3, s2  }
0x8d: {  	s2 =	sadd.s32 s2, s17  }
0x8e: {  	[smem:$0x3FC1] =	sst s2  }
0x8f: {  	_ = 	snop  }
0x90: {  	s2 =	sld [smem:$0x3FD0];
	(tm) =	ssettm $0x1  }
0x91: {  	s18 =	sld [smem:$0x3FFB];
	_ =	sdelay $0x3  }
0x92: {  	_ =	strace s18  }
0x93: {  	s3 =	sld [smem:$0x3FFC];
	_ =	sdelay $0x3  }
0x94: {  	_ =	strace s3  }
0x95: {  	s3 =	sld [smem:$0x3FFD];
	_ =	sdelay $0x3  }
0x96: {  	_ =	strace s3  }
0x97: {  	_ =	strace $0x8FFFFFFF  }
0x98: {  	s19 =	sld [smem:$0x3FDB];
	_ =	sdelay $0x1  }
0x99: {  	s4 =	simm.s32 $_scs_section_size  }
0x9a: {  	s5 =	simm.s32 $_size__tile_overlayer_lowered;
	s6 =	simm.s32 $_tile_overlayer_lowered  }
0x9b: {  	s22 =	simm.s32 $0x1BFF;
	s21 =	sshll.u32 s6, $0x1;
	s3 =	sadd.s32 s4, s19  }
0x9c: {  	s7 =	simm.s32 $0x0;
	s20 =	sshll.u32 s5, $0x1;
	s5 =	sadd.s32 s21, s3  }
0x9d: {  	[timem:s7], [sflag:s22] =	dma.local [hbm:s5], s20  }
0x9e: {  	_ =	swait.ge [sflag:s22], s20  }
0x9f: {  	s4 =	ssub.s32 $0x0, s20;
	[sflag:s22] =	ssyncset.done $0x0  }
0xa0: {  	[sflag:s22] =	ssyncadd.s32 s4;
	_ =	sdelay $0x1  }
0xa1: {  	s23 =	simm.s32 $0x1B8B  }
0xa2: {  	_ =	swait.ge [sflag:s23], $0x1  }
0xa3: {  	[sflag:s23] =	ssyncset.done $0x0  }
0xa4: {  	s25 =	simm.s32 $0x1B8E;
	s24 =	sld [smem:$0x3FFE];
	[sflag:s23] =	ssyncadd.s32 $0xFFFFFFFF  }
0xa5: {  	s26 =	simm.s32 $execute0_lowered;
	[smem:$0x3FD2] =	sst s25  }
0xa6: {  	s5 =	sshll.u32 s26, $0x1;
	_ =	strace $0x80000046;
	[dreg:$0x1] =	wrdreg $0xFFFFFFFF  }
0xa7: {  	s28 =	simm.s32 $_size_execute0_lowered;
	s3 =	sadd.s32 s3, s5;
	[dreg:$0x0] =	wrdreg $0x0  }
0xa8: {  	s5 =	sshll.u32 s28, $0x1;
	[dreg:$0x2] =	wrdreg s3  }
0xa9: {  	[dreg:$0x3] =	wrdreg s5  }
0xaa: {  	[dreg:$0x4] =	wrdreg $0xC0  }
0xab: {  	_ =	task [dreg:s7], $0x5FFFF  }
0xac: {  	[dreg:$0x1] =	wrdreg $0xFFFFFFFF  }
0xad: {  	[dreg:$0x0] =	wrdreg $0x60  }
0xae: {  	[dreg:$0x2] =	wrdreg s24  }
0xaf: {  	[dreg:$0x3] =	wrdreg s2  }
0xb0: {  	[dreg:$0x4] =	wrdreg $0x94800  }
0xb1: {  	[dreg:$0x5] =	wrdreg $0x9  }
0xb2: {  	_ =	task.clear_ibuf [dreg:s7], $0x6FFFF;
	_ =	strace $0x90000046  }
0xb3: {  	s29 =	simm.s32 $0x9;
	_ =	strace $0x80000048  }
0xb4: {  	_ =	swait.ge [sflag:s29], $0x1  }
0xb5: {  	[sflag:s29] =	ssyncadd.s32 $0xFFFFFFFF  }
0xb6: {  	_ =	strace $0x90000048  }
0xb7: {  	_ =	sfence  }
0xb8: {  	s30 =	sld [smem:$0x0];
	_ =	sdelay $0x2  }
0xb9: {  	s31 =	sshll.u32 s1, $0xD;
	s1 =	sshrl.u32 s1, $0x2  }
0xba: {  	s3 =	sand.u32 $0x4000, s31;
	s1 =	sadd.s32 s1, s30  }
0xbb: {  	s0 =	sor.u32 s3, s0;
	s1 =	sshll.u32 s1, $0x11  }
0xbc: {  	s0 =	sor.u32 s1, s0  }
0xbd: {  	s0 =	sadd.s32 $0x8F2B, s0  }
0xbe: {  	[sflag:s0] =	ssyncadd.remote.s32 $0x1  }
0xbf: {  	_ =	sfence.sel $0xFFFF  }
0xc0: {  	[dreg:$0x0] =	wrdreg $0xFFFFFFFF;
	(pc) =	sbr.abs _section_cstart, $3  }
0xc1: {  	[dreg:$0x1] =	wrdreg $0xFFFFFFFF  }
0xc2: {  	_ =	task.clear_ibuf [dreg:s7], $0x2FFFF;
	_ =	strace $0x9FFFFFFF  }
0xc3: {  	(tm) =	ssettm $0x7FFFFFFF  }
tec
execute0_lowered:
.L_overlay_start_1:
0x0: {  	(tag) =	ssettag $0x1  }
0x1: {  	s0 =	rddreg [dreg:$0x0]  }
0x2: {  	s2 =	rddreg [dreg:$0x1]  }
0x3: {  	s1 =	rddreg [dreg:$0x2];
	s13 =	simm.s32 $0x0;
	s3 =	srdreg.scid  }
0x4: {  	s11 =	stileid.u32;
	s31 =	simm.s32 $0x1;
	s29 =	simm.s32 $0x4  }
0x5: {  	s28 =	simm.s32 $0x8;
	s14 =	simm.s32 $0x0;
	[smem:$0x7FF] =	sst s13  }
0x6: {  	s3 =	sand.u32 $0x1, s3;
	s4 =	sadd.s32 $0x15000, s0;
	s6 =	sadd.s32 $0x3D000, s0  }
0x7: {  	s15 =	smul.u32 $0x14000, s11;
	s8 =	sshll.u32 s11, $0x1;
	s7 =	sadd.s32 $0x3D600, s0  }
0x8: {  	s16 =	smul.u32 $0x50000, s11;
	s12 =	sadd.s32 $0x3D800, s0;
	s30 =	sshll.u32 s11, $0x6  }
0x9: {  	s11 =	simm.s32 $0x5;
	_ =	strace $0x80000047;
	[dreg:$0x4] =	wrdreg s6  }
0xa: {  	s5 =	smul.u32 $0x140000, s3;
	[dreg:$0x5] =	wrdreg s7;
	s7 =	sadd.s32 $0xB200, s0  }
0xb: {  	s10 =	sor.u32 s3, s8;
	s8 =	sadd.s32 $0x1400, s0;
	s3 =	ssub.s32 $0x2, s3  }
0xc: {  	[dreg:$0x6] =	wrdreg s12;
	s12 =	simm.s32 $0x6C00;
	s9 =	smul.u32 $0x2710, s10  }
0xd: {  	s17 =	sshrl.u32 s3, $0x1;
	s18 =	sshrl.u32 s16, $0x2;
	s23 =	smul.u32 $0x500, s10  }
0xe: {  	s10 =	simm.s32 $0xD;
	s16 =	sor.u32 $0x1C0D, s30;
	s5 =	sadd.s32 s15, s5  }
0xf: {  	s3 =	ssub.s32 s3, s17;
	s15 =	simm.s32 $0x6;
	[dreg:$0x11] =	wrdreg s16  }
0x10: {  	s5 =	sshrl.u32 s5, $0x3;
	s19 =	sshrl.u32 s9, $0x3;
	s24 =	sadd.s32 $0x40, s9  }
0x11: {  	v0 =	vimm.s32 $0xFEDCBA98;
	v1 =	vimm.s32 $0x76543210;
	s25 =	sadd.s32 $0x50, s9;
	s2 =	sadd.s32 s2, s23;
	[dreg:$0xc] =	wrdreg s24  }
0x12: {  	v2 =	vimm.s32 $0xBA98FEDC;
	v3 =	vimm.s32 $0x32107654;
	v4 =	vimm.s32 $0xDCFE98BA;
	s26 =	smax.u32 s3, $0x1;
	s0 =	sadd.s32 s5, s0;
	[dreg:$0xd] =	wrdreg s25  }
0x13: {  	v5 =	vimm.s32 $0x54761032;
	v6 =	vimm.s32 $0xEFCDAB89;
	v7 =	vimm.s32 $0x67452301;
	s5 =	sadd.s32 s18, s1;
	s20 =	sadd.s32 s7, s19;
	[dreg:$0xe] =	wrdreg s2  }
0x14: {  	v0 =	vunpack.c.l.s4.s8 v0;
	v1 =	vunpack.c.l.s4.s8 v1;
	v2 =	vunpack.c.l.s4.s8 v2;
	s21 =	sadd.s32 $0x2, s19;
	s6 =	sadd.s32 s8, s19;
	[dreg:$0x10] =	wrdreg s26  }
0x15: {  	v3 =	vunpack.c.l.s4.s8 v3;
	v4 =	vunpack.c.l.s4.s8 v4;
	v5 =	vunpack.c.l.s4.s8 v5;
	s25 =	simm.s32 $0x10;
	s26 =	simm.s32 $0x200;
	[dreg:$0x7] =	wrdreg s5  }
0x16: {  	v6 =	vunpack.c.l.s4.s8 v6;
	v7 =	vunpack.c.l.s4.s8 v7;
	v0 =	vunpack.c.0.s8.s32 v0;
	s18 =	simm.s32 $0x180;
	s2 =	simm.s32 $0x3;
	[dreg:$0x8] =	wrdreg s20  }
0x17: {  	v1 =	vunpack.c.0.s8.s32 v1;
	v2 =	vunpack.c.0.s8.s32 v2;
	v3 =	vunpack.c.0.s8.s32 v3;
	s19 =	simm.s32 $0x7;
	[dreg:$0x9] =	wrdreg s6;
	s22 =	sadd.s32 s7, s21  }
0x18: {  	v4 =	vunpack.c.0.s8.s32 v4;
	v5 =	vunpack.c.0.s8.s32 v5;
	v0 =	vand.u32 $0xF, v0;
	s24 =	simm.s32 $0xA;
	s5 =	sadd.s32 s8, s21;
	[dreg:$0xa] =	wrdreg s22  }
0x19: {  	v6 =	vunpack.c.0.s8.s32 v6;
	v7 =	vunpack.c.0.s8.s32 v7;
	v0 =	vcombine.low v0, v1;
	s0 =	sadd.s32 $0x40000, s0;
	s21 =	simm.s32 $0x4400;
	[dreg:$0xb] =	wrdreg s5  }
0x1a: {  	v1 =	vcombine.low v3, v2;
	v2 =	vcombine.low v5, v4;
	s6 =	simm.s32 $0x2;
	s20 =	simm.s32 $0x380;
	[dreg:$0xf] =	wrdreg s0  }
0x1b: {  	v3 =	vimm.f32 $0.0e+00;
	v4 =	vcombine.low v7, v6;
	v5 =	vlaneseq.u32;
	s0 =	simm.s32 $0x20;
	s5 =	simm.s32 $0x300;
	s22 =	simm.s32 $0x9  }
.LBB2_1:
0x1c: {  	[dreg:$0x12] =	wrdreg s14  }
0x1d: {  	s3 =	rddreg [dreg:$0x4]  }
0x1e: {  	[tilespmem:s21], [sflag:$0xD] =	stream.linear.gather [hbm4b:s3+s13], $0x2800, $0x38;
	[tilespmem:$0x1D480] =	vst v63  }
0x1f: {  	_ =	swait.ge [sflag:s10], $0x2800  }
0x20: {  	[sflag:s10] =	ssyncset.done $0x0  }
0x21: {  	s30 =	simm.s32 $0x9400;
	s23 =	rddreg [dreg:$0x5];
	[sflag:s10] =	ssyncadd.s32 $0xFFFFD800  }
0x22: {  	[tilespmem:s30], [sflag:$0xD] =	stream.linear.gather [hbm4b:s23+s13], $0x80, $0x38;
	[tilespmem:$0x1D480] =	vst v63  }
0x23: {  	_ =	swait.ge [sflag:s10], $0x80  }
0x24: {  	s17 =	rddreg [dreg:$0x7]  }
0x25: {  	[sflag:s10] =	ssyncset.done $0x0;
	s30 =	rddreg [dreg:$0x6];
	s23 =	sshrl.u32 s17, $0x3  }
0x26: {  	[sflag:s10] =	ssyncadd.s32 $0xFFFFFF80;
	[dreg:$0x13] =	wrdreg s23  }
0x27: {  	[spmem:s23], [sflag:s16] =	dma.local [hbm:s30], $0x2800  }
0x28: {  	_ =	swait.ge [sflag:s10], $0x2800  }
0x29: {  	[sflag:s10] =	ssyncset.done $0x0  }
0x2a: {  	s3 =	simm.s32 $0x40;
	[sflag:s10] =	ssyncadd.s32 $0xFFFFD800;
	s10 =	simm.s32 $0x0  }
.LBB2_2:
0x2b: {  	p0 =	sne.s32 s3, $0x9FC0;
	[tilespmem:s10+$0x6C00] =	vst v3;
	s10 =	smov.u32 s3;
	s3 =	sadd.s32 $0x40, s3  }
.Ltmp0:
0x2c: {  	(pc) =	sbr.rel @p0 .LBB2_2-.Ltmp0, $2  }
0x2d: {  	_ =	sdelay $0x2  }
0x2e: {  	s10 =	sshra.s32 s10, $0x2  }
0x2f: {  	[tilespmem:s10+$0x6C00] =	vst v3  }
0x30: {  	v6 =	vld [tilespmem:$0x9400];
	[bflag:$0x0] =	sbarrier.arrive $0xFFFF  }
0x31: {  	s10 =	simm.s32 $0x0;
	s3 =	rddreg [dreg:$0x8]  }
0x32: {  	[tilespmem:s10], [sflag:$0x1] =	stream.linear.gather [hbm4b:s3+s10], $0x10, $0x38;
	[tilespmem:$0x1D480] =	vst v63  }
0x33: {  	s13 =	rddreg [dreg:$0x9]  }
0x34: {  	[tilespmem:s25], [sflag:$0x1] =	stream.linear.gather [hbm4b:s13+s10], $0x10, $0x38;
	[tilespmem:$0x1D480] =	vst v63  }
0x35: {  	_ = 	snop  }
0x36: {  	[tilespmem:s26], [sflag:$0x1] =	stream.linear.gather [hbm4b:s13+s10], $0x10, $0x38;
	[tilespmem:$0x1D480] =	vst v63  }
0x37: {  	s14 =	rddreg [dreg:$0xa];
	s13 =	simm.s32 $0x80  }
0x38: {  	[tilespmem:s13], [sflag:$0x2] =	stream.linear.gather [hbm4b:s14+s10], $0x10, $0x38;
	[tilespmem:$0x1D480] =	vst v63  }
0x39: {  	s17 =	simm.s32 $0x90;
	s16 =	rddreg [dreg:$0xb]  }
0x3a: {  	[tilespmem:s17], [sflag:$0x2] =	stream.linear.gather [hbm4b:s16+s10], $0x10, $0x38;
	[tilespmem:$0x1D480] =	vst v63  }
0x3b: {  	s23 =	simm.s32 $0x280  }
0x3c: {  	[tilespmem:s23], [sflag:$0x2] =	stream.linear.gather [hbm4b:s16+s10], $0x10, $0x38;
	[tilespmem:$0x1D480] =	vst v63  }
0x3d: {  	_ =	swait.ge [sflag:s31], $0x10  }
0x3e: {  	[sflag:s31] =	ssyncset.done $0x0  }
0x3f: {  	[sflag:s31] =	ssyncadd.s32 $0xFFFFFFF0  }
0x40: {  	_ =	swait.ge [sflag:s31], $0x10  }
0x41: {  	[sflag:s31] =	ssyncset.done $0x0  }
0x42: {  	[sflag:s31] =	ssyncadd.s32 $0xFFFFFFF0  }
0x43: {  	_ =	swait.ge [sflag:s31], $0x10  }
0x44: {  	[sflag:s31] =	ssyncset.done $0x0  }
0x45: {  	s30 =	simm.s32 $0x400;
	s13 =	simm.s32 $0x0;
	[sflag:s31] =	ssyncadd.s32 $0xFFFFFFF0  }
0x46: {  	[tilespmem:s30], [sflag:$0x5] =	stream.indirect.gather [hbm4b:s4+s0], $0x80, s10, s0, $0xb8;
	[tilespmem:$0x1D480] =	vst v63  }
.LBB2_4:
0x47: {  	s3 =	sshll.u32 s13, $0x6;
	p0 =	seq.s32 s13, $0x0  }
0x48: {  	s14 =	sor.u32 @!p0 $0x20, s3  }
0x49: {  	s16 =	simm.s32 @!p0 $0xB;
	s14 =	simm.s32 @p0 $0x20  }
0x4a: {  	_ =	swait.ge @!p0 [sflag:s16], $0x800;
	s14 =	sadd.s32 s9, s14  }
0x4b: {  	[sflag:s16] =	ssyncset.done @!p0 $0x0;
	s14 =	sshrl.u32 s14, $0x3  }
0x4c: {  	s17 =	simm.s32 $0x100;
	[sflag:s16] =	ssyncadd.s32 @!p0 $0xFFFFF800;
	s23 =	sadd.s32 s7, s14  }
0x4d: {  	[tilespmem:s17], [sflag:$0x3] =	stream.linear.gather [hbm4b:s23+s10], $0x10, $0x38;
	[tilespmem:$0x1D480] =	vst v63  }
0x4e: {  	s14 =	sadd.s32 s8, s14;
	s23 =	simm.s32 $0x110  }
0x4f: {  	[tilespmem:s23], [sflag:$0x3] =	stream.linear.gather [hbm4b:s14+s10], $0x10, $0x38;
	[tilespmem:$0x1D480] =	vst v63  }
0x50: {  	_ = 	snop  }
0x51: {  	[tilespmem:s5], [sflag:$0x3] =	stream.linear.gather [hbm4b:s14+s10], $0x10, $0x38;
	[tilespmem:$0x1D480] =	vst v63  }
0x52: {  	_ =	swait.ge [sflag:s6], $0x10  }
0x53: {  	[sflag:s6] =	ssyncset.done $0x0  }
0x54: {  	[sflag:s6] =	ssyncadd.s32 $0xFFFFFFF0  }
0x55: {  	_ =	swait.ge [sflag:s6], $0x10  }
0x56: {  	[sflag:s6] =	ssyncset.done $0x0  }
0x57: {  	[sflag:s6] =	ssyncadd.s32 $0xFFFFFFF0  }
0x58: {  	_ =	swait.ge [sflag:s6], $0x10  }
0x59: {  	[sflag:s6] =	ssyncset.done $0x0  }
0x5a: {  	s17 =	simm.s32 $0x80;
	s23 =	simm.s32 $0x1400;
	[sflag:s6] =	ssyncadd.s32 $0xFFFFFFF0  }
0x5b: {  	[tilespmem:s23], [sflag:$0x6] =	stream.indirect.gather [hbm4b:s4+s0], $0x80, s17, s0, $0xb8;
	[tilespmem:$0x1D480] =	vst v63  }
0x5c: {  	_ =	swait.ge [sflag:s11], $0x1000  }
0x5d: {  	[sflag:s11] =	ssyncset.done $0x0  }
0x5e: {  	s30 =	simm.s32 $0xC00;
	[sflag:s11] =	ssyncadd.s32 $0xFFFFF000  }
0x5f: {  	v7 =	vld [tilespmem:s30+$0xFFFFF800]  }
0x60: {  	v8 =	vld [tilespmem:s30+$0xFFFFF810]  }
0x61: {  	v9 =	vld [tilespmem:s30+$0x0]  }
0x62: {  	v10 =	vld [tilespmem:s30+$0x10]  }
0x63: {  	v11 =	vld [tilespmem:s30+$0xFFFFF820]  }
0x64: {  	v15 =	vld [tilespmem:s30+$0x20]  }
0x65: {  	v17 =	vld [tilespmem:s30+$0x30]  }
0x66: {  	v13 =	vld [tilespmem:s30+$0xFFFFF830]  }
0x67: {  	v12 =	vld [tilespmem:s30+$0xFFFFF840]  }
0x68: {  	v18 =	vld [tilespmem:s30+$0x40];
	v9 =	vmul.f32 v9, v7;
	v10 =	vmul.f32 v10, v8  }
0x69: {  	v14 =	vld [tilespmem:s30+$0xFFFFF850]  }
0x6a: {  	v16 =	vld [tilespmem:s30+$0xFFFFF860];
	v9 =	vadd.f32 v10, v9;
	v10 =	vmul.f32 v15, v11  }
0x6b: {  	v15 =	vld [tilespmem:s30+$0x50]  }
0x6c: {  	v19 =	vld [tilespmem:s30+$0x60];
	v9 =	vadd.f32 v10, v9;
	v10 =	vmul.f32 v17, v13  }
0x6d: {  	v20 =	vld [tilespmem:$0x0]  }
0x6e: {  	v17 =	vld [tilespmem:s30+$0xFFFFF870];
	v9 =	vadd.f32 v10, v9;
	v10 =	vmul.f32 v18, v12  }
0x6f: {  	v18 =	vld [tilespmem:s30+$0x70]  }
0x70: {  	v9 =	vadd.f32 v10, v9;
	v10 =	vmul.f32 v15, v14;
	_ =	sdelay $0x1  }
0x71: {  	v9 =	vadd.f32 v10, v9;
	v10 =	vmul.f32 v19, v16;
	_ =	sdelay $0x1  }
0x72: {  	v9 =	vadd.f32 v10, v9;
	v10 =	vmul.f32 v18, v17;
	_ =	sdelay $0x1  }
0x73: {  	v18 =	vadd.f32 v10, v9  }
0x74: {  	v15 =	vld.idx.msk [tilespmem:v20+s21+$0x0], $0xffff  }
0x75: {  	s16 =	simm.s32 $0x0;
	s14 =	simm.s32 $0xC00;
	s17 =	simm.s32 $0x1;
	v9 =	vld [tilespmem:$0x200];
	v10 =	vimm.f32 $0.0e+00;
	v19 =	vperm.xlane v18, v0  }
.LBB2_5:
0x76: {  	p1 =	sne.s32 s17, $0xF  }
0x77: {  	s30 =	sadd.s32 $0x80, s30;
	s23 =	smov.u32 s17;
	s17 =	sadd.s32 $0x1, s17;
	v18 =	vadd.f32 v18, v19  }
0x78: {  	_ = 	snop  }
0x79: {  	v19 =	vperm.xlane v18, v1;
	_ =	sdelay $0x1  }
0x7a: {  	v18 =	vadd.f32 v18, v19;
	_ =	sdelay $0x1  }
0x7b: {  	v19 =	vperm.xlane v18, v2;
	_ =	sdelay $0x1  }
0x7c: {  	v18 =	vadd.f32 v18, v19;
	_ =	sdelay $0x1  }
0x7d: {  	v19 =	vperm.xlane v18, v4;
	_ =	sdelay $0x1  }
0x7e: {  	v18 =	vadd.f32 v18, v19;
	_ =	sdelay $0x1  }
0x7f: {  	v18 =	vmul.f32 v18, v6;
	_ =	sdelay $0x1  }
0x80: {  	v18 =	vadd.f32 $-1.000000000e+00, v18;
	_ =	sdelay $0x1  }
0x81: {  	v18 =	vmul.f32 $1.442695020e+00, v18;
	_ =	sdelay $0x1  }
0x82: {  	(erf) = vpow2.f32 v18;
	_ =	sdelay $0x6  }
0x83: {  	v20 =	vmov s16;
	s16 =	smov.u32 s23  }
0x84: {  	v19 =	vperm.xlane v15, v20  }
0x85: {  	vm0 =	veq.s32 v20, v5;
	v18 =	vpop (erf)  }
0x86: {  	v19 =	vmul.f32 v18, v19;
	v10 =	vsel vm0, v18, v10;
	_ =	sdelay $0x1  }
0x87: {  	v18 =	vmul.f32 v19, v7;
	v20 =	vmul.f32 v19, v8  }
0x88: {  	v11 =	vmul.f32 v19, v11;
	v13 =	vmul.f32 v19, v13;
	v7 =	vld [tilespmem:s30+$0xFFFFF800]  }
0x89: {  	v8 =	vld [tilespmem:s30+$0xFFFFF810];
	[tilespmem:s14+$0x0] =	vst v18;
	v18 =	vmul.f32 v19, v12;
	v12 =	vmul.f32 v19, v14  }
0x8a: {  	v16 =	vmul.f32 v19, v16;
	v17 =	vmul.f32 v19, v17;
	v14 =	vld [tilespmem:s30+$0x0];
	[tilespmem:s14+$0x10] =	vst v20  }
0x8b: {  	v19 =	vld [tilespmem:s30+$0x10];
	[tilespmem:s14+$0x20] =	vst v11  }
0x8c: {  	v11 =	vld [tilespmem:s30+$0xFFFFF820];
	[tilespmem:s14+$0x60] =	vst v16  }
0x8d: {  	v16 =	vld [tilespmem:s30+$0x20];
	[tilespmem:s14+$0x30] =	vst v13  }
0x8e: {  	v20 =	vld [tilespmem:s30+$0x30];
	[tilespmem:s14+$0x50] =	vst v12  }
0x8f: {  	v13 =	vld [tilespmem:s30+$0xFFFFF830];
	[tilespmem:s14+$0x70] =	vst v17  }
0x90: {  	v17 =	vmul.f32 v14, v7;
	v12 =	vld [tilespmem:s30+$0xFFFFF840];
	v19 =	vmul.f32 v19, v8;
	[tilespmem:s14+$0x40] =	vst v18;
	s14 =	smov.u32 s30  }
0x91: {  	v18 =	vld [tilespmem:s30+$0x40]  }
0x92: {  	v14 =	vld [tilespmem:s30+$0xFFFFF850];
	v17 =	vadd.f32 v19, v17;
	v19 =	vmul.f32 v16, v11  }
0x93: {  	v21 =	vld [tilespmem:s30+$0x50]  }
0x94: {  	v16 =	vld [tilespmem:s30+$0xFFFFF860];
	v19 =	vadd.f32 v19, v17;
	v20 =	vmul.f32 v20, v13  }
0x95: {  	v22 =	vld [tilespmem:s30+$0x60]  }
0x96: {  	v17 =	vld [tilespmem:s30+$0xFFFFF870];
	v19 =	vadd.f32 v20, v19;
	v18 =	vmul.f32 v18, v12  }
0x97: {  	v20 =	vld [tilespmem:s30+$0x70]  }
0x98: {  	v18 =	vadd.f32 v18, v19;
	v19 =	vmul.f32 v21, v14;
	_ =	sdelay $0x1  }
0x99: {  	v18 =	vadd.f32 v19, v18;
	v19 =	vmul.f32 v22, v16;
	_ =	sdelay $0x1  }
.Ltmp1:
0x9a: {  	v18 =	vadd.f32 v19, v18;
	v19 =	vmul.f32 v20, v17;
	(pc) =	sbr.rel @p1 .LBB2_5-.Ltmp1, $3  }
0x9b: {  	_ = 	snop  }
0x9c: {  	v18 =	vadd.f32 v19, v18;
	_ =	sdelay $0x1  }
0x9d: {  	v19 =	vperm.xlane v18, v0  }
0x9e: {  	_ = 	snop  }
0x9f: {  	v18 =	vadd.f32 v18, v19;
	_ =	sdelay $0x1  }
0xa0: {  	v19 =	vperm.xlane v18, v1;
	_ =	sdelay $0x1  }
0xa1: {  	v18 =	vadd.f32 v18, v19;
	_ =	sdelay $0x1  }
0xa2: {  	v19 =	vperm.xlane v18, v2;
	_ =	sdelay $0x1  }
0xa3: {  	v18 =	vadd.f32 v18, v19;
	_ =	sdelay $0x1  }
0xa4: {  	v19 =	vperm.xlane v18, v4;
	_ =	sdelay $0x1  }
0xa5: {  	v18 =	vadd.f32 v18, v19;
	_ =	sdelay $0x1  }
0xa6: {  	v18 =	vmul.f32 v18, v6;
	_ =	sdelay $0x1  }
0xa7: {  	v18 =	vadd.f32 $-1.000000000e+00, v18;
	_ =	sdelay $0x1  }
0xa8: {  	v18 =	vmul.f32 $1.442695020e+00, v18;
	_ =	sdelay $0x1  }
0xa9: {  	(erf) = vpow2.f32 v18;
	_ =	sdelay $0x6  }
0xaa: {  	v18 =	vmov s16  }
0xab: {  	v15 =	vperm.xlane v15, v18  }
0xac: {  	v19 =	vpop (erf)  }
0xad: {  	v15 =	vmul.f32 v19, v15;
	_ =	sdelay $0x1  }
0xae: {  	v7 =	vmul.f32 v15, v7  }
0xaf: {  	v8 =	vmul.f32 v15, v8  }
0xb0: {  	v11 =	vmul.f32 v15, v11;
	[tilespmem:s14+$0x0] =	vst v7  }
0xb1: {  	[tilespmem:s14+$0x10] =	vst v8;
	v7 =	vmul.f32 v15, v16  }
0xb2: {  	v8 =	vmul.f32 v15, v13;
	[tilespmem:s14+$0x20] =	vst v11  }
0xb3: {  	v11 =	vmul.f32 v15, v14;
	[tilespmem:s14+$0x60] =	vst v7  }
0xb4: {  	v7 =	vmul.f32 v15, v17;
	[tilespmem:s14+$0x30] =	vst v8  }
0xb5: {  	v8 =	vmul.f32 v15, v12;
	[tilespmem:s14+$0x50] =	vst v11  }
0xb6: {  	vm0 =	veq.s32 v18, v5;
	[tilespmem:s14+$0x70] =	vst v7  }
0xb7: {  	v7 =	vsel vm0, v19, v10;
	[tilespmem:s14+$0x40] =	vst v8  }
0xb8: {  	s16 =	simm.s32 $0xC00;
	s14 =	sor.u32 @!p0 $0x30, s3;
	[tilespmem:v9+s12+$0x0] =	vst.idx.add.f32.msk $0xffff, v7  }
0xb9: {  	[spmem:s1] =	stream.indirect.scatter.add.f32 [tilespmem:s16], [sflag:$0x9], $0x80, s26, s25, $0xb8;
	[tilespmem:$0x1D480] =	vst v63  }
0xba: {  	s14 =	simm.s32 @p0 $0x30;
	s16 =	simm.s32 @!p0 $0xC  }
0xbb: {  	s14 =	sadd.s32 s9, s14;
	_ =	swait.ge @!p0 [sflag:s16], $0x800  }
0xbc: {  	s14 =	sshrl.u32 s14, $0x3;
	[sflag:s16] =	ssyncset.done @!p0 $0x0  }
0xbd: {  	s30 =	simm.s32 $0x0;
	s17 =	sadd.s32 s7, s14;
	[sflag:s16] =	ssyncadd.s32 @!p0 $0xFFFFF800  }
0xbe: {  	[tilespmem:s18], [sflag:$0x4] =	stream.linear.gather [hbm4b:s17+s30], $0x10, $0x38;
	[tilespmem:$0x1D480] =	vst v63  }
0xbf: {  	s23 =	simm.s32 $0x190;
	s14 =	sadd.s32 s8, s14  }
0xc0: {  	[tilespmem:s23], [sflag:$0x4] =	stream.linear.gather [hbm4b:s14+s30], $0x10, $0x38;
	[tilespmem:$0x1D480] =	vst v63  }
0xc1: {  	_ = 	snop  }
0xc2: {  	[tilespmem:s20], [sflag:$0x4] =	stream.linear.gather [hbm4b:s14+s30], $0x10, $0x38;
	[tilespmem:$0x1D480] =	vst v63  }
0xc3: {  	_ =	swait.ge [sflag:s2], $0x10  }
0xc4: {  	[sflag:s2] =	ssyncset.done $0x0  }
0xc5: {  	[sflag:s2] =	ssyncadd.s32 $0xFFFFFFF0  }
0xc6: {  	_ =	swait.ge [sflag:s2], $0x10  }
0xc7: {  	[sflag:s2] =	ssyncset.done $0x0  }
0xc8: {  	[sflag:s2] =	ssyncadd.s32 $0xFFFFFFF0  }
0xc9: {  	_ =	swait.ge [sflag:s2], $0x10  }
0xca: {  	[sflag:s2] =	ssyncset.done $0x0  }
0xcb: {  	s17 =	simm.s32 $0x100;
	s23 =	simm.s32 $0x2400;
	[sflag:s2] =	ssyncadd.s32 $0xFFFFFFF0  }
0xcc: {  	[tilespmem:s23], [sflag:$0x7] =	stream.indirect.gather [hbm4b:s4+s0], $0x80, s17, s0, $0xb8;
	[tilespmem:$0x1D480] =	vst v63  }
0xcd: {  	_ =	swait.ge [sflag:s15], $0x1000  }
0xce: {  	[sflag:s15] =	ssyncset.done $0x0  }
0xcf: {  	s14 =	simm.s32 $0x1C00;
	[sflag:s15] =	ssyncadd.s32 $0xFFFFF000  }
0xd0: {  	v7 =	vld [tilespmem:s14+$0xFFFFF800]  }
0xd1: {  	v8 =	vld [tilespmem:s14+$0xFFFFF810]  }
0xd2: {  	v9 =	vld [tilespmem:s14+$0x0]  }
0xd3: {  	v10 =	vld [tilespmem:s14+$0x10]  }
0xd4: {  	v11 =	vld [tilespmem:s14+$0xFFFFF820]  }
0xd5: {  	v15 =	vld [tilespmem:s14+$0x20]  }
0xd6: {  	v17 =	vld [tilespmem:s14+$0x30]  }
0xd7: {  	v13 =	vld [tilespmem:s14+$0xFFFFF830]  }
0xd8: {  	v12 =	vld [tilespmem:s14+$0xFFFFF840]  }
0xd9: {  	v18 =	vld [tilespmem:s14+$0x40];
	v9 =	vmul.f32 v9, v7;
	v10 =	vmul.f32 v10, v8  }
0xda: {  	v14 =	vld [tilespmem:s14+$0xFFFFF850]  }
0xdb: {  	v16 =	vld [tilespmem:s14+$0xFFFFF860];
	v9 =	vadd.f32 v10, v9;
	v10 =	vmul.f32 v15, v11  }
0xdc: {  	v15 =	vld [tilespmem:s14+$0x50]  }
0xdd: {  	v19 =	vld [tilespmem:s14+$0x60];
	v9 =	vadd.f32 v10, v9;
	v10 =	vmul.f32 v17, v13  }
0xde: {  	v20 =	vld [tilespmem:$0x80]  }
0xdf: {  	v17 =	vld [tilespmem:s14+$0xFFFFF870];
	v9 =	vadd.f32 v10, v9;
	v10 =	vmul.f32 v18, v12  }
0xe0: {  	v18 =	vld [tilespmem:s14+$0x70]  }
0xe1: {  	v9 =	vadd.f32 v10, v9;
	v10 =	vmul.f32 v15, v14;
	_ =	sdelay $0x1  }
0xe2: {  	v9 =	vadd.f32 v10, v9;
	v10 =	vmul.f32 v19, v16;
	_ =	sdelay $0x1  }
0xe3: {  	v9 =	vadd.f32 v10, v9;
	v10 =	vmul.f32 v18, v17;
	_ =	sdelay $0x1  }
0xe4: {  	v18 =	vadd.f32 v10, v9  }
0xe5: {  	v15 =	vld.idx.msk [tilespmem:v20+s21+$0x0], $0xffff  }
0xe6: {  	s16 =	simm.s32 $0x1C00;
	s17 =	simm.s32 $0x1;
	v9 =	vld [tilespmem:$0x280];
	v10 =	vimm.f32 $0.0e+00;
	v19 =	vperm.xlane v18, v0  }
.LBB2_7:
0xe7: {  	p0 =	sne.s32 s17, $0xF  }
0xe8: {  	s14 =	sadd.s32 $0x80, s14;
	s23 =	smov.u32 s17;
	s17 =	sadd.s32 $0x1, s17;
	v18 =	vadd.f32 v18, v19  }
0xe9: {  	_ = 	snop  }
0xea: {  	v19 =	vperm.xlane v18, v1;
	_ =	sdelay $0x1  }
0xeb: {  	v18 =	vadd.f32 v18, v19;
	_ =	sdelay $0x1  }
0xec: {  	v19 =	vperm.xlane v18, v2;
	_ =	sdelay $0x1  }
0xed: {  	v18 =	vadd.f32 v18, v19;
	_ =	sdelay $0x1  }
0xee: {  	v19 =	vperm.xlane v18, v4;
	_ =	sdelay $0x1  }
0xef: {  	v18 =	vadd.f32 v18, v19;
	_ =	sdelay $0x1  }
0xf0: {  	v18 =	vmul.f32 v18, v6;
	_ =	sdelay $0x1  }
0xf1: {  	v18 =	vadd.f32 $-1.000000000e+00, v18;
	_ =	sdelay $0x1  }
0xf2: {  	v18 =	vmul.f32 $1.442695020e+00, v18;
	_ =	sdelay $0x1  }
0xf3: {  	(erf) = vpow2.f32 v18;
	_ =	sdelay $0x6  }
0xf4: {  	v20 =	vmov s30;
	s30 =	smov.u32 s23  }
0xf5: {  	v19 =	vperm.xlane v15, v20  }
0xf6: {  	vm0 =	veq.s32 v20, v5;
	v18 =	vpop (erf)  }
0xf7: {  	v19 =	vmul.f32 v18, v19;
	v10 =	vsel vm0, v18, v10;
	_ =	sdelay $0x1  }
0xf8: {  	v18 =	vmul.f32 v19, v7;
	v20 =	vmul.f32 v19, v8  }
0xf9: {  	v11 =	vmul.f32 v19, v11;
	v13 =	vmul.f32 v19, v13;
	v7 =	vld [tilespmem:s14+$0xFFFFF800]  }
0xfa: {  	v8 =	vld [tilespmem:s14+$0xFFFFF810];
	[tilespmem:s16+$0x0] =	vst v18;
	v18 =	vmul.f32 v19, v12;
	v12 =	vmul.f32 v19, v14  }
0xfb: {  	v16 =	vmul.f32 v19, v16;
	v17 =	vmul.f32 v19, v17;
	v14 =	vld [tilespmem:s14+$0x0];
	[tilespmem:s16+$0x10] =	vst v20  }
0xfc: {  	v19 =	vld [tilespmem:s14+$0x10];
	[tilespmem:s16+$0x20] =	vst v11  }
0xfd: {  	v11 =	vld [tilespmem:s14+$0xFFFFF820];
	[tilespmem:s16+$0x60] =	vst v16  }
0xfe: {  	v16 =	vld [tilespmem:s14+$0x20];
	[tilespmem:s16+$0x30] =	vst v13  }
0xff: {  	v20 =	vld [tilespmem:s14+$0x30];
	[tilespmem:s16+$0x50] =	vst v12  }
0x100: {  	v13 =	vld [tilespmem:s14+$0xFFFFF830];
	[tilespmem:s16+$0x70] =	vst v17  }
0x101: {  	v17 =	vmul.f32 v14, v7;
	v12 =	vld [tilespmem:s14+$0xFFFFF840];
	v19 =	vmul.f32 v19, v8;
	[tilespmem:s16+$0x40] =	vst v18;
	s16 =	smov.u32 s14  }
0x102: {  	v18 =	vld [tilespmem:s14+$0x40]  }
0x103: {  	v14 =	vld [tilespmem:s14+$0xFFFFF850];
	v17 =	vadd.f32 v19, v17;
	v19 =	vmul.f32 v16, v11  }
0x104: {  	v21 =	vld [tilespmem:s14+$0x50]  }
0x105: {  	v16 =	vld [tilespmem:s14+$0xFFFFF860];
	v19 =	vadd.f32 v19, v17;
	v20 =	vmul.f32 v20, v13  }
0x106: {  	v22 =	vld [tilespmem:s14+$0x60]  }
0x107: {  	v17 =	vld [tilespmem:s14+$0xFFFFF870];
	v19 =	vadd.f32 v20, v19;
	v18 =	vmul.f32 v18, v12  }
0x108: {  	v20 =	vld [tilespmem:s14+$0x70]  }
0x109: {  	v18 =	vadd.f32 v18, v19;
	v19 =	vmul.f32 v21, v14;
	_ =	sdelay $0x1  }
0x10a: {  	v18 =	vadd.f32 v19, v18;
	v19 =	vmul.f32 v22, v16;
	_ =	sdelay $0x1  }
.Ltmp2:
0x10b: {  	v18 =	vadd.f32 v19, v18;
	v19 =	vmul.f32 v20, v17;
	(pc) =	sbr.rel @p0 .LBB2_7-.Ltmp2, $3  }
0x10c: {  	_ = 	snop  }
0x10d: {  	v18 =	vadd.f32 v19, v18;
	_ =	sdelay $0x1  }
0x10e: {  	v19 =	vperm.xlane v18, v0  }
0x10f: {  	_ = 	snop  }
0x110: {  	v18 =	vadd.f32 v18, v19;
	_ =	sdelay $0x1  }
0x111: {  	v19 =	vperm.xlane v18, v1;
	_ =	sdelay $0x1  }
0x112: {  	v18 =	vadd.f32 v18, v19;
	_ =	sdelay $0x1  }
0x113: {  	v19 =	vperm.xlane v18, v2;
	_ =	sdelay $0x1  }
0x114: {  	v18 =	vadd.f32 v18, v19;
	_ =	sdelay $0x1  }
0x115: {  	v19 =	vperm.xlane v18, v4;
	_ =	sdelay $0x1  }
0x116: {  	v18 =	vadd.f32 v18, v19;
	_ =	sdelay $0x1  }
0x117: {  	v18 =	vmul.f32 v18, v6;
	_ =	sdelay $0x1  }
0x118: {  	v18 =	vadd.f32 $-1.000000000e+00, v18;
	_ =	sdelay $0x1  }
0x119: {  	v18 =	vmul.f32 $1.442695020e+00, v18;
	_ =	sdelay $0x1  }
0x11a: {  	(erf) = vpow2.f32 v18;
	_ =	sdelay $0x6  }
0x11b: {  	v18 =	vmov s30  }
0x11c: {  	v15 =	vperm.xlane v15, v18  }
0x11d: {  	v19 =	vpop (erf)  }
0x11e: {  	v15 =	vmul.f32 v19, v15;
	_ =	sdelay $0x1  }
0x11f: {  	v7 =	vmul.f32 v15, v7  }
0x120: {  	v8 =	vmul.f32 v15, v8  }
0x121: {  	v11 =	vmul.f32 v15, v11;
	[tilespmem:s16+$0x0] =	vst v7  }
0x122: {  	[tilespmem:s16+$0x10] =	vst v8;
	v7 =	vmul.f32 v15, v16  }
0x123: {  	v8 =	vmul.f32 v15, v13;
	[tilespmem:s16+$0x20] =	vst v11  }
0x124: {  	v11 =	vmul.f32 v15, v14;
	[tilespmem:s16+$0x60] =	vst v7  }
0x125: {  	v7 =	vmul.f32 v15, v17;
	[tilespmem:s16+$0x30] =	vst v8  }
0x126: {  	v8 =	vmul.f32 v15, v12;
	[tilespmem:s16+$0x50] =	vst v11  }
0x127: {  	vm0 =	veq.s32 v18, v5;
	[tilespmem:s16+$0x70] =	vst v7  }
0x128: {  	v7 =	vsel vm0, v19, v10;
	[tilespmem:s16+$0x40] =	vst v8  }
0x129: {  	s14 =	simm.s32 $0x280;
	s23 =	simm.s32 $0x1C00;
	[tilespmem:v9+s12+$0x0] =	vst.idx.add.f32.msk $0xffff, v7  }
0x12a: {  	[spmem:s1] =	stream.indirect.scatter.add.f32 [tilespmem:s23], [sflag:$0xA], $0x80, s14, s25, $0xb8;
	[tilespmem:$0x1D480] =	vst v63  }
0x12b: {  	_ =	swait.ge [sflag:s22], $0x800  }
0x12c: {  	s16 =	rddreg [dreg:$0xc]  }
0x12d: {  	s14 =	sadd.s32 s3, s16  }
0x12e: {  	[sflag:s22] =	ssyncset.done $0x0;
	s14 =	sshrl.u32 s14, $0x3  }
0x12f: {  	s30 =	simm.s32 $0x0;
	[sflag:s22] =	ssyncadd.s32 $0xFFFFF800;
	s17 =	sadd.s32 s7, s14  }
0x130: {  	[tilespmem:s30], [sflag:$0x1] =	stream.linear.gather [hbm4b:s17+s30], $0x10, $0x38;
	[tilespmem:$0x1D480] =	vst v63  }
0x131: {  	s14 =	sadd.s32 s8, s14  }
0x132: {  	[tilespmem:s25], [sflag:$0x1] =	stream.linear.gather [hbm4b:s14+s30], $0x10, $0x38;
	[tilespmem:$0x1D480] =	vst v63  }
0x133: {  	_ = 	snop  }
0x134: {  	[tilespmem:s26], [sflag:$0x1] =	stream.linear.gather [hbm4b:s14+s30], $0x10, $0x38;
	[tilespmem:$0x1D480] =	vst v63  }
0x135: {  	_ =	swait.ge [sflag:s29], $0x10  }
0x136: {  	[sflag:s29] =	ssyncset.done $0x0  }
0x137: {  	[sflag:s29] =	ssyncadd.s32 $0xFFFFFFF0  }
0x138: {  	_ =	swait.ge [sflag:s29], $0x10  }
0x139: {  	[sflag:s29] =	ssyncset.done $0x0  }
0x13a: {  	[sflag:s29] =	ssyncadd.s32 $0xFFFFFFF0  }
0x13b: {  	_ =	swait.ge [sflag:s29], $0x10  }
0x13c: {  	[sflag:s29] =	ssyncset.done $0x0  }
0x13d: {  	s23 =	simm.s32 $0x3400;
	[sflag:s29] =	ssyncadd.s32 $0xFFFFFFF0  }
0x13e: {  	[tilespmem:s23], [sflag:$0x8] =	stream.indirect.gather [hbm4b:s4+s0], $0x80, s18, s0, $0xb8;
	[tilespmem:$0x1D480] =	vst v63  }
0x13f: {  	_ =	swait.ge [sflag:s19], $0x1000  }
0x140: {  	[sflag:s19] =	ssyncset.done $0x0  }
0x141: {  	s14 =	simm.s32 $0x2C00;
	[sflag:s19] =	ssyncadd.s32 $0xFFFFF000  }
0x142: {  	v7 =	vld [tilespmem:s14+$0xFFFFF800]  }
0x143: {  	v8 =	vld [tilespmem:s14+$0xFFFFF810]  }
0x144: {  	v9 =	vld [tilespmem:s14+$0x0]  }
0x145: {  	v10 =	vld [tilespmem:s14+$0x10]  }
0x146: {  	v11 =	vld [tilespmem:s14+$0xFFFFF820]  }
0x147: {  	v15 =	vld [tilespmem:s14+$0x20]  }
0x148: {  	v17 =	vld [tilespmem:s14+$0x30]  }
0x149: {  	v13 =	vld [tilespmem:s14+$0xFFFFF830]  }
0x14a: {  	v12 =	vld [tilespmem:s14+$0xFFFFF840]  }
0x14b: {  	v18 =	vld [tilespmem:s14+$0x40];
	v9 =	vmul.f32 v9, v7;
	v10 =	vmul.f32 v10, v8  }
0x14c: {  	v14 =	vld [tilespmem:s14+$0xFFFFF850]  }
0x14d: {  	v16 =	vld [tilespmem:s14+$0xFFFFF860];
	v9 =	vadd.f32 v10, v9;
	v10 =	vmul.f32 v15, v11  }
0x14e: {  	v15 =	vld [tilespmem:s14+$0x50]  }
0x14f: {  	v19 =	vld [tilespmem:s14+$0x60];
	v9 =	vadd.f32 v10, v9;
	v10 =	vmul.f32 v17, v13  }
0x150: {  	v20 =	vld [tilespmem:$0x100]  }
0x151: {  	v17 =	vld [tilespmem:s14+$0xFFFFF870];
	v9 =	vadd.f32 v10, v9;
	v10 =	vmul.f32 v18, v12  }
0x152: {  	v18 =	vld [tilespmem:s14+$0x70]  }
0x153: {  	v9 =	vadd.f32 v10, v9;
	v10 =	vmul.f32 v15, v14;
	_ =	sdelay $0x1  }
0x154: {  	v9 =	vadd.f32 v10, v9;
	v10 =	vmul.f32 v19, v16;
	_ =	sdelay $0x1  }
0x155: {  	v9 =	vadd.f32 v10, v9;
	v10 =	vmul.f32 v18, v17;
	_ =	sdelay $0x1  }
0x156: {  	v18 =	vadd.f32 v10, v9  }
0x157: {  	v15 =	vld.idx.msk [tilespmem:v20+s21+$0x0], $0xffff  }
0x158: {  	s16 =	simm.s32 $0x2C00;
	s17 =	simm.s32 $0x1;
	v9 =	vld [tilespmem:$0x300];
	v10 =	vimm.f32 $0.0e+00;
	v19 =	vperm.xlane v18, v0  }
.LBB2_9:
0x159: {  	p0 =	sne.s32 s17, $0xF  }
0x15a: {  	s14 =	sadd.s32 $0x80, s14;
	s23 =	smov.u32 s17;
	s17 =	sadd.s32 $0x1, s17;
	v18 =	vadd.f32 v18, v19  }
0x15b: {  	_ = 	snop  }
0x15c: {  	v19 =	vperm.xlane v18, v1;
	_ =	sdelay $0x1  }
0x15d: {  	v18 =	vadd.f32 v18, v19;
	_ =	sdelay $0x1  }
0x15e: {  	v19 =	vperm.xlane v18, v2;
	_ =	sdelay $0x1  }
0x15f: {  	v18 =	vadd.f32 v18, v19;
	_ =	sdelay $0x1  }
0x160: {  	v19 =	vperm.xlane v18, v4;
	_ =	sdelay $0x1  }
0x161: {  	v18 =	vadd.f32 v18, v19;
	_ =	sdelay $0x1  }
0x162: {  	v18 =	vmul.f32 v18, v6;
	_ =	sdelay $0x1  }
0x163: {  	v18 =	vadd.f32 $-1.000000000e+00, v18;
	_ =	sdelay $0x1  }
0x164: {  	v18 =	vmul.f32 $1.442695020e+00, v18;
	_ =	sdelay $0x1  }
0x165: {  	(erf) = vpow2.f32 v18;
	_ =	sdelay $0x6  }
0x166: {  	v20 =	vmov s30;
	s30 =	smov.u32 s23  }
0x167: {  	v19 =	vperm.xlane v15, v20  }
0x168: {  	vm0 =	veq.s32 v20, v5;
	v18 =	vpop (erf)  }
0x169: {  	v19 =	vmul.f32 v18, v19;
	v10 =	vsel vm0, v18, v10;
	_ =	sdelay $0x1  }
0x16a: {  	v18 =	vmul.f32 v19, v7;
	v20 =	vmul.f32 v19, v8  }
0x16b: {  	v11 =	vmul.f32 v19, v11;
	v13 =	vmul.f32 v19, v13;
	v7 =	vld [tilespmem:s14+$0xFFFFF800]  }
0x16c: {  	v8 =	vld [tilespmem:s14+$0xFFFFF810];
	[tilespmem:s16+$0x0] =	vst v18;
	v18 =	vmul.f32 v19, v12;
	v12 =	vmul.f32 v19, v14  }
0x16d: {  	v16 =	vmul.f32 v19, v16;
	v17 =	vmul.f32 v19, v17;
	v14 =	vld [tilespmem:s14+$0x0];
	[tilespmem:s16+$0x10] =	vst v20  }
0x16e: {  	v19 =	vld [tilespmem:s14+$0x10];
	[tilespmem:s16+$0x20] =	vst v11  }
0x16f: {  	v11 =	vld [tilespmem:s14+$0xFFFFF820];
	[tilespmem:s16+$0x60] =	vst v16  }
0x170: {  	v16 =	vld [tilespmem:s14+$0x20];
	[tilespmem:s16+$0x30] =	vst v13  }
0x171: {  	v20 =	vld [tilespmem:s14+$0x30];
	[tilespmem:s16+$0x50] =	vst v12  }
0x172: {  	v13 =	vld [tilespmem:s14+$0xFFFFF830];
	[tilespmem:s16+$0x70] =	vst v17  }
0x173: {  	v17 =	vmul.f32 v14, v7;
	v12 =	vld [tilespmem:s14+$0xFFFFF840];
	v19 =	vmul.f32 v19, v8;
	[tilespmem:s16+$0x40] =	vst v18;
	s16 =	smov.u32 s14  }
0x174: {  	v18 =	vld [tilespmem:s14+$0x40]  }
0x175: {  	v14 =	vld [tilespmem:s14+$0xFFFFF850];
	v17 =	vadd.f32 v19, v17;
	v19 =	vmul.f32 v16, v11  }
0x176: {  	v21 =	vld [tilespmem:s14+$0x50]  }
0x177: {  	v16 =	vld [tilespmem:s14+$0xFFFFF860];
	v19 =	vadd.f32 v19, v17;
	v20 =	vmul.f32 v20, v13  }
0x178: {  	v22 =	vld [tilespmem:s14+$0x60]  }
0x179: {  	v17 =	vld [tilespmem:s14+$0xFFFFF870];
	v19 =	vadd.f32 v20, v19;
	v18 =	vmul.f32 v18, v12  }
0x17a: {  	v20 =	vld [tilespmem:s14+$0x70]  }
0x17b: {  	v18 =	vadd.f32 v18, v19;
	v19 =	vmul.f32 v21, v14;
	_ =	sdelay $0x1  }
0x17c: {  	v18 =	vadd.f32 v19, v18;
	v19 =	vmul.f32 v22, v16;
	_ =	sdelay $0x1  }
.Ltmp3:
0x17d: {  	v18 =	vadd.f32 v19, v18;
	v19 =	vmul.f32 v20, v17;
	(pc) =	sbr.rel @p0 .LBB2_9-.Ltmp3, $3  }
0x17e: {  	_ = 	snop  }
0x17f: {  	v18 =	vadd.f32 v19, v18;
	_ =	sdelay $0x1  }
0x180: {  	v19 =	vperm.xlane v18, v0  }
0x181: {  	_ = 	snop  }
0x182: {  	v18 =	vadd.f32 v18, v19;
	_ =	sdelay $0x1  }
0x183: {  	v19 =	vperm.xlane v18, v1;
	_ =	sdelay $0x1  }
0x184: {  	v18 =	vadd.f32 v18, v19;
	_ =	sdelay $0x1  }
0x185: {  	v19 =	vperm.xlane v18, v2;
	_ =	sdelay $0x1  }
0x186: {  	v18 =	vadd.f32 v18, v19;
	_ =	sdelay $0x1  }
0x187: {  	v19 =	vperm.xlane v18, v4;
	_ =	sdelay $0x1  }
0x188: {  	v18 =	vadd.f32 v18, v19;
	_ =	sdelay $0x1  }
0x189: {  	v18 =	vmul.f32 v18, v6;
	_ =	sdelay $0x1  }
0x18a: {  	v18 =	vadd.f32 $-1.000000000e+00, v18;
	_ =	sdelay $0x1  }
0x18b: {  	v18 =	vmul.f32 $1.442695020e+00, v18;
	_ =	sdelay $0x1  }
0x18c: {  	(erf) = vpow2.f32 v18;
	_ =	sdelay $0x6  }
0x18d: {  	v18 =	vmov s30  }
0x18e: {  	v15 =	vperm.xlane v15, v18  }
0x18f: {  	v19 =	vpop (erf)  }
0x190: {  	v15 =	vmul.f32 v19, v15;
	_ =	sdelay $0x1  }
0x191: {  	v7 =	vmul.f32 v15, v7  }
0x192: {  	v8 =	vmul.f32 v15, v8  }
0x193: {  	v11 =	vmul.f32 v15, v11;
	[tilespmem:s16+$0x0] =	vst v7  }
0x194: {  	[tilespmem:s16+$0x10] =	vst v8;
	v7 =	vmul.f32 v15, v16  }
0x195: {  	v8 =	vmul.f32 v15, v13;
	[tilespmem:s16+$0x20] =	vst v11  }
0x196: {  	v11 =	vmul.f32 v15, v14;
	[tilespmem:s16+$0x60] =	vst v7  }
0x197: {  	v7 =	vmul.f32 v15, v17;
	[tilespmem:s16+$0x30] =	vst v8  }
0x198: {  	v8 =	vmul.f32 v15, v12;
	[tilespmem:s16+$0x50] =	vst v11  }
0x199: {  	vm0 =	veq.s32 v18, v5;
	[tilespmem:s16+$0x70] =	vst v7  }
0x19a: {  	v7 =	vsel vm0, v19, v10;
	[tilespmem:s16+$0x40] =	vst v8  }
0x19b: {  	s14 =	simm.s32 $0x2C00;
	[tilespmem:v9+s12+$0x0] =	vst.idx.add.f32.msk $0xffff, v7  }
0x19c: {  	[spmem:s1] =	stream.indirect.scatter.add.f32 [tilespmem:s14], [sflag:$0xB], $0x80, s5, s25, $0xb8;
	[tilespmem:$0x1D480] =	vst v63  }
0x19d: {  	_ =	swait.ge [sflag:s24], $0x800  }
0x19e: {  	p0 =	seq.s32 s13, $0x9B;
	s14 =	rddreg [dreg:$0xd]  }
0x19f: {  	s3 =	sadd.s32 @!p0 s3, s14  }
0x1a0: {  	s17 =	simm.s32 @!p0 $0x80;
	[sflag:s24] =	ssyncset.done $0x0;
	s3 =	sshrl.u32 @!p0 s3, $0x3  }
0x1a1: {  	s16 =	simm.s32 @!p0 $0x0;
	[sflag:s24] =	ssyncadd.s32 $0xFFFFF800;
	s14 =	sadd.s32 @!p0 s7, s3  }
0x1a2: {  	[tilespmem:s17], [sflag:$0x2] =	stream.linear.gather @!p0 [hbm4b:s14+s16], $0x10, $0x38;
	[tilespmem:$0x1D480] =	vst v63  }
0x1a3: {  	s3 =	sadd.s32 @!p0 s8, s3;
	s14 =	simm.s32 @!p0 $0x90  }
0x1a4: {  	[tilespmem:s14], [sflag:$0x2] =	stream.linear.gather @!p0 [hbm4b:s3+s16], $0x10, $0x38;
	[tilespmem:$0x1D480] =	vst v63  }
0x1a5: {  	s14 =	simm.s32 @!p0 $0x280  }
0x1a6: {  	[tilespmem:s14], [sflag:$0x2] =	stream.linear.gather @!p0 [hbm4b:s3+s16], $0x10, $0x38;
	[tilespmem:$0x1D480] =	vst v63  }
0x1a7: {  	_ =	swait.ge [sflag:s31], $0x10  }
0x1a8: {  	[sflag:s31] =	ssyncset.done $0x0  }
0x1a9: {  	[sflag:s31] =	ssyncadd.s32 $0xFFFFFFF0  }
0x1aa: {  	_ =	swait.ge [sflag:s31], $0x10  }
0x1ab: {  	[sflag:s31] =	ssyncset.done $0x0  }
0x1ac: {  	[sflag:s31] =	ssyncadd.s32 $0xFFFFFFF0  }
0x1ad: {  	_ =	swait.ge [sflag:s31], $0x10  }
0x1ae: {  	[sflag:s31] =	ssyncset.done $0x0  }
0x1af: {  	s30 =	simm.s32 $0x400;
	s3 =	simm.s32 $0x0;
	[sflag:s31] =	ssyncadd.s32 $0xFFFFFFF0  }
0x1b0: {  	[tilespmem:s30], [sflag:$0x5] =	stream.indirect.gather [hbm4b:s4+s0], $0x80, s3, s0, $0xb8;
	[tilespmem:$0x1D480] =	vst v63  }
0x1b1: {  	_ =	swait.ge [sflag:s28], $0x1000  }
0x1b2: {  	[sflag:s28] =	ssyncset.done $0x0  }
0x1b3: {  	s14 =	simm.s32 $0x3C00;
	[sflag:s28] =	ssyncadd.s32 $0xFFFFF000  }
0x1b4: {  	v7 =	vld [tilespmem:s14+$0xFFFFF800]  }
0x1b5: {  	v8 =	vld [tilespmem:s14+$0xFFFFF810]  }
0x1b6: {  	v9 =	vld [tilespmem:s14+$0x0]  }
0x1b7: {  	v10 =	vld [tilespmem:s14+$0x10]  }
0x1b8: {  	v11 =	vld [tilespmem:s14+$0xFFFFF820]  }
0x1b9: {  	v15 =	vld [tilespmem:s14+$0x20]  }
0x1ba: {  	v17 =	vld [tilespmem:s14+$0x30]  }
0x1bb: {  	v13 =	vld [tilespmem:s14+$0xFFFFF830]  }
0x1bc: {  	v12 =	vld [tilespmem:s14+$0xFFFFF840]  }
0x1bd: {  	v18 =	vld [tilespmem:s14+$0x40];
	v9 =	vmul.f32 v9, v7;
	v10 =	vmul.f32 v10, v8  }
0x1be: {  	v14 =	vld [tilespmem:s14+$0xFFFFF850]  }
0x1bf: {  	v16 =	vld [tilespmem:s14+$0xFFFFF860];
	v9 =	vadd.f32 v10, v9;
	v10 =	vmul.f32 v15, v11  }
0x1c0: {  	v15 =	vld [tilespmem:s14+$0x50]  }
0x1c1: {  	v19 =	vld [tilespmem:s14+$0x60];
	v9 =	vadd.f32 v10, v9;
	v10 =	vmul.f32 v17, v13  }
0x1c2: {  	v20 =	vld [tilespmem:$0x180]  }
0x1c3: {  	v17 =	vld [tilespmem:s14+$0xFFFFF870];
	v9 =	vadd.f32 v10, v9;
	v10 =	vmul.f32 v18, v12  }
0x1c4: {  	v18 =	vld [tilespmem:s14+$0x70]  }
0x1c5: {  	v9 =	vadd.f32 v10, v9;
	v10 =	vmul.f32 v15, v14;
	_ =	sdelay $0x1  }
0x1c6: {  	v9 =	vadd.f32 v10, v9;
	v10 =	vmul.f32 v19, v16;
	_ =	sdelay $0x1  }
0x1c7: {  	v9 =	vadd.f32 v10, v9;
	v10 =	vmul.f32 v18, v17;
	_ =	sdelay $0x1  }
0x1c8: {  	v18 =	vadd.f32 v10, v9  }
0x1c9: {  	v15 =	vld.idx.msk [tilespmem:v20+s21+$0x0], $0xffff  }
0x1ca: {  	s17 =	simm.s32 $0x1;
	s16 =	simm.s32 $0x3C00;
	v9 =	vld [tilespmem:$0x380];
	v10 =	vimm.f32 $0.0e+00;
	v19 =	vperm.xlane v18, v0  }
.LBB2_11:
0x1cb: {  	p0 =	sne.s32 s17, $0xF  }
0x1cc: {  	s14 =	sadd.s32 $0x80, s14;
	s23 =	smov.u32 s17;
	s17 =	sadd.s32 $0x1, s17;
	v18 =	vadd.f32 v18, v19  }
0x1cd: {  	_ = 	snop  }
0x1ce: {  	v19 =	vperm.xlane v18, v1;
	_ =	sdelay $0x1  }
0x1cf: {  	v18 =	vadd.f32 v18, v19;
	_ =	sdelay $0x1  }
0x1d0: {  	v19 =	vperm.xlane v18, v2;
	_ =	sdelay $0x1  }
0x1d1: {  	v18 =	vadd.f32 v18, v19;
	_ =	sdelay $0x1  }
0x1d2: {  	v19 =	vperm.xlane v18, v4;
	_ =	sdelay $0x1  }
0x1d3: {  	v18 =	vadd.f32 v18, v19;
	_ =	sdelay $0x1  }
0x1d4: {  	v18 =	vmul.f32 v18, v6;
	_ =	sdelay $0x1  }
0x1d5: {  	v18 =	vadd.f32 $-1.000000000e+00, v18;
	_ =	sdelay $0x1  }
0x1d6: {  	v18 =	vmul.f32 $1.442695020e+00, v18;
	_ =	sdelay $0x1  }
0x1d7: {  	(erf) = vpow2.f32 v18;
	_ =	sdelay $0x6  }
0x1d8: {  	v20 =	vmov s3;
	s3 =	smov.u32 s23  }
0x1d9: {  	v19 =	vperm.xlane v15, v20  }
0x1da: {  	vm0 =	veq.s32 v20, v5;
	v18 =	vpop (erf)  }
0x1db: {  	v19 =	vmul.f32 v18, v19;
	v10 =	vsel vm0, v18, v10;
	_ =	sdelay $0x1  }
0x1dc: {  	v18 =	vmul.f32 v19, v7;
	v20 =	vmul.f32 v19, v8  }
0x1dd: {  	v11 =	vmul.f32 v19, v11;
	v13 =	vmul.f32 v19, v13;
	v7 =	vld [tilespmem:s14+$0xFFFFF800]  }
0x1de: {  	v8 =	vld [tilespmem:s14+$0xFFFFF810];
	[tilespmem:s16+$0x0] =	vst v18;
	v18 =	vmul.f32 v19, v12;
	v12 =	vmul.f32 v19, v14  }
0x1df: {  	v16 =	vmul.f32 v19, v16;
	v17 =	vmul.f32 v19, v17;
	v14 =	vld [tilespmem:s14+$0x0];
	[tilespmem:s16+$0x10] =	vst v20  }
0x1e0: {  	v19 =	vld [tilespmem:s14+$0x10];
	[tilespmem:s16+$0x20] =	vst v11  }
0x1e1: {  	v11 =	vld [tilespmem:s14+$0xFFFFF820];
	[tilespmem:s16+$0x60] =	vst v16  }
0x1e2: {  	v16 =	vld [tilespmem:s14+$0x20];
	[tilespmem:s16+$0x30] =	vst v13  }
0x1e3: {  	v20 =	vld [tilespmem:s14+$0x30];
	[tilespmem:s16+$0x50] =	vst v12  }
0x1e4: {  	v13 =	vld [tilespmem:s14+$0xFFFFF830];
	[tilespmem:s16+$0x70] =	vst v17  }
0x1e5: {  	v17 =	vmul.f32 v14, v7;
	v12 =	vld [tilespmem:s14+$0xFFFFF840];
	v19 =	vmul.f32 v19, v8;
	[tilespmem:s16+$0x40] =	vst v18;
	s16 =	smov.u32 s14  }
0x1e6: {  	v18 =	vld [tilespmem:s14+$0x40]  }
0x1e7: {  	v14 =	vld [tilespmem:s14+$0xFFFFF850];
	v17 =	vadd.f32 v19, v17;
	v19 =	vmul.f32 v16, v11  }
0x1e8: {  	v21 =	vld [tilespmem:s14+$0x50]  }
0x1e9: {  	v16 =	vld [tilespmem:s14+$0xFFFFF860];
	v19 =	vadd.f32 v19, v17;
	v20 =	vmul.f32 v20, v13  }
0x1ea: {  	v22 =	vld [tilespmem:s14+$0x60]  }
0x1eb: {  	v17 =	vld [tilespmem:s14+$0xFFFFF870];
	v19 =	vadd.f32 v20, v19;
	v18 =	vmul.f32 v18, v12  }
0x1ec: {  	v20 =	vld [tilespmem:s14+$0x70]  }
0x1ed: {  	v18 =	vadd.f32 v18, v19;
	v19 =	vmul.f32 v21, v14;
	_ =	sdelay $0x1  }
0x1ee: {  	v18 =	vadd.f32 v19, v18;
	v19 =	vmul.f32 v22, v16;
	_ =	sdelay $0x1  }
.Ltmp4:
0x1ef: {  	v18 =	vadd.f32 v19, v18;
	v19 =	vmul.f32 v20, v17;
	(pc) =	sbr.rel @p0 .LBB2_11-.Ltmp4, $3  }
0x1f0: {  	_ = 	snop  }
0x1f1: {  	v18 =	vadd.f32 v19, v18;
	_ =	sdelay $0x1  }
0x1f2: {  	v19 =	vperm.xlane v18, v0  }
0x1f3: {  	_ = 	snop  }
0x1f4: {  	v18 =	vadd.f32 v18, v19;
	_ =	sdelay $0x1  }
0x1f5: {  	v19 =	vperm.xlane v18, v1;
	_ =	sdelay $0x1  }
0x1f6: {  	v18 =	vadd.f32 v18, v19;
	_ =	sdelay $0x1  }
0x1f7: {  	v19 =	vperm.xlane v18, v2;
	_ =	sdelay $0x1  }
0x1f8: {  	v18 =	vadd.f32 v18, v19;
	_ =	sdelay $0x1  }
0x1f9: {  	v19 =	vperm.xlane v18, v4;
	_ =	sdelay $0x1  }
0x1fa: {  	v18 =	vadd.f32 v18, v19;
	_ =	sdelay $0x1  }
0x1fb: {  	v18 =	vmul.f32 v18, v6;
	_ =	sdelay $0x1  }
0x1fc: {  	v18 =	vadd.f32 $-1.000000000e+00, v18;
	_ =	sdelay $0x1  }
0x1fd: {  	v18 =	vmul.f32 $1.442695020e+00, v18;
	_ =	sdelay $0x1  }
0x1fe: {  	(erf) = vpow2.f32 v18;
	_ =	sdelay $0x6  }
0x1ff: {  	v61 =	vmov s3  }
0x200: {  	v15 =	vperm.xlane v15, v61  }
0x201: {  	v62 =	vpop (erf)  }
0x202: {  	v15 =	vmul.f32 v62, v15;
	_ =	sdelay $0x1  }
0x203: {  	v7 =	vmul.f32 v15, v7  }
0x204: {  	v8 =	vmul.f32 v15, v8  }
0x205: {  	v11 =	vmul.f32 v15, v11;
	[tilespmem:s16+$0x0] =	vst v7  }
0x206: {  	v63 =	vmul.f32 v15, v14;
	[tilespmem:s16+$0x10] =	vst v8  }
0x207: {  	v7 =	vmul.f32 v15, v16;
	[tilespmem:s16+$0x20] =	vst v11  }
0x208: {  	s13 =	sadd.s32 $0x1, s13;
	v8 =	vmul.f32 v15, v13;
	[tilespmem:s16+$0x50] =	vst v63  }
0x209: {  	p0 =	sne.s32 s13, $0x9C;
	[tilespmem:s16+$0x60] =	vst v7;
	v7 =	vmul.f32 v15, v17  }
.Ltmp5:
0x20a: {  	[tilespmem:s16+$0x30] =	vst v8;
	v8 =	vmul.f32 v15, v12;
	(pc) =	sbr.rel @p0 .LBB2_4-.Ltmp5, $4  }
0x20b: {  	vm0 =	veq.s32 v61, v5;
	[tilespmem:s16+$0x70] =	vst v7  }
0x20c: {  	v7 =	vsel vm0, v62, v10;
	[tilespmem:s16+$0x40] =	vst v8  }
0x20d: {  	s30 =	simm.s32 $0x3C00;
	[tilespmem:v9+s12+$0x0] =	vst.idx.add.f32.msk $0xffff, v7  }
0x20e: {  	[spmem:s1] =	stream.indirect.scatter.add.f32 [tilespmem:s30], [sflag:$0xC], $0x80, s20, s25, $0xb8;
	[tilespmem:$0x1D480] =	vst v63  }
0x20f: {  	_ =	swait.ge [sflag:s11], $0x1000  }
0x210: {  	[sflag:s11] =	ssyncset.done $0x0  }
0x211: {  	s3 =	simm.s32 $0xC00;
	[sflag:s11] =	ssyncadd.s32 $0xFFFFF000  }
0x212: {  	v7 =	vld [tilespmem:s3+$0xFFFFF800]  }
0x213: {  	v8 =	vld [tilespmem:s3+$0xFFFFF810]  }
0x214: {  	v9 =	vld [tilespmem:s3+$0x0]  }
0x215: {  	v11 =	vld [tilespmem:s3+$0x10]  }
0x216: {  	v10 =	vld [tilespmem:s3+$0xFFFFF820]  }
0x217: {  	v15 =	vld [tilespmem:s3+$0x20]  }
0x218: {  	v17 =	vld [tilespmem:s3+$0x30]  }
0x219: {  	v13 =	vld [tilespmem:s3+$0xFFFFF830]  }
0x21a: {  	v12 =	vld [tilespmem:s3+$0xFFFFF840]  }
0x21b: {  	v18 =	vld [tilespmem:s3+$0x40];
	v9 =	vmul.f32 v9, v7;
	v11 =	vmul.f32 v11, v8  }
0x21c: {  	v14 =	vld [tilespmem:s3+$0xFFFFF850]  }
0x21d: {  	v16 =	vld [tilespmem:s3+$0xFFFFF860];
	v9 =	vadd.f32 v11, v9;
	v11 =	vmul.f32 v15, v10  }
0x21e: {  	v15 =	vld [tilespmem:s3+$0x50]  }
0x21f: {  	v19 =	vld [tilespmem:s3+$0x60];
	v9 =	vadd.f32 v11, v9;
	v11 =	vmul.f32 v17, v13  }
0x220: {  	v20 =	vld [tilespmem:$0x0]  }
0x221: {  	v17 =	vld [tilespmem:s3+$0xFFFFF870];
	v9 =	vadd.f32 v11, v9;
	v11 =	vmul.f32 v18, v12  }
0x222: {  	v18 =	vld [tilespmem:s3+$0x70]  }
0x223: {  	v9 =	vadd.f32 v11, v9;
	v11 =	vmul.f32 v15, v14;
	_ =	sdelay $0x1  }
0x224: {  	v9 =	vadd.f32 v11, v9;
	v11 =	vmul.f32 v19, v16;
	_ =	sdelay $0x1  }
0x225: {  	v9 =	vadd.f32 v11, v9;
	v11 =	vmul.f32 v18, v17;
	_ =	sdelay $0x1  }
0x226: {  	v18 =	vadd.f32 v11, v9  }
0x227: {  	v15 =	vld.idx.msk [tilespmem:v20+s21+$0x0], $0xffff  }
0x228: {  	s13 =	simm.s32 $0x0;
	s14 =	simm.s32 $0x1;
	s10 =	simm.s32 $0xC00;
	v9 =	vld [tilespmem:$0x200];
	v11 =	vimm.f32 $0.0e+00;
	v19 =	vperm.xlane v18, v0  }
.LBB2_14:
0x229: {  	p0 =	sne.s32 s14, $0xF  }
0x22a: {  	s3 =	sadd.s32 $0x80, s3;
	s16 =	smov.u32 s14;
	s14 =	sadd.s32 $0x1, s14;
	v18 =	vadd.f32 v18, v19  }
0x22b: {  	_ = 	snop  }
0x22c: {  	v19 =	vperm.xlane v18, v1;
	_ =	sdelay $0x1  }
0x22d: {  	v18 =	vadd.f32 v18, v19;
	_ =	sdelay $0x1  }
0x22e: {  	v19 =	vperm.xlane v18, v2;
	_ =	sdelay $0x1  }
0x22f: {  	v18 =	vadd.f32 v18, v19;
	_ =	sdelay $0x1  }
0x230: {  	v19 =	vperm.xlane v18, v4;
	_ =	sdelay $0x1  }
0x231: {  	v18 =	vadd.f32 v18, v19;
	_ =	sdelay $0x1  }
0x232: {  	v18 =	vmul.f32 v18, v6;
	_ =	sdelay $0x1  }
0x233: {  	v18 =	vadd.f32 $-1.000000000e+00, v18;
	_ =	sdelay $0x1  }
0x234: {  	v18 =	vmul.f32 $1.442695020e+00, v18;
	_ =	sdelay $0x1  }
0x235: {  	(erf) = vpow2.f32 v18;
	_ =	sdelay $0x6  }
0x236: {  	v20 =	vmov s13;
	s13 =	smov.u32 s16  }
0x237: {  	v19 =	vperm.xlane v15, v20  }
0x238: {  	vm0 =	veq.s32 v20, v5;
	v18 =	vpop (erf)  }
0x239: {  	v19 =	vmul.f32 v18, v19;
	v11 =	vsel vm0, v18, v11;
	_ =	sdelay $0x1  }
0x23a: {  	v18 =	vmul.f32 v19, v7;
	v20 =	vmul.f32 v19, v8  }
0x23b: {  	v10 =	vmul.f32 v19, v10;
	v13 =	vmul.f32 v19, v13;
	v7 =	vld [tilespmem:s3+$0xFFFFF800]  }
0x23c: {  	v8 =	vld [tilespmem:s3+$0xFFFFF810];
	[tilespmem:s10+$0x0] =	vst v18;
	v18 =	vmul.f32 v19, v12;
	v12 =	vmul.f32 v19, v14  }
0x23d: {  	v16 =	vmul.f32 v19, v16;
	v17 =	vmul.f32 v19, v17;
	v14 =	vld [tilespmem:s3+$0x0];
	[tilespmem:s10+$0x10] =	vst v20  }
0x23e: {  	v19 =	vld [tilespmem:s3+$0x10];
	[tilespmem:s10+$0x20] =	vst v10  }
0x23f: {  	v10 =	vld [tilespmem:s3+$0xFFFFF820];
	[tilespmem:s10+$0x60] =	vst v16  }
0x240: {  	v16 =	vld [tilespmem:s3+$0x20];
	[tilespmem:s10+$0x30] =	vst v13  }
0x241: {  	v20 =	vld [tilespmem:s3+$0x30];
	[tilespmem:s10+$0x50] =	vst v12  }
0x242: {  	v13 =	vld [tilespmem:s3+$0xFFFFF830];
	[tilespmem:s10+$0x70] =	vst v17  }
0x243: {  	v17 =	vmul.f32 v14, v7;
	v12 =	vld [tilespmem:s3+$0xFFFFF840];
	v19 =	vmul.f32 v19, v8;
	[tilespmem:s10+$0x40] =	vst v18;
	s10 =	smov.u32 s3  }
0x244: {  	v18 =	vld [tilespmem:s3+$0x40]  }
0x245: {  	v14 =	vld [tilespmem:s3+$0xFFFFF850];
	v17 =	vadd.f32 v19, v17;
	v19 =	vmul.f32 v16, v10  }
0x246: {  	v21 =	vld [tilespmem:s3+$0x50]  }
0x247: {  	v16 =	vld [tilespmem:s3+$0xFFFFF860];
	v19 =	vadd.f32 v19, v17;
	v20 =	vmul.f32 v20, v13  }
0x248: {  	v22 =	vld [tilespmem:s3+$0x60]  }
0x249: {  	v17 =	vld [tilespmem:s3+$0xFFFFF870];
	v19 =	vadd.f32 v20, v19;
	v18 =	vmul.f32 v18, v12  }
0x24a: {  	v20 =	vld [tilespmem:s3+$0x70]  }
0x24b: {  	v18 =	vadd.f32 v18, v19;
	v19 =	vmul.f32 v21, v14;
	_ =	sdelay $0x1  }
0x24c: {  	v18 =	vadd.f32 v19, v18;
	v19 =	vmul.f32 v22, v16;
	_ =	sdelay $0x1  }
.Ltmp6:
0x24d: {  	v18 =	vadd.f32 v19, v18;
	v19 =	vmul.f32 v20, v17;
	(pc) =	sbr.rel @p0 .LBB2_14-.Ltmp6, $3  }
0x24e: {  	_ = 	snop  }
0x24f: {  	v18 =	vadd.f32 v19, v18;
	_ =	sdelay $0x1  }
0x250: {  	v19 =	vperm.xlane v18, v0  }
0x251: {  	_ = 	snop  }
0x252: {  	v18 =	vadd.f32 v18, v19;
	_ =	sdelay $0x1  }
0x253: {  	v19 =	vperm.xlane v18, v1;
	_ =	sdelay $0x1  }
0x254: {  	v18 =	vadd.f32 v18, v19;
	_ =	sdelay $0x1  }
0x255: {  	v19 =	vperm.xlane v18, v2;
	_ =	sdelay $0x1  }
0x256: {  	v18 =	vadd.f32 v18, v19;
	_ =	sdelay $0x1  }
0x257: {  	v19 =	vperm.xlane v18, v4;
	_ =	sdelay $0x1  }
0x258: {  	v18 =	vadd.f32 v18, v19;
	_ =	sdelay $0x1  }
0x259: {  	v6 =	vmul.f32 v18, v6;
	_ =	sdelay $0x1  }
0x25a: {  	v6 =	vadd.f32 $-1.000000000e+00, v6;
	_ =	sdelay $0x1  }
0x25b: {  	v6 =	vmul.f32 $1.442695020e+00, v6;
	_ =	sdelay $0x1  }
0x25c: {  	(erf) = vpow2.f32 v6;
	_ =	sdelay $0x6  }
0x25d: {  	v6 =	vmov s13  }
0x25e: {  	v15 =	vperm.xlane v15, v6  }
0x25f: {  	v60 =	vpop (erf)  }
0x260: {  	v15 =	vmul.f32 v60, v15;
	_ =	sdelay $0x1  }
0x261: {  	v7 =	vmul.f32 v15, v7  }
0x262: {  	v8 =	vmul.f32 v15, v8  }
0x263: {  	v10 =	vmul.f32 v15, v10;
	[tilespmem:s10+$0x0] =	vst v7  }
0x264: {  	v61 =	vmul.f32 v15, v13;
	[tilespmem:s10+$0x10] =	vst v8  }
0x265: {  	v62 =	vmul.f32 v15, v14;
	[tilespmem:s10+$0x20] =	vst v10  }
0x266: {  	v7 =	vmul.f32 v15, v16;
	[tilespmem:s10+$0x30] =	vst v61  }
0x267: {  	v63 =	vmul.f32 v15, v12;
	[tilespmem:s10+$0x50] =	vst v62  }
0x268: {  	[tilespmem:s10+$0x60] =	vst v7;
	v7 =	vmul.f32 v15, v17  }
0x269: {  	vm0 =	veq.s32 v6, v5;
	[tilespmem:s10+$0x40] =	vst v63  }
0x26a: {  	v6 =	vsel vm0, v60, v11;
	[tilespmem:s10+$0x70] =	vst v7  }
0x26b: {  	s3 =	simm.s32 $0xC00;
	s13 =	simm.s32 $0xB;
	[tilespmem:v9+s12+$0x0] =	vst.idx.add.f32.msk $0xffff, v6  }
0x26c: {  	[spmem:s1] =	stream.indirect.scatter.add.f32 [tilespmem:s3], [sflag:$0x9], $0x80, s26, s25, $0xb8;
	[tilespmem:$0x1D480] =	vst v63  }
0x26d: {  	_ =	swait.ge [sflag:s13], $0x800  }
0x26e: {  	[sflag:s13] =	ssyncset.done $0x0  }
0x26f: {  	s14 =	simm.s32 $0xC;
	[sflag:s13] =	ssyncadd.s32 $0xFFFFF800  }
0x270: {  	_ =	swait.ge [sflag:s14], $0x800  }
0x271: {  	[sflag:s14] =	ssyncset.done $0x0  }
0x272: {  	[sflag:s14] =	ssyncadd.s32 $0xFFFFF800  }
0x273: {  	_ =	swait.ge [sflag:s22], $0x800  }
0x274: {  	[sflag:s22] =	ssyncset.done $0x0  }
0x275: {  	[sflag:s22] =	ssyncadd.s32 $0xFFFFF800  }
0x276: {  	[bflag:$0x0] =	sbarrier.arrive $0xFFFF  }
0x277: {  	s10 =	simm.s32 $0xD;
	s13 =	simm.s32 $0x0;
	s16 =	rddreg [dreg:$0xe]  }
0x278: {  	[hbm4b:s16+s13] =	stream.linear.scatter [tilespmem:s12], [sflag:$0xD], $0x2800, $0x38;
	[tilespmem:$0x1D480] =	vst v63  }
0x279: {  	_ =	swait.ge [sflag:s10], $0x2800  }
0x27a: {  	s17 =	rddreg [dreg:$0xf]  }
0x27b: {  	[sflag:s10] =	ssyncset.done $0x0;
	s16 =	rddreg [dreg:$0x11]  }
0x27c: {  	s14 =	rddreg [dreg:$0x13];
	[sflag:s10] =	ssyncadd.s32 $0xFFFFD800  }
0x27d: {  	[hbm:s17], [sflag:s16] =	dma.local [spmem:s14], $0x2800  }
0x27e: {  	_ =	swait.ge [sflag:s10], $0x2800  }
0x27f: {  	s23 =	rddreg [dreg:$0x12]  }
0x280: {  	s30 =	rddreg [dreg:$0x10];
	s14 =	sadd.s32 $0x1, s23  }
0x281: {  	p0 =	sne.s32 s14, s30  }
.Ltmp7:
0x282: {  	_ = 	snop;
	(pc) =	sbr.rel @p0 .LBB2_1-.Ltmp7, $3  }
0x283: {  	_ =	sdelay $0x1  }
0x284: {  	[sflag:s10] =	ssyncset.done $0x0  }
0x285: {  	[sflag:s10] =	ssyncadd.s32 $0xFFFFD800  }
0x286: {  	_ =	sfence.sel $0x180000  }
0x287: {  	[bflag:$0x0] =	sbarrier.arrive $0xFFFF  }
0x288: {  	_ =	strace $0x90000047  }
0x289: {  	s0 =	stileid.u32;
	[bflag:$0x2] =	sbarrier.arrive $0xFFFF  }
0x28a: {  	p0 =	sne.s32 s0, $0x0;
	s0 =	rddreg [dreg:$0x3]  }
0x28b: {  	s0 =	sadd.s32 @!p0 $0x100000, s0  }
0x28c: {  	[sflag:s0] =	ssyncadd.tile.s32 @!p0 $0x1;
	_ =	shalt  }
.Lfunc_end2:
_tile_overlayer_lowered:
.L_overlay_start_2:
0x28d: {  	(tag) =	ssettag $0x2  }
0x28e: {  	s0 =	rddreg [dreg:$0x0];
	s2 =	stileid.u32  }
0x28f: {  	s1 =	rddreg [dreg:$0x1];
	p0 =	sne.s32 s2, $0x0  }
0x290: {  	s3 =	rddreg [dreg:$0x2];
	[bflag:$0x3] =	sbarrier.arrive $0xFFFF;
	s2 =	simm.s32 @!p0 $0x1C0D  }
0x291: {  	[timem:s3], [sflag:s2] =	dma.local @!p0 [hbm:s0], s1  }
0x292: {  	s0 =	simm.s32 @!p0 $0xD  }
0x293: {  	_ =	swait.ge @!p0 [sflag:s0], s1  }
0x294: {  	s1 =	ssub.s32 @!p0 $0x0, s1;
	[sflag:s0] =	ssyncset.done @!p0 $0x0  }
0x295: {  	[sflag:s0] =	ssyncadd.s32 @!p0 s1  }
0x296: {  	[bflag:$0x3] =	sbarrier.arrive $0xFFFF  }
0x297: {  	_ =	shalt  }

</sc_bundles>
